<compile_context>
chip_gen: v7x
topology: tpu7x:2x2x1
jax: 0.10.2.dev20260603
libtpu: 0.0.44.dev20260713+nightly
codegen_flags: <defaults>
</compile_context>

<pallas_src>
import functools

import jax
import jax.numpy as jnp
from jax import lax
from jax.experimental import pallas as pl
from jax.experimental.pallas import tpu as pltpu
from jax.experimental.pallas import tpu_sc as plsc

N = 10000
D = 128
E = 320000

NC = 2
NS = 16
C = 32
NBUF = 4
NPAD = 10240
ROWS_PER_TILE = NPAD // NS

EPAD = 327680
NCHUNK = EPAD // C
HALF = NCHUNK // NC
CPT = HALF // NS
NSTAGE = 4
CPTS = CPT // NSTAGE

_MESH = plsc.VectorSubcoreMesh(core_axis_name="c", subcore_axis_name="s")



def _cnt_body(dst_hbm, out_hbm, cnt_sp, zbuf, ones_v, didx_all, csem):
    c = lax.axis_index("c")
    s = lax.axis_index("s")

    zeros16 = jnp.zeros((16,), jnp.float32)
    ones16 = jnp.ones((16,), jnp.float32)

    def _zb(i, _):
        zbuf[pl.ds(i * 16, 16)] = zeros16
        return 0

    lax.fori_loop(0, 2048 // 16, _zb, 0)

    def _ob(i, _):
        ones_v[pl.ds(i * 16, 16)] = ones16
        return 0

    lax.fori_loop(0, C // 16, _ob, 0)

    @pl.when(s < 5)
    def _():
        pltpu.sync_copy(zbuf, cnt_sp.at[pl.ds(s * 2048, 2048)])

    t0 = c * HALF + s * CPT
    pltpu.sync_copy(dst_hbm.at[pl.ds(t0, CPT)], didx_all)

    plsc.subcore_barrier()

    def _fire(k, _):
        pltpu.async_copy(ones_v, cnt_sp.at[didx_all.at[k]], csem, add=True)
        return 0

    lax.fori_loop(0, CPT, _fire, 0)

    def _drain(k, _):
        pltpu.make_async_copy(ones_v, cnt_sp.at[pl.ds(0, C)], csem).wait()
        return 0

    lax.fori_loop(0, CPT, _drain, 0)

    plsc.subcore_barrier()

    @pl.when(s < 10)
    def _():
        pltpu.sync_copy(cnt_sp.at[pl.ds(s * 1000, 1000)],
                        zbuf.at[pl.ds(0, 1000)])
        pltpu.sync_copy(zbuf.at[pl.ds(0, 1000)],
                        out_hbm.at[pl.ds(c * N + s * 1000, 1000)])


@functools.partial(
    pl.kernel,
    out_type=jax.ShapeDtypeStruct((NC * N,), jnp.float32),
    mesh=_MESH,
    scratch_types=[
        pltpu.VMEM_SHARED((NPAD,), jnp.float32),
        pltpu.VMEM((2048,), jnp.float32),
        pltpu.VMEM((C,), jnp.float32),
        pltpu.VMEM((CPT, C), jnp.int32),
        pltpu.SemaphoreType.DMA,
    ],
    name="sc_degree_count",
)
def _sc_cnt(dst_hbm, out_hbm, cnt_sp, zbuf, ones_v, didx_all, csem):
    _cnt_body(dst_hbm, out_hbm, cnt_sp, zbuf, ones_v, didx_all, csem)


def _edge_body(hs_hbm, src_hbm, dst_hbm, out_hbm, acc_sp, r0, r1, r2, r3,
               sidx_all, didx_all, g0, g1, g2, g3, s0, s1, s2, s3):
    c = lax.axis_index("c")
    s = lax.axis_index("s")
    rows = (r0, r1, r2, r3)
    gsem = (g0, g1, g2, g3)
    ssem = (s0, s1, s2, s3)

    zeros16 = jnp.zeros((16,), jnp.float32)

    def _zb(i, _):
        r0[i // 8, pl.ds((i % 8) * 16, 16)] = zeros16
        return 0

    lax.fori_loop(0, C * D // 16, _zb, 0)

    def _zc(k, _):
        pltpu.sync_copy(r0, acc_sp.at[pl.ds(s * ROWS_PER_TILE + k * C, C)])
        return 0

    lax.fori_loop(0, ROWS_PER_TILE // C, _zc, 0)

    plsc.subcore_barrier()

    for h in range(NSTAGE):
        t0 = c * HALF + s * CPT + h * CPTS
        pltpu.sync_copy(src_hbm.at[pl.ds(t0, CPTS)], sidx_all)
        pltpu.sync_copy(dst_hbm.at[pl.ds(t0, CPTS)], didx_all)

        for j in range(NBUF - 1):
            pltpu.async_copy(hs_hbm.at[sidx_all.at[j]], rows[j], gsem[j])

        def _grp(g, _):
            for b in range(NBUF):
                k = g * NBUF + b
                bg = (b + NBUF - 1) % NBUF

                @pl.when(k > 0)
                def _():
                    pltpu.make_async_copy(rows[bg], acc_sp.at[pl.ds(0, C)],
                                          ssem[bg]).wait()

                @pl.when(k + NBUF - 1 < CPTS)
                def _():
                    pltpu.async_copy(hs_hbm.at[sidx_all.at[k + NBUF - 1]],
                                     rows[bg], gsem[bg])

                pltpu.make_async_copy(hs_hbm.at[pl.ds(0, C)], rows[b],
                                      gsem[b]).wait()
                pltpu.async_copy(rows[b], acc_sp.at[didx_all.at[k]],
                                 ssem[b], add=True)
            return 0

        lax.fori_loop(0, CPTS // NBUF, _grp, 0)

        pltpu.make_async_copy(rows[(CPTS - 1) % NBUF], acc_sp.at[pl.ds(0, C)],
                              ssem[(CPTS - 1) % NBUF]).wait()

    plsc.subcore_barrier()

    def _wb(k, _):
        r0_ = s * ROWS_PER_TILE + k * C
        pltpu.sync_copy(acc_sp.at[pl.ds(r0_, C)], r0)
        pltpu.sync_copy(r0, out_hbm.at[pl.ds(c * NPAD + r0_, C)])
        return 0

    lax.fori_loop(0, ROWS_PER_TILE // C, _wb, 0)


@functools.partial(
    pl.kernel,
    out_type=jax.ShapeDtypeStruct((NC * NPAD, D), jnp.float32),
    mesh=_MESH,
    scratch_types=[
        pltpu.VMEM_SHARED((NPAD, D), jnp.float32),
        pltpu.VMEM((C, D), jnp.float32),
        pltpu.VMEM((C, D), jnp.float32),
        pltpu.VMEM((C, D), jnp.float32),
        pltpu.VMEM((C, D), jnp.float32),
        pltpu.VMEM((CPTS, C), jnp.int32),
        pltpu.VMEM((CPTS, C), jnp.int32),
        pltpu.SemaphoreType.DMA,
        pltpu.SemaphoreType.DMA,
        pltpu.SemaphoreType.DMA,
        pltpu.SemaphoreType.DMA,
        pltpu.SemaphoreType.DMA,
        pltpu.SemaphoreType.DMA,
        pltpu.SemaphoreType.DMA,
        pltpu.SemaphoreType.DMA,
    ],
    name="sc_edge_scatter",
)
def _sc_edge(hs_hbm, src_hbm, dst_hbm, out_hbm, acc_sp, r0, r1, r2, r3,
             sidx_all, didx_all, g0, g1, g2, g3, s0, s1, s2, s3):
    _edge_body(hs_hbm, src_hbm, dst_hbm, out_hbm, acc_sp, r0, r1, r2, r3,
               sidx_all, didx_all, g0, g1, g2, g3, s0, s1, s2, s3)



def _dinv_of(cnt_ref):
    deg = 1.0 + cnt_ref[0, :] + cnt_ref[1, :]
    return lax.rsqrt(deg)[:, None]


def _tc_mm_scale_body(x_ref, w_ref, cnt_ref, hs_ref):
    hs_ref[...] = jnp.dot(x_ref[...], w_ref[...],
                          preferred_element_type=jnp.float32) * _dinv_of(cnt_ref)


def _tc_mm_scale(x, w, cnt2):
    return pl.pallas_call(
        _tc_mm_scale_body,
        out_shape=jax.ShapeDtypeStruct((N, D), jnp.float32),
    )(x, w, cnt2)


def _tc_mid_body(acc_ref, hs_ref, cnt_ref, b_ref, w_ref, o_ref):
    dinv = _dinv_of(cnt_ref)
    g = dinv * (acc_ref[0:N, :] + acc_ref[NPAD:NPAD + N, :] + hs_ref[...]) \
        + b_ref[...]
    z = jnp.maximum(g, 0.0)
    h2 = jnp.dot(z, w_ref[...], preferred_element_type=jnp.float32)
    o_ref[...] = h2 * dinv


def _tc_mid(acc, hs1, cnt2, b1, w2):
    return pl.pallas_call(
        _tc_mid_body,
        out_shape=jax.ShapeDtypeStruct((N, D), jnp.float32),
    )(acc, hs1, cnt2, b1, w2)


def _tc_fin_body(acc_ref, hs_ref, cnt_ref, b_ref, wv_ref, bv_ref, wt_ref,
                 bt_ref, h_ref, xv_ref, xt_ref):
    dinv = _dinv_of(cnt_ref)
    h = dinv * (acc_ref[0:N, :] + acc_ref[NPAD:NPAD + N, :] + hs_ref[...]) \
        + b_ref[...]
    h_ref[...] = h
    xv_ref[...] = jnp.maximum(
        jnp.dot(h, wv_ref[...], preferred_element_type=jnp.float32)
        + bv_ref[...], 0.0)
    xt_ref[...] = jnp.maximum(
        jnp.dot(h, wt_ref[...], preferred_element_type=jnp.float32)
        + bt_ref[...], 0.0)


def _tc_fin(acc, hs2, cnt2, b2, wv, bv, wt, bt):
    return pl.pallas_call(
        _tc_fin_body,
        out_shape=(
            jax.ShapeDtypeStruct((N, D), jnp.float32),
            jax.ShapeDtypeStruct((N, D), jnp.float32),
            jax.ShapeDtypeStruct((N, D), jnp.float32),
        ),
    )(acc, hs2, cnt2, b2, wv, bv, wt, bt)



def kernel(x, edge_index, W1, b1, W2, b2, Wv, bv, Wt, bt):
    src = edge_index[0]
    dst = edge_index[1]
    npadded = EPAD - E
    pad_src = jnp.arange(npadded, dtype=jnp.int32) % N
    pad_dst = N + (jnp.arange(npadded, dtype=jnp.int32) % (NPAD - N))
    src_p = jnp.concatenate([src, pad_src])
    dst_p = jnp.concatenate([dst, pad_dst])
    src2 = src_p.reshape(NCHUNK, C)
    dst2 = dst_p.reshape(NCHUNK, C)
    b1r = b1.reshape(1, D)
    b2r = b2.reshape(1, D)
    bvr = bv.reshape(1, D)
    btr = bt.reshape(1, D)

    cnt2 = _sc_cnt(dst2).reshape(NC, N)
    hs1 = _tc_mm_scale(x, W1, cnt2)
    acc1 = _sc_edge(hs1, src2, dst2)
    hs2 = _tc_mid(acc1, hs1, cnt2, b1r, W2)
    acc2 = _sc_edge(hs2, src2, dst2)
    h, xv, xt = _tc_fin(acc2, hs2, cnt2, b2r, Wv, bvr, Wt, btr)
    return (h, xv, xt)

# --- scband reference (transcript-rebuilt; emitter-appended) ---
"""Pipeline reference for scband-gcn-86242943303861 (READ-ONLY COPY).

The authoritative reference and input builder live on the scoring server;
editing this copy changes nothing except your own understanding.
"""

import jax, jax.numpy as jnp
import numpy as np

N = 10000
E = 320000
D = 128
H = 128


def _gcn_conv(x, src, dst, W, b):
    n = x.shape[0]
    loop = jnp.arange(n, dtype=src.dtype)
    s = jnp.concatenate([src, loop])
    d = jnp.concatenate([dst, loop])
    deg = jnp.zeros((n,), dtype=x.dtype).at[d].add(1.0)
    dinv = jnp.where(deg > 0, jax.lax.rsqrt(deg), 0.0)
    norm = dinv[s] * dinv[d]
    h = x @ W
    msg = h[s] * norm[:, None]
    out = jnp.zeros((n, W.shape[1]), dtype=x.dtype).at[d].add(msg)
    return out + b


def setup_inputs(seed: int = 0):
    key = jax.random.key(seed)
    ks = jax.random.split(key, 12)
    x = jax.random.normal(ks[0], (N, D), dtype=jnp.float32)
    edge_index = jax.random.randint(ks[1], (2, E), 0, N, dtype=jnp.int32)
    s1 = 1.0 / np.sqrt(D)
    s2 = 1.0 / np.sqrt(H)
    W1 = jax.random.uniform(ks[2], (D, H), jnp.float32, -s1, s1)
    b1 = jnp.zeros((H,), jnp.float32)
    W2 = jax.random.uniform(ks[3], (H, H), jnp.float32, -s2, s2)
    b2 = jnp.zeros((H,), jnp.float32)
    Wv = jax.random.uniform(ks[4], (H, H), jnp.float32, -s2, s2)
    bv = jax.random.uniform(ks[5], (H,), jnp.float32, -s2, s2)
    Wt = jax.random.uniform(ks[6], (H, H), jnp.float32, -s2, s2)
    bt = jax.random.uniform(ks[7], (H,), jnp.float32, -s2, s2)
    return {"x": x, "edge_index": edge_index, "W1": W1, "b1": b1, "W2": W2, "b2": b2, "Wv": Wv, "bv": bv, "Wt": Wt, "bt": bt}


def reference(x, edge_index, W1, b1, W2, b2, Wv, bv, Wt, bt):
    src, dst = edge_index[0], edge_index[1]
    h = _gcn_conv(x, src, dst, W1, b1)
    h = jax.nn.relu(h)  # dropout is identity in eval mode
    h = _gcn_conv(h, src, dst, W2, b2)
    x_vision = jax.nn.relu(h @ Wv + bv)
    x_text = jax.nn.relu(h @ Wt + bt)
    return (h, x_vision, x_text)

if __name__ == "__main__":
    import jax
    _d = setup_inputs()
    print(jax.jit(kernel)(*tuple(_d.values())))

</pallas_src>

<mosaic_0001>
#map = affine_map<(d0, d1) -> (0, 0)>
module attributes {stable_mosaic.version = 14 : i64} {
  func.func @sc_edge_scatter(%arg0: i32, %arg1: i32, %arg2: memref<10000x128xf32, #tpu.memory_space<hbm>>, %arg3: memref<10240x32xi32, #tpu.memory_space<hbm>>, %arg4: memref<10240x32xi32, #tpu.memory_space<hbm>>, %arg5: memref<20480x128xf32, #tpu.memory_space<hbm>>, %arg6: memref<10240x128xf32, #tpu.memory_space<vmem_shared>>, %arg7: memref<32x128xf32, #tpu.memory_space<vmem>>, %arg8: memref<32x128xf32, #tpu.memory_space<vmem>>, %arg9: memref<32x128xf32, #tpu.memory_space<vmem>>, %arg10: memref<32x128xf32, #tpu.memory_space<vmem>>, %arg11: memref<80x32xi32, #tpu.memory_space<vmem>>, %arg12: memref<80x32xi32, #tpu.memory_space<vmem>>, %arg13: memref<!tpu.dma_semaphore, #tpu.memory_space<semaphore_mem>>, %arg14: memref<!tpu.dma_semaphore, #tpu.memory_space<semaphore_mem>>, %arg15: memref<!tpu.dma_semaphore, #tpu.memory_space<semaphore_mem>>, %arg16: memref<!tpu.dma_semaphore, #tpu.memory_space<semaphore_mem>>, %arg17: memref<!tpu.dma_semaphore, #tpu.memory_space<semaphore_mem>>, %arg18: memref<!tpu.dma_semaphore, #tpu.memory_space<semaphore_mem>>, %arg19: memref<!tpu.dma_semaphore, #tpu.memory_space<semaphore_mem>>, %arg20: memref<!tpu.dma_semaphore, #tpu.memory_space<semaphore_mem>>) attributes {dimension_semantics = [#tpu.dimension_semantics<core_parallel>, #tpu.dimension_semantics<subcore_parallel>], iteration_bounds = array<i64: 2, 16>, scalar_prefetch = 0 : i64, scratch_operands = 15 : i64, tpu.core_type = #tpu.core_type<sc_vector_subcore>, window_params = [{transform_indices = #map}, {transform_indices = #map}, {transform_indices = #map}, {transform_indices = #map}]} {
    %broadcast_in_dim3A = arith.constant 0.000000e+00 : f32
    %broadcast_in_dim3A_0 = vector.broadcast %broadcast_in_dim3A : f32 to vector<16xf32>
    %scan3A = arith.constant 0 : i32
    %scan3A_1 = arith.constant 0 : i32
    %scan3A_2 = arith.constant 256 : i32
    %scan3A_3 = arith.addi %scan3A_1, %scan3A_2 : i32
    %scan3A_4 = arith.constant 1 : i32
    %scan3A_5 = scf.for %scan3A_182 = %scan3A_1 to %scan3A_3 step %scan3A_4 iter_args(%scan3A_183 = %scan3A) -> (i32)  : i32 {
      %jit3A = arith.constant 8 : i32
      %div3A = arith.divsi %scan3A_182, %jit3A : i32
      %sign3A = arith.constant 0 : i32
      %sign3A_184 = arith.cmpi sgt, %scan3A_182, %sign3A : i32
      %sign3A_185 = arith.extui %sign3A_184 : i1 to i32
      %sign3A_186 = arith.constant 0 : i32
      %sign3A_187 = arith.cmpi slt, %scan3A_182, %sign3A_186 : i32
      %sign3A_188 = arith.extui %sign3A_187 : i1 to i32
      %sign3A_189 = arith.subi %sign3A_185, %sign3A_188 : i32
      %sign3A_190 = arith.constant 0 : i32
      %sign3A_191 = arith.cmpi sgt, %jit3A, %sign3A_190 : i32
      %sign3A_192 = arith.extui %sign3A_191 : i1 to i32
      %sign3A_193 = arith.constant 0 : i32
      %sign3A_194 = arith.cmpi slt, %jit3A, %sign3A_193 : i32
      %sign3A_195 = arith.extui %sign3A_194 : i1 to i32
      %sign3A_196 = arith.subi %sign3A_192, %sign3A_195 : i32
      %ne3A = arith.cmpi ne, %sign3A_189, %sign3A_196 : i32
      %rem3A = arith.remsi %scan3A_182, %jit3A : i32
      %ne3A_197 = arith.constant 0 : i32
      %ne3A_198 = arith.cmpi ne, %rem3A, %ne3A_197 : i32
      %and3A = arith.andi %ne3A, %ne3A_198 : i1
      %sub3A = arith.constant 1 : i32
      %sub3A_199 = arith.subi %div3A, %sub3A : i32
      %select_n3A = arith.select %and3A, %sub3A_199, %div3A : i32
      %jit3A_200 = arith.constant 8 : i32
      %eq3A = arith.constant 0 : i32
      %eq3A_201 = arith.cmpi eq, %jit3A_200, %eq3A : i32
      %jit3A_202 = arith.constant 1 : i32
      %select_n3A_203 = arith.select %eq3A_201, %jit3A_202, %jit3A_200 : i32
      %rem3A_204 = arith.remsi %scan3A_182, %select_n3A_203 : i32
      %ne3A_205 = arith.constant 0 : i32
      %ne3A_206 = arith.cmpi ne, %rem3A_204, %ne3A_205 : i32
      %lt3A = arith.constant 0 : i32
      %lt3A_207 = arith.cmpi slt, %rem3A_204, %lt3A : i32
      %lt3A_208 = arith.constant 0 : i32
      %lt3A_209 = arith.cmpi slt, %select_n3A_203, %lt3A_208 : i32
      %ne3A_210 = arith.xori %lt3A_207, %lt3A_209 : i1
      %and3A_211 = arith.andi %ne3A_210, %ne3A_206 : i1
      %add3A_212 = arith.addi %rem3A_204, %select_n3A_203 : i32
      %select_n3A_213 = arith.select %and3A_211, %add3A_212, %rem3A_204 : i32
      %mul3A_214 = arith.constant 16 : i32
      %mul3A_215 = arith.muli %select_n3A_213, %mul3A_214 : i32
      %swap3A = arith.index_cast %select_n3A : i32 to index
      %swap3A_216 = arith.index_cast %mul3A_215 : i32 to index
      %swap3A_217 = tpu.vector_load %arg7[%swap3A, %swap3A_216] {strides = array<i32>} : memref<32x128xf32, #tpu.memory_space<vmem>>, vector<1x16xf32>,
      %swap3A_218 = vector.shape_cast %swap3A_217 : vector<1x16xf32> to vector<16xf32>
      %swap3A_219 = vector.shape_cast %broadcast_in_dim3A_0 : vector<16xf32> to vector<1x16xf32>
      tpu.vector_store %arg7[%swap3A, %swap3A_216], %swap3A_219 {strides = array<i32>} : memref<32x128xf32, #tpu.memory_space<vmem>>, vector<1x16xf32>,
      %scan3A_220 = arith.constant 0 : i32
      scf.yield %scan3A_220 : i32
    }
    %scan3A_6 = arith.constant 256 : i32
    %scan3A_7 = arith.constant 0 : i32
    %scan3A_8 = arith.constant 0 : i32
    %scan3A_9 = arith.constant 20 : i32
    %scan3A_10 = arith.addi %scan3A_8, %scan3A_9 : i32
    %scan3A_11 = arith.constant 1 : i32
    %scan3A_12 = scf.for %scan3A_182 = %scan3A_8 to %scan3A_10 step %scan3A_11 iter_args(%scan3A_183 = %scan3A_7) -> (i32)  : i32 {
      %mul3A_184 = arith.constant 640 : i32
      %mul3A_185 = arith.muli %arg1, %mul3A_184 : i32
      %mul3A_186 = arith.constant 32 : i32
      %mul3A_187 = arith.muli %scan3A_182, %mul3A_186 : i32
      %add3A_188 = arith.addi %mul3A_185, %mul3A_187 : i32
      "tpu.region"() ({
        %run_scoped3A = tpu.sem_alloc : memref<!tpu.dma_semaphore, #tpu.memory_space<semaphore_mem>>
        %dma_start3A_190 = arith.constant 0 : i32
        %dma_start3A_191 = tpu.memref_slice %arg6[%add3A_188, %dma_start3A_190] : memref<10240x128xf32, #tpu.memory_space<vmem_shared>> -> memref<32x128xf32, #tpu.memory_space<vmem_shared>>
        %dma_start3A_192 = arith.constant 0 : i32
        %dma_start3A_193 = tpu.memref_slice %arg6[%add3A_188, %dma_start3A_192] : memref<10240x128xf32, #tpu.memory_space<vmem_shared>> -> memref<32x128xf32, #tpu.memory_space<vmem_shared>>
        tpu.enqueue_dma source(%arg7 : memref<32x128xf32, #tpu.memory_space<vmem>>) target(%dma_start3A_193 : memref<32x128xf32, #tpu.memory_space<vmem_shared>>) target_semaphore(%run_scoped3A : memref<!tpu.dma_semaphore, #tpu.memory_space<semaphore_mem>>)
        %dma_wait3A_194 = arith.constant 0 : i32
        %dma_wait3A_195 = tpu.memref_slice %arg6[%add3A_188, %dma_wait3A_194] : memref<10240x128xf32, #tpu.memory_space<vmem_shared>> -> memref<32x128xf32, #tpu.memory_space<vmem_shared>>
        %dma_wait3A_196 = arith.constant 0 : i32
        %dma_wait3A_197 = tpu.memref_slice %arg6[%add3A_188, %dma_wait3A_196] : memref<10240x128xf32, #tpu.memory_space<vmem_shared>> -> memref<32x128xf32, #tpu.memory_space<vmem_shared>>
        tpu.wait_dma2 semaphore(%run_scoped3A : memref<!tpu.dma_semaphore, #tpu.memory_space<semaphore_mem>>) src(%arg7 : memref<32x128xf32, #tpu.memory_space<vmem>>) dst(%dma_wait3A_197 : memref<32x128xf32, #tpu.memory_space<vmem_shared>>)
        tpu.yield
      }) : () -> ()
      %scan3A_189 = arith.constant 0 : i32
      scf.yield %scan3A_189 : i32
    }
    %scan3A_13 = arith.constant 20 : i32
    %barrier3A = arith.constant 0 : index
    tpu.barrier barrier_id(%barrier3A)
    %mul3A = arith.constant 5120 : i32
    %mul3A_14 = arith.muli %arg0, %mul3A : i32
    %mul3A_15 = arith.constant 320 : i32
    %mul3A_16 = arith.muli %arg1, %mul3A_15 : i32
    %add3A = arith.addi %mul3A_14, %mul3A_16 : i32
    %add3A_17 = arith.constant 0 : i32
    %add3A_18 = arith.addi %add3A, %add3A_17 : i32
    "tpu.region"() ({
      %run_scoped3A = tpu.sem_alloc : memref<!tpu.dma_semaphore, #tpu.memory_space<semaphore_mem>>
      %dma_start3A_182 = arith.constant 0 : i32
      %dma_start3A_183 = tpu.memref_slice %arg3[%add3A_18, %dma_start3A_182] : memref<10240x32xi32, #tpu.memory_space<hbm>> -> memref<80x32xi32, #tpu.memory_space<hbm>>
      %dma_start3A_184 = arith.constant 0 : i32
      %dma_start3A_185 = tpu.memref_slice %arg3[%add3A_18, %dma_start3A_184] : memref<10240x32xi32, #tpu.memory_space<hbm>> -> memref<80x32xi32, #tpu.memory_space<hbm>>
      tpu.enqueue_dma source(%dma_start3A_185 : memref<80x32xi32, #tpu.memory_space<hbm>>) target(%arg11 : memref<80x32xi32, #tpu.memory_space<vmem>>) target_semaphore(%run_scoped3A : memref<!tpu.dma_semaphore, #tpu.memory_space<semaphore_mem>>)
      %dma_wait3A_186 = arith.constant 0 : i32
      %dma_wait3A_187 = tpu.memref_slice %arg3[%add3A_18, %dma_wait3A_186] : memref<10240x32xi32, #tpu.memory_space<hbm>> -> memref<80x32xi32, #tpu.memory_space<hbm>>
      %dma_wait3A_188 = arith.constant 0 : i32
      %dma_wait3A_189 = tpu.memref_slice %arg3[%add3A_18, %dma_wait3A_188] : memref<10240x32xi32, #tpu.memory_space<hbm>> -> memref<80x32xi32, #tpu.memory_space<hbm>>
      tpu.wait_dma2 semaphore(%run_scoped3A : memref<!tpu.dma_semaphore, #tpu.memory_space<semaphore_mem>>) src(%dma_wait3A_189 : memref<80x32xi32, #tpu.memory_space<hbm>>) dst(%arg11 : memref<80x32xi32, #tpu.memory_space<vmem>>)
      tpu.yield
    }) : () -> ()
    "tpu.region"() ({
      %run_scoped3A = tpu.sem_alloc : memref<!tpu.dma_semaphore, #tpu.memory_space<semaphore_mem>>
      %dma_start3A_182 = arith.constant 0 : i32
      %dma_start3A_183 = tpu.memref_slice %arg4[%add3A_18, %dma_start3A_182] : memref<10240x32xi32, #tpu.memory_space<hbm>> -> memref<80x32xi32, #tpu.memory_space<hbm>>
      %dma_start3A_184 = arith.constant 0 : i32
      %dma_start3A_185 = tpu.memref_slice %arg4[%add3A_18, %dma_start3A_184] : memref<10240x32xi32, #tpu.memory_space<hbm>> -> memref<80x32xi32, #tpu.memory_space<hbm>>
      tpu.enqueue_dma source(%dma_start3A_185 : memref<80x32xi32, #tpu.memory_space<hbm>>) target(%arg12 : memref<80x32xi32, #tpu.memory_space<vmem>>) target_semaphore(%run_scoped3A : memref<!tpu.dma_semaphore, #tpu.memory_space<semaphore_mem>>)
      %dma_wait3A_186 = arith.constant 0 : i32
      %dma_wait3A_187 = tpu.memref_slice %arg4[%add3A_18, %dma_wait3A_186] : memref<10240x32xi32, #tpu.memory_space<hbm>> -> memref<80x32xi32, #tpu.memory_space<hbm>>
      %dma_wait3A_188 = arith.constant 0 : i32
      %dma_wait3A_189 = tpu.memref_slice %arg4[%add3A_18, %dma_wait3A_188] : memref<10240x32xi32, #tpu.memory_space<hbm>> -> memref<80x32xi32, #tpu.memory_space<hbm>>
      tpu.wait_dma2 semaphore(%run_scoped3A : memref<!tpu.dma_semaphore, #tpu.memory_space<semaphore_mem>>) src(%dma_wait3A_189 : memref<80x32xi32, #tpu.memory_space<hbm>>) dst(%arg12 : memref<80x32xi32, #tpu.memory_space<vmem>>)
      tpu.yield
    }) : () -> ()
    %dma_start3A = arith.constant 0 : i32
    %dma_start3A_19 = arith.constant 0 : i32
    %dma_start3A_20 = tpu.memref_slice %arg11[%dma_start3A, %dma_start3A_19] : memref<80x32xi32, #tpu.memory_space<vmem>> -> memref<1x32xi32, #tpu.memory_space<vmem>>
    %dma_start3A_21 = tpu.memref_squeeze %dma_start3A_20 : memref<1x32xi32, #tpu.memory_space<vmem>> -> memref<32xi32, #tpu.memory_space<vmem>>
    %dma_start3A_22 = arith.constant 0 : i32
    %dma_start3A_23 = arith.constant 0 : i32
    %dma_start3A_24 = tpu.memref_slice %arg2[%dma_start3A_22, %dma_start3A_23] : memref<10000x128xf32, #tpu.memory_space<hbm>> -> memref<10000x128xf32, #tpu.memory_space<hbm>>
    tpu.enqueue_indirect_dma source(%dma_start3A_24 : memref<10000x128xf32, #tpu.memory_space<hbm>>) target(%arg7 : memref<32x128xf32, #tpu.memory_space<vmem>>) offsets(%dma_start3A_21 : memref<32xi32, #tpu.memory_space<vmem>>) semaphore(%arg13 : memref<!tpu.dma_semaphore, #tpu.memory_space<semaphore_mem>>)
    %dma_start3A_25 = arith.constant 1 : i32
    %dma_start3A_26 = arith.constant 0 : i32
    %dma_start3A_27 = tpu.memref_slice %arg11[%dma_start3A_25, %dma_start3A_26] : memref<80x32xi32, #tpu.memory_space<vmem>> -> memref<1x32xi32, #tpu.memory_space<vmem>>
    %dma_start3A_28 = tpu.memref_squeeze %dma_start3A_27 : memref<1x32xi32, #tpu.memory_space<vmem>> -> memref<32xi32, #tpu.memory_space<vmem>>
    %dma_start3A_29 = arith.constant 0 : i32
    %dma_start3A_30 = arith.constant 0 : i32
    %dma_start3A_31 = tpu.memref_slice %arg2[%dma_start3A_29, %dma_start3A_30] : memref<10000x128xf32, #tpu.memory_space<hbm>> -> memref<10000x128xf32, #tpu.memory_space<hbm>>
    tpu.enqueue_indirect_dma source(%dma_start3A_31 : memref<10000x128xf32, #tpu.memory_space<hbm>>) target(%arg8 : memref<32x128xf32, #tpu.memory_space<vmem>>) offsets(%dma_start3A_28 : memref<32xi32, #tpu.memory_space<vmem>>) semaphore(%arg14 : memref<!tpu.dma_semaphore, #tpu.memory_space<semaphore_mem>>)
    %dma_start3A_32 = arith.constant 2 : i32
    %dma_start3A_33 = arith.constant 0 : i32
    %dma_start3A_34 = tpu.memref_slice %arg11[%dma_start3A_32, %dma_start3A_33] : memref<80x32xi32, #tpu.memory_space<vmem>> -> memref<1x32xi32, #tpu.memory_space<vmem>>
    %dma_start3A_35 = tpu.memref_squeeze %dma_start3A_34 : memref<1x32xi32, #tpu.memory_space<vmem>> -> memref<32xi32, #tpu.memory_space<vmem>>
    %dma_start3A_36 = arith.constant 0 : i32
    %dma_start3A_37 = arith.constant 0 : i32
    %dma_start3A_38 = tpu.memref_slice %arg2[%dma_start3A_36, %dma_start3A_37] : memref<10000x128xf32, #tpu.memory_space<hbm>> -> memref<10000x128xf32, #tpu.memory_space<hbm>>
    tpu.enqueue_indirect_dma source(%dma_start3A_38 : memref<10000x128xf32, #tpu.memory_space<hbm>>) target(%arg9 : memref<32x128xf32, #tpu.memory_space<vmem>>) offsets(%dma_start3A_35 : memref<32xi32, #tpu.memory_space<vmem>>) semaphore(%arg15 : memref<!tpu.dma_semaphore, #tpu.memory_space<semaphore_mem>>)
    %scan3A_39 = arith.constant 0 : i32
    %scan3A_40 = arith.constant 0 : i32
    %scan3A_41 = arith.constant 20 : i32
    %scan3A_42 = arith.addi %scan3A_40, %scan3A_41 : i32
    %scan3A_43 = arith.constant 1 : i32
    %scan3A_44 = scf.for %scan3A_182 = %scan3A_40 to %scan3A_42 step %scan3A_43 iter_args(%scan3A_183 = %scan3A_39) -> (i32)  : i32 {
      %mul3A_184 = arith.constant 4 : i32
      %mul3A_185 = arith.muli %scan3A_182, %mul3A_184 : i32
      %add3A_186 = arith.constant 0 : i32
      %add3A_187 = arith.addi %mul3A_185, %add3A_186 : i32
      %gt3A = arith.constant 0 : i32
      %gt3A_188 = arith.cmpi sgt, %add3A_187, %gt3A : i32
      %convert_element_type3A = arith.extui %gt3A_188 : i1 to i32
      %cond3A = arith.constant 0 : i32
      %cond3A_189 = arith.cmpi ne, %convert_element_type3A, %cond3A : i32
      scf.if %cond3A_189 {
        %dma_wait3A_300 = arith.constant 0 : i32
        %dma_wait3A_301 = arith.constant 0 : i32
        %dma_wait3A_302 = tpu.memref_slice %arg6[%dma_wait3A_300, %dma_wait3A_301] : memref<10240x128xf32, #tpu.memory_space<vmem_shared>> -> memref<32x128xf32, #tpu.memory_space<vmem_shared>>
        %dma_wait3A_303 = arith.constant 0 : i32
        %dma_wait3A_304 = arith.constant 0 : i32
        %dma_wait3A_305 = tpu.memref_slice %arg6[%dma_wait3A_303, %dma_wait3A_304] : memref<10240x128xf32, #tpu.memory_space<vmem_shared>> -> memref<32x128xf32, #tpu.memory_space<vmem_shared>>
        tpu.wait_dma2 semaphore(%arg20 : memref<!tpu.dma_semaphore, #tpu.memory_space<semaphore_mem>>) src(%arg10 : memref<32x128xf32, #tpu.memory_space<vmem>>) dst(%dma_wait3A_305 : memref<32x128xf32, #tpu.memory_space<vmem_shared>>)
      } else {
      }
      %add3A_190 = arith.constant 4 : i32
      %add3A_191 = arith.addi %add3A_187, %add3A_190 : i32
      %sub3A = arith.constant 1 : i32
      %sub3A_192 = arith.subi %add3A_191, %sub3A : i32
      %lt3A = arith.constant 80 : i32
      %lt3A_193 = arith.cmpi slt, %sub3A_192, %lt3A : i32
      %convert_element_type3A_194 = arith.extui %lt3A_193 : i1 to i32
      %cond3A_195 = arith.constant 0 : i32
      %cond3A_196 = arith.cmpi ne, %convert_element_type3A_194, %cond3A_195 : i32
      scf.if %cond3A_196 {
        %add3A_300 = arith.constant 4 : i32
        %add3A_301 = arith.addi %add3A_187, %add3A_300 : i32
        %sub3A_302 = arith.constant 1 : i32
        %sub3A_303 = arith.subi %add3A_301, %sub3A_302 : i32
        %dma_start3A_304 = arith.constant 0 : i32
        %dma_start3A_305 = tpu.memref_slice %arg11[%sub3A_303, %dma_start3A_304] : memref<80x32xi32, #tpu.memory_space<vmem>> -> memref<1x32xi32, #tpu.memory_space<vmem>>
        %dma_start3A_306 = tpu.memref_squeeze %dma_start3A_305 : memref<1x32xi32, #tpu.memory_space<vmem>> -> memref<32xi32, #tpu.memory_space<vmem>>
        %dma_start3A_307 = arith.constant 0 : i32
        %dma_start3A_308 = arith.constant 0 : i32
        %dma_start3A_309 = tpu.memref_slice %arg2[%dma_start3A_307, %dma_start3A_308] : memref<10000x128xf32, #tpu.memory_space<hbm>> -> memref<10000x128xf32, #tpu.memory_space<hbm>>
        tpu.enqueue_indirect_dma source(%dma_start3A_309 : memref<10000x128xf32, #tpu.memory_space<hbm>>) target(%arg10 : memref<32x128xf32, #tpu.memory_space<vmem>>) offsets(%dma_start3A_306 : memref<32xi32, #tpu.memory_space<vmem>>) semaphore(%arg16 : memref<!tpu.dma_semaphore, #tpu.memory_space<semaphore_mem>>)
      } else {
      }
      %dma_wait3A_197 = arith.constant 0 : i32
      %dma_wait3A_198 = arith.constant 0 : i32
      %dma_wait3A_199 = tpu.memref_slice %arg2[%dma_wait3A_197, %dma_wait3A_198] : memref<10000x128xf32, #tpu.memory_space<hbm>> -> memref<32x128xf32, #tpu.memory_space<hbm>>
      %dma_wait3A_200 = arith.constant 0 : i32
      %dma_wait3A_201 = arith.constant 0 : i32
      %dma_wait3A_202 = tpu.memref_slice %arg2[%dma_wait3A_200, %dma_wait3A_201] : memref<10000x128xf32, #tpu.memory_space<hbm>> -> memref<32x128xf32, #tpu.memory_space<hbm>>
      tpu.wait_dma2 semaphore(%arg13 : memref<!tpu.dma_semaphore, #tpu.memory_space<semaphore_mem>>) src(%dma_wait3A_202 : memref<32x128xf32, #tpu.memory_space<hbm>>) dst(%arg7 : memref<32x128xf32, #tpu.memory_space<vmem>>)
      %dma_start3A_203 = arith.constant 0 : i32
      %dma_start3A_204 = tpu.memref_slice %arg12[%add3A_187, %dma_start3A_203] : memref<80x32xi32, #tpu.memory_space<vmem>> -> memref<1x32xi32, #tpu.memory_space<vmem>>
      %dma_start3A_205 = tpu.memref_squeeze %dma_start3A_204 : memref<1x32xi32, #tpu.memory_space<vmem>> -> memref<32xi32, #tpu.memory_space<vmem>>
      %dma_start3A_206 = arith.constant 0 : i32
      %dma_start3A_207 = arith.constant 0 : i32
      %dma_start3A_208 = tpu.memref_slice %arg6[%dma_start3A_206, %dma_start3A_207] : memref<10240x128xf32, #tpu.memory_space<vmem_shared>> -> memref<10240x128xf32, #tpu.memory_space<vmem_shared>>
      tpu.enqueue_indirect_dma source(%arg7 : memref<32x128xf32, #tpu.memory_space<vmem>>) target(%dma_start3A_208 : memref<10240x128xf32, #tpu.memory_space<vmem_shared>>) offsets(%dma_start3A_205 : memref<32xi32, #tpu.memory_space<vmem>>) semaphore(%arg17 : memref<!tpu.dma_semaphore, #tpu.memory_space<semaphore_mem>>) {add = true}
      %mul3A_209 = arith.constant 4 : i32
      %mul3A_210 = arith.muli %scan3A_182, %mul3A_209 : i32
      %add3A_211 = arith.constant 1 : i32
      %add3A_212 = arith.addi %mul3A_210, %add3A_211 : i32
      %gt3A_213 = arith.constant 0 : i32
      %gt3A_214 = arith.cmpi sgt, %add3A_212, %gt3A_213 : i32
      %convert_element_type3A_215 = arith.extui %gt3A_214 : i1 to i32
      %cond3A_216 = arith.constant 0 : i32
      %cond3A_217 = arith.cmpi ne, %convert_element_type3A_215, %cond3A_216 : i32
      scf.if %cond3A_217 {
        %dma_wait3A_300 = arith.constant 0 : i32
        %dma_wait3A_301 = arith.constant 0 : i32
        %dma_wait3A_302 = tpu.memref_slice %arg6[%dma_wait3A_300, %dma_wait3A_301] : memref<10240x128xf32, #tpu.memory_space<vmem_shared>> -> memref<32x128xf32, #tpu.memory_space<vmem_shared>>
        %dma_wait3A_303 = arith.constant 0 : i32
        %dma_wait3A_304 = arith.constant 0 : i32
        %dma_wait3A_305 = tpu.memref_slice %arg6[%dma_wait3A_303, %dma_wait3A_304] : memref<10240x128xf32, #tpu.memory_space<vmem_shared>> -> memref<32x128xf32, #tpu.memory_space<vmem_shared>>
        tpu.wait_dma2 semaphore(%arg17 : memref<!tpu.dma_semaphore, #tpu.memory_space<semaphore_mem>>) src(%arg7 : memref<32x128xf32, #tpu.memory_space<vmem>>) dst(%dma_wait3A_305 : memref<32x128xf32, #tpu.memory_space<vmem_shared>>)
      } else {
      }
      %add3A_218 = arith.constant 4 : i32
      %add3A_219 = arith.addi %add3A_212, %add3A_218 : i32
      %sub3A_220 = arith.constant 1 : i32
      %sub3A_221 = arith.subi %add3A_219, %sub3A_220 : i32
      %lt3A_222 = arith.constant 80 : i32
      %lt3A_223 = arith.cmpi slt, %sub3A_221, %lt3A_222 : i32
      %convert_element_type3A_224 = arith.extui %lt3A_223 : i1 to i32
      %cond3A_225 = arith.constant 0 : i32
      %cond3A_226 = arith.cmpi ne, %convert_element_type3A_224, %cond3A_225 : i32
      scf.if %cond3A_226 {
        %add3A_300 = arith.constant 4 : i32
        %add3A_301 = arith.addi %add3A_212, %add3A_300 : i32
        %sub3A_302 = arith.constant 1 : i32
        %sub3A_303 = arith.subi %add3A_301, %sub3A_302 : i32
        %dma_start3A_304 = arith.constant 0 : i32
        %dma_start3A_305 = tpu.memref_slice %arg11[%sub3A_303, %dma_start3A_304] : memref<80x32xi32, #tpu.memory_space<vmem>> -> memref<1x32xi32, #tpu.memory_space<vmem>>
        %dma_start3A_306 = tpu.memref_squeeze %dma_start3A_305 : memref<1x32xi32, #tpu.memory_space<vmem>> -> memref<32xi32, #tpu.memory_space<vmem>>
        %dma_start3A_307 = arith.constant 0 : i32
        %dma_start3A_308 = arith.constant 0 : i32
        %dma_start3A_309 = tpu.memref_slice %arg2[%dma_start3A_307, %dma_start3A_308] : memref<10000x128xf32, #tpu.memory_space<hbm>> -> memref<10000x128xf32, #tpu.memory_space<hbm>>
        tpu.enqueue_indirect_dma source(%dma_start3A_309 : memref<10000x128xf32, #tpu.memory_space<hbm>>) target(%arg7 : memref<32x128xf32, #tpu.memory_space<vmem>>) offsets(%dma_start3A_306 : memref<32xi32, #tpu.memory_space<vmem>>) semaphore(%arg13 : memref<!tpu.dma_semaphore, #tpu.memory_space<semaphore_mem>>)
      } else {
      }
      %dma_wait3A_227 = arith.constant 0 : i32
      %dma_wait3A_228 = arith.constant 0 : i32
      %dma_wait3A_229 = tpu.memref_slice %arg2[%dma_wait3A_227, %dma_wait3A_228] : memref<10000x128xf32, #tpu.memory_space<hbm>> -> memref<32x128xf32, #tpu.memory_space<hbm>>
      %dma_wait3A_230 = arith.constant 0 : i32
      %dma_wait3A_231 = arith.constant 0 : i32
      %dma_wait3A_232 = tpu.memref_slice %arg2[%dma_wait3A_230, %dma_wait3A_231] : memref<10000x128xf32, #tpu.memory_space<hbm>> -> memref<32x128xf32, #tpu.memory_space<hbm>>
      tpu.wait_dma2 semaphore(%arg14 : memref<!tpu.dma_semaphore, #tpu.memory_space<semaphore_mem>>) src(%dma_wait3A_232 : memref<32x128xf32, #tpu.memory_space<hbm>>) dst(%arg8 : memref<32x128xf32, #tpu.memory_space<vmem>>)
      %dma_start3A_233 = arith.constant 0 : i32
      %dma_start3A_234 = tpu.memref_slice %arg12[%add3A_212, %dma_start3A_233] : memref<80x32xi32, #tpu.memory_space<vmem>> -> memref<1x32xi32, #tpu.memory_space<vmem>>
      %dma_start3A_235 = tpu.memref_squeeze %dma_start3A_234 : memref<1x32xi32, #tpu.memory_space<vmem>> -> memref<32xi32, #tpu.memory_space<vmem>>
      %dma_start3A_236 = arith.constant 0 : i32
      %dma_start3A_237 = arith.constant 0 : i32
      %dma_start3A_238 = tpu.memref_slice %arg6[%dma_start3A_236, %dma_start3A_237] : memref<10240x128xf32, #tpu.memory_space<vmem_shared>> -> memref<10240x128xf32, #tpu.memory_space<vmem_shared>>
      tpu.enqueue_indirect_dma source(%arg8 : memref<32x128xf32, #tpu.memory_space<vmem>>) target(%dma_start3A_238 : memref<10240x128xf32, #tpu.memory_space<vmem_shared>>) offsets(%dma_start3A_235 : memref<32xi32, #tpu.memory_space<vmem>>) semaphore(%arg18 : memref<!tpu.dma_semaphore, #tpu.memory_space<semaphore_mem>>) {add = true}
      %mul3A_239 = arith.constant 4 : i32
      %mul3A_240 = arith.muli %scan3A_182, %mul3A_239 : i32
      %add3A_241 = arith.constant 2 : i32
      %add3A_242 = arith.addi %mul3A_240, %add3A_241 : i32
      %gt3A_243 = arith.constant 0 : i32
      %gt3A_244 = arith.cmpi sgt, %add3A_242, %gt3A_243 : i32
      %convert_element_type3A_245 = arith.extui %gt3A_244 : i1 to i32
      %cond3A_246 = arith.constant 0 : i32
      %cond3A_247 = arith.cmpi ne, %convert_element_type3A_245, %cond3A_246 : i32
      scf.if %cond3A_247 {
        %dma_wait3A_300 = arith.constant 0 : i32
        %dma_wait3A_301 = arith.constant 0 : i32
        %dma_wait3A_302 = tpu.memref_slice %arg6[%dma_wait3A_300, %dma_wait3A_301] : memref<10240x128xf32, #tpu.memory_space<vmem_shared>> -> memref<32x128xf32, #tpu.memory_space<vmem_shared>>
        %dma_wait3A_303 = arith.constant 0 : i32
        %dma_wait3A_304 = arith.constant 0 : i32
        %dma_wait3A_305 = tpu.memref_slice %arg6[%dma_wait3A_303, %dma_wait3A_304] : memref<10240x128xf32, #tpu.memory_space<vmem_shared>> -> memref<32x128xf32, #tpu.memory_space<vmem_shared>>
        tpu.wait_dma2 semaphore(%arg18 : memref<!tpu.dma_semaphore, #tpu.memory_space<semaphore_mem>>) src(%arg8 : memref<32x128xf32, #tpu.memory_space<vmem>>) dst(%dma_wait3A_305 : memref<32x128xf32, #tpu.memory_space<vmem_shared>>)
      } else {
      }
      %add3A_248 = arith.constant 4 : i32
      %add3A_249 = arith.addi %add3A_242, %add3A_248 : i32
      %sub3A_250 = arith.constant 1 : i32
      %sub3A_251 = arith.subi %add3A_249, %sub3A_250 : i32
      %lt3A_252 = arith.constant 80 : i32
      %lt3A_253 = arith.cmpi slt, %sub3A_251, %lt3A_252 : i32
      %convert_element_type3A_254 = arith.extui %lt3A_253 : i1 to i32
      %cond3A_255 = arith.constant 0 : i32
      %cond3A_256 = arith.cmpi ne, %convert_element_type3A_254, %cond3A_255 : i32
      scf.if %cond3A_256 {
        %add3A_300 = arith.constant 4 : i32
        %add3A_301 = arith.addi %add3A_242, %add3A_300 : i32
        %sub3A_302 = arith.constant 1 : i32
        %sub3A_303 = arith.subi %add3A_301, %sub3A_302 : i32
        %dma_start3A_304 = arith.constant 0 : i32
        %dma_start3A_305 = tpu.memref_slice %arg11[%sub3A_303, %dma_start3A_304] : memref<80x32xi32, #tpu.memory_space<vmem>> -> memref<1x32xi32, #tpu.memory_space<vmem>>
        %dma_start3A_306 = tpu.memref_squeeze %dma_start3A_305 : memref<1x32xi32, #tpu.memory_space<vmem>> -> memref<32xi32, #tpu.memory_space<vmem>>
        %dma_start3A_307 = arith.constant 0 : i32
        %dma_start3A_308 = arith.constant 0 : i32
        %dma_start3A_309 = tpu.memref_slice %arg2[%dma_start3A_307, %dma_start3A_308] : memref<10000x128xf32, #tpu.memory_space<hbm>> -> memref<10000x128xf32, #tpu.memory_space<hbm>>
        tpu.enqueue_indirect_dma source(%dma_start3A_309 : memref<10000x128xf32, #tpu.memory_space<hbm>>) target(%arg8 : memref<32x128xf32, #tpu.memory_space<vmem>>) offsets(%dma_start3A_306 : memref<32xi32, #tpu.memory_space<vmem>>) semaphore(%arg14 : memref<!tpu.dma_semaphore, #tpu.memory_space<semaphore_mem>>)
      } else {
      }
      %dma_wait3A_257 = arith.constant 0 : i32
      %dma_wait3A_258 = arith.constant 0 : i32
      %dma_wait3A_259 = tpu.memref_slice %arg2[%dma_wait3A_257, %dma_wait3A_258] : memref<10000x128xf32, #tpu.memory_space<hbm>> -> memref<32x128xf32, #tpu.memory_space<hbm>>
      %dma_wait3A_260 = arith.constant 0 : i32
      %dma_wait3A_261 = arith.constant 0 : i32
      %dma_wait3A_262 = tpu.memref_slice %arg2[%dma_wait3A_260, %dma_wait3A_261] : memref<10000x128xf32, #tpu.memory_space<hbm>> -> memref<32x128xf32, #tpu.memory_space<hbm>>
      tpu.wait_dma2 semaphore(%arg15 : memref<!tpu.dma_semaphore, #tpu.memory_space<semaphore_mem>>) src(%dma_wait3A_262 : memref<32x128xf32, #tpu.memory_space<hbm>>) dst(%arg9 : memref<32x128xf32, #tpu.memory_space<vmem>>)
      %dma_start3A_263 = arith.constant 0 : i32
      %dma_start3A_264 = tpu.memref_slice %arg12[%add3A_242, %dma_start3A_263] : memref<80x32xi32, #tpu.memory_space<vmem>> -> memref<1x32xi32, #tpu.memory_space<vmem>>
      %dma_start3A_265 = tpu.memref_squeeze %dma_start3A_264 : memref<1x32xi32, #tpu.memory_space<vmem>> -> memref<32xi32, #tpu.memory_space<vmem>>
      %dma_start3A_266 = arith.constant 0 : i32
      %dma_start3A_267 = arith.constant 0 : i32
      %dma_start3A_268 = tpu.memref_slice %arg6[%dma_start3A_266, %dma_start3A_267] : memref<10240x128xf32, #tpu.memory_space<vmem_shared>> -> memref<10240x128xf32, #tpu.memory_space<vmem_shared>>
      tpu.enqueue_indirect_dma source(%arg9 : memref<32x128xf32, #tpu.memory_space<vmem>>) target(%dma_start3A_268 : memref<10240x128xf32, #tpu.memory_space<vmem_shared>>) offsets(%dma_start3A_265 : memref<32xi32, #tpu.memory_space<vmem>>) semaphore(%arg19 : memref<!tpu.dma_semaphore, #tpu.memory_space<semaphore_mem>>) {add = true}
      %mul3A_269 = arith.constant 4 : i32
      %mul3A_270 = arith.muli %scan3A_182, %mul3A_269 : i32
      %add3A_271 = arith.constant 3 : i32
      %add3A_272 = arith.addi %mul3A_270, %add3A_271 : i32
      %gt3A_273 = arith.constant 0 : i32
      %gt3A_274 = arith.cmpi sgt, %add3A_272, %gt3A_273 : i32
      %convert_element_type3A_275 = arith.extui %gt3A_274 : i1 to i32
      %cond3A_276 = arith.constant 0 : i32
      %cond3A_277 = arith.cmpi ne, %convert_element_type3A_275, %cond3A_276 : i32
      scf.if %cond3A_277 {
        %dma_wait3A_300 = arith.constant 0 : i32
        %dma_wait3A_301 = arith.constant 0 : i32
        %dma_wait3A_302 = tpu.memref_slice %arg6[%dma_wait3A_300, %dma_wait3A_301] : memref<10240x128xf32, #tpu.memory_space<vmem_shared>> -> memref<32x128xf32, #tpu.memory_space<vmem_shared>>
        %dma_wait3A_303 = arith.constant 0 : i32
        %dma_wait3A_304 = arith.constant 0 : i32
        %dma_wait3A_305 = tpu.memref_slice %arg6[%dma_wait3A_303, %dma_wait3A_304] : memref<10240x128xf32, #tpu.memory_space<vmem_shared>> -> memref<32x128xf32, #tpu.memory_space<vmem_shared>>
        tpu.wait_dma2 semaphore(%arg19 : memref<!tpu.dma_semaphore, #tpu.memory_space<semaphore_mem>>) src(%arg9 : memref<32x128xf32, #tpu.memory_space<vmem>>) dst(%dma_wait3A_305 : memref<32x128xf32, #tpu.memory_space<vmem_shared>>)
      } else {
      }
      %add3A_278 = arith.constant 4 : i32
      %add3A_279 = arith.addi %add3A_272, %add3A_278 : i32
      %sub3A_280 = arith.constant 1 : i32
      %sub3A_281 = arith.subi %add3A_279, %sub3A_280 : i32
      %lt3A_282 = arith.constant 80 : i32
      %lt3A_283 = arith.cmpi slt, %sub3A_281, %lt3A_282 : i32
      %convert_element_type3A_284 = arith.extui %lt3A_283 : i1 to i32
      %cond3A_285 = arith.constant 0 : i32
      %cond3A_286 = arith.cmpi ne, %convert_element_type3A_284, %cond3A_285 : i32
      scf.if %cond3A_286 {
        %add3A_300 = arith.constant 4 : i32
        %add3A_301 = arith.addi %add3A_272, %add3A_300 : i32
        %sub3A_302 = arith.constant 1 : i32
        %sub3A_303 = arith.subi %add3A_301, %sub3A_302 : i32
        %dma_start3A_304 = arith.constant 0 : i32
        %dma_start3A_305 = tpu.memref_slice %arg11[%sub3A_303, %dma_start3A_304] : memref<80x32xi32, #tpu.memory_space<vmem>> -> memref<1x32xi32, #tpu.memory_space<vmem>>
        %dma_start3A_306 = tpu.memref_squeeze %dma_start3A_305 : memref<1x32xi32, #tpu.memory_space<vmem>> -> memref<32xi32, #tpu.memory_space<vmem>>
        %dma_start3A_307 = arith.constant 0 : i32
        %dma_start3A_308 = arith.constant 0 : i32
        %dma_start3A_309 = tpu.memref_slice %arg2[%dma_start3A_307, %dma_start3A_308] : memref<10000x128xf32, #tpu.memory_space<hbm>> -> memref<10000x128xf32, #tpu.memory_space<hbm>>
        tpu.enqueue_indirect_dma source(%dma_start3A_309 : memref<10000x128xf32, #tpu.memory_space<hbm>>) target(%arg9 : memref<32x128xf32, #tpu.memory_space<vmem>>) offsets(%dma_start3A_306 : memref<32xi32, #tpu.memory_space<vmem>>) semaphore(%arg15 : memref<!tpu.dma_semaphore, #tpu.memory_space<semaphore_mem>>)
      } else {
      }
      %dma_wait3A_287 = arith.constant 0 : i32
      %dma_wait3A_288 = arith.constant 0 : i32
      %dma_wait3A_289 = tpu.memref_slice %arg2[%dma_wait3A_287, %dma_wait3A_288] : memref<10000x128xf32, #tpu.memory_space<hbm>> -> memref<32x128xf32, #tpu.memory_space<hbm>>
      %dma_wait3A_290 = arith.constant 0 : i32
      %dma_wait3A_291 = arith.constant 0 : i32
      %dma_wait3A_292 = tpu.memref_slice %arg2[%dma_wait3A_290, %dma_wait3A_291] : memref<10000x128xf32, #tpu.memory_space<hbm>> -> memref<32x128xf32, #tpu.memory_space<hbm>>
      tpu.wait_dma2 semaphore(%arg16 : memref<!tpu.dma_semaphore, #tpu.memory_space<semaphore_mem>>) src(%dma_wait3A_292 : memref<32x128xf32, #tpu.memory_space<hbm>>) dst(%arg10 : memref<32x128xf32, #tpu.memory_space<vmem>>)
      %dma_start3A_293 = arith.constant 0 : i32
      %dma_start3A_294 = tpu.memref_slice %arg12[%add3A_272, %dma_start3A_293] : memref<80x32xi32, #tpu.memory_space<vmem>> -> memref<1x32xi32, #tpu.memory_space<vmem>>
      %dma_start3A_295 = tpu.memref_squeeze %dma_start3A_294 : memref<1x32xi32, #tpu.memory_space<vmem>> -> memref<32xi32, #tpu.memory_space<vmem>>
      %dma_start3A_296 = arith.constant 0 : i32
      %dma_start3A_297 = arith.constant 0 : i32
      %dma_start3A_298 = tpu.memref_slice %arg6[%dma_start3A_296, %dma_start3A_297] : memref<10240x128xf32, #tpu.memory_space<vmem_shared>> -> memref<10240x128xf32, #tpu.memory_space<vmem_shared>>
      tpu.enqueue_indirect_dma source(%arg10 : memref<32x128xf32, #tpu.memory_space<vmem>>) target(%dma_start3A_298 : memref<10240x128xf32, #tpu.memory_space<vmem_shared>>) offsets(%dma_start3A_295 : memref<32xi32, #tpu.memory_space<vmem>>) semaphore(%arg20 : memref<!tpu.dma_semaphore, #tpu.memory_space<semaphore_mem>>) {add = true}
      %scan3A_299 = arith.constant 0 : i32
      scf.yield %scan3A_299 : i32
    }
    %scan3A_45 = arith.constant 20 : i32
    %dma_wait3A = arith.constant 0 : i32
    %dma_wait3A_46 = arith.constant 0 : i32
    %dma_wait3A_47 = tpu.memref_slice %arg6[%dma_wait3A, %dma_wait3A_46] : memref<10240x128xf32, #tpu.memory_space<vmem_shared>> -> memref<32x128xf32, #tpu.memory_space<vmem_shared>>
    %dma_wait3A_48 = arith.constant 0 : i32
    %dma_wait3A_49 = arith.constant 0 : i32
    %dma_wait3A_50 = tpu.memref_slice %arg6[%dma_wait3A_48, %dma_wait3A_49] : memref<10240x128xf32, #tpu.memory_space<vmem_shared>> -> memref<32x128xf32, #tpu.memory_space<vmem_shared>>
    tpu.wait_dma2 semaphore(%arg20 : memref<!tpu.dma_semaphore, #tpu.memory_space<semaphore_mem>>) src(%arg10 : memref<32x128xf32, #tpu.memory_space<vmem>>) dst(%dma_wait3A_50 : memref<32x128xf32, #tpu.memory_space<vmem_shared>>)
    %mul3A_51 = arith.constant 5120 : i32
    %mul3A_52 = arith.muli %arg0, %mul3A_51 : i32
    %mul3A_53 = arith.constant 320 : i32
    %mul3A_54 = arith.muli %arg1, %mul3A_53 : i32
    %add3A_55 = arith.addi %mul3A_52, %mul3A_54 : i32
    %add3A_56 = arith.constant 80 : i32
    %add3A_57 = arith.addi %add3A_55, %add3A_56 : i32
    "tpu.region"() ({
      %run_scoped3A = tpu.sem_alloc : memref<!tpu.dma_semaphore, #tpu.memory_space<semaphore_mem>>
      %dma_start3A_182 = arith.constant 0 : i32
      %dma_start3A_183 = tpu.memref_slice %arg3[%add3A_57, %dma_start3A_182] : memref<10240x32xi32, #tpu.memory_space<hbm>> -> memref<80x32xi32, #tpu.memory_space<hbm>>
      %dma_start3A_184 = arith.constant 0 : i32
      %dma_start3A_185 = tpu.memref_slice %arg3[%add3A_57, %dma_start3A_184] : memref<10240x32xi32, #tpu.memory_space<hbm>> -> memref<80x32xi32, #tpu.memory_space<hbm>>
      tpu.enqueue_dma source(%dma_start3A_185 : memref<80x32xi32, #tpu.memory_space<hbm>>) target(%arg11 : memref<80x32xi32, #tpu.memory_space<vmem>>) target_semaphore(%run_scoped3A : memref<!tpu.dma_semaphore, #tpu.memory_space<semaphore_mem>>)
      %dma_wait3A_186 = arith.constant 0 : i32
      %dma_wait3A_187 = tpu.memref_slice %arg3[%add3A_57, %dma_wait3A_186] : memref<10240x32xi32, #tpu.memory_space<hbm>> -> memref<80x32xi32, #tpu.memory_space<hbm>>
      %dma_wait3A_188 = arith.constant 0 : i32
      %dma_wait3A_189 = tpu.memref_slice %arg3[%add3A_57, %dma_wait3A_188] : memref<10240x32xi32, #tpu.memory_space<hbm>> -> memref<80x32xi32, #tpu.memory_space<hbm>>
      tpu.wait_dma2 semaphore(%run_scoped3A : memref<!tpu.dma_semaphore, #tpu.memory_space<semaphore_mem>>) src(%dma_wait3A_189 : memref<80x32xi32, #tpu.memory_space<hbm>>) dst(%arg11 : memref<80x32xi32, #tpu.memory_space<vmem>>)
      tpu.yield
    }) : () -> ()
    "tpu.region"() ({
      %run_scoped3A = tpu.sem_alloc : memref<!tpu.dma_semaphore, #tpu.memory_space<semaphore_mem>>
      %dma_start3A_182 = arith.constant 0 : i32
      %dma_start3A_183 = tpu.memref_slice %arg4[%add3A_57, %dma_start3A_182] : memref<10240x32xi32, #tpu.memory_space<hbm>> -> memref<80x32xi32, #tpu.memory_space<hbm>>
      %dma_start3A_184 = arith.constant 0 : i32
      %dma_start3A_185 = tpu.memref_slice %arg4[%add3A_57, %dma_start3A_184] : memref<10240x32xi32, #tpu.memory_space<hbm>> -> memref<80x32xi32, #tpu.memory_space<hbm>>
      tpu.enqueue_dma source(%dma_start3A_185 : memref<80x32xi32, #tpu.memory_space<hbm>>) target(%arg12 : memref<80x32xi32, #tpu.memory_space<vmem>>) target_semaphore(%run_scoped3A : memref<!tpu.dma_semaphore, #tpu.memory_space<semaphore_mem>>)
      %dma_wait3A_186 = arith.constant 0 : i32
      %dma_wait3A_187 = tpu.memref_slice %arg4[%add3A_57, %dma_wait3A_186] : memref<10240x32xi32, #tpu.memory_space<hbm>> -> memref<80x32xi32, #tpu.memory_space<hbm>>
      %dma_wait3A_188 = arith.constant 0 : i32
      %dma_wait3A_189 = tpu.memref_slice %arg4[%add3A_57, %dma_wait3A_188] : memref<10240x32xi32, #tpu.memory_space<hbm>> -> memref<80x32xi32, #tpu.memory_space<hbm>>
      tpu.wait_dma2 semaphore(%run_scoped3A : memref<!tpu.dma_semaphore, #tpu.memory_space<semaphore_mem>>) src(%dma_wait3A_189 : memref<80x32xi32, #tpu.memory_space<hbm>>) dst(%arg12 : memref<80x32xi32, #tpu.memory_space<vmem>>)
      tpu.yield
    }) : () -> ()
    %dma_start3A_58 = arith.constant 0 : i32
    %dma_start3A_59 = arith.constant 0 : i32
    %dma_start3A_60 = tpu.memref_slice %arg11[%dma_start3A_58, %dma_start3A_59] : memref<80x32xi32, #tpu.memory_space<vmem>> -> memref<1x32xi32, #tpu.memory_space<vmem>>
    %dma_start3A_61 = tpu.memref_squeeze %dma_start3A_60 : memref<1x32xi32, #tpu.memory_space<vmem>> -> memref<32xi32, #tpu.memory_space<vmem>>
    %dma_start3A_62 = arith.constant 0 : i32
    %dma_start3A_63 = arith.constant 0 : i32
    %dma_start3A_64 = tpu.memref_slice %arg2[%dma_start3A_62, %dma_start3A_63] : memref<10000x128xf32, #tpu.memory_space<hbm>> -> memref<10000x128xf32, #tpu.memory_space<hbm>>
    tpu.enqueue_indirect_dma source(%dma_start3A_64 : memref<10000x128xf32, #tpu.memory_space<hbm>>) target(%arg7 : memref<32x128xf32, #tpu.memory_space<vmem>>) offsets(%dma_start3A_61 : memref<32xi32, #tpu.memory_space<vmem>>) semaphore(%arg13 : memref<!tpu.dma_semaphore, #tpu.memory_space<semaphore_mem>>)
    %dma_start3A_65 = arith.constant 1 : i32
    %dma_start3A_66 = arith.constant 0 : i32
    %dma_start3A_67 = tpu.memref_slice %arg11[%dma_start3A_65, %dma_start3A_66] : memref<80x32xi32, #tpu.memory_space<vmem>> -> memref<1x32xi32, #tpu.memory_space<vmem>>
    %dma_start3A_68 = tpu.memref_squeeze %dma_start3A_67 : memref<1x32xi32, #tpu.memory_space<vmem>> -> memref<32xi32, #tpu.memory_space<vmem>>
    %dma_start3A_69 = arith.constant 0 : i32
    %dma_start3A_70 = arith.constant 0 : i32
    %dma_start3A_71 = tpu.memref_slice %arg2[%dma_start3A_69, %dma_start3A_70] : memref<10000x128xf32, #tpu.memory_space<hbm>> -> memref<10000x128xf32, #tpu.memory_space<hbm>>
    tpu.enqueue_indirect_dma source(%dma_start3A_71 : memref<10000x128xf32, #tpu.memory_space<hbm>>) target(%arg8 : memref<32x128xf32, #tpu.memory_space<vmem>>) offsets(%dma_start3A_68 : memref<32xi32, #tpu.memory_space<vmem>>) semaphore(%arg14 : memref<!tpu.dma_semaphore, #tpu.memory_space<semaphore_mem>>)
    %dma_start3A_72 = arith.constant 2 : i32
    %dma_start3A_73 = arith.constant 0 : i32
    %dma_start3A_74 = tpu.memref_slice %arg11[%dma_start3A_72, %dma_start3A_73] : memref<80x32xi32, #tpu.memory_space<vmem>> -> memref<1x32xi32, #tpu.memory_space<vmem>>
    %dma_start3A_75 = tpu.memref_squeeze %dma_start3A_74 : memref<1x32xi32, #tpu.memory_space<vmem>> -> memref<32xi32, #tpu.memory_space<vmem>>
    %dma_start3A_76 = arith.constant 0 : i32
    %dma_start3A_77 = arith.constant 0 : i32
    %dma_start3A_78 = tpu.memref_slice %arg2[%dma_start3A_76, %dma_start3A_77] : memref<10000x128xf32, #tpu.memory_space<hbm>> -> memref<10000x128xf32, #tpu.memory_space<hbm>>
    tpu.enqueue_indirect_dma source(%dma_start3A_78 : memref<10000x128xf32, #tpu.memory_space<hbm>>) target(%arg9 : memref<32x128xf32, #tpu.memory_space<vmem>>) offsets(%dma_start3A_75 : memref<32xi32, #tpu.memory_space<vmem>>) semaphore(%arg15 : memref<!tpu.dma_semaphore, #tpu.memory_space<semaphore_mem>>)
    %scan3A_79 = arith.constant 0 : i32
    %scan3A_80 = arith.constant 0 : i32
    %scan3A_81 = arith.constant 20 : i32
    %scan3A_82 = arith.addi %scan3A_80, %scan3A_81 : i32
    %scan3A_83 = arith.constant 1 : i32
    %scan3A_84 = scf.for %scan3A_182 = %scan3A_80 to %scan3A_82 step %scan3A_83 iter_args(%scan3A_183 = %scan3A_79) -> (i32)  : i32 {
      %mul3A_184 = arith.constant 4 : i32
      %mul3A_185 = arith.muli %scan3A_182, %mul3A_184 : i32
      %add3A_186 = arith.constant 0 : i32
      %add3A_187 = arith.addi %mul3A_185, %add3A_186 : i32
      %gt3A = arith.constant 0 : i32
      %gt3A_188 = arith.cmpi sgt, %add3A_187, %gt3A : i32
      %convert_element_type3A = arith.extui %gt3A_188 : i1 to i32
      %cond3A = arith.constant 0 : i32
      %cond3A_189 = arith.cmpi ne, %convert_element_type3A, %cond3A : i32
      scf.if %cond3A_189 {
        %dma_wait3A_300 = arith.constant 0 : i32
        %dma_wait3A_301 = arith.constant 0 : i32
        %dma_wait3A_302 = tpu.memref_slice %arg6[%dma_wait3A_300, %dma_wait3A_301] : memref<10240x128xf32, #tpu.memory_space<vmem_shared>> -> memref<32x128xf32, #tpu.memory_space<vmem_shared>>
        %dma_wait3A_303 = arith.constant 0 : i32
        %dma_wait3A_304 = arith.constant 0 : i32
        %dma_wait3A_305 = tpu.memref_slice %arg6[%dma_wait3A_303, %dma_wait3A_304] : memref<10240x128xf32, #tpu.memory_space<vmem_shared>> -> memref<32x128xf32, #tpu.memory_space<vmem_shared>>
        tpu.wait_dma2 semaphore(%arg20 : memref<!tpu.dma_semaphore, #tpu.memory_space<semaphore_mem>>) src(%arg10 : memref<32x128xf32, #tpu.memory_space<vmem>>) dst(%dma_wait3A_305 : memref<32x128xf32, #tpu.memory_space<vmem_shared>>)
      } else {
      }
      %add3A_190 = arith.constant 4 : i32
      %add3A_191 = arith.addi %add3A_187, %add3A_190 : i32
      %sub3A = arith.constant 1 : i32
      %sub3A_192 = arith.subi %add3A_191, %sub3A : i32
      %lt3A = arith.constant 80 : i32
      %lt3A_193 = arith.cmpi slt, %sub3A_192, %lt3A : i32
      %convert_element_type3A_194 = arith.extui %lt3A_193 : i1 to i32
      %cond3A_195 = arith.constant 0 : i32
      %cond3A_196 = arith.cmpi ne, %convert_element_type3A_194, %cond3A_195 : i32
      scf.if %cond3A_196 {
        %add3A_300 = arith.constant 4 : i32
        %add3A_301 = arith.addi %add3A_187, %add3A_300 : i32
        %sub3A_302 = arith.constant 1 : i32
        %sub3A_303 = arith.subi %add3A_301, %sub3A_302 : i32
        %dma_start3A_304 = arith.constant 0 : i32
        %dma_start3A_305 = tpu.memref_slice %arg11[%sub3A_303, %dma_start3A_304] : memref<80x32xi32, #tpu.memory_space<vmem>> -> memref<1x32xi32, #tpu.memory_space<vmem>>
        %dma_start3A_306 = tpu.memref_squeeze %dma_start3A_305 : memref<1x32xi32, #tpu.memory_space<vmem>> -> memref<32xi32, #tpu.memory_space<vmem>>
        %dma_start3A_307 = arith.constant 0 : i32
        %dma_start3A_308 = arith.constant 0 : i32
        %dma_start3A_309 = tpu.memref_slice %arg2[%dma_start3A_307, %dma_start3A_308] : memref<10000x128xf32, #tpu.memory_space<hbm>> -> memref<10000x128xf32, #tpu.memory_space<hbm>>
        tpu.enqueue_indirect_dma source(%dma_start3A_309 : memref<10000x128xf32, #tpu.memory_space<hbm>>) target(%arg10 : memref<32x128xf32, #tpu.memory_space<vmem>>) offsets(%dma_start3A_306 : memref<32xi32, #tpu.memory_space<vmem>>) semaphore(%arg16 : memref<!tpu.dma_semaphore, #tpu.memory_space<semaphore_mem>>)
      } else {
      }
      %dma_wait3A_197 = arith.constant 0 : i32
      %dma_wait3A_198 = arith.constant 0 : i32
      %dma_wait3A_199 = tpu.memref_slice %arg2[%dma_wait3A_197, %dma_wait3A_198] : memref<10000x128xf32, #tpu.memory_space<hbm>> -> memref<32x128xf32, #tpu.memory_space<hbm>>
      %dma_wait3A_200 = arith.constant 0 : i32
      %dma_wait3A_201 = arith.constant 0 : i32
      %dma_wait3A_202 = tpu.memref_slice %arg2[%dma_wait3A_200, %dma_wait3A_201] : memref<10000x128xf32, #tpu.memory_space<hbm>> -> memref<32x128xf32, #tpu.memory_space<hbm>>
      tpu.wait_dma2 semaphore(%arg13 : memref<!tpu.dma_semaphore, #tpu.memory_space<semaphore_mem>>) src(%dma_wait3A_202 : memref<32x128xf32, #tpu.memory_space<hbm>>) dst(%arg7 : memref<32x128xf32, #tpu.memory_space<vmem>>)
      %dma_start3A_203 = arith.constant 0 : i32
      %dma_start3A_204 = tpu.memref_slice %arg12[%add3A_187, %dma_start3A_203] : memref<80x32xi32, #tpu.memory_space<vmem>> -> memref<1x32xi32, #tpu.memory_space<vmem>>
      %dma_start3A_205 = tpu.memref_squeeze %dma_start3A_204 : memref<1x32xi32, #tpu.memory_space<vmem>> -> memref<32xi32, #tpu.memory_space<vmem>>
      %dma_start3A_206 = arith.constant 0 : i32
      %dma_start3A_207 = arith.constant 0 : i32
      %dma_start3A_208 = tpu.memref_slice %arg6[%dma_start3A_206, %dma_start3A_207] : memref<10240x128xf32, #tpu.memory_space<vmem_shared>> -> memref<10240x128xf32, #tpu.memory_space<vmem_shared>>
      tpu.enqueue_indirect_dma source(%arg7 : memref<32x128xf32, #tpu.memory_space<vmem>>) target(%dma_start3A_208 : memref<10240x128xf32, #tpu.memory_space<vmem_shared>>) offsets(%dma_start3A_205 : memref<32xi32, #tpu.memory_space<vmem>>) semaphore(%arg17 : memref<!tpu.dma_semaphore, #tpu.memory_space<semaphore_mem>>) {add = true}
      %mul3A_209 = arith.constant 4 : i32
      %mul3A_210 = arith.muli %scan3A_182, %mul3A_209 : i32
      %add3A_211 = arith.constant 1 : i32
      %add3A_212 = arith.addi %mul3A_210, %add3A_211 : i32
      %gt3A_213 = arith.constant 0 : i32
      %gt3A_214 = arith.cmpi sgt, %add3A_212, %gt3A_213 : i32
      %convert_element_type3A_215 = arith.extui %gt3A_214 : i1 to i32
      %cond3A_216 = arith.constant 0 : i32
      %cond3A_217 = arith.cmpi ne, %convert_element_type3A_215, %cond3A_216 : i32
      scf.if %cond3A_217 {
        %dma_wait3A_300 = arith.constant 0 : i32
        %dma_wait3A_301 = arith.constant 0 : i32
        %dma_wait3A_302 = tpu.memref_slice %arg6[%dma_wait3A_300, %dma_wait3A_301] : memref<10240x128xf32, #tpu.memory_space<vmem_shared>> -> memref<32x128xf32, #tpu.memory_space<vmem_shared>>
        %dma_wait3A_303 = arith.constant 0 : i32
        %dma_wait3A_304 = arith.constant 0 : i32
        %dma_wait3A_305 = tpu.memref_slice %arg6[%dma_wait3A_303, %dma_wait3A_304] : memref<10240x128xf32, #tpu.memory_space<vmem_shared>> -> memref<32x128xf32, #tpu.memory_space<vmem_shared>>
        tpu.wait_dma2 semaphore(%arg17 : memref<!tpu.dma_semaphore, #tpu.memory_space<semaphore_mem>>) src(%arg7 : memref<32x128xf32, #tpu.memory_space<vmem>>) dst(%dma_wait3A_305 : memref<32x128xf32, #tpu.memory_space<vmem_shared>>)
      } else {
      }
      %add3A_218 = arith.constant 4 : i32
      %add3A_219 = arith.addi %add3A_212, %add3A_218 : i32
      %sub3A_220 = arith.constant 1 : i32
      %sub3A_221 = arith.subi %add3A_219, %sub3A_220 : i32
      %lt3A_222 = arith.constant 80 : i32
      %lt3A_223 = arith.cmpi slt, %sub3A_221, %lt3A_222 : i32
      %convert_element_type3A_224 = arith.extui %lt3A_223 : i1 to i32
      %cond3A_225 = arith.constant 0 : i32
      %cond3A_226 = arith.cmpi ne, %convert_element_type3A_224, %cond3A_225 : i32
      scf.if %cond3A_226 {
        %add3A_300 = arith.constant 4 : i32
        %add3A_301 = arith.addi %add3A_212, %add3A_300 : i32
        %sub3A_302 = arith.constant 1 : i32
        %sub3A_303 = arith.subi %add3A_301, %sub3A_302 : i32
        %dma_start3A_304 = arith.constant 0 : i32
        %dma_start3A_305 = tpu.memref_slice %arg11[%sub3A_303, %dma_start3A_304] : memref<80x32xi32, #tpu.memory_space<vmem>> -> memref<1x32xi32, #tpu.memory_space<vmem>>
        %dma_start3A_306 = tpu.memref_squeeze %dma_start3A_305 : memref<1x32xi32, #tpu.memory_space<vmem>> -> memref<32xi32, #tpu.memory_space<vmem>>
        %dma_start3A_307 = arith.constant 0 : i32
        %dma_start3A_308 = arith.constant 0 : i32
        %dma_start3A_309 = tpu.memref_slice %arg2[%dma_start3A_307, %dma_start3A_308] : memref<10000x128xf32, #tpu.memory_space<hbm>> -> memref<10000x128xf32, #tpu.memory_space<hbm>>
        tpu.enqueue_indirect_dma source(%dma_start3A_309 : memref<10000x128xf32, #tpu.memory_space<hbm>>) target(%arg7 : memref<32x128xf32, #tpu.memory_space<vmem>>) offsets(%dma_start3A_306 : memref<32xi32, #tpu.memory_space<vmem>>) semaphore(%arg13 : memref<!tpu.dma_semaphore, #tpu.memory_space<semaphore_mem>>)
      } else {
      }
      %dma_wait3A_227 = arith.constant 0 : i32
      %dma_wait3A_228 = arith.constant 0 : i32
      %dma_wait3A_229 = tpu.memref_slice %arg2[%dma_wait3A_227, %dma_wait3A_228] : memref<10000x128xf32, #tpu.memory_space<hbm>> -> memref<32x128xf32, #tpu.memory_space<hbm>>
      %dma_wait3A_230 = arith.constant 0 : i32
      %dma_wait3A_231 = arith.constant 0 : i32
      %dma_wait3A_232 = tpu.memref_slice %arg2[%dma_wait3A_230, %dma_wait3A_231] : memref<10000x128xf32, #tpu.memory_space<hbm>> -> memref<32x128xf32, #tpu.memory_space<hbm>>
      tpu.wait_dma2 semaphore(%arg14 : memref<!tpu.dma_semaphore, #tpu.memory_space<semaphore_mem>>) src(%dma_wait3A_232 : memref<32x128xf32, #tpu.memory_space<hbm>>) dst(%arg8 : memref<32x128xf32, #tpu.memory_space<vmem>>)
      %dma_start3A_233 = arith.constant 0 : i32
      %dma_start3A_234 = tpu.memref_slice %arg12[%add3A_212, %dma_start3A_233] : memref<80x32xi32, #tpu.memory_space<vmem>> -> memref<1x32xi32, #tpu.memory_space<vmem>>
      %dma_start3A_235 = tpu.memref_squeeze %dma_start3A_234 : memref<1x32xi32, #tpu.memory_space<vmem>> -> memref<32xi32, #tpu.memory_space<vmem>>
      %dma_start3A_236 = arith.constant 0 : i32
      %dma_start3A_237 = arith.constant 0 : i32
      %dma_start3A_238 = tpu.memref_slice %arg6[%dma_start3A_236, %dma_start3A_237] : memref<10240x128xf32, #tpu.memory_space<vmem_shared>> -> memref<10240x128xf32, #tpu.memory_space<vmem_shared>>
      tpu.enqueue_indirect_dma source(%arg8 : memref<32x128xf32, #tpu.memory_space<vmem>>) target(%dma_start3A_238 : memref<10240x128xf32, #tpu.memory_space<vmem_shared>>) offsets(%dma_start3A_235 : memref<32xi32, #tpu.memory_space<vmem>>) semaphore(%arg18 : memref<!tpu.dma_semaphore, #tpu.memory_space<semaphore_mem>>) {add = true}
      %mul3A_239 = arith.constant 4 : i32
      %mul3A_240 = arith.muli %scan3A_182, %mul3A_239 : i32
      %add3A_241 = arith.constant 2 : i32
      %add3A_242 = arith.addi %mul3A_240, %add3A_241 : i32
      %gt3A_243 = arith.constant 0 : i32
      %gt3A_244 = arith.cmpi sgt, %add3A_242, %gt3A_243 : i32
      %convert_element_type3A_245 = arith.extui %gt3A_244 : i1 to i32
      %cond3A_246 = arith.constant 0 : i32
      %cond3A_247 = arith.cmpi ne, %convert_element_type3A_245, %cond3A_246 : i32
      scf.if %cond3A_247 {
        %dma_wait3A_300 = arith.constant 0 : i32
        %dma_wait3A_301 = arith.constant 0 : i32
        %dma_wait3A_302 = tpu.memref_slice %arg6[%dma_wait3A_300, %dma_wait3A_301] : memref<10240x128xf32, #tpu.memory_space<vmem_shared>> -> memref<32x128xf32, #tpu.memory_space<vmem_shared>>
        %dma_wait3A_303 = arith.constant 0 : i32
        %dma_wait3A_304 = arith.constant 0 : i32
        %dma_wait3A_305 = tpu.memref_slice %arg6[%dma_wait3A_303, %dma_wait3A_304] : memref<10240x128xf32, #tpu.memory_space<vmem_shared>> -> memref<32x128xf32, #tpu.memory_space<vmem_shared>>
        tpu.wait_dma2 semaphore(%arg18 : memref<!tpu.dma_semaphore, #tpu.memory_space<semaphore_mem>>) src(%arg8 : memref<32x128xf32, #tpu.memory_space<vmem>>) dst(%dma_wait3A_305 : memref<32x128xf32, #tpu.memory_space<vmem_shared>>)
      } else {
      }
      %add3A_248 = arith.constant 4 : i32
      %add3A_249 = arith.addi %add3A_242, %add3A_248 : i32
      %sub3A_250 = arith.constant 1 : i32
      %sub3A_251 = arith.subi %add3A_249, %sub3A_250 : i32
      %lt3A_252 = arith.constant 80 : i32
      %lt3A_253 = arith.cmpi slt, %sub3A_251, %lt3A_252 : i32
      %convert_element_type3A_254 = arith.extui %lt3A_253 : i1 to i32
      %cond3A_255 = arith.constant 0 : i32
      %cond3A_256 = arith.cmpi ne, %convert_element_type3A_254, %cond3A_255 : i32
      scf.if %cond3A_256 {
        %add3A_300 = arith.constant 4 : i32
        %add3A_301 = arith.addi %add3A_242, %add3A_300 : i32
        %sub3A_302 = arith.constant 1 : i32
        %sub3A_303 = arith.subi %add3A_301, %sub3A_302 : i32
        %dma_start3A_304 = arith.constant 0 : i32
        %dma_start3A_305 = tpu.memref_slice %arg11[%sub3A_303, %dma_start3A_304] : memref<80x32xi32, #tpu.memory_space<vmem>> -> memref<1x32xi32, #tpu.memory_space<vmem>>
        %dma_start3A_306 = tpu.memref_squeeze %dma_start3A_305 : memref<1x32xi32, #tpu.memory_space<vmem>> -> memref<32xi32, #tpu.memory_space<vmem>>
        %dma_start3A_307 = arith.constant 0 : i32
        %dma_start3A_308 = arith.constant 0 : i32
        %dma_start3A_309 = tpu.memref_slice %arg2[%dma_start3A_307, %dma_start3A_308] : memref<10000x128xf32, #tpu.memory_space<hbm>> -> memref<10000x128xf32, #tpu.memory_space<hbm>>
        tpu.enqueue_indirect_dma source(%dma_start3A_309 : memref<10000x128xf32, #tpu.memory_space<hbm>>) target(%arg8 : memref<32x128xf32, #tpu.memory_space<vmem>>) offsets(%dma_start3A_306 : memref<32xi32, #tpu.memory_space<vmem>>) semaphore(%arg14 : memref<!tpu.dma_semaphore, #tpu.memory_space<semaphore_mem>>)
      } else {
      }
      %dma_wait3A_257 = arith.constant 0 : i32
      %dma_wait3A_258 = arith.constant 0 : i32
      %dma_wait3A_259 = tpu.memref_slice %arg2[%dma_wait3A_257, %dma_wait3A_258] : memref<10000x128xf32, #tpu.memory_space<hbm>> -> memref<32x128xf32, #tpu.memory_space<hbm>>
      %dma_wait3A_260 = arith.constant 0 : i32
      %dma_wait3A_261 = arith.constant 0 : i32
      %dma_wait3A_262 = tpu.memref_slice %arg2[%dma_wait3A_260, %dma_wait3A_261] : memref<10000x128xf32, #tpu.memory_space<hbm>> -> memref<32x128xf32, #tpu.memory_space<hbm>>
      tpu.wait_dma2 semaphore(%arg15 : memref<!tpu.dma_semaphore, #tpu.memory_space<semaphore_mem>>) src(%dma_wait3A_262 : memref<32x128xf32, #tpu.memory_space<hbm>>) dst(%arg9 : memref<32x128xf32, #tpu.memory_space<vmem>>)
      %dma_start3A_263 = arith.constant 0 : i32
      %dma_start3A_264 = tpu.memref_slice %arg12[%add3A_242, %dma_start3A_263] : memref<80x32xi32, #tpu.memory_space<vmem>> -> memref<1x32xi32, #tpu.memory_space<vmem>>
      %dma_start3A_265 = tpu.memref_squeeze %dma_start3A_264 : memref<1x32xi32, #tpu.memory_space<vmem>> -> memref<32xi32, #tpu.memory_space<vmem>>
      %dma_start3A_266 = arith.constant 0 : i32
      %dma_start3A_267 = arith.constant 0 : i32
      %dma_start3A_268 = tpu.memref_slice %arg6[%dma_start3A_266, %dma_start3A_267] : memref<10240x128xf32, #tpu.memory_space<vmem_shared>> -> memref<10240x128xf32, #tpu.memory_space<vmem_shared>>
      tpu.enqueue_indirect_dma source(%arg9 : memref<32x128xf32, #tpu.memory_space<vmem>>) target(%dma_start3A_268 : memref<10240x128xf32, #tpu.memory_space<vmem_shared>>) offsets(%dma_start3A_265 : memref<32xi32, #tpu.memory_space<vmem>>) semaphore(%arg19 : memref<!tpu.dma_semaphore, #tpu.memory_space<semaphore_mem>>) {add = true}
      %mul3A_269 = arith.constant 4 : i32
      %mul3A_270 = arith.muli %scan3A_182, %mul3A_269 : i32
      %add3A_271 = arith.constant 3 : i32
      %add3A_272 = arith.addi %mul3A_270, %add3A_271 : i32
      %gt3A_273 = arith.constant 0 : i32
      %gt3A_274 = arith.cmpi sgt, %add3A_272, %gt3A_273 : i32
      %convert_element_type3A_275 = arith.extui %gt3A_274 : i1 to i32
      %cond3A_276 = arith.constant 0 : i32
      %cond3A_277 = arith.cmpi ne, %convert_element_type3A_275, %cond3A_276 : i32
      scf.if %cond3A_277 {
        %dma_wait3A_300 = arith.constant 0 : i32
        %dma_wait3A_301 = arith.constant 0 : i32
        %dma_wait3A_302 = tpu.memref_slice %arg6[%dma_wait3A_300, %dma_wait3A_301] : memref<10240x128xf32, #tpu.memory_space<vmem_shared>> -> memref<32x128xf32, #tpu.memory_space<vmem_shared>>
        %dma_wait3A_303 = arith.constant 0 : i32
        %dma_wait3A_304 = arith.constant 0 : i32
        %dma_wait3A_305 = tpu.memref_slice %arg6[%dma_wait3A_303, %dma_wait3A_304] : memref<10240x128xf32, #tpu.memory_space<vmem_shared>> -> memref<32x128xf32, #tpu.memory_space<vmem_shared>>
        tpu.wait_dma2 semaphore(%arg19 : memref<!tpu.dma_semaphore, #tpu.memory_space<semaphore_mem>>) src(%arg9 : memref<32x128xf32, #tpu.memory_space<vmem>>) dst(%dma_wait3A_305 : memref<32x128xf32, #tpu.memory_space<vmem_shared>>)
      } else {
      }
      %add3A_278 = arith.constant 4 : i32
      %add3A_279 = arith.addi %add3A_272, %add3A_278 : i32
      %sub3A_280 = arith.constant 1 : i32
      %sub3A_281 = arith.subi %add3A_279, %sub3A_280 : i32
      %lt3A_282 = arith.constant 80 : i32
      %lt3A_283 = arith.cmpi slt, %sub3A_281, %lt3A_282 : i32
      %convert_element_type3A_284 = arith.extui %lt3A_283 : i1 to i32
      %cond3A_285 = arith.constant 0 : i32
      %cond3A_286 = arith.cmpi ne, %convert_element_type3A_284, %cond3A_285 : i32
      scf.if %cond3A_286 {
        %add3A_300 = arith.constant 4 : i32
        %add3A_301 = arith.addi %add3A_272, %add3A_300 : i32
        %sub3A_302 = arith.constant 1 : i32
        %sub3A_303 = arith.subi %add3A_301, %sub3A_302 : i32
        %dma_start3A_304 = arith.constant 0 : i32
        %dma_start3A_305 = tpu.memref_slice %arg11[%sub3A_303, %dma_start3A_304] : memref<80x32xi32, #tpu.memory_space<vmem>> -> memref<1x32xi32, #tpu.memory_space<vmem>>
        %dma_start3A_306 = tpu.memref_squeeze %dma_start3A_305 : memref<1x32xi32, #tpu.memory_space<vmem>> -> memref<32xi32, #tpu.memory_space<vmem>>
        %dma_start3A_307 = arith.constant 0 : i32
        %dma_start3A_308 = arith.constant 0 : i32
        %dma_start3A_309 = tpu.memref_slice %arg2[%dma_start3A_307, %dma_start3A_308] : memref<10000x128xf32, #tpu.memory_space<hbm>> -> memref<10000x128xf32, #tpu.memory_space<hbm>>
        tpu.enqueue_indirect_dma source(%dma_start3A_309 : memref<10000x128xf32, #tpu.memory_space<hbm>>) target(%arg9 : memref<32x128xf32, #tpu.memory_space<vmem>>) offsets(%dma_start3A_306 : memref<32xi32, #tpu.memory_space<vmem>>) semaphore(%arg15 : memref<!tpu.dma_semaphore, #tpu.memory_space<semaphore_mem>>)
      } else {
      }
      %dma_wait3A_287 = arith.constant 0 : i32
      %dma_wait3A_288 = arith.constant 0 : i32
      %dma_wait3A_289 = tpu.memref_slice %arg2[%dma_wait3A_287, %dma_wait3A_288] : memref<10000x128xf32, #tpu.memory_space<hbm>> -> memref<32x128xf32, #tpu.memory_space<hbm>>
      %dma_wait3A_290 = arith.constant 0 : i32
      %dma_wait3A_291 = arith.constant 0 : i32
      %dma_wait3A_292 = tpu.memref_slice %arg2[%dma_wait3A_290, %dma_wait3A_291] : memref<10000x128xf32, #tpu.memory_space<hbm>> -> memref<32x128xf32, #tpu.memory_space<hbm>>
      tpu.wait_dma2 semaphore(%arg16 : memref<!tpu.dma_semaphore, #tpu.memory_space<semaphore_mem>>) src(%dma_wait3A_292 : memref<32x128xf32, #tpu.memory_space<hbm>>) dst(%arg10 : memref<32x128xf32, #tpu.memory_space<vmem>>)
      %dma_start3A_293 = arith.constant 0 : i32
      %dma_start3A_294 = tpu.memref_slice %arg12[%add3A_272, %dma_start3A_293] : memref<80x32xi32, #tpu.memory_space<vmem>> -> memref<1x32xi32, #tpu.memory_space<vmem>>
      %dma_start3A_295 = tpu.memref_squeeze %dma_start3A_294 : memref<1x32xi32, #tpu.memory_space<vmem>> -> memref<32xi32, #tpu.memory_space<vmem>>
      %dma_start3A_296 = arith.constant 0 : i32
      %dma_start3A_297 = arith.constant 0 : i32
      %dma_start3A_298 = tpu.memref_slice %arg6[%dma_start3A_296, %dma_start3A_297] : memref<10240x128xf32, #tpu.memory_space<vmem_shared>> -> memref<10240x128xf32, #tpu.memory_space<vmem_shared>>
      tpu.enqueue_indirect_dma source(%arg10 : memref<32x128xf32, #tpu.memory_space<vmem>>) target(%dma_start3A_298 : memref<10240x128xf32, #tpu.memory_space<vmem_shared>>) offsets(%dma_start3A_295 : memref<32xi32, #tpu.memory_space<vmem>>) semaphore(%arg20 : memref<!tpu.dma_semaphore, #tpu.memory_space<semaphore_mem>>) {add = true}
      %scan3A_299 = arith.constant 0 : i32
      scf.yield %scan3A_299 : i32
    }
    %scan3A_85 = arith.constant 20 : i32
    %dma_wait3A_86 = arith.constant 0 : i32
    %dma_wait3A_87 = arith.constant 0 : i32
    %dma_wait3A_88 = tpu.memref_slice %arg6[%dma_wait3A_86, %dma_wait3A_87] : memref<10240x128xf32, #tpu.memory_space<vmem_shared>> -> memref<32x128xf32, #tpu.memory_space<vmem_shared>>
    %dma_wait3A_89 = arith.constant 0 : i32
    %dma_wait3A_90 = arith.constant 0 : i32
    %dma_wait3A_91 = tpu.memref_slice %arg6[%dma_wait3A_89, %dma_wait3A_90] : memref<10240x128xf32, #tpu.memory_space<vmem_shared>> -> memref<32x128xf32, #tpu.memory_space<vmem_shared>>
    tpu.wait_dma2 semaphore(%arg20 : memref<!tpu.dma_semaphore, #tpu.memory_space<semaphore_mem>>) src(%arg10 : memref<32x128xf32, #tpu.memory_space<vmem>>) dst(%dma_wait3A_91 : memref<32x128xf32, #tpu.memory_space<vmem_shared>>)
    %mul3A_92 = arith.constant 5120 : i32
    %mul3A_93 = arith.muli %arg0, %mul3A_92 : i32
    %mul3A_94 = arith.constant 320 : i32
    %mul3A_95 = arith.muli %arg1, %mul3A_94 : i32
    %add3A_96 = arith.addi %mul3A_93, %mul3A_95 : i32
    %add3A_97 = arith.constant 160 : i32
    %add3A_98 = arith.addi %add3A_96, %add3A_97 : i32
    "tpu.region"() ({
      %run_scoped3A = tpu.sem_alloc : memref<!tpu.dma_semaphore, #tpu.memory_space<semaphore_mem>>
      %dma_start3A_182 = arith.constant 0 : i32
      %dma_start3A_183 = tpu.memref_slice %arg3[%add3A_98, %dma_start3A_182] : memref<10240x32xi32, #tpu.memory_space<hbm>> -> memref<80x32xi32, #tpu.memory_space<hbm>>
      %dma_start3A_184 = arith.constant 0 : i32
      %dma_start3A_185 = tpu.memref_slice %arg3[%add3A_98, %dma_start3A_184] : memref<10240x32xi32, #tpu.memory_space<hbm>> -> memref<80x32xi32, #tpu.memory_space<hbm>>
      tpu.enqueue_dma source(%dma_start3A_185 : memref<80x32xi32, #tpu.memory_space<hbm>>) target(%arg11 : memref<80x32xi32, #tpu.memory_space<vmem>>) target_semaphore(%run_scoped3A : memref<!tpu.dma_semaphore, #tpu.memory_space<semaphore_mem>>)
      %dma_wait3A_186 = arith.constant 0 : i32
      %dma_wait3A_187 = tpu.memref_slice %arg3[%add3A_98, %dma_wait3A_186] : memref<10240x32xi32, #tpu.memory_space<hbm>> -> memref<80x32xi32, #tpu.memory_space<hbm>>
      %dma_wait3A_188 = arith.constant 0 : i32
      %dma_wait3A_189 = tpu.memref_slice %arg3[%add3A_98, %dma_wait3A_188] : memref<10240x32xi32, #tpu.memory_space<hbm>> -> memref<80x32xi32, #tpu.memory_space<hbm>>
      tpu.wait_dma2 semaphore(%run_scoped3A : memref<!tpu.dma_semaphore, #tpu.memory_space<semaphore_mem>>) src(%dma_wait3A_189 : memref<80x32xi32, #tpu.memory_space<hbm>>) dst(%arg11 : memref<80x32xi32, #tpu.memory_space<vmem>>)
      tpu.yield
    }) : () -> ()
    "tpu.region"() ({
      %run_scoped3A = tpu.sem_alloc : memref<!tpu.dma_semaphore, #tpu.memory_space<semaphore_mem>>
      %dma_start3A_182 = arith.constant 0 : i32
      %dma_start3A_183 = tpu.memref_slice %arg4[%add3A_98, %dma_start3A_182] : memref<10240x32xi32, #tpu.memory_space<hbm>> -> memref<80x32xi32, #tpu.memory_space<hbm>>
      %dma_start3A_184 = arith.constant 0 : i32
      %dma_start3A_185 = tpu.memref_slice %arg4[%add3A_98, %dma_start3A_184] : memref<10240x32xi32, #tpu.memory_space<hbm>> -> memref<80x32xi32, #tpu.memory_space<hbm>>
      tpu.enqueue_dma source(%dma_start3A_185 : memref<80x32xi32, #tpu.memory_space<hbm>>) target(%arg12 : memref<80x32xi32, #tpu.memory_space<vmem>>) target_semaphore(%run_scoped3A : memref<!tpu.dma_semaphore, #tpu.memory_space<semaphore_mem>>)
      %dma_wait3A_186 = arith.constant 0 : i32
      %dma_wait3A_187 = tpu.memref_slice %arg4[%add3A_98, %dma_wait3A_186] : memref<10240x32xi32, #tpu.memory_space<hbm>> -> memref<80x32xi32, #tpu.memory_space<hbm>>
      %dma_wait3A_188 = arith.constant 0 : i32
      %dma_wait3A_189 = tpu.memref_slice %arg4[%add3A_98, %dma_wait3A_188] : memref<10240x32xi32, #tpu.memory_space<hbm>> -> memref<80x32xi32, #tpu.memory_space<hbm>>
      tpu.wait_dma2 semaphore(%run_scoped3A : memref<!tpu.dma_semaphore, #tpu.memory_space<semaphore_mem>>) src(%dma_wait3A_189 : memref<80x32xi32, #tpu.memory_space<hbm>>) dst(%arg12 : memref<80x32xi32, #tpu.memory_space<vmem>>)
      tpu.yield
    }) : () -> ()
    %dma_start3A_99 = arith.constant 0 : i32
    %dma_start3A_100 = arith.constant 0 : i32
    %dma_start3A_101 = tpu.memref_slice %arg11[%dma_start3A_99, %dma_start3A_100] : memref<80x32xi32, #tpu.memory_space<vmem>> -> memref<1x32xi32, #tpu.memory_space<vmem>>
    %dma_start3A_102 = tpu.memref_squeeze %dma_start3A_101 : memref<1x32xi32, #tpu.memory_space<vmem>> -> memref<32xi32, #tpu.memory_space<vmem>>
    %dma_start3A_103 = arith.constant 0 : i32
    %dma_start3A_104 = arith.constant 0 : i32
    %dma_start3A_105 = tpu.memref_slice %arg2[%dma_start3A_103, %dma_start3A_104] : memref<10000x128xf32, #tpu.memory_space<hbm>> -> memref<10000x128xf32, #tpu.memory_space<hbm>>
    tpu.enqueue_indirect_dma source(%dma_start3A_105 : memref<10000x128xf32, #tpu.memory_space<hbm>>) target(%arg7 : memref<32x128xf32, #tpu.memory_space<vmem>>) offsets(%dma_start3A_102 : memref<32xi32, #tpu.memory_space<vmem>>) semaphore(%arg13 : memref<!tpu.dma_semaphore, #tpu.memory_space<semaphore_mem>>)
    %dma_start3A_106 = arith.constant 1 : i32
    %dma_start3A_107 = arith.constant 0 : i32
    %dma_start3A_108 = tpu.memref_slice %arg11[%dma_start3A_106, %dma_start3A_107] : memref<80x32xi32, #tpu.memory_space<vmem>> -> memref<1x32xi32, #tpu.memory_space<vmem>>
    %dma_start3A_109 = tpu.memref_squeeze %dma_start3A_108 : memref<1x32xi32, #tpu.memory_space<vmem>> -> memref<32xi32, #tpu.memory_space<vmem>>
    %dma_start3A_110 = arith.constant 0 : i32
    %dma_start3A_111 = arith.constant 0 : i32
    %dma_start3A_112 = tpu.memref_slice %arg2[%dma_start3A_110, %dma_start3A_111] : memref<10000x128xf32, #tpu.memory_space<hbm>> -> memref<10000x128xf32, #tpu.memory_space<hbm>>
    tpu.enqueue_indirect_dma source(%dma_start3A_112 : memref<10000x128xf32, #tpu.memory_space<hbm>>) target(%arg8 : memref<32x128xf32, #tpu.memory_space<vmem>>) offsets(%dma_start3A_109 : memref<32xi32, #tpu.memory_space<vmem>>) semaphore(%arg14 : memref<!tpu.dma_semaphore, #tpu.memory_space<semaphore_mem>>)
    %dma_start3A_113 = arith.constant 2 : i32
    %dma_start3A_114 = arith.constant 0 : i32
    %dma_start3A_115 = tpu.memref_slice %arg11[%dma_start3A_113, %dma_start3A_114] : memref<80x32xi32, #tpu.memory_space<vmem>> -> memref<1x32xi32, #tpu.memory_space<vmem>>
    %dma_start3A_116 = tpu.memref_squeeze %dma_start3A_115 : memref<1x32xi32, #tpu.memory_space<vmem>> -> memref<32xi32, #tpu.memory_space<vmem>>
    %dma_start3A_117 = arith.constant 0 : i32
    %dma_start3A_118 = arith.constant 0 : i32
    %dma_start3A_119 = tpu.memref_slice %arg2[%dma_start3A_117, %dma_start3A_118] : memref<10000x128xf32, #tpu.memory_space<hbm>> -> memref<10000x128xf32, #tpu.memory_space<hbm>>
    tpu.enqueue_indirect_dma source(%dma_start3A_119 : memref<10000x128xf32, #tpu.memory_space<hbm>>) target(%arg9 : memref<32x128xf32, #tpu.memory_space<vmem>>) offsets(%dma_start3A_116 : memref<32xi32, #tpu.memory_space<vmem>>) semaphore(%arg15 : memref<!tpu.dma_semaphore, #tpu.memory_space<semaphore_mem>>)
    %scan3A_120 = arith.constant 0 : i32
    %scan3A_121 = arith.constant 0 : i32
    %scan3A_122 = arith.constant 20 : i32
    %scan3A_123 = arith.addi %scan3A_121, %scan3A_122 : i32
    %scan3A_124 = arith.constant 1 : i32
    %scan3A_125 = scf.for %scan3A_182 = %scan3A_121 to %scan3A_123 step %scan3A_124 iter_args(%scan3A_183 = %scan3A_120) -> (i32)  : i32 {
      %mul3A_184 = arith.constant 4 : i32
      %mul3A_185 = arith.muli %scan3A_182, %mul3A_184 : i32
      %add3A_186 = arith.constant 0 : i32
      %add3A_187 = arith.addi %mul3A_185, %add3A_186 : i32
      %gt3A = arith.constant 0 : i32
      %gt3A_188 = arith.cmpi sgt, %add3A_187, %gt3A : i32
      %convert_element_type3A = arith.extui %gt3A_188 : i1 to i32
      %cond3A = arith.constant 0 : i32
      %cond3A_189 = arith.cmpi ne, %convert_element_type3A, %cond3A : i32
      scf.if %cond3A_189 {
        %dma_wait3A_300 = arith.constant 0 : i32
        %dma_wait3A_301 = arith.constant 0 : i32
        %dma_wait3A_302 = tpu.memref_slice %arg6[%dma_wait3A_300, %dma_wait3A_301] : memref<10240x128xf32, #tpu.memory_space<vmem_shared>> -> memref<32x128xf32, #tpu.memory_space<vmem_shared>>
        %dma_wait3A_303 = arith.constant 0 : i32
        %dma_wait3A_304 = arith.constant 0 : i32
        %dma_wait3A_305 = tpu.memref_slice %arg6[%dma_wait3A_303, %dma_wait3A_304] : memref<10240x128xf32, #tpu.memory_space<vmem_shared>> -> memref<32x128xf32, #tpu.memory_space<vmem_shared>>
        tpu.wait_dma2 semaphore(%arg20 : memref<!tpu.dma_semaphore, #tpu.memory_space<semaphore_mem>>) src(%arg10 : memref<32x128xf32, #tpu.memory_space<vmem>>) dst(%dma_wait3A_305 : memref<32x128xf32, #tpu.memory_space<vmem_shared>>)
      } else {
      }
      %add3A_190 = arith.constant 4 : i32
      %add3A_191 = arith.addi %add3A_187, %add3A_190 : i32
      %sub3A = arith.constant 1 : i32
      %sub3A_192 = arith.subi %add3A_191, %sub3A : i32
      %lt3A = arith.constant 80 : i32
      %lt3A_193 = arith.cmpi slt, %sub3A_192, %lt3A : i32
      %convert_element_type3A_194 = arith.extui %lt3A_193 : i1 to i32
      %cond3A_195 = arith.constant 0 : i32
      %cond3A_196 = arith.cmpi ne, %convert_element_type3A_194, %cond3A_195 : i32
      scf.if %cond3A_196 {
        %add3A_300 = arith.constant 4 : i32
        %add3A_301 = arith.addi %add3A_187, %add3A_300 : i32
        %sub3A_302 = arith.constant 1 : i32
        %sub3A_303 = arith.subi %add3A_301, %sub3A_302 : i32
        %dma_start3A_304 = arith.constant 0 : i32
        %dma_start3A_305 = tpu.memref_slice %arg11[%sub3A_303, %dma_start3A_304] : memref<80x32xi32, #tpu.memory_space<vmem>> -> memref<1x32xi32, #tpu.memory_space<vmem>>
        %dma_start3A_306 = tpu.memref_squeeze %dma_start3A_305 : memref<1x32xi32, #tpu.memory_space<vmem>> -> memref<32xi32, #tpu.memory_space<vmem>>
        %dma_start3A_307 = arith.constant 0 : i32
        %dma_start3A_308 = arith.constant 0 : i32
        %dma_start3A_309 = tpu.memref_slice %arg2[%dma_start3A_307, %dma_start3A_308] : memref<10000x128xf32, #tpu.memory_space<hbm>> -> memref<10000x128xf32, #tpu.memory_space<hbm>>
        tpu.enqueue_indirect_dma source(%dma_start3A_309 : memref<10000x128xf32, #tpu.memory_space<hbm>>) target(%arg10 : memref<32x128xf32, #tpu.memory_space<vmem>>) offsets(%dma_start3A_306 : memref<32xi32, #tpu.memory_space<vmem>>) semaphore(%arg16 : memref<!tpu.dma_semaphore, #tpu.memory_space<semaphore_mem>>)
      } else {
      }
      %dma_wait3A_197 = arith.constant 0 : i32
      %dma_wait3A_198 = arith.constant 0 : i32
      %dma_wait3A_199 = tpu.memref_slice %arg2[%dma_wait3A_197, %dma_wait3A_198] : memref<10000x128xf32, #tpu.memory_space<hbm>> -> memref<32x128xf32, #tpu.memory_space<hbm>>
      %dma_wait3A_200 = arith.constant 0 : i32
      %dma_wait3A_201 = arith.constant 0 : i32
      %dma_wait3A_202 = tpu.memref_slice %arg2[%dma_wait3A_200, %dma_wait3A_201] : memref<10000x128xf32, #tpu.memory_space<hbm>> -> memref<32x128xf32, #tpu.memory_space<hbm>>
      tpu.wait_dma2 semaphore(%arg13 : memref<!tpu.dma_semaphore, #tpu.memory_space<semaphore_mem>>) src(%dma_wait3A_202 : memref<32x128xf32, #tpu.memory_space<hbm>>) dst(%arg7 : memref<32x128xf32, #tpu.memory_space<vmem>>)
      %dma_start3A_203 = arith.constant 0 : i32
      %dma_start3A_204 = tpu.memref_slice %arg12[%add3A_187, %dma_start3A_203] : memref<80x32xi32, #tpu.memory_space<vmem>> -> memref<1x32xi32, #tpu.memory_space<vmem>>
      %dma_start3A_205 = tpu.memref_squeeze %dma_start3A_204 : memref<1x32xi32, #tpu.memory_space<vmem>> -> memref<32xi32, #tpu.memory_space<vmem>>
      %dma_start3A_206 = arith.constant 0 : i32
      %dma_start3A_207 = arith.constant 0 : i32
      %dma_start3A_208 = tpu.memref_slice %arg6[%dma_start3A_206, %dma_start3A_207] : memref<10240x128xf32, #tpu.memory_space<vmem_shared>> -> memref<10240x128xf32, #tpu.memory_space<vmem_shared>>
      tpu.enqueue_indirect_dma source(%arg7 : memref<32x128xf32, #tpu.memory_space<vmem>>) target(%dma_start3A_208 : memref<10240x128xf32, #tpu.memory_space<vmem_shared>>) offsets(%dma_start3A_205 : memref<32xi32, #tpu.memory_space<vmem>>) semaphore(%arg17 : memref<!tpu.dma_semaphore, #tpu.memory_space<semaphore_mem>>) {add = true}
      %mul3A_209 = arith.constant 4 : i32
      %mul3A_210 = arith.muli %scan3A_182, %mul3A_209 : i32
      %add3A_211 = arith.constant 1 : i32
      %add3A_212 = arith.addi %mul3A_210, %add3A_211 : i32
      %gt3A_213 = arith.constant 0 : i32
      %gt3A_214 = arith.cmpi sgt, %add3A_212, %gt3A_213 : i32
      %convert_element_type3A_215 = arith.extui %gt3A_214 : i1 to i32
      %cond3A_216 = arith.constant 0 : i32
      %cond3A_217 = arith.cmpi ne, %convert_element_type3A_215, %cond3A_216 : i32
      scf.if %cond3A_217 {
        %dma_wait3A_300 = arith.constant 0 : i32
        %dma_wait3A_301 = arith.constant 0 : i32
        %dma_wait3A_302 = tpu.memref_slice %arg6[%dma_wait3A_300, %dma_wait3A_301] : memref<10240x128xf32, #tpu.memory_space<vmem_shared>> -> memref<32x128xf32, #tpu.memory_space<vmem_shared>>
        %dma_wait3A_303 = arith.constant 0 : i32
        %dma_wait3A_304 = arith.constant 0 : i32
        %dma_wait3A_305 = tpu.memref_slice %arg6[%dma_wait3A_303, %dma_wait3A_304] : memref<10240x128xf32, #tpu.memory_space<vmem_shared>> -> memref<32x128xf32, #tpu.memory_space<vmem_shared>>
        tpu.wait_dma2 semaphore(%arg17 : memref<!tpu.dma_semaphore, #tpu.memory_space<semaphore_mem>>) src(%arg7 : memref<32x128xf32, #tpu.memory_space<vmem>>) dst(%dma_wait3A_305 : memref<32x128xf32, #tpu.memory_space<vmem_shared>>)
      } else {
      }
      %add3A_218 = arith.constant 4 : i32
      %add3A_219 = arith.addi %add3A_212, %add3A_218 : i32
      %sub3A_220 = arith.constant 1 : i32
      %sub3A_221 = arith.subi %add3A_219, %sub3A_220 : i32
      %lt3A_222 = arith.constant 80 : i32
      %lt3A_223 = arith.cmpi slt, %sub3A_221, %lt3A_222 : i32
      %convert_element_type3A_224 = arith.extui %lt3A_223 : i1 to i32
      %cond3A_225 = arith.constant 0 : i32
      %cond3A_226 = arith.cmpi ne, %convert_element_type3A_224, %cond3A_225 : i32
      scf.if %cond3A_226 {
        %add3A_300 = arith.constant 4 : i32
        %add3A_301 = arith.addi %add3A_212, %add3A_300 : i32
        %sub3A_302 = arith.constant 1 : i32
        %sub3A_303 = arith.subi %add3A_301, %sub3A_302 : i32
        %dma_start3A_304 = arith.constant 0 : i32
        %dma_start3A_305 = tpu.memref_slice %arg11[%sub3A_303, %dma_start3A_304] : memref<80x32xi32, #tpu.memory_space<vmem>> -> memref<1x32xi32, #tpu.memory_space<vmem>>
        %dma_start3A_306 = tpu.memref_squeeze %dma_start3A_305 : memref<1x32xi32, #tpu.memory_space<vmem>> -> memref<32xi32, #tpu.memory_space<vmem>>
        %dma_start3A_307 = arith.constant 0 : i32
        %dma_start3A_308 = arith.constant 0 : i32
        %dma_start3A_309 = tpu.memref_slice %arg2[%dma_start3A_307, %dma_start3A_308] : memref<10000x128xf32, #tpu.memory_space<hbm>> -> memref<10000x128xf32, #tpu.memory_space<hbm>>
        tpu.enqueue_indirect_dma source(%dma_start3A_309 : memref<10000x128xf32, #tpu.memory_space<hbm>>) target(%arg7 : memref<32x128xf32, #tpu.memory_space<vmem>>) offsets(%dma_start3A_306 : memref<32xi32, #tpu.memory_space<vmem>>) semaphore(%arg13 : memref<!tpu.dma_semaphore, #tpu.memory_space<semaphore_mem>>)
      } else {
      }
      %dma_wait3A_227 = arith.constant 0 : i32
      %dma_wait3A_228 = arith.constant 0 : i32
      %dma_wait3A_229 = tpu.memref_slice %arg2[%dma_wait3A_227, %dma_wait3A_228] : memref<10000x128xf32, #tpu.memory_space<hbm>> -> memref<32x128xf32, #tpu.memory_space<hbm>>
      %dma_wait3A_230 = arith.constant 0 : i32
      %dma_wait3A_231 = arith.constant 0 : i32
      %dma_wait3A_232 = tpu.memref_slice %arg2[%dma_wait3A_230, %dma_wait3A_231] : memref<10000x128xf32, #tpu.memory_space<hbm>> -> memref<32x128xf32, #tpu.memory_space<hbm>>
      tpu.wait_dma2 semaphore(%arg14 : memref<!tpu.dma_semaphore, #tpu.memory_space<semaphore_mem>>) src(%dma_wait3A_232 : memref<32x128xf32, #tpu.memory_space<hbm>>) dst(%arg8 : memref<32x128xf32, #tpu.memory_space<vmem>>)
      %dma_start3A_233 = arith.constant 0 : i32
      %dma_start3A_234 = tpu.memref_slice %arg12[%add3A_212, %dma_start3A_233] : memref<80x32xi32, #tpu.memory_space<vmem>> -> memref<1x32xi32, #tpu.memory_space<vmem>>
      %dma_start3A_235 = tpu.memref_squeeze %dma_start3A_234 : memref<1x32xi32, #tpu.memory_space<vmem>> -> memref<32xi32, #tpu.memory_space<vmem>>
      %dma_start3A_236 = arith.constant 0 : i32
      %dma_start3A_237 = arith.constant 0 : i32
      %dma_start3A_238 = tpu.memref_slice %arg6[%dma_start3A_236, %dma_start3A_237] : memref<10240x128xf32, #tpu.memory_space<vmem_shared>> -> memref<10240x128xf32, #tpu.memory_space<vmem_shared>>
      tpu.enqueue_indirect_dma source(%arg8 : memref<32x128xf32, #tpu.memory_space<vmem>>) target(%dma_start3A_238 : memref<10240x128xf32, #tpu.memory_space<vmem_shared>>) offsets(%dma_start3A_235 : memref<32xi32, #tpu.memory_space<vmem>>) semaphore(%arg18 : memref<!tpu.dma_semaphore, #tpu.memory_space<semaphore_mem>>) {add = true}
      %mul3A_239 = arith.constant 4 : i32
      %mul3A_240 = arith.muli %scan3A_182, %mul3A_239 : i32
      %add3A_241 = arith.constant 2 : i32
      %add3A_242 = arith.addi %mul3A_240, %add3A_241 : i32
      %gt3A_243 = arith.constant 0 : i32
      %gt3A_244 = arith.cmpi sgt, %add3A_242, %gt3A_243 : i32
      %convert_element_type3A_245 = arith.extui %gt3A_244 : i1 to i32
      %cond3A_246 = arith.constant 0 : i32
      %cond3A_247 = arith.cmpi ne, %convert_element_type3A_245, %cond3A_246 : i32
      scf.if %cond3A_247 {
        %dma_wait3A_300 = arith.constant 0 : i32
        %dma_wait3A_301 = arith.constant 0 : i32
        %dma_wait3A_302 = tpu.memref_slice %arg6[%dma_wait3A_300, %dma_wait3A_301] : memref<10240x128xf32, #tpu.memory_space<vmem_shared>> -> memref<32x128xf32, #tpu.memory_space<vmem_shared>>
        %dma_wait3A_303 = arith.constant 0 : i32
        %dma_wait3A_304 = arith.constant 0 : i32
        %dma_wait3A_305 = tpu.memref_slice %arg6[%dma_wait3A_303, %dma_wait3A_304] : memref<10240x128xf32, #tpu.memory_space<vmem_shared>> -> memref<32x128xf32, #tpu.memory_space<vmem_shared>>
        tpu.wait_dma2 semaphore(%arg18 : memref<!tpu.dma_semaphore, #tpu.memory_space<semaphore_mem>>) src(%arg8 : memref<32x128xf32, #tpu.memory_space<vmem>>) dst(%dma_wait3A_305 : memref<32x128xf32, #tpu.memory_space<vmem_shared>>)
      } else {
      }
      %add3A_248 = arith.constant 4 : i32
      %add3A_249 = arith.addi %add3A_242, %add3A_248 : i32
      %sub3A_250 = arith.constant 1 : i32
      %sub3A_251 = arith.subi %add3A_249, %sub3A_250 : i32
      %lt3A_252 = arith.constant 80 : i32
      %lt3A_253 = arith.cmpi slt, %sub3A_251, %lt3A_252 : i32
      %convert_element_type3A_254 = arith.extui %lt3A_253 : i1 to i32
      %cond3A_255 = arith.constant 0 : i32
      %cond3A_256 = arith.cmpi ne, %convert_element_type3A_254, %cond3A_255 : i32
      scf.if %cond3A_256 {
        %add3A_300 = arith.constant 4 : i32
        %add3A_301 = arith.addi %add3A_242, %add3A_300 : i32
        %sub3A_302 = arith.constant 1 : i32
        %sub3A_303 = arith.subi %add3A_301, %sub3A_302 : i32
        %dma_start3A_304 = arith.constant 0 : i32
        %dma_start3A_305 = tpu.memref_slice %arg11[%sub3A_303, %dma_start3A_304] : memref<80x32xi32, #tpu.memory_space<vmem>> -> memref<1x32xi32, #tpu.memory_space<vmem>>
        %dma_start3A_306 = tpu.memref_squeeze %dma_start3A_305 : memref<1x32xi32, #tpu.memory_space<vmem>> -> memref<32xi32, #tpu.memory_space<vmem>>
        %dma_start3A_307 = arith.constant 0 : i32
        %dma_start3A_308 = arith.constant 0 : i32
        %dma_start3A_309 = tpu.memref_slice %arg2[%dma_start3A_307, %dma_start3A_308] : memref<10000x128xf32, #tpu.memory_space<hbm>> -> memref<10000x128xf32, #tpu.memory_space<hbm>>
        tpu.enqueue_indirect_dma source(%dma_start3A_309 : memref<10000x128xf32, #tpu.memory_space<hbm>>) target(%arg8 : memref<32x128xf32, #tpu.memory_space<vmem>>) offsets(%dma_start3A_306 : memref<32xi32, #tpu.memory_space<vmem>>) semaphore(%arg14 : memref<!tpu.dma_semaphore, #tpu.memory_space<semaphore_mem>>)
      } else {
      }
      %dma_wait3A_257 = arith.constant 0 : i32
      %dma_wait3A_258 = arith.constant 0 : i32
      %dma_wait3A_259 = tpu.memref_slice %arg2[%dma_wait3A_257, %dma_wait3A_258] : memref<10000x128xf32, #tpu.memory_space<hbm>> -> memref<32x128xf32, #tpu.memory_space<hbm>>
      %dma_wait3A_260 = arith.constant 0 : i32
      %dma_wait3A_261 = arith.constant 0 : i32
      %dma_wait3A_262 = tpu.memref_slice %arg2[%dma_wait3A_260, %dma_wait3A_261] : memref<10000x128xf32, #tpu.memory_space<hbm>> -> memref<32x128xf32, #tpu.memory_space<hbm>>
      tpu.wait_dma2 semaphore(%arg15 : memref<!tpu.dma_semaphore, #tpu.memory_space<semaphore_mem>>) src(%dma_wait3A_262 : memref<32x128xf32, #tpu.memory_space<hbm>>) dst(%arg9 : memref<32x128xf32, #tpu.memory_space<vmem>>)
      %dma_start3A_263 = arith.constant 0 : i32
      %dma_start3A_264 = tpu.memref_slice %arg12[%add3A_242, %dma_start3A_263] : memref<80x32xi32, #tpu.memory_space<vmem>> -> memref<1x32xi32, #tpu.memory_space<vmem>>
      %dma_start3A_265 = tpu.memref_squeeze %dma_start3A_264 : memref<1x32xi32, #tpu.memory_space<vmem>> -> memref<32xi32, #tpu.memory_space<vmem>>
      %dma_start3A_266 = arith.constant 0 : i32
      %dma_start3A_267 = arith.constant 0 : i32
      %dma_start3A_268 = tpu.memref_slice %arg6[%dma_start3A_266, %dma_start3A_267] : memref<10240x128xf32, #tpu.memory_space<vmem_shared>> -> memref<10240x128xf32, #tpu.memory_space<vmem_shared>>
      tpu.enqueue_indirect_dma source(%arg9 : memref<32x128xf32, #tpu.memory_space<vmem>>) target(%dma_start3A_268 : memref<10240x128xf32, #tpu.memory_space<vmem_shared>>) offsets(%dma_start3A_265 : memref<32xi32, #tpu.memory_space<vmem>>) semaphore(%arg19 : memref<!tpu.dma_semaphore, #tpu.memory_space<semaphore_mem>>) {add = true}
      %mul3A_269 = arith.constant 4 : i32
      %mul3A_270 = arith.muli %scan3A_182, %mul3A_269 : i32
      %add3A_271 = arith.constant 3 : i32
      %add3A_272 = arith.addi %mul3A_270, %add3A_271 : i32
      %gt3A_273 = arith.constant 0 : i32
      %gt3A_274 = arith.cmpi sgt, %add3A_272, %gt3A_273 : i32
      %convert_element_type3A_275 = arith.extui %gt3A_274 : i1 to i32
      %cond3A_276 = arith.constant 0 : i32
      %cond3A_277 = arith.cmpi ne, %convert_element_type3A_275, %cond3A_276 : i32
      scf.if %cond3A_277 {
        %dma_wait3A_300 = arith.constant 0 : i32
        %dma_wait3A_301 = arith.constant 0 : i32
        %dma_wait3A_302 = tpu.memref_slice %arg6[%dma_wait3A_300, %dma_wait3A_301] : memref<10240x128xf32, #tpu.memory_space<vmem_shared>> -> memref<32x128xf32, #tpu.memory_space<vmem_shared>>
        %dma_wait3A_303 = arith.constant 0 : i32
        %dma_wait3A_304 = arith.constant 0 : i32
        %dma_wait3A_305 = tpu.memref_slice %arg6[%dma_wait3A_303, %dma_wait3A_304] : memref<10240x128xf32, #tpu.memory_space<vmem_shared>> -> memref<32x128xf32, #tpu.memory_space<vmem_shared>>
        tpu.wait_dma2 semaphore(%arg19 : memref<!tpu.dma_semaphore, #tpu.memory_space<semaphore_mem>>) src(%arg9 : memref<32x128xf32, #tpu.memory_space<vmem>>) dst(%dma_wait3A_305 : memref<32x128xf32, #tpu.memory_space<vmem_shared>>)
      } else {
      }
      %add3A_278 = arith.constant 4 : i32
      %add3A_279 = arith.addi %add3A_272, %add3A_278 : i32
      %sub3A_280 = arith.constant 1 : i32
      %sub3A_281 = arith.subi %add3A_279, %sub3A_280 : i32
      %lt3A_282 = arith.constant 80 : i32
      %lt3A_283 = arith.cmpi slt, %sub3A_281, %lt3A_282 : i32
      %convert_element_type3A_284 = arith.extui %lt3A_283 : i1 to i32
      %cond3A_285 = arith.constant 0 : i32
      %cond3A_286 = arith.cmpi ne, %convert_element_type3A_284, %cond3A_285 : i32
      scf.if %cond3A_286 {
        %add3A_300 = arith.constant 4 : i32
        %add3A_301 = arith.addi %add3A_272, %add3A_300 : i32
        %sub3A_302 = arith.constant 1 : i32
        %sub3A_303 = arith.subi %add3A_301, %sub3A_302 : i32
        %dma_start3A_304 = arith.constant 0 : i32
        %dma_start3A_305 = tpu.memref_slice %arg11[%sub3A_303, %dma_start3A_304] : memref<80x32xi32, #tpu.memory_space<vmem>> -> memref<1x32xi32, #tpu.memory_space<vmem>>
        %dma_start3A_306 = tpu.memref_squeeze %dma_start3A_305 : memref<1x32xi32, #tpu.memory_space<vmem>> -> memref<32xi32, #tpu.memory_space<vmem>>
        %dma_start3A_307 = arith.constant 0 : i32
        %dma_start3A_308 = arith.constant 0 : i32
        %dma_start3A_309 = tpu.memref_slice %arg2[%dma_start3A_307, %dma_start3A_308] : memref<10000x128xf32, #tpu.memory_space<hbm>> -> memref<10000x128xf32, #tpu.memory_space<hbm>>
        tpu.enqueue_indirect_dma source(%dma_start3A_309 : memref<10000x128xf32, #tpu.memory_space<hbm>>) target(%arg9 : memref<32x128xf32, #tpu.memory_space<vmem>>) offsets(%dma_start3A_306 : memref<32xi32, #tpu.memory_space<vmem>>) semaphore(%arg15 : memref<!tpu.dma_semaphore, #tpu.memory_space<semaphore_mem>>)
      } else {
      }
      %dma_wait3A_287 = arith.constant 0 : i32
      %dma_wait3A_288 = arith.constant 0 : i32
      %dma_wait3A_289 = tpu.memref_slice %arg2[%dma_wait3A_287, %dma_wait3A_288] : memref<10000x128xf32, #tpu.memory_space<hbm>> -> memref<32x128xf32, #tpu.memory_space<hbm>>
      %dma_wait3A_290 = arith.constant 0 : i32
      %dma_wait3A_291 = arith.constant 0 : i32
      %dma_wait3A_292 = tpu.memref_slice %arg2[%dma_wait3A_290, %dma_wait3A_291] : memref<10000x128xf32, #tpu.memory_space<hbm>> -> memref<32x128xf32, #tpu.memory_space<hbm>>
      tpu.wait_dma2 semaphore(%arg16 : memref<!tpu.dma_semaphore, #tpu.memory_space<semaphore_mem>>) src(%dma_wait3A_292 : memref<32x128xf32, #tpu.memory_space<hbm>>) dst(%arg10 : memref<32x128xf32, #tpu.memory_space<vmem>>)
      %dma_start3A_293 = arith.constant 0 : i32
      %dma_start3A_294 = tpu.memref_slice %arg12[%add3A_272, %dma_start3A_293] : memref<80x32xi32, #tpu.memory_space<vmem>> -> memref<1x32xi32, #tpu.memory_space<vmem>>
      %dma_start3A_295 = tpu.memref_squeeze %dma_start3A_294 : memref<1x32xi32, #tpu.memory_space<vmem>> -> memref<32xi32, #tpu.memory_space<vmem>>
      %dma_start3A_296 = arith.constant 0 : i32
      %dma_start3A_297 = arith.constant 0 : i32
      %dma_start3A_298 = tpu.memref_slice %arg6[%dma_start3A_296, %dma_start3A_297] : memref<10240x128xf32, #tpu.memory_space<vmem_shared>> -> memref<10240x128xf32, #tpu.memory_space<vmem_shared>>
      tpu.enqueue_indirect_dma source(%arg10 : memref<32x128xf32, #tpu.memory_space<vmem>>) target(%dma_start3A_298 : memref<10240x128xf32, #tpu.memory_space<vmem_shared>>) offsets(%dma_start3A_295 : memref<32xi32, #tpu.memory_space<vmem>>) semaphore(%arg20 : memref<!tpu.dma_semaphore, #tpu.memory_space<semaphore_mem>>) {add = true}
      %scan3A_299 = arith.constant 0 : i32
      scf.yield %scan3A_299 : i32
    }
    %scan3A_126 = arith.constant 20 : i32
    %dma_wait3A_127 = arith.constant 0 : i32
    %dma_wait3A_128 = arith.constant 0 : i32
    %dma_wait3A_129 = tpu.memref_slice %arg6[%dma_wait3A_127, %dma_wait3A_128] : memref<10240x128xf32, #tpu.memory_space<vmem_shared>> -> memref<32x128xf32, #tpu.memory_space<vmem_shared>>
    %dma_wait3A_130 = arith.constant 0 : i32
    %dma_wait3A_131 = arith.constant 0 : i32
    %dma_wait3A_132 = tpu.memref_slice %arg6[%dma_wait3A_130, %dma_wait3A_131] : memref<10240x128xf32, #tpu.memory_space<vmem_shared>> -> memref<32x128xf32, #tpu.memory_space<vmem_shared>>
    tpu.wait_dma2 semaphore(%arg20 : memref<!tpu.dma_semaphore, #tpu.memory_space<semaphore_mem>>) src(%arg10 : memref<32x128xf32, #tpu.memory_space<vmem>>) dst(%dma_wait3A_132 : memref<32x128xf32, #tpu.memory_space<vmem_shared>>)
    %mul3A_133 = arith.constant 5120 : i32
    %mul3A_134 = arith.muli %arg0, %mul3A_133 : i32
    %mul3A_135 = arith.constant 320 : i32
    %mul3A_136 = arith.muli %arg1, %mul3A_135 : i32
    %add3A_137 = arith.addi %mul3A_134, %mul3A_136 : i32
    %add3A_138 = arith.constant 240 : i32
    %add3A_139 = arith.addi %add3A_137, %add3A_138 : i32
    "tpu.region"() ({
      %run_scoped3A = tpu.sem_alloc : memref<!tpu.dma_semaphore, #tpu.memory_space<semaphore_mem>>
      %dma_start3A_182 = arith.constant 0 : i32
      %dma_start3A_183 = tpu.memref_slice %arg3[%add3A_139, %dma_start3A_182] : memref<10240x32xi32, #tpu.memory_space<hbm>> -> memref<80x32xi32, #tpu.memory_space<hbm>>
      %dma_start3A_184 = arith.constant 0 : i32
      %dma_start3A_185 = tpu.memref_slice %arg3[%add3A_139, %dma_start3A_184] : memref<10240x32xi32, #tpu.memory_space<hbm>> -> memref<80x32xi32, #tpu.memory_space<hbm>>
      tpu.enqueue_dma source(%dma_start3A_185 : memref<80x32xi32, #tpu.memory_space<hbm>>) target(%arg11 : memref<80x32xi32, #tpu.memory_space<vmem>>) target_semaphore(%run_scoped3A : memref<!tpu.dma_semaphore, #tpu.memory_space<semaphore_mem>>)
      %dma_wait3A_186 = arith.constant 0 : i32
      %dma_wait3A_187 = tpu.memref_slice %arg3[%add3A_139, %dma_wait3A_186] : memref<10240x32xi32, #tpu.memory_space<hbm>> -> memref<80x32xi32, #tpu.memory_space<hbm>>
      %dma_wait3A_188 = arith.constant 0 : i32
      %dma_wait3A_189 = tpu.memref_slice %arg3[%add3A_139, %dma_wait3A_188] : memref<10240x32xi32, #tpu.memory_space<hbm>> -> memref<80x32xi32, #tpu.memory_space<hbm>>
      tpu.wait_dma2 semaphore(%run_scoped3A : memref<!tpu.dma_semaphore, #tpu.memory_space<semaphore_mem>>) src(%dma_wait3A_189 : memref<80x32xi32, #tpu.memory_space<hbm>>) dst(%arg11 : memref<80x32xi32, #tpu.memory_space<vmem>>)
      tpu.yield
    }) : () -> ()
    "tpu.region"() ({
      %run_scoped3A = tpu.sem_alloc : memref<!tpu.dma_semaphore, #tpu.memory_space<semaphore_mem>>
      %dma_start3A_182 = arith.constant 0 : i32
      %dma_start3A_183 = tpu.memref_slice %arg4[%add3A_139, %dma_start3A_182] : memref<10240x32xi32, #tpu.memory_space<hbm>> -> memref<80x32xi32, #tpu.memory_space<hbm>>
      %dma_start3A_184 = arith.constant 0 : i32
      %dma_start3A_185 = tpu.memref_slice %arg4[%add3A_139, %dma_start3A_184] : memref<10240x32xi32, #tpu.memory_space<hbm>> -> memref<80x32xi32, #tpu.memory_space<hbm>>
      tpu.enqueue_dma source(%dma_start3A_185 : memref<80x32xi32, #tpu.memory_space<hbm>>) target(%arg12 : memref<80x32xi32, #tpu.memory_space<vmem>>) target_semaphore(%run_scoped3A : memref<!tpu.dma_semaphore, #tpu.memory_space<semaphore_mem>>)
      %dma_wait3A_186 = arith.constant 0 : i32
      %dma_wait3A_187 = tpu.memref_slice %arg4[%add3A_139, %dma_wait3A_186] : memref<10240x32xi32, #tpu.memory_space<hbm>> -> memref<80x32xi32, #tpu.memory_space<hbm>>
      %dma_wait3A_188 = arith.constant 0 : i32
      %dma_wait3A_189 = tpu.memref_slice %arg4[%add3A_139, %dma_wait3A_188] : memref<10240x32xi32, #tpu.memory_space<hbm>> -> memref<80x32xi32, #tpu.memory_space<hbm>>
      tpu.wait_dma2 semaphore(%run_scoped3A : memref<!tpu.dma_semaphore, #tpu.memory_space<semaphore_mem>>) src(%dma_wait3A_189 : memref<80x32xi32, #tpu.memory_space<hbm>>) dst(%arg12 : memref<80x32xi32, #tpu.memory_space<vmem>>)
      tpu.yield
    }) : () -> ()
    %dma_start3A_140 = arith.constant 0 : i32
    %dma_start3A_141 = arith.constant 0 : i32
    %dma_start3A_142 = tpu.memref_slice %arg11[%dma_start3A_140, %dma_start3A_141] : memref<80x32xi32, #tpu.memory_space<vmem>> -> memref<1x32xi32, #tpu.memory_space<vmem>>
    %dma_start3A_143 = tpu.memref_squeeze %dma_start3A_142 : memref<1x32xi32, #tpu.memory_space<vmem>> -> memref<32xi32, #tpu.memory_space<vmem>>
    %dma_start3A_144 = arith.constant 0 : i32
    %dma_start3A_145 = arith.constant 0 : i32
    %dma_start3A_146 = tpu.memref_slice %arg2[%dma_start3A_144, %dma_start3A_145] : memref<10000x128xf32, #tpu.memory_space<hbm>> -> memref<10000x128xf32, #tpu.memory_space<hbm>>
    tpu.enqueue_indirect_dma source(%dma_start3A_146 : memref<10000x128xf32, #tpu.memory_space<hbm>>) target(%arg7 : memref<32x128xf32, #tpu.memory_space<vmem>>) offsets(%dma_start3A_143 : memref<32xi32, #tpu.memory_space<vmem>>) semaphore(%arg13 : memref<!tpu.dma_semaphore, #tpu.memory_space<semaphore_mem>>)
    %dma_start3A_147 = arith.constant 1 : i32
    %dma_start3A_148 = arith.constant 0 : i32
    %dma_start3A_149 = tpu.memref_slice %arg11[%dma_start3A_147, %dma_start3A_148] : memref<80x32xi32, #tpu.memory_space<vmem>> -> memref<1x32xi32, #tpu.memory_space<vmem>>
    %dma_start3A_150 = tpu.memref_squeeze %dma_start3A_149 : memref<1x32xi32, #tpu.memory_space<vmem>> -> memref<32xi32, #tpu.memory_space<vmem>>
    %dma_start3A_151 = arith.constant 0 : i32
    %dma_start3A_152 = arith.constant 0 : i32
    %dma_start3A_153 = tpu.memref_slice %arg2[%dma_start3A_151, %dma_start3A_152] : memref<10000x128xf32, #tpu.memory_space<hbm>> -> memref<10000x128xf32, #tpu.memory_space<hbm>>
    tpu.enqueue_indirect_dma source(%dma_start3A_153 : memref<10000x128xf32, #tpu.memory_space<hbm>>) target(%arg8 : memref<32x128xf32, #tpu.memory_space<vmem>>) offsets(%dma_start3A_150 : memref<32xi32, #tpu.memory_space<vmem>>) semaphore(%arg14 : memref<!tpu.dma_semaphore, #tpu.memory_space<semaphore_mem>>)
    %dma_start3A_154 = arith.constant 2 : i32
    %dma_start3A_155 = arith.constant 0 : i32
    %dma_start3A_156 = tpu.memref_slice %arg11[%dma_start3A_154, %dma_start3A_155] : memref<80x32xi32, #tpu.memory_space<vmem>> -> memref<1x32xi32, #tpu.memory_space<vmem>>
    %dma_start3A_157 = tpu.memref_squeeze %dma_start3A_156 : memref<1x32xi32, #tpu.memory_space<vmem>> -> memref<32xi32, #tpu.memory_space<vmem>>
    %dma_start3A_158 = arith.constant 0 : i32
    %dma_start3A_159 = arith.constant 0 : i32
    %dma_start3A_160 = tpu.memref_slice %arg2[%dma_start3A_158, %dma_start3A_159] : memref<10000x128xf32, #tpu.memory_space<hbm>> -> memref<10000x128xf32, #tpu.memory_space<hbm>>
    tpu.enqueue_indirect_dma source(%dma_start3A_160 : memref<10000x128xf32, #tpu.memory_space<hbm>>) target(%arg9 : memref<32x128xf32, #tpu.memory_space<vmem>>) offsets(%dma_start3A_157 : memref<32xi32, #tpu.memory_space<vmem>>) semaphore(%arg15 : memref<!tpu.dma_semaphore, #tpu.memory_space<semaphore_mem>>)
    %scan3A_161 = arith.constant 0 : i32
    %scan3A_162 = arith.constant 0 : i32
    %scan3A_163 = arith.constant 20 : i32
    %scan3A_164 = arith.addi %scan3A_162, %scan3A_163 : i32
    %scan3A_165 = arith.constant 1 : i32
    %scan3A_166 = scf.for %scan3A_182 = %scan3A_162 to %scan3A_164 step %scan3A_165 iter_args(%scan3A_183 = %scan3A_161) -> (i32)  : i32 {
      %mul3A_184 = arith.constant 4 : i32
      %mul3A_185 = arith.muli %scan3A_182, %mul3A_184 : i32
      %add3A_186 = arith.constant 0 : i32
      %add3A_187 = arith.addi %mul3A_185, %add3A_186 : i32
      %gt3A = arith.constant 0 : i32
      %gt3A_188 = arith.cmpi sgt, %add3A_187, %gt3A : i32
      %convert_element_type3A = arith.extui %gt3A_188 : i1 to i32
      %cond3A = arith.constant 0 : i32
      %cond3A_189 = arith.cmpi ne, %convert_element_type3A, %cond3A : i32
      scf.if %cond3A_189 {
        %dma_wait3A_300 = arith.constant 0 : i32
        %dma_wait3A_301 = arith.constant 0 : i32
        %dma_wait3A_302 = tpu.memref_slice %arg6[%dma_wait3A_300, %dma_wait3A_301] : memref<10240x128xf32, #tpu.memory_space<vmem_shared>> -> memref<32x128xf32, #tpu.memory_space<vmem_shared>>
        %dma_wait3A_303 = arith.constant 0 : i32
        %dma_wait3A_304 = arith.constant 0 : i32
        %dma_wait3A_305 = tpu.memref_slice %arg6[%dma_wait3A_303, %dma_wait3A_304] : memref<10240x128xf32, #tpu.memory_space<vmem_shared>> -> memref<32x128xf32, #tpu.memory_space<vmem_shared>>
        tpu.wait_dma2 semaphore(%arg20 : memref<!tpu.dma_semaphore, #tpu.memory_space<semaphore_mem>>) src(%arg10 : memref<32x128xf32, #tpu.memory_space<vmem>>) dst(%dma_wait3A_305 : memref<32x128xf32, #tpu.memory_space<vmem_shared>>)
      } else {
      }
      %add3A_190 = arith.constant 4 : i32
      %add3A_191 = arith.addi %add3A_187, %add3A_190 : i32
      %sub3A = arith.constant 1 : i32
      %sub3A_192 = arith.subi %add3A_191, %sub3A : i32
      %lt3A = arith.constant 80 : i32
      %lt3A_193 = arith.cmpi slt, %sub3A_192, %lt3A : i32
      %convert_element_type3A_194 = arith.extui %lt3A_193 : i1 to i32
      %cond3A_195 = arith.constant 0 : i32
      %cond3A_196 = arith.cmpi ne, %convert_element_type3A_194, %cond3A_195 : i32
      scf.if %cond3A_196 {
        %add3A_300 = arith.constant 4 : i32
        %add3A_301 = arith.addi %add3A_187, %add3A_300 : i32
        %sub3A_302 = arith.constant 1 : i32
        %sub3A_303 = arith.subi %add3A_301, %sub3A_302 : i32
        %dma_start3A_304 = arith.constant 0 : i32
        %dma_start3A_305 = tpu.memref_slice %arg11[%sub3A_303, %dma_start3A_304] : memref<80x32xi32, #tpu.memory_space<vmem>> -> memref<1x32xi32, #tpu.memory_space<vmem>>
        %dma_start3A_306 = tpu.memref_squeeze %dma_start3A_305 : memref<1x32xi32, #tpu.memory_space<vmem>> -> memref<32xi32, #tpu.memory_space<vmem>>
        %dma_start3A_307 = arith.constant 0 : i32
        %dma_start3A_308 = arith.constant 0 : i32
        %dma_start3A_309 = tpu.memref_slice %arg2[%dma_start3A_307, %dma_start3A_308] : memref<10000x128xf32, #tpu.memory_space<hbm>> -> memref<10000x128xf32, #tpu.memory_space<hbm>>
        tpu.enqueue_indirect_dma source(%dma_start3A_309 : memref<10000x128xf32, #tpu.memory_space<hbm>>) target(%arg10 : memref<32x128xf32, #tpu.memory_space<vmem>>) offsets(%dma_start3A_306 : memref<32xi32, #tpu.memory_space<vmem>>) semaphore(%arg16 : memref<!tpu.dma_semaphore, #tpu.memory_space<semaphore_mem>>)
      } else {
      }
      %dma_wait3A_197 = arith.constant 0 : i32
      %dma_wait3A_198 = arith.constant 0 : i32
      %dma_wait3A_199 = tpu.memref_slice %arg2[%dma_wait3A_197, %dma_wait3A_198] : memref<10000x128xf32, #tpu.memory_space<hbm>> -> memref<32x128xf32, #tpu.memory_space<hbm>>
      %dma_wait3A_200 = arith.constant 0 : i32
      %dma_wait3A_201 = arith.constant 0 : i32
      %dma_wait3A_202 = tpu.memref_slice %arg2[%dma_wait3A_200, %dma_wait3A_201] : memref<10000x128xf32, #tpu.memory_space<hbm>> -> memref<32x128xf32, #tpu.memory_space<hbm>>
      tpu.wait_dma2 semaphore(%arg13 : memref<!tpu.dma_semaphore, #tpu.memory_space<semaphore_mem>>) src(%dma_wait3A_202 : memref<32x128xf32, #tpu.memory_space<hbm>>) dst(%arg7 : memref<32x128xf32, #tpu.memory_space<vmem>>)
      %dma_start3A_203 = arith.constant 0 : i32
      %dma_start3A_204 = tpu.memref_slice %arg12[%add3A_187, %dma_start3A_203] : memref<80x32xi32, #tpu.memory_space<vmem>> -> memref<1x32xi32, #tpu.memory_space<vmem>>
      %dma_start3A_205 = tpu.memref_squeeze %dma_start3A_204 : memref<1x32xi32, #tpu.memory_space<vmem>> -> memref<32xi32, #tpu.memory_space<vmem>>
      %dma_start3A_206 = arith.constant 0 : i32
      %dma_start3A_207 = arith.constant 0 : i32
      %dma_start3A_208 = tpu.memref_slice %arg6[%dma_start3A_206, %dma_start3A_207] : memref<10240x128xf32, #tpu.memory_space<vmem_shared>> -> memref<10240x128xf32, #tpu.memory_space<vmem_shared>>
      tpu.enqueue_indirect_dma source(%arg7 : memref<32x128xf32, #tpu.memory_space<vmem>>) target(%dma_start3A_208 : memref<10240x128xf32, #tpu.memory_space<vmem_shared>>) offsets(%dma_start3A_205 : memref<32xi32, #tpu.memory_space<vmem>>) semaphore(%arg17 : memref<!tpu.dma_semaphore, #tpu.memory_space<semaphore_mem>>) {add = true}
      %mul3A_209 = arith.constant 4 : i32
      %mul3A_210 = arith.muli %scan3A_182, %mul3A_209 : i32
      %add3A_211 = arith.constant 1 : i32
      %add3A_212 = arith.addi %mul3A_210, %add3A_211 : i32
      %gt3A_213 = arith.constant 0 : i32
      %gt3A_214 = arith.cmpi sgt, %add3A_212, %gt3A_213 : i32
      %convert_element_type3A_215 = arith.extui %gt3A_214 : i1 to i32
      %cond3A_216 = arith.constant 0 : i32
      %cond3A_217 = arith.cmpi ne, %convert_element_type3A_215, %cond3A_216 : i32
      scf.if %cond3A_217 {
        %dma_wait3A_300 = arith.constant 0 : i32
        %dma_wait3A_301 = arith.constant 0 : i32
        %dma_wait3A_302 = tpu.memref_slice %arg6[%dma_wait3A_300, %dma_wait3A_301] : memref<10240x128xf32, #tpu.memory_space<vmem_shared>> -> memref<32x128xf32, #tpu.memory_space<vmem_shared>>
        %dma_wait3A_303 = arith.constant 0 : i32
        %dma_wait3A_304 = arith.constant 0 : i32
        %dma_wait3A_305 = tpu.memref_slice %arg6[%dma_wait3A_303, %dma_wait3A_304] : memref<10240x128xf32, #tpu.memory_space<vmem_shared>> -> memref<32x128xf32, #tpu.memory_space<vmem_shared>>
        tpu.wait_dma2 semaphore(%arg17 : memref<!tpu.dma_semaphore, #tpu.memory_space<semaphore_mem>>) src(%arg7 : memref<32x128xf32, #tpu.memory_space<vmem>>) dst(%dma_wait3A_305 : memref<32x128xf32, #tpu.memory_space<vmem_shared>>)
      } else {
      }
      %add3A_218 = arith.constant 4 : i32
      %add3A_219 = arith.addi %add3A_212, %add3A_218 : i32
      %sub3A_220 = arith.constant 1 : i32
      %sub3A_221 = arith.subi %add3A_219, %sub3A_220 : i32
      %lt3A_222 = arith.constant 80 : i32
      %lt3A_223 = arith.cmpi slt, %sub3A_221, %lt3A_222 : i32
      %convert_element_type3A_224 = arith.extui %lt3A_223 : i1 to i32
      %cond3A_225 = arith.constant 0 : i32
      %cond3A_226 = arith.cmpi ne, %convert_element_type3A_224, %cond3A_225 : i32
      scf.if %cond3A_226 {
        %add3A_300 = arith.constant 4 : i32
        %add3A_301 = arith.addi %add3A_212, %add3A_300 : i32
        %sub3A_302 = arith.constant 1 : i32
        %sub3A_303 = arith.subi %add3A_301, %sub3A_302 : i32
        %dma_start3A_304 = arith.constant 0 : i32
        %dma_start3A_305 = tpu.memref_slice %arg11[%sub3A_303, %dma_start3A_304] : memref<80x32xi32, #tpu.memory_space<vmem>> -> memref<1x32xi32, #tpu.memory_space<vmem>>
        %dma_start3A_306 = tpu.memref_squeeze %dma_start3A_305 : memref<1x32xi32, #tpu.memory_space<vmem>> -> memref<32xi32, #tpu.memory_space<vmem>>
        %dma_start3A_307 = arith.constant 0 : i32
        %dma_start3A_308 = arith.constant 0 : i32
        %dma_start3A_309 = tpu.memref_slice %arg2[%dma_start3A_307, %dma_start3A_308] : memref<10000x128xf32, #tpu.memory_space<hbm>> -> memref<10000x128xf32, #tpu.memory_space<hbm>>
        tpu.enqueue_indirect_dma source(%dma_start3A_309 : memref<10000x128xf32, #tpu.memory_space<hbm>>) target(%arg7 : memref<32x128xf32, #tpu.memory_space<vmem>>) offsets(%dma_start3A_306 : memref<32xi32, #tpu.memory_space<vmem>>) semaphore(%arg13 : memref<!tpu.dma_semaphore, #tpu.memory_space<semaphore_mem>>)
      } else {
      }
      %dma_wait3A_227 = arith.constant 0 : i32
      %dma_wait3A_228 = arith.constant 0 : i32
      %dma_wait3A_229 = tpu.memref_slice %arg2[%dma_wait3A_227, %dma_wait3A_228] : memref<10000x128xf32, #tpu.memory_space<hbm>> -> memref<32x128xf32, #tpu.memory_space<hbm>>
      %dma_wait3A_230 = arith.constant 0 : i32
      %dma_wait3A_231 = arith.constant 0 : i32
      %dma_wait3A_232 = tpu.memref_slice %arg2[%dma_wait3A_230, %dma_wait3A_231] : memref<10000x128xf32, #tpu.memory_space<hbm>> -> memref<32x128xf32, #tpu.memory_space<hbm>>
      tpu.wait_dma2 semaphore(%arg14 : memref<!tpu.dma_semaphore, #tpu.memory_space<semaphore_mem>>) src(%dma_wait3A_232 : memref<32x128xf32, #tpu.memory_space<hbm>>) dst(%arg8 : memref<32x128xf32, #tpu.memory_space<vmem>>)
      %dma_start3A_233 = arith.constant 0 : i32
      %dma_start3A_234 = tpu.memref_slice %arg12[%add3A_212, %dma_start3A_233] : memref<80x32xi32, #tpu.memory_space<vmem>> -> memref<1x32xi32, #tpu.memory_space<vmem>>
      %dma_start3A_235 = tpu.memref_squeeze %dma_start3A_234 : memref<1x32xi32, #tpu.memory_space<vmem>> -> memref<32xi32, #tpu.memory_space<vmem>>
      %dma_start3A_236 = arith.constant 0 : i32
      %dma_start3A_237 = arith.constant 0 : i32
      %dma_start3A_238 = tpu.memref_slice %arg6[%dma_start3A_236, %dma_start3A_237] : memref<10240x128xf32, #tpu.memory_space<vmem_shared>> -> memref<10240x128xf32, #tpu.memory_space<vmem_shared>>
      tpu.enqueue_indirect_dma source(%arg8 : memref<32x128xf32, #tpu.memory_space<vmem>>) target(%dma_start3A_238 : memref<10240x128xf32, #tpu.memory_space<vmem_shared>>) offsets(%dma_start3A_235 : memref<32xi32, #tpu.memory_space<vmem>>) semaphore(%arg18 : memref<!tpu.dma_semaphore, #tpu.memory_space<semaphore_mem>>) {add = true}
      %mul3A_239 = arith.constant 4 : i32
      %mul3A_240 = arith.muli %scan3A_182, %mul3A_239 : i32
      %add3A_241 = arith.constant 2 : i32
      %add3A_242 = arith.addi %mul3A_240, %add3A_241 : i32
      %gt3A_243 = arith.constant 0 : i32
      %gt3A_244 = arith.cmpi sgt, %add3A_242, %gt3A_243 : i32
      %convert_element_type3A_245 = arith.extui %gt3A_244 : i1 to i32
      %cond3A_246 = arith.constant 0 : i32
      %cond3A_247 = arith.cmpi ne, %convert_element_type3A_245, %cond3A_246 : i32
      scf.if %cond3A_247 {
        %dma_wait3A_300 = arith.constant 0 : i32
        %dma_wait3A_301 = arith.constant 0 : i32
        %dma_wait3A_302 = tpu.memref_slice %arg6[%dma_wait3A_300, %dma_wait3A_301] : memref<10240x128xf32, #tpu.memory_space<vmem_shared>> -> memref<32x128xf32, #tpu.memory_space<vmem_shared>>
        %dma_wait3A_303 = arith.constant 0 : i32
        %dma_wait3A_304 = arith.constant 0 : i32
        %dma_wait3A_305 = tpu.memref_slice %arg6[%dma_wait3A_303, %dma_wait3A_304] : memref<10240x128xf32, #tpu.memory_space<vmem_shared>> -> memref<32x128xf32, #tpu.memory_space<vmem_shared>>
        tpu.wait_dma2 semaphore(%arg18 : memref<!tpu.dma_semaphore, #tpu.memory_space<semaphore_mem>>) src(%arg8 : memref<32x128xf32, #tpu.memory_space<vmem>>) dst(%dma_wait3A_305 : memref<32x128xf32, #tpu.memory_space<vmem_shared>>)
      } else {
      }
      %add3A_248 = arith.constant 4 : i32
      %add3A_249 = arith.addi %add3A_242, %add3A_248 : i32
      %sub3A_250 = arith.constant 1 : i32
      %sub3A_251 = arith.subi %add3A_249, %sub3A_250 : i32
      %lt3A_252 = arith.constant 80 : i32
      %lt3A_253 = arith.cmpi slt, %sub3A_251, %lt3A_252 : i32
      %convert_element_type3A_254 = arith.extui %lt3A_253 : i1 to i32
      %cond3A_255 = arith.constant 0 : i32
      %cond3A_256 = arith.cmpi ne, %convert_element_type3A_254, %cond3A_255 : i32
      scf.if %cond3A_256 {
        %add3A_300 = arith.constant 4 : i32
        %add3A_301 = arith.addi %add3A_242, %add3A_300 : i32
        %sub3A_302 = arith.constant 1 : i32
        %sub3A_303 = arith.subi %add3A_301, %sub3A_302 : i32
        %dma_start3A_304 = arith.constant 0 : i32
        %dma_start3A_305 = tpu.memref_slice %arg11[%sub3A_303, %dma_start3A_304] : memref<80x32xi32, #tpu.memory_space<vmem>> -> memref<1x32xi32, #tpu.memory_space<vmem>>
        %dma_start3A_306 = tpu.memref_squeeze %dma_start3A_305 : memref<1x32xi32, #tpu.memory_space<vmem>> -> memref<32xi32, #tpu.memory_space<vmem>>
        %dma_start3A_307 = arith.constant 0 : i32
        %dma_start3A_308 = arith.constant 0 : i32
        %dma_start3A_309 = tpu.memref_slice %arg2[%dma_start3A_307, %dma_start3A_308] : memref<10000x128xf32, #tpu.memory_space<hbm>> -> memref<10000x128xf32, #tpu.memory_space<hbm>>
        tpu.enqueue_indirect_dma source(%dma_start3A_309 : memref<10000x128xf32, #tpu.memory_space<hbm>>) target(%arg8 : memref<32x128xf32, #tpu.memory_space<vmem>>) offsets(%dma_start3A_306 : memref<32xi32, #tpu.memory_space<vmem>>) semaphore(%arg14 : memref<!tpu.dma_semaphore, #tpu.memory_space<semaphore_mem>>)
      } else {
      }
      %dma_wait3A_257 = arith.constant 0 : i32
      %dma_wait3A_258 = arith.constant 0 : i32
      %dma_wait3A_259 = tpu.memref_slice %arg2[%dma_wait3A_257, %dma_wait3A_258] : memref<10000x128xf32, #tpu.memory_space<hbm>> -> memref<32x128xf32, #tpu.memory_space<hbm>>
      %dma_wait3A_260 = arith.constant 0 : i32
      %dma_wait3A_261 = arith.constant 0 : i32
      %dma_wait3A_262 = tpu.memref_slice %arg2[%dma_wait3A_260, %dma_wait3A_261] : memref<10000x128xf32, #tpu.memory_space<hbm>> -> memref<32x128xf32, #tpu.memory_space<hbm>>
      tpu.wait_dma2 semaphore(%arg15 : memref<!tpu.dma_semaphore, #tpu.memory_space<semaphore_mem>>) src(%dma_wait3A_262 : memref<32x128xf32, #tpu.memory_space<hbm>>) dst(%arg9 : memref<32x128xf32, #tpu.memory_space<vmem>>)
      %dma_start3A_263 = arith.constant 0 : i32
      %dma_start3A_264 = tpu.memref_slice %arg12[%add3A_242, %dma_start3A_263] : memref<80x32xi32, #tpu.memory_space<vmem>> -> memref<1x32xi32, #tpu.memory_space<vmem>>
      %dma_start3A_265 = tpu.memref_squeeze %dma_start3A_264 : memref<1x32xi32, #tpu.memory_space<vmem>> -> memref<32xi32, #tpu.memory_space<vmem>>
      %dma_start3A_266 = arith.constant 0 : i32
      %dma_start3A_267 = arith.constant 0 : i32
      %dma_start3A_268 = tpu.memref_slice %arg6[%dma_start3A_266, %dma_start3A_267] : memref<10240x128xf32, #tpu.memory_space<vmem_shared>> -> memref<10240x128xf32, #tpu.memory_space<vmem_shared>>
      tpu.enqueue_indirect_dma source(%arg9 : memref<32x128xf32, #tpu.memory_space<vmem>>) target(%dma_start3A_268 : memref<10240x128xf32, #tpu.memory_space<vmem_shared>>) offsets(%dma_start3A_265 : memref<32xi32, #tpu.memory_space<vmem>>) semaphore(%arg19 : memref<!tpu.dma_semaphore, #tpu.memory_space<semaphore_mem>>) {add = true}
      %mul3A_269 = arith.constant 4 : i32
      %mul3A_270 = arith.muli %scan3A_182, %mul3A_269 : i32
      %add3A_271 = arith.constant 3 : i32
      %add3A_272 = arith.addi %mul3A_270, %add3A_271 : i32
      %gt3A_273 = arith.constant 0 : i32
      %gt3A_274 = arith.cmpi sgt, %add3A_272, %gt3A_273 : i32
      %convert_element_type3A_275 = arith.extui %gt3A_274 : i1 to i32
      %cond3A_276 = arith.constant 0 : i32
      %cond3A_277 = arith.cmpi ne, %convert_element_type3A_275, %cond3A_276 : i32
      scf.if %cond3A_277 {
        %dma_wait3A_300 = arith.constant 0 : i32
        %dma_wait3A_301 = arith.constant 0 : i32
        %dma_wait3A_302 = tpu.memref_slice %arg6[%dma_wait3A_300, %dma_wait3A_301] : memref<10240x128xf32, #tpu.memory_space<vmem_shared>> -> memref<32x128xf32, #tpu.memory_space<vmem_shared>>
        %dma_wait3A_303 = arith.constant 0 : i32
        %dma_wait3A_304 = arith.constant 0 : i32
        %dma_wait3A_305 = tpu.memref_slice %arg6[%dma_wait3A_303, %dma_wait3A_304] : memref<10240x128xf32, #tpu.memory_space<vmem_shared>> -> memref<32x128xf32, #tpu.memory_space<vmem_shared>>
        tpu.wait_dma2 semaphore(%arg19 : memref<!tpu.dma_semaphore, #tpu.memory_space<semaphore_mem>>) src(%arg9 : memref<32x128xf32, #tpu.memory_space<vmem>>) dst(%dma_wait3A_305 : memref<32x128xf32, #tpu.memory_space<vmem_shared>>)
      } else {
      }
      %add3A_278 = arith.constant 4 : i32
      %add3A_279 = arith.addi %add3A_272, %add3A_278 : i32
      %sub3A_280 = arith.constant 1 : i32
      %sub3A_281 = arith.subi %add3A_279, %sub3A_280 : i32
      %lt3A_282 = arith.constant 80 : i32
      %lt3A_283 = arith.cmpi slt, %sub3A_281, %lt3A_282 : i32
      %convert_element_type3A_284 = arith.extui %lt3A_283 : i1 to i32
      %cond3A_285 = arith.constant 0 : i32
      %cond3A_286 = arith.cmpi ne, %convert_element_type3A_284, %cond3A_285 : i32
      scf.if %cond3A_286 {
        %add3A_300 = arith.constant 4 : i32
        %add3A_301 = arith.addi %add3A_272, %add3A_300 : i32
        %sub3A_302 = arith.constant 1 : i32
        %sub3A_303 = arith.subi %add3A_301, %sub3A_302 : i32
        %dma_start3A_304 = arith.constant 0 : i32
        %dma_start3A_305 = tpu.memref_slice %arg11[%sub3A_303, %dma_start3A_304] : memref<80x32xi32, #tpu.memory_space<vmem>> -> memref<1x32xi32, #tpu.memory_space<vmem>>
        %dma_start3A_306 = tpu.memref_squeeze %dma_start3A_305 : memref<1x32xi32, #tpu.memory_space<vmem>> -> memref<32xi32, #tpu.memory_space<vmem>>
        %dma_start3A_307 = arith.constant 0 : i32
        %dma_start3A_308 = arith.constant 0 : i32
        %dma_start3A_309 = tpu.memref_slice %arg2[%dma_start3A_307, %dma_start3A_308] : memref<10000x128xf32, #tpu.memory_space<hbm>> -> memref<10000x128xf32, #tpu.memory_space<hbm>>
        tpu.enqueue_indirect_dma source(%dma_start3A_309 : memref<10000x128xf32, #tpu.memory_space<hbm>>) target(%arg9 : memref<32x128xf32, #tpu.memory_space<vmem>>) offsets(%dma_start3A_306 : memref<32xi32, #tpu.memory_space<vmem>>) semaphore(%arg15 : memref<!tpu.dma_semaphore, #tpu.memory_space<semaphore_mem>>)
      } else {
      }
      %dma_wait3A_287 = arith.constant 0 : i32
      %dma_wait3A_288 = arith.constant 0 : i32
      %dma_wait3A_289 = tpu.memref_slice %arg2[%dma_wait3A_287, %dma_wait3A_288] : memref<10000x128xf32, #tpu.memory_space<hbm>> -> memref<32x128xf32, #tpu.memory_space<hbm>>
      %dma_wait3A_290 = arith.constant 0 : i32
      %dma_wait3A_291 = arith.constant 0 : i32
      %dma_wait3A_292 = tpu.memref_slice %arg2[%dma_wait3A_290, %dma_wait3A_291] : memref<10000x128xf32, #tpu.memory_space<hbm>> -> memref<32x128xf32, #tpu.memory_space<hbm>>
      tpu.wait_dma2 semaphore(%arg16 : memref<!tpu.dma_semaphore, #tpu.memory_space<semaphore_mem>>) src(%dma_wait3A_292 : memref<32x128xf32, #tpu.memory_space<hbm>>) dst(%arg10 : memref<32x128xf32, #tpu.memory_space<vmem>>)
      %dma_start3A_293 = arith.constant 0 : i32
      %dma_start3A_294 = tpu.memref_slice %arg12[%add3A_272, %dma_start3A_293] : memref<80x32xi32, #tpu.memory_space<vmem>> -> memref<1x32xi32, #tpu.memory_space<vmem>>
      %dma_start3A_295 = tpu.memref_squeeze %dma_start3A_294 : memref<1x32xi32, #tpu.memory_space<vmem>> -> memref<32xi32, #tpu.memory_space<vmem>>
      %dma_start3A_296 = arith.constant 0 : i32
      %dma_start3A_297 = arith.constant 0 : i32
      %dma_start3A_298 = tpu.memref_slice %arg6[%dma_start3A_296, %dma_start3A_297] : memref<10240x128xf32, #tpu.memory_space<vmem_shared>> -> memref<10240x128xf32, #tpu.memory_space<vmem_shared>>
      tpu.enqueue_indirect_dma source(%arg10 : memref<32x128xf32, #tpu.memory_space<vmem>>) target(%dma_start3A_298 : memref<10240x128xf32, #tpu.memory_space<vmem_shared>>) offsets(%dma_start3A_295 : memref<32xi32, #tpu.memory_space<vmem>>) semaphore(%arg20 : memref<!tpu.dma_semaphore, #tpu.memory_space<semaphore_mem>>) {add = true}
      %scan3A_299 = arith.constant 0 : i32
      scf.yield %scan3A_299 : i32
    }
    %scan3A_167 = arith.constant 20 : i32
    %dma_wait3A_168 = arith.constant 0 : i32
    %dma_wait3A_169 = arith.constant 0 : i32
    %dma_wait3A_170 = tpu.memref_slice %arg6[%dma_wait3A_168, %dma_wait3A_169] : memref<10240x128xf32, #tpu.memory_space<vmem_shared>> -> memref<32x128xf32, #tpu.memory_space<vmem_shared>>
    %dma_wait3A_171 = arith.constant 0 : i32
    %dma_wait3A_172 = arith.constant 0 : i32
    %dma_wait3A_173 = tpu.memref_slice %arg6[%dma_wait3A_171, %dma_wait3A_172] : memref<10240x128xf32, #tpu.memory_space<vmem_shared>> -> memref<32x128xf32, #tpu.memory_space<vmem_shared>>
    tpu.wait_dma2 semaphore(%arg20 : memref<!tpu.dma_semaphore, #tpu.memory_space<semaphore_mem>>) src(%arg10 : memref<32x128xf32, #tpu.memory_space<vmem>>) dst(%dma_wait3A_173 : memref<32x128xf32, #tpu.memory_space<vmem_shared>>)
    %barrier3A_174 = arith.constant 0 : index
    tpu.barrier barrier_id(%barrier3A_174)
    %scan3A_175 = arith.constant 0 : i32
    %scan3A_176 = arith.constant 0 : i32
    %scan3A_177 = arith.constant 20 : i32
    %scan3A_178 = arith.addi %scan3A_176, %scan3A_177 : i32
    %scan3A_179 = arith.constant 1 : i32
    %scan3A_180 = scf.for %scan3A_182 = %scan3A_176 to %scan3A_178 step %scan3A_179 iter_args(%scan3A_183 = %scan3A_175) -> (i32)  : i32 {
      %mul3A_184 = arith.constant 640 : i32
      %mul3A_185 = arith.muli %arg1, %mul3A_184 : i32
      %mul3A_186 = arith.constant 32 : i32
      %mul3A_187 = arith.muli %scan3A_182, %mul3A_186 : i32
      %add3A_188 = arith.addi %mul3A_185, %mul3A_187 : i32
      "tpu.region"() ({
        %run_scoped3A = tpu.sem_alloc : memref<!tpu.dma_semaphore, #tpu.memory_space<semaphore_mem>>
        %dma_start3A_193 = arith.constant 0 : i32
        %dma_start3A_194 = tpu.memref_slice %arg6[%add3A_188, %dma_start3A_193] : memref<10240x128xf32, #tpu.memory_space<vmem_shared>> -> memref<32x128xf32, #tpu.memory_space<vmem_shared>>
        %dma_start3A_195 = arith.constant 0 : i32
        %dma_start3A_196 = tpu.memref_slice %arg6[%add3A_188, %dma_start3A_195] : memref<10240x128xf32, #tpu.memory_space<vmem_shared>> -> memref<32x128xf32, #tpu.memory_space<vmem_shared>>
        tpu.enqueue_dma source(%dma_start3A_196 : memref<32x128xf32, #tpu.memory_space<vmem_shared>>) target(%arg7 : memref<32x128xf32, #tpu.memory_space<vmem>>) target_semaphore(%run_scoped3A : memref<!tpu.dma_semaphore, #tpu.memory_space<semaphore_mem>>)
        %dma_wait3A_197 = arith.constant 0 : i32
        %dma_wait3A_198 = tpu.memref_slice %arg6[%add3A_188, %dma_wait3A_197] : memref<10240x128xf32, #tpu.memory_space<vmem_shared>> -> memref<32x128xf32, #tpu.memory_space<vmem_shared>>
        %dma_wait3A_199 = arith.constant 0 : i32
        %dma_wait3A_200 = tpu.memref_slice %arg6[%add3A_188, %dma_wait3A_199] : memref<10240x128xf32, #tpu.memory_space<vmem_shared>> -> memref<32x128xf32, #tpu.memory_space<vmem_shared>>
        tpu.wait_dma2 semaphore(%run_scoped3A : memref<!tpu.dma_semaphore, #tpu.memory_space<semaphore_mem>>) src(%dma_wait3A_200 : memref<32x128xf32, #tpu.memory_space<vmem_shared>>) dst(%arg7 : memref<32x128xf32, #tpu.memory_space<vmem>>)
        tpu.yield
      }) : () -> ()
      %mul3A_189 = arith.constant 10240 : i32
      %mul3A_190 = arith.muli %arg0, %mul3A_189 : i32
      %add3A_191 = arith.addi %mul3A_190, %add3A_188 : i32
      "tpu.region"() ({
        %run_scoped3A = tpu.sem_alloc : memref<!tpu.dma_semaphore, #tpu.memory_space<semaphore_mem>>
        %dma_start3A_193 = arith.constant 0 : i32
        %dma_start3A_194 = tpu.memref_slice %arg5[%add3A_191, %dma_start3A_193] : memref<20480x128xf32, #tpu.memory_space<hbm>> -> memref<32x128xf32, #tpu.memory_space<hbm>>
        %dma_start3A_195 = arith.constant 0 : i32
        %dma_start3A_196 = tpu.memref_slice %arg5[%add3A_191, %dma_start3A_195] : memref<20480x128xf32, #tpu.memory_space<hbm>> -> memref<32x128xf32, #tpu.memory_space<hbm>>
        tpu.enqueue_dma source(%arg7 : memref<32x128xf32, #tpu.memory_space<vmem>>) target(%dma_start3A_196 : memref<32x128xf32, #tpu.memory_space<hbm>>) target_semaphore(%run_scoped3A : memref<!tpu.dma_semaphore, #tpu.memory_space<semaphore_mem>>)
        %dma_wait3A_197 = arith.constant 0 : i32
        %dma_wait3A_198 = tpu.memref_slice %arg5[%add3A_191, %dma_wait3A_197] : memref<20480x128xf32, #tpu.memory_space<hbm>> -> memref<32x128xf32, #tpu.memory_space<hbm>>
        %dma_wait3A_199 = arith.constant 0 : i32
        %dma_wait3A_200 = tpu.memref_slice %arg5[%add3A_191, %dma_wait3A_199] : memref<20480x128xf32, #tpu.memory_space<hbm>> -> memref<32x128xf32, #tpu.memory_space<hbm>>
        tpu.wait_dma2 semaphore(%run_scoped3A : memref<!tpu.dma_semaphore, #tpu.memory_space<semaphore_mem>>) src(%arg7 : memref<32x128xf32, #tpu.memory_space<vmem>>) dst(%dma_wait3A_200 : memref<32x128xf32, #tpu.memory_space<hbm>>)
        tpu.yield
      }) : () -> ()
      %scan3A_192 = arith.constant 0 : i32
      scf.yield %scan3A_192 : i32
    }
    %scan3A_181 = arith.constant 20 : i32
    return
  }
}

#map = affine_map<(d0, d1) -> (0, 0)>
#map1 = affine_map<(d0, d1) -> (0)>
module attributes {stable_mosaic.version = 14 : i64} {
  func.func @sc_degree_count(%arg0: i32, %arg1: i32, %arg2: memref<10240x32xi32, #tpu.memory_space<hbm>>, %arg3: memref<20000xf32, #tpu.memory_space<hbm>>, %arg4: memref<10240xf32, #tpu.memory_space<vmem_shared>>, %arg5: memref<2048xf32, #tpu.memory_space<vmem>>, %arg6: memref<32xf32, #tpu.memory_space<vmem>>, %arg7: memref<320x32xi32, #tpu.memory_space<vmem>>, %arg8: memref<!tpu.dma_semaphore, #tpu.memory_space<semaphore_mem>>) attributes {dimension_semantics = [#tpu.dimension_semantics<core_parallel>, #tpu.dimension_semantics<subcore_parallel>], iteration_bounds = array<i64: 2, 16>, scalar_prefetch = 0 : i64, scratch_operands = 5 : i64, tpu.core_type = #tpu.core_type<sc_vector_subcore>, window_params = [{transform_indices = #map}, {transform_indices = #map1}]} {
    %broadcast_in_dim3A = arith.constant 0.000000e+00 : f32
    %broadcast_in_dim3A_0 = vector.broadcast %broadcast_in_dim3A : f32 to vector<16xf32>
    %broadcast_in_dim3A_1 = arith.constant 1.000000e+00 : f32
    %broadcast_in_dim3A_2 = vector.broadcast %broadcast_in_dim3A_1 : f32 to vector<16xf32>
    %scan3A = arith.constant 0 : i32
    %scan3A_3 = arith.constant 0 : i32
    %scan3A_4 = arith.constant 128 : i32
    %scan3A_5 = arith.addi %scan3A_3, %scan3A_4 : i32
    %scan3A_6 = arith.constant 1 : i32
    %scan3A_7 = scf.for %scan3A_41 = %scan3A_3 to %scan3A_5 step %scan3A_6 iter_args(%scan3A_42 = %scan3A) -> (i32)  : i32 {
      %mul3A_43 = arith.constant 16 : i32
      %mul3A_44 = arith.muli %scan3A_41, %mul3A_43 : i32
      %swap3A = arith.index_cast %mul3A_44 : i32 to index
      %swap3A_45 = tpu.vector_load %arg5[%swap3A] {strides = array<i32>} : memref<2048xf32, #tpu.memory_space<vmem>>, vector<16xf32>,
      %swap3A_46 = vector.shape_cast %swap3A_45 : vector<16xf32> to vector<16xf32>
      %swap3A_47 = vector.shape_cast %broadcast_in_dim3A_0 : vector<16xf32> to vector<16xf32>
      tpu.vector_store %arg5[%swap3A], %swap3A_47 {strides = array<i32>} : memref<2048xf32, #tpu.memory_space<vmem>>, vector<16xf32>,
      %scan3A_48 = arith.constant 0 : i32
      scf.yield %scan3A_48 : i32
    }
    %scan3A_8 = arith.constant 128 : i32
    %scan3A_9 = arith.constant 0 : i32
    %scan3A_10 = arith.constant 0 : i32
    %scan3A_11 = arith.constant 2 : i32
    %scan3A_12 = arith.addi %scan3A_10, %scan3A_11 : i32
    %scan3A_13 = arith.constant 1 : i32
    %scan3A_14 = scf.for %scan3A_41 = %scan3A_10 to %scan3A_12 step %scan3A_13 iter_args(%scan3A_42 = %scan3A_9) -> (i32)  : i32 {
      %mul3A_43 = arith.constant 16 : i32
      %mul3A_44 = arith.muli %scan3A_41, %mul3A_43 : i32
      %swap3A = arith.index_cast %mul3A_44 : i32 to index
      %swap3A_45 = tpu.vector_load %arg6[%swap3A] {strides = array<i32>} : memref<32xf32, #tpu.memory_space<vmem>>, vector<16xf32>,
      %swap3A_46 = vector.shape_cast %swap3A_45 : vector<16xf32> to vector<16xf32>
      %swap3A_47 = vector.shape_cast %broadcast_in_dim3A_2 : vector<16xf32> to vector<16xf32>
      tpu.vector_store %arg6[%swap3A], %swap3A_47 {strides = array<i32>} : memref<32xf32, #tpu.memory_space<vmem>>, vector<16xf32>,
      %scan3A_48 = arith.constant 0 : i32
      scf.yield %scan3A_48 : i32
    }
    %scan3A_15 = arith.constant 2 : i32
    %lt3A = arith.constant 5 : i32
    %lt3A_16 = arith.cmpi slt, %arg1, %lt3A : i32
    %convert_element_type3A = arith.extui %lt3A_16 : i1 to i32
    %cond3A = arith.constant 0 : i32
    %cond3A_17 = arith.cmpi ne, %convert_element_type3A, %cond3A : i32
    scf.if %cond3A_17 {
      %mul3A_41 = arith.constant 2048 : i32
      %mul3A_42 = arith.muli %arg1, %mul3A_41 : i32
      "tpu.region"() ({
        %run_scoped3A = tpu.sem_alloc : memref<!tpu.dma_semaphore, #tpu.memory_space<semaphore_mem>>
        %dma_start3A = tpu.memref_slice %arg4[%mul3A_42] : memref<10240xf32, #tpu.memory_space<vmem_shared>> -> memref<2048xf32, #tpu.memory_space<vmem_shared>>
        %dma_start3A_43 = tpu.memref_slice %arg4[%mul3A_42] : memref<10240xf32, #tpu.memory_space<vmem_shared>> -> memref<2048xf32, #tpu.memory_space<vmem_shared>>
        tpu.enqueue_dma source(%arg5 : memref<2048xf32, #tpu.memory_space<vmem>>) target(%dma_start3A_43 : memref<2048xf32, #tpu.memory_space<vmem_shared>>) target_semaphore(%run_scoped3A : memref<!tpu.dma_semaphore, #tpu.memory_space<semaphore_mem>>)
        %dma_wait3A = tpu.memref_slice %arg4[%mul3A_42] : memref<10240xf32, #tpu.memory_space<vmem_shared>> -> memref<2048xf32, #tpu.memory_space<vmem_shared>>
        %dma_wait3A_44 = tpu.memref_slice %arg4[%mul3A_42] : memref<10240xf32, #tpu.memory_space<vmem_shared>> -> memref<2048xf32, #tpu.memory_space<vmem_shared>>
        tpu.wait_dma2 semaphore(%run_scoped3A : memref<!tpu.dma_semaphore, #tpu.memory_space<semaphore_mem>>) src(%arg5 : memref<2048xf32, #tpu.memory_space<vmem>>) dst(%dma_wait3A_44 : memref<2048xf32, #tpu.memory_space<vmem_shared>>)
        tpu.yield
      }) : () -> ()
    } else {
    }
    %mul3A = arith.constant 5120 : i32
    %mul3A_18 = arith.muli %arg0, %mul3A : i32
    %mul3A_19 = arith.constant 320 : i32
    %mul3A_20 = arith.muli %arg1, %mul3A_19 : i32
    %add3A = arith.addi %mul3A_18, %mul3A_20 : i32
    "tpu.region"() ({
      %run_scoped3A = tpu.sem_alloc : memref<!tpu.dma_semaphore, #tpu.memory_space<semaphore_mem>>
      %dma_start3A = arith.constant 0 : i32
      %dma_start3A_41 = tpu.memref_slice %arg2[%add3A, %dma_start3A] : memref<10240x32xi32, #tpu.memory_space<hbm>> -> memref<320x32xi32, #tpu.memory_space<hbm>>
      %dma_start3A_42 = arith.constant 0 : i32
      %dma_start3A_43 = tpu.memref_slice %arg2[%add3A, %dma_start3A_42] : memref<10240x32xi32, #tpu.memory_space<hbm>> -> memref<320x32xi32, #tpu.memory_space<hbm>>
      tpu.enqueue_dma source(%dma_start3A_43 : memref<320x32xi32, #tpu.memory_space<hbm>>) target(%arg7 : memref<320x32xi32, #tpu.memory_space<vmem>>) target_semaphore(%run_scoped3A : memref<!tpu.dma_semaphore, #tpu.memory_space<semaphore_mem>>)
      %dma_wait3A = arith.constant 0 : i32
      %dma_wait3A_44 = tpu.memref_slice %arg2[%add3A, %dma_wait3A] : memref<10240x32xi32, #tpu.memory_space<hbm>> -> memref<320x32xi32, #tpu.memory_space<hbm>>
      %dma_wait3A_45 = arith.constant 0 : i32
      %dma_wait3A_46 = tpu.memref_slice %arg2[%add3A, %dma_wait3A_45] : memref<10240x32xi32, #tpu.memory_space<hbm>> -> memref<320x32xi32, #tpu.memory_space<hbm>>
      tpu.wait_dma2 semaphore(%run_scoped3A : memref<!tpu.dma_semaphore, #tpu.memory_space<semaphore_mem>>) src(%dma_wait3A_46 : memref<320x32xi32, #tpu.memory_space<hbm>>) dst(%arg7 : memref<320x32xi32, #tpu.memory_space<vmem>>)
      tpu.yield
    }) : () -> ()
    %barrier3A = arith.constant 0 : index
    tpu.barrier barrier_id(%barrier3A)
    %scan3A_21 = arith.constant 0 : i32
    %scan3A_22 = arith.constant 0 : i32
    %scan3A_23 = arith.constant 320 : i32
    %scan3A_24 = arith.addi %scan3A_22, %scan3A_23 : i32
    %scan3A_25 = arith.constant 1 : i32
    %scan3A_26 = scf.for %scan3A_41 = %scan3A_22 to %scan3A_24 step %scan3A_25 iter_args(%scan3A_42 = %scan3A_21) -> (i32)  : i32 {
      %dma_start3A = arith.constant 0 : i32
      %dma_start3A_43 = tpu.memref_slice %arg7[%scan3A_41, %dma_start3A] : memref<320x32xi32, #tpu.memory_space<vmem>> -> memref<1x32xi32, #tpu.memory_space<vmem>>
      %dma_start3A_44 = tpu.memref_squeeze %dma_start3A_43 : memref<1x32xi32, #tpu.memory_space<vmem>> -> memref<32xi32, #tpu.memory_space<vmem>>
      %dma_start3A_45 = arith.constant 0 : i32
      %dma_start3A_46 = tpu.memref_slice %arg4[%dma_start3A_45] : memref<10240xf32, #tpu.memory_space<vmem_shared>> -> memref<10240xf32, #tpu.memory_space<vmem_shared>>
      tpu.enqueue_indirect_dma source(%arg6 : memref<32xf32, #tpu.memory_space<vmem>>) target(%dma_start3A_46 : memref<10240xf32, #tpu.memory_space<vmem_shared>>) offsets(%dma_start3A_44 : memref<32xi32, #tpu.memory_space<vmem>>) semaphore(%arg8 : memref<!tpu.dma_semaphore, #tpu.memory_space<semaphore_mem>>) {add = true}
      %scan3A_47 = arith.constant 0 : i32
      scf.yield %scan3A_47 : i32
    }
    %scan3A_27 = arith.constant 320 : i32
    %scan3A_28 = arith.constant 0 : i32
    %scan3A_29 = arith.constant 0 : i32
    %scan3A_30 = arith.constant 320 : i32
    %scan3A_31 = arith.addi %scan3A_29, %scan3A_30 : i32
    %scan3A_32 = arith.constant 1 : i32
    %scan3A_33 = scf.for %scan3A_41 = %scan3A_29 to %scan3A_31 step %scan3A_32 iter_args(%scan3A_42 = %scan3A_28) -> (i32)  : i32 {
      %dma_wait3A = arith.constant 0 : i32
      %dma_wait3A_43 = tpu.memref_slice %arg4[%dma_wait3A] : memref<10240xf32, #tpu.memory_space<vmem_shared>> -> memref<32xf32, #tpu.memory_space<vmem_shared>>
      %dma_wait3A_44 = arith.constant 0 : i32
      %dma_wait3A_45 = tpu.memref_slice %arg4[%dma_wait3A_44] : memref<10240xf32, #tpu.memory_space<vmem_shared>> -> memref<32xf32, #tpu.memory_space<vmem_shared>>
      tpu.wait_dma2 semaphore(%arg8 : memref<!tpu.dma_semaphore, #tpu.memory_space<semaphore_mem>>) src(%arg6 : memref<32xf32, #tpu.memory_space<vmem>>) dst(%dma_wait3A_45 : memref<32xf32, #tpu.memory_space<vmem_shared>>)
      %scan3A_46 = arith.constant 0 : i32
      scf.yield %scan3A_46 : i32
    }
    %scan3A_34 = arith.constant 320 : i32
    %barrier3A_35 = arith.constant 0 : index
    tpu.barrier barrier_id(%barrier3A_35)
    %lt3A_36 = arith.constant 10 : i32
    %lt3A_37 = arith.cmpi slt, %arg1, %lt3A_36 : i32
    %convert_element_type3A_38 = arith.extui %lt3A_37 : i1 to i32
    %cond3A_39 = arith.constant 0 : i32
    %cond3A_40 = arith.cmpi ne, %convert_element_type3A_38, %cond3A_39 : i32
    scf.if %cond3A_40 {
      %mul3A_41 = arith.constant 1000 : i32
      %mul3A_42 = arith.muli %arg1, %mul3A_41 : i32
      "tpu.region"() ({
        %run_scoped3A = tpu.sem_alloc : memref<!tpu.dma_semaphore, #tpu.memory_space<semaphore_mem>>
        %dma_start3A = arith.constant 0 : i32
        %dma_start3A_48 = tpu.memref_slice %arg5[%dma_start3A] : memref<2048xf32, #tpu.memory_space<vmem>> -> memref<1000xf32, #tpu.memory_space<vmem>>
        %dma_start3A_49 = tpu.memref_slice %arg4[%mul3A_42] : memref<10240xf32, #tpu.memory_space<vmem_shared>> -> memref<1000xf32, #tpu.memory_space<vmem_shared>>
        %dma_start3A_50 = arith.constant 0 : i32
        %dma_start3A_51 = tpu.memref_slice %arg5[%dma_start3A_50] : memref<2048xf32, #tpu.memory_space<vmem>> -> memref<1000xf32, #tpu.memory_space<vmem>>
        %dma_start3A_52 = tpu.memref_slice %arg4[%mul3A_42] : memref<10240xf32, #tpu.memory_space<vmem_shared>> -> memref<1000xf32, #tpu.memory_space<vmem_shared>>
        tpu.enqueue_dma source(%dma_start3A_52 : memref<1000xf32, #tpu.memory_space<vmem_shared>>) target(%dma_start3A_51 : memref<1000xf32, #tpu.memory_space<vmem>>) target_semaphore(%run_scoped3A : memref<!tpu.dma_semaphore, #tpu.memory_space<semaphore_mem>>)
        %dma_wait3A = arith.constant 0 : i32
        %dma_wait3A_53 = tpu.memref_slice %arg5[%dma_wait3A] : memref<2048xf32, #tpu.memory_space<vmem>> -> memref<1000xf32, #tpu.memory_space<vmem>>
        %dma_wait3A_54 = tpu.memref_slice %arg4[%mul3A_42] : memref<10240xf32, #tpu.memory_space<vmem_shared>> -> memref<1000xf32, #tpu.memory_space<vmem_shared>>
        %dma_wait3A_55 = arith.constant 0 : i32
        %dma_wait3A_56 = tpu.memref_slice %arg5[%dma_wait3A_55] : memref<2048xf32, #tpu.memory_space<vmem>> -> memref<1000xf32, #tpu.memory_space<vmem>>
        %dma_wait3A_57 = tpu.memref_slice %arg4[%mul3A_42] : memref<10240xf32, #tpu.memory_space<vmem_shared>> -> memref<1000xf32, #tpu.memory_space<vmem_shared>>
        tpu.wait_dma2 semaphore(%run_scoped3A : memref<!tpu.dma_semaphore, #tpu.memory_space<semaphore_mem>>) src(%dma_wait3A_57 : memref<1000xf32, #tpu.memory_space<vmem_shared>>) dst(%dma_wait3A_56 : memref<1000xf32, #tpu.memory_space<vmem>>)
        tpu.yield
      }) : () -> ()
      %mul3A_43 = arith.constant 10000 : i32
      %mul3A_44 = arith.muli %arg0, %mul3A_43 : i32
      %mul3A_45 = arith.constant 1000 : i32
      %mul3A_46 = arith.muli %arg1, %mul3A_45 : i32
      %add3A_47 = arith.addi %mul3A_44, %mul3A_46 : i32
      "tpu.region"() ({
        %run_scoped3A = tpu.sem_alloc : memref<!tpu.dma_semaphore, #tpu.memory_space<semaphore_mem>>
        %dma_start3A = arith.constant 0 : i32
        %dma_start3A_48 = tpu.memref_slice %arg5[%dma_start3A] : memref<2048xf32, #tpu.memory_space<vmem>> -> memref<1000xf32, #tpu.memory_space<vmem>>
        %dma_start3A_49 = tpu.memref_slice %arg3[%add3A_47] : memref<20000xf32, #tpu.memory_space<hbm>> -> memref<1000xf32, #tpu.memory_space<hbm>>
        %dma_start3A_50 = tpu.memref_slice %arg3[%add3A_47] : memref<20000xf32, #tpu.memory_space<hbm>> -> memref<1000xf32, #tpu.memory_space<hbm>>
        %dma_start3A_51 = arith.constant 0 : i32
        %dma_start3A_52 = tpu.memref_slice %arg5[%dma_start3A_51] : memref<2048xf32, #tpu.memory_space<vmem>> -> memref<1000xf32, #tpu.memory_space<vmem>>
        tpu.enqueue_dma source(%dma_start3A_52 : memref<1000xf32, #tpu.memory_space<vmem>>) target(%dma_start3A_50 : memref<1000xf32, #tpu.memory_space<hbm>>) target_semaphore(%run_scoped3A : memref<!tpu.dma_semaphore, #tpu.memory_space<semaphore_mem>>)
        %dma_wait3A = arith.constant 0 : i32
        %dma_wait3A_53 = tpu.memref_slice %arg5[%dma_wait3A] : memref<2048xf32, #tpu.memory_space<vmem>> -> memref<1000xf32, #tpu.memory_space<vmem>>
        %dma_wait3A_54 = tpu.memref_slice %arg3[%add3A_47] : memref<20000xf32, #tpu.memory_space<hbm>> -> memref<1000xf32, #tpu.memory_space<hbm>>
        %dma_wait3A_55 = tpu.memref_slice %arg3[%add3A_47] : memref<20000xf32, #tpu.memory_space<hbm>> -> memref<1000xf32, #tpu.memory_space<hbm>>
        %dma_wait3A_56 = arith.constant 0 : i32
        %dma_wait3A_57 = tpu.memref_slice %arg5[%dma_wait3A_56] : memref<2048xf32, #tpu.memory_space<vmem>> -> memref<1000xf32, #tpu.memory_space<vmem>>
        tpu.wait_dma2 semaphore(%run_scoped3A : memref<!tpu.dma_semaphore, #tpu.memory_space<semaphore_mem>>) src(%dma_wait3A_57 : memref<1000xf32, #tpu.memory_space<vmem>>) dst(%dma_wait3A_55 : memref<1000xf32, #tpu.memory_space<hbm>>)
        tpu.yield
      }) : () -> ()
    } else {
    }
    return
  }
}

#map = affine_map<(d0, d1) -> (0, 0)>
module attributes {stable_mosaic.version = 14 : i64} {
  func.func @sc_edge_scatter(%arg0: i32, %arg1: i32, %arg2: memref<10000x128xf32, #tpu.memory_space<hbm>>, %arg3: memref<10240x32xi32, #tpu.memory_space<hbm>>, %arg4: memref<10240x32xi32, #tpu.memory_space<hbm>>, %arg5: memref<20480x128xf32, #tpu.memory_space<hbm>>, %arg6: memref<10240x128xf32, #tpu.memory_space<vmem_shared>>, %arg7: memref<32x128xf32, #tpu.memory_space<vmem>>, %arg8: memref<32x128xf32, #tpu.memory_space<vmem>>, %arg9: memref<32x128xf32, #tpu.memory_space<vmem>>, %arg10: memref<32x128xf32, #tpu.memory_space<vmem>>, %arg11: memref<80x32xi32, #tpu.memory_space<vmem>>, %arg12: memref<80x32xi32, #tpu.memory_space<vmem>>, %arg13: memref<!tpu.dma_semaphore, #tpu.memory_space<semaphore_mem>>, %arg14: memref<!tpu.dma_semaphore, #tpu.memory_space<semaphore_mem>>, %arg15: memref<!tpu.dma_semaphore, #tpu.memory_space<semaphore_mem>>, %arg16: memref<!tpu.dma_semaphore, #tpu.memory_space<semaphore_mem>>, %arg17: memref<!tpu.dma_semaphore, #tpu.memory_space<semaphore_mem>>, %arg18: memref<!tpu.dma_semaphore, #tpu.memory_space<semaphore_mem>>, %arg19: memref<!tpu.dma_semaphore, #tpu.memory_space<semaphore_mem>>, %arg20: memref<!tpu.dma_semaphore, #tpu.memory_space<semaphore_mem>>) attributes {dimension_semantics = [#tpu.dimension_semantics<core_parallel>, #tpu.dimension_semantics<subcore_parallel>], iteration_bounds = array<i64: 2, 16>, scalar_prefetch = 0 : i64, scratch_operands = 15 : i64, tpu.core_type = #tpu.core_type<sc_vector_subcore>, window_params = [{transform_indices = #map}, {transform_indices = #map}, {transform_indices = #map}, {transform_indices = #map}]} {
    %broadcast_in_dim3A = arith.constant 0.000000e+00 : f32
    %broadcast_in_dim3A_0 = vector.broadcast %broadcast_in_dim3A : f32 to vector<16xf32>
    %scan3A = arith.constant 0 : i32
    %scan3A_1 = arith.constant 0 : i32
    %scan3A_2 = arith.constant 256 : i32
    %scan3A_3 = arith.addi %scan3A_1, %scan3A_2 : i32
    %scan3A_4 = arith.constant 1 : i32
    %scan3A_5 = scf.for %scan3A_182 = %scan3A_1 to %scan3A_3 step %scan3A_4 iter_args(%scan3A_183 = %scan3A) -> (i32)  : i32 {
      %jit3A = arith.constant 8 : i32
      %div3A = arith.divsi %scan3A_182, %jit3A : i32
      %sign3A = arith.constant 0 : i32
      %sign3A_184 = arith.cmpi sgt, %scan3A_182, %sign3A : i32
      %sign3A_185 = arith.extui %sign3A_184 : i1 to i32
      %sign3A_186 = arith.constant 0 : i32
      %sign3A_187 = arith.cmpi slt, %scan3A_182, %sign3A_186 : i32
      %sign3A_188 = arith.extui %sign3A_187 : i1 to i32
      %sign3A_189 = arith.subi %sign3A_185, %sign3A_188 : i32
      %sign3A_190 = arith.constant 0 : i32
      %sign3A_191 = arith.cmpi sgt, %jit3A, %sign3A_190 : i32
      %sign3A_192 = arith.extui %sign3A_191 : i1 to i32
      %sign3A_193 = arith.constant 0 : i32
      %sign3A_194 = arith.cmpi slt, %jit3A, %sign3A_193 : i32
      %sign3A_195 = arith.extui %sign3A_194 : i1 to i32
      %sign3A_196 = arith.subi %sign3A_192, %sign3A_195 : i32
      %ne3A = arith.cmpi ne, %sign3A_189, %sign3A_196 : i32
      %rem3A = arith.remsi %scan3A_182, %jit3A : i32
      %ne3A_197 = arith.constant 0 : i32
      %ne3A_198 = arith.cmpi ne, %rem3A, %ne3A_197 : i32
      %and3A = arith.andi %ne3A, %ne3A_198 : i1
      %sub3A = arith.constant 1 : i32
      %sub3A_199 = arith.subi %div3A, %sub3A : i32
      %select_n3A = arith.select %and3A, %sub3A_199, %div3A : i32
      %jit3A_200 = arith.constant 8 : i32
      %eq3A = arith.constant 0 : i32
      %eq3A_201 = arith.cmpi eq, %jit3A_200, %eq3A : i32
      %jit3A_202 = arith.constant 1 : i32
      %select_n3A_203 = arith.select %eq3A_201, %jit3A_202, %jit3A_200 : i32
      %rem3A_204 = arith.remsi %scan3A_182, %select_n3A_203 : i32
      %ne3A_205 = arith.constant 0 : i32
      %ne3A_206 = arith.cmpi ne, %rem3A_204, %ne3A_205 : i32
      %lt3A = arith.constant 0 : i32
      %lt3A_207 = arith.cmpi slt, %rem3A_204, %lt3A : i32
      %lt3A_208 = arith.constant 0 : i32
      %lt3A_209 = arith.cmpi slt, %select_n3A_203, %lt3A_208 : i32
      %ne3A_210 = arith.xori %lt3A_207, %lt3A_209 : i1
      %and3A_211 = arith.andi %ne3A_210, %ne3A_206 : i1
      %add3A_212 = arith.addi %rem3A_204, %select_n3A_203 : i32
      %select_n3A_213 = arith.select %and3A_211, %add3A_212, %rem3A_204 : i32
      %mul3A_214 = arith.constant 16 : i32
      %mul3A_215 = arith.muli %select_n3A_213, %mul3A_214 : i32
      %swap3A = arith.index_cast %select_n3A : i32 to index
      %swap3A_216 = arith.index_cast %mul3A_215 : i32 to index
      %swap3A_217 = tpu.vector_load %arg7[%swap3A, %swap3A_216] {strides = array<i32>} : memref<32x128xf32, #tpu.memory_space<vmem>>, vector<1x16xf32>,
      %swap3A_218 = vector.shape_cast %swap3A_217 : vector<1x16xf32> to vector<16xf32>
      %swap3A_219 = vector.shape_cast %broadcast_in_dim3A_0 : vector<16xf32> to vector<1x16xf32>
      tpu.vector_store %arg7[%swap3A, %swap3A_216], %swap3A_219 {strides = array<i32>} : memref<32x128xf32, #tpu.memory_space<vmem>>, vector<1x16xf32>,
      %scan3A_220 = arith.constant 0 : i32
      scf.yield %scan3A_220 : i32
    }
    %scan3A_6 = arith.constant 256 : i32
    %scan3A_7 = arith.constant 0 : i32
    %scan3A_8 = arith.constant 0 : i32
    %scan3A_9 = arith.constant 20 : i32
    %scan3A_10 = arith.addi %scan3A_8, %scan3A_9 : i32
    %scan3A_11 = arith.constant 1 : i32
    %scan3A_12 = scf.for %scan3A_182 = %scan3A_8 to %scan3A_10 step %scan3A_11 iter_args(%scan3A_183 = %scan3A_7) -> (i32)  : i32 {
      %mul3A_184 = arith.constant 640 : i32
      %mul3A_185 = arith.muli %arg1, %mul3A_184 : i32
      %mul3A_186 = arith.constant 32 : i32
      %mul3A_187 = arith.muli %scan3A_182, %mul3A_186 : i32
      %add3A_188 = arith.addi %mul3A_185, %mul3A_187 : i32
      "tpu.region"() ({
        %run_scoped3A = tpu.sem_alloc : memref<!tpu.dma_semaphore, #tpu.memory_space<semaphore_mem>>
        %dma_start3A_190 = arith.constant 0 : i32
        %dma_start3A_191 = tpu.memref_slice %arg6[%add3A_188, %dma_start3A_190] : memref<10240x128xf32, #tpu.memory_space<vmem_shared>> -> memref<32x128xf32, #tpu.memory_space<vmem_shared>>
        %dma_start3A_192 = arith.constant 0 : i32
        %dma_start3A_193 = tpu.memref_slice %arg6[%add3A_188, %dma_start3A_192] : memref<10240x128xf32, #tpu.memory_space<vmem_shared>> -> memref<32x128xf32, #tpu.memory_space<vmem_shared>>
        tpu.enqueue_dma source(%arg7 : memref<32x128xf32, #tpu.memory_space<vmem>>) target(%dma_start3A_193 : memref<32x128xf32, #tpu.memory_space<vmem_shared>>) target_semaphore(%run_scoped3A : memref<!tpu.dma_semaphore, #tpu.memory_space<semaphore_mem>>)
        %dma_wait3A_194 = arith.constant 0 : i32
        %dma_wait3A_195 = tpu.memref_slice %arg6[%add3A_188, %dma_wait3A_194] : memref<10240x128xf32, #tpu.memory_space<vmem_shared>> -> memref<32x128xf32, #tpu.memory_space<vmem_shared>>
        %dma_wait3A_196 = arith.constant 0 : i32
        %dma_wait3A_197 = tpu.memref_slice %arg6[%add3A_188, %dma_wait3A_196] : memref<10240x128xf32, #tpu.memory_space<vmem_shared>> -> memref<32x128xf32, #tpu.memory_space<vmem_shared>>
        tpu.wait_dma2 semaphore(%run_scoped3A : memref<!tpu.dma_semaphore, #tpu.memory_space<semaphore_mem>>) src(%arg7 : memref<32x128xf32, #tpu.memory_space<vmem>>) dst(%dma_wait3A_197 : memref<32x128xf32, #tpu.memory_space<vmem_shared>>)
        tpu.yield
      }) : () -> ()
      %scan3A_189 = arith.constant 0 : i32
      scf.yield %scan3A_189 : i32
    }
    %scan3A_13 = arith.constant 20 : i32
    %barrier3A = arith.constant 0 : index
    tpu.barrier barrier_id(%barrier3A)
    %mul3A = arith.constant 5120 : i32
    %mul3A_14 = arith.muli %arg0, %mul3A : i32
    %mul3A_15 = arith.constant 320 : i32
    %mul3A_16 = arith.muli %arg1, %mul3A_15 : i32
    %add3A = arith.addi %mul3A_14, %mul3A_16 : i32
    %add3A_17 = arith.constant 0 : i32
    %add3A_18 = arith.addi %add3A, %add3A_17 : i32
    "tpu.region"() ({
      %run_scoped3A = tpu.sem_alloc : memref<!tpu.dma_semaphore, #tpu.memory_space<semaphore_mem>>
      %dma_start3A_182 = arith.constant 0 : i32
      %dma_start3A_183 = tpu.memref_slice %arg3[%add3A_18, %dma_start3A_182] : memref<10240x32xi32, #tpu.memory_space<hbm>> -> memref<80x32xi32, #tpu.memory_space<hbm>>
      %dma_start3A_184 = arith.constant 0 : i32
      %dma_start3A_185 = tpu.memref_slice %arg3[%add3A_18, %dma_start3A_184] : memref<10240x32xi32, #tpu.memory_space<hbm>> -> memref<80x32xi32, #tpu.memory_space<hbm>>
      tpu.enqueue_dma source(%dma_start3A_185 : memref<80x32xi32, #tpu.memory_space<hbm>>) target(%arg11 : memref<80x32xi32, #tpu.memory_space<vmem>>) target_semaphore(%run_scoped3A : memref<!tpu.dma_semaphore, #tpu.memory_space<semaphore_mem>>)
      %dma_wait3A_186 = arith.constant 0 : i32
      %dma_wait3A_187 = tpu.memref_slice %arg3[%add3A_18, %dma_wait3A_186] : memref<10240x32xi32, #tpu.memory_space<hbm>> -> memref<80x32xi32, #tpu.memory_space<hbm>>
      %dma_wait3A_188 = arith.constant 0 : i32
      %dma_wait3A_189 = tpu.memref_slice %arg3[%add3A_18, %dma_wait3A_188] : memref<10240x32xi32, #tpu.memory_space<hbm>> -> memref<80x32xi32, #tpu.memory_space<hbm>>
      tpu.wait_dma2 semaphore(%run_scoped3A : memref<!tpu.dma_semaphore, #tpu.memory_space<semaphore_mem>>) src(%dma_wait3A_189 : memref<80x32xi32, #tpu.memory_space<hbm>>) dst(%arg11 : memref<80x32xi32, #tpu.memory_space<vmem>>)
      tpu.yield
    }) : () -> ()
    "tpu.region"() ({
      %run_scoped3A = tpu.sem_alloc : memref<!tpu.dma_semaphore, #tpu.memory_space<semaphore_mem>>
      %dma_start3A_182 = arith.constant 0 : i32
      %dma_start3A_183 = tpu.memref_slice %arg4[%add3A_18, %dma_start3A_182] : memref<10240x32xi32, #tpu.memory_space<hbm>> -> memref<80x32xi32, #tpu.memory_space<hbm>>
      %dma_start3A_184 = arith.constant 0 : i32
      %dma_start3A_185 = tpu.memref_slice %arg4[%add3A_18, %dma_start3A_184] : memref<10240x32xi32, #tpu.memory_space<hbm>> -> memref<80x32xi32, #tpu.memory_space<hbm>>
      tpu.enqueue_dma source(%dma_start3A_185 : memref<80x32xi32, #tpu.memory_space<hbm>>) target(%arg12 : memref<80x32xi32, #tpu.memory_space<vmem>>) target_semaphore(%run_scoped3A : memref<!tpu.dma_semaphore, #tpu.memory_space<semaphore_mem>>)
      %dma_wait3A_186 = arith.constant 0 : i32
      %dma_wait3A_187 = tpu.memref_slice %arg4[%add3A_18, %dma_wait3A_186] : memref<10240x32xi32, #tpu.memory_space<hbm>> -> memref<80x32xi32, #tpu.memory_space<hbm>>
      %dma_wait3A_188 = arith.constant 0 : i32
      %dma_wait3A_189 = tpu.memref_slice %arg4[%add3A_18, %dma_wait3A_188] : memref<10240x32xi32, #tpu.memory_space<hbm>> -> memref<80x32xi32, #tpu.memory_space<hbm>>
      tpu.wait_dma2 semaphore(%run_scoped3A : memref<!tpu.dma_semaphore, #tpu.memory_space<semaphore_mem>>) src(%dma_wait3A_189 : memref<80x32xi32, #tpu.memory_space<hbm>>) dst(%arg12 : memref<80x32xi32, #tpu.memory_space<vmem>>)
      tpu.yield
    }) : () -> ()
    %dma_start3A = arith.constant 0 : i32
    %dma_start3A_19 = arith.constant 0 : i32
    %dma_start3A_20 = tpu.memref_slice %arg11[%dma_start3A, %dma_start3A_19] : memref<80x32xi32, #tpu.memory_space<vmem>> -> memref<1x32xi32, #tpu.memory_space<vmem>>
    %dma_start3A_21 = tpu.memref_squeeze %dma_start3A_20 : memref<1x32xi32, #tpu.memory_space<vmem>> -> memref<32xi32, #tpu.memory_space<vmem>>
    %dma_start3A_22 = arith.constant 0 : i32
    %dma_start3A_23 = arith.constant 0 : i32
    %dma_start3A_24 = tpu.memref_slice %arg2[%dma_start3A_22, %dma_start3A_23] : memref<10000x128xf32, #tpu.memory_space<hbm>> -> memref<10000x128xf32, #tpu.memory_space<hbm>>
    tpu.enqueue_indirect_dma source(%dma_start3A_24 : memref<10000x128xf32, #tpu.memory_space<hbm>>) target(%arg7 : memref<32x128xf32, #tpu.memory_space<vmem>>) offsets(%dma_start3A_21 : memref<32xi32, #tpu.memory_space<vmem>>) semaphore(%arg13 : memref<!tpu.dma_semaphore, #tpu.memory_space<semaphore_mem>>)
    %dma_start3A_25 = arith.constant 1 : i32
    %dma_start3A_26 = arith.constant 0 : i32
    %dma_start3A_27 = tpu.memref_slice %arg11[%dma_start3A_25, %dma_start3A_26] : memref<80x32xi32, #tpu.memory_space<vmem>> -> memref<1x32xi32, #tpu.memory_space<vmem>>
    %dma_start3A_28 = tpu.memref_squeeze %dma_start3A_27 : memref<1x32xi32, #tpu.memory_space<vmem>> -> memref<32xi32, #tpu.memory_space<vmem>>
    %dma_start3A_29 = arith.constant 0 : i32
    %dma_start3A_30 = arith.constant 0 : i32
    %dma_start3A_31 = tpu.memref_slice %arg2[%dma_start3A_29, %dma_start3A_30] : memref<10000x128xf32, #tpu.memory_space<hbm>> -> memref<10000x128xf32, #tpu.memory_space<hbm>>
    tpu.enqueue_indirect_dma source(%dma_start3A_31 : memref<10000x128xf32, #tpu.memory_space<hbm>>) target(%arg8 : memref<32x128xf32, #tpu.memory_space<vmem>>) offsets(%dma_start3A_28 : memref<32xi32, #tpu.memory_space<vmem>>) semaphore(%arg14 : memref<!tpu.dma_semaphore, #tpu.memory_space<semaphore_mem>>)
    %dma_start3A_32 = arith.constant 2 : i32
    %dma_start3A_33 = arith.constant 0 : i32
    %dma_start3A_34 = tpu.memref_slice %arg11[%dma_start3A_32, %dma_start3A_33] : memref<80x32xi32, #tpu.memory_space<vmem>> -> memref<1x32xi32, #tpu.memory_space<vmem>>
    %dma_start3A_35 = tpu.memref_squeeze %dma_start3A_34 : memref<1x32xi32, #tpu.memory_space<vmem>> -> memref<32xi32, #tpu.memory_space<vmem>>
    %dma_start3A_36 = arith.constant 0 : i32
    %dma_start3A_37 = arith.constant 0 : i32
    %dma_start3A_38 = tpu.memref_slice %arg2[%dma_start3A_36, %dma_start3A_37] : memref<10000x128xf32, #tpu.memory_space<hbm>> -> memref<10000x128xf32, #tpu.memory_space<hbm>>
    tpu.enqueue_indirect_dma source(%dma_start3A_38 : memref<10000x128xf32, #tpu.memory_space<hbm>>) target(%arg9 : memref<32x128xf32, #tpu.memory_space<vmem>>) offsets(%dma_start3A_35 : memref<32xi32, #tpu.memory_space<vmem>>) semaphore(%arg15 : memref<!tpu.dma_semaphore, #tpu.memory_space<semaphore_mem>>)
    %scan3A_39 = arith.constant 0 : i32
    %scan3A_40 = arith.constant 0 : i32
    %scan3A_41 = arith.constant 20 : i32
    %scan3A_42 = arith.addi %scan3A_40, %scan3A_41 : i32
    %scan3A_43 = arith.constant 1 : i32
    %scan3A_44 = scf.for %scan3A_182 = %scan3A_40 to %scan3A_42 step %scan3A_43 iter_args(%scan3A_183 = %scan3A_39) -> (i32)  : i32 {
      %mul3A_184 = arith.constant 4 : i32
      %mul3A_185 = arith.muli %scan3A_182, %mul3A_184 : i32
      %add3A_186 = arith.constant 0 : i32
      %add3A_187 = arith.addi %mul3A_185, %add3A_186 : i32
      %gt3A = arith.constant 0 : i32
      %gt3A_188 = arith.cmpi sgt, %add3A_187, %gt3A : i32
      %convert_element_type3A = arith.extui %gt3A_188 : i1 to i32
      %cond3A = arith.constant 0 : i32
      %cond3A_189 = arith.cmpi ne, %convert_element_type3A, %cond3A : i32
      scf.if %cond3A_189 {
        %dma_wait3A_300 = arith.constant 0 : i32
        %dma_wait3A_301 = arith.constant 0 : i32
        %dma_wait3A_302 = tpu.memref_slice %arg6[%dma_wait3A_300, %dma_wait3A_301] : memref<10240x128xf32, #tpu.memory_space<vmem_shared>> -> memref<32x128xf32, #tpu.memory_space<vmem_shared>>
        %dma_wait3A_303 = arith.constant 0 : i32
        %dma_wait3A_304 = arith.constant 0 : i32
        %dma_wait3A_305 = tpu.memref_slice %arg6[%dma_wait3A_303, %dma_wait3A_304] : memref<10240x128xf32, #tpu.memory_space<vmem_shared>> -> memref<32x128xf32, #tpu.memory_space<vmem_shared>>
        tpu.wait_dma2 semaphore(%arg20 : memref<!tpu.dma_semaphore, #tpu.memory_space<semaphore_mem>>) src(%arg10 : memref<32x128xf32, #tpu.memory_space<vmem>>) dst(%dma_wait3A_305 : memref<32x128xf32, #tpu.memory_space<vmem_shared>>)
      } else {
      }
      %add3A_190 = arith.constant 4 : i32
      %add3A_191 = arith.addi %add3A_187, %add3A_190 : i32
      %sub3A = arith.constant 1 : i32
      %sub3A_192 = arith.subi %add3A_191, %sub3A : i32
      %lt3A = arith.constant 80 : i32
      %lt3A_193 = arith.cmpi slt, %sub3A_192, %lt3A : i32
      %convert_element_type3A_194 = arith.extui %lt3A_193 : i1 to i32
      %cond3A_195 = arith.constant 0 : i32
      %cond3A_196 = arith.cmpi ne, %convert_element_type3A_194, %cond3A_195 : i32
      scf.if %cond3A_196 {
        %add3A_300 = arith.constant 4 : i32
        %add3A_301 = arith.addi %add3A_187, %add3A_300 : i32
        %sub3A_302 = arith.constant 1 : i32
        %sub3A_303 = arith.subi %add3A_301, %sub3A_302 : i32
        %dma_start3A_304 = arith.constant 0 : i32
        %dma_start3A_305 = tpu.memref_slice %arg11[%sub3A_303, %dma_start3A_304] : memref<80x32xi32, #tpu.memory_space<vmem>> -> memref<1x32xi32, #tpu.memory_space<vmem>>
        %dma_start3A_306 = tpu.memref_squeeze %dma_start3A_305 : memref<1x32xi32, #tpu.memory_space<vmem>> -> memref<32xi32, #tpu.memory_space<vmem>>
        %dma_start3A_307 = arith.constant 0 : i32
        %dma_start3A_308 = arith.constant 0 : i32
        %dma_start3A_309 = tpu.memref_slice %arg2[%dma_start3A_307, %dma_start3A_308] : memref<10000x128xf32, #tpu.memory_space<hbm>> -> memref<10000x128xf32, #tpu.memory_space<hbm>>
        tpu.enqueue_indirect_dma source(%dma_start3A_309 : memref<10000x128xf32, #tpu.memory_space<hbm>>) target(%arg10 : memref<32x128xf32, #tpu.memory_space<vmem>>) offsets(%dma_start3A_306 : memref<32xi32, #tpu.memory_space<vmem>>) semaphore(%arg16 : memref<!tpu.dma_semaphore, #tpu.memory_space<semaphore_mem>>)
      } else {
      }
      %dma_wait3A_197 = arith.constant 0 : i32
      %dma_wait3A_198 = arith.constant 0 : i32
      %dma_wait3A_199 = tpu.memref_slice %arg2[%dma_wait3A_197, %dma_wait3A_198] : memref<10000x128xf32, #tpu.memory_space<hbm>> -> memref<32x128xf32, #tpu.memory_space<hbm>>
      %dma_wait3A_200 = arith.constant 0 : i32
      %dma_wait3A_201 = arith.constant 0 : i32
      %dma_wait3A_202 = tpu.memref_slice %arg2[%dma_wait3A_200, %dma_wait3A_201] : memref<10000x128xf32, #tpu.memory_space<hbm>> -> memref<32x128xf32, #tpu.memory_space<hbm>>
      tpu.wait_dma2 semaphore(%arg13 : memref<!tpu.dma_semaphore, #tpu.memory_space<semaphore_mem>>) src(%dma_wait3A_202 : memref<32x128xf32, #tpu.memory_space<hbm>>) dst(%arg7 : memref<32x128xf32, #tpu.memory_space<vmem>>)
      %dma_start3A_203 = arith.constant 0 : i32
      %dma_start3A_204 = tpu.memref_slice %arg12[%add3A_187, %dma_start3A_203] : memref<80x32xi32, #tpu.memory_space<vmem>> -> memref<1x32xi32, #tpu.memory_space<vmem>>
      %dma_start3A_205 = tpu.memref_squeeze %dma_start3A_204 : memref<1x32xi32, #tpu.memory_space<vmem>> -> memref<32xi32, #tpu.memory_space<vmem>>
      %dma_start3A_206 = arith.constant 0 : i32
      %dma_start3A_207 = arith.constant 0 : i32
      %dma_start3A_208 = tpu.memref_slice %arg6[%dma_start3A_206, %dma_start3A_207] : memref<10240x128xf32, #tpu.memory_space<vmem_shared>> -> memref<10240x128xf32, #tpu.memory_space<vmem_shared>>
      tpu.enqueue_indirect_dma source(%arg7 : memref<32x128xf32, #tpu.memory_space<vmem>>) target(%dma_start3A_208 : memref<10240x128xf32, #tpu.memory_space<vmem_shared>>) offsets(%dma_start3A_205 : memref<32xi32, #tpu.memory_space<vmem>>) semaphore(%arg17 : memref<!tpu.dma_semaphore, #tpu.memory_space<semaphore_mem>>) {add = true}
      %mul3A_209 = arith.constant 4 : i32
      %mul3A_210 = arith.muli %scan3A_182, %mul3A_209 : i32
      %add3A_211 = arith.constant 1 : i32
      %add3A_212 = arith.addi %mul3A_210, %add3A_211 : i32
      %gt3A_213 = arith.constant 0 : i32
      %gt3A_214 = arith.cmpi sgt, %add3A_212, %gt3A_213 : i32
      %convert_element_type3A_215 = arith.extui %gt3A_214 : i1 to i32
      %cond3A_216 = arith.constant 0 : i32
      %cond3A_217 = arith.cmpi ne, %convert_element_type3A_215, %cond3A_216 : i32
      scf.if %cond3A_217 {
        %dma_wait3A_300 = arith.constant 0 : i32
        %dma_wait3A_301 = arith.constant 0 : i32
        %dma_wait3A_302 = tpu.memref_slice %arg6[%dma_wait3A_300, %dma_wait3A_301] : memref<10240x128xf32, #tpu.memory_space<vmem_shared>> -> memref<32x128xf32, #tpu.memory_space<vmem_shared>>
        %dma_wait3A_303 = arith.constant 0 : i32
        %dma_wait3A_304 = arith.constant 0 : i32
        %dma_wait3A_305 = tpu.memref_slice %arg6[%dma_wait3A_303, %dma_wait3A_304] : memref<10240x128xf32, #tpu.memory_space<vmem_shared>> -> memref<32x128xf32, #tpu.memory_space<vmem_shared>>
        tpu.wait_dma2 semaphore(%arg17 : memref<!tpu.dma_semaphore, #tpu.memory_space<semaphore_mem>>) src(%arg7 : memref<32x128xf32, #tpu.memory_space<vmem>>) dst(%dma_wait3A_305 : memref<32x128xf32, #tpu.memory_space<vmem_shared>>)
      } else {
      }
      %add3A_218 = arith.constant 4 : i32
      %add3A_219 = arith.addi %add3A_212, %add3A_218 : i32
      %sub3A_220 = arith.constant 1 : i32
      %sub3A_221 = arith.subi %add3A_219, %sub3A_220 : i32
      %lt3A_222 = arith.constant 80 : i32
      %lt3A_223 = arith.cmpi slt, %sub3A_221, %lt3A_222 : i32
      %convert_element_type3A_224 = arith.extui %lt3A_223 : i1 to i32
      %cond3A_225 = arith.constant 0 : i32
      %cond3A_226 = arith.cmpi ne, %convert_element_type3A_224, %cond3A_225 : i32
      scf.if %cond3A_226 {
        %add3A_300 = arith.constant 4 : i32
        %add3A_301 = arith.addi %add3A_212, %add3A_300 : i32
        %sub3A_302 = arith.constant 1 : i32
        %sub3A_303 = arith.subi %add3A_301, %sub3A_302 : i32
        %dma_start3A_304 = arith.constant 0 : i32
        %dma_start3A_305 = tpu.memref_slice %arg11[%sub3A_303, %dma_start3A_304] : memref<80x32xi32, #tpu.memory_space<vmem>> -> memref<1x32xi32, #tpu.memory_space<vmem>>
        %dma_start3A_306 = tpu.memref_squeeze %dma_start3A_305 : memref<1x32xi32, #tpu.memory_space<vmem>> -> memref<32xi32, #tpu.memory_space<vmem>>
        %dma_start3A_307 = arith.constant 0 : i32
        %dma_start3A_308 = arith.constant 0 : i32
        %dma_start3A_309 = tpu.memref_slice %arg2[%dma_start3A_307, %dma_start3A_308] : memref<10000x128xf32, #tpu.memory_space<hbm>> -> memref<10000x128xf32, #tpu.memory_space<hbm>>
        tpu.enqueue_indirect_dma source(%dma_start3A_309 : memref<10000x128xf32, #tpu.memory_space<hbm>>) target(%arg7 : memref<32x128xf32, #tpu.memory_space<vmem>>) offsets(%dma_start3A_306 : memref<32xi32, #tpu.memory_space<vmem>>) semaphore(%arg13 : memref<!tpu.dma_semaphore, #tpu.memory_space<semaphore_mem>>)
      } else {
      }
      %dma_wait3A_227 = arith.constant 0 : i32
      %dma_wait3A_228 = arith.constant 0 : i32
      %dma_wait3A_229 = tpu.memref_slice %arg2[%dma_wait3A_227, %dma_wait3A_228] : memref<10000x128xf32, #tpu.memory_space<hbm>> -> memref<32x128xf32, #tpu.memory_space<hbm>>
      %dma_wait3A_230 = arith.constant 0 : i32
      %dma_wait3A_231 = arith.constant 0 : i32
      %dma_wait3A_232 = tpu.memref_slice %arg2[%dma_wait3A_230, %dma_wait3A_231] : memref<10000x128xf32, #tpu.memory_space<hbm>> -> memref<32x128xf32, #tpu.memory_space<hbm>>
      tpu.wait_dma2 semaphore(%arg14 : memref<!tpu.dma_semaphore, #tpu.memory_space<semaphore_mem>>) src(%dma_wait3A_232 : memref<32x128xf32, #tpu.memory_space<hbm>>) dst(%arg8 : memref<32x128xf32, #tpu.memory_space<vmem>>)
      %dma_start3A_233 = arith.constant 0 : i32
      %dma_start3A_234 = tpu.memref_slice %arg12[%add3A_212, %dma_start3A_233] : memref<80x32xi32, #tpu.memory_space<vmem>> -> memref<1x32xi32, #tpu.memory_space<vmem>>
      %dma_start3A_235 = tpu.memref_squeeze %dma_start3A_234 : memref<1x32xi32, #tpu.memory_space<vmem>> -> memref<32xi32, #tpu.memory_space<vmem>>
      %dma_start3A_236 = arith.constant 0 : i32
      %dma_start3A_237 = arith.constant 0 : i32
      %dma_start3A_238 = tpu.memref_slice %arg6[%dma_start3A_236, %dma_start3A_237] : memref<10240x128xf32, #tpu.memory_space<vmem_shared>> -> memref<10240x128xf32, #tpu.memory_space<vmem_shared>>
      tpu.enqueue_indirect_dma source(%arg8 : memref<32x128xf32, #tpu.memory_space<vmem>>) target(%dma_start3A_238 : memref<10240x128xf32, #tpu.memory_space<vmem_shared>>) offsets(%dma_start3A_235 : memref<32xi32, #tpu.memory_space<vmem>>) semaphore(%arg18 : memref<!tpu.dma_semaphore, #tpu.memory_space<semaphore_mem>>) {add = true}
      %mul3A_239 = arith.constant 4 : i32
      %mul3A_240 = arith.muli %scan3A_182, %mul3A_239 : i32
      %add3A_241 = arith.constant 2 : i32
      %add3A_242 = arith.addi %mul3A_240, %add3A_241 : i32
      %gt3A_243 = arith.constant 0 : i32
      %gt3A_244 = arith.cmpi sgt, %add3A_242, %gt3A_243 : i32
      %convert_element_type3A_245 = arith.extui %gt3A_244 : i1 to i32
      %cond3A_246 = arith.constant 0 : i32
      %cond3A_247 = arith.cmpi ne, %convert_element_type3A_245, %cond3A_246 : i32
      scf.if %cond3A_247 {
        %dma_wait3A_300 = arith.constant 0 : i32
        %dma_wait3A_301 = arith.constant 0 : i32
        %dma_wait3A_302 = tpu.memref_slice %arg6[%dma_wait3A_300, %dma_wait3A_301] : memref<10240x128xf32, #tpu.memory_space<vmem_shared>> -> memref<32x128xf32, #tpu.memory_space<vmem_shared>>
        %dma_wait3A_303 = arith.constant 0 : i32
        %dma_wait3A_304 = arith.constant 0 : i32
        %dma_wait3A_305 = tpu.memref_slice %arg6[%dma_wait3A_303, %dma_wait3A_304] : memref<10240x128xf32, #tpu.memory_space<vmem_shared>> -> memref<32x128xf32, #tpu.memory_space<vmem_shared>>
        tpu.wait_dma2 semaphore(%arg18 : memref<!tpu.dma_semaphore, #tpu.memory_space<semaphore_mem>>) src(%arg8 : memref<32x128xf32, #tpu.memory_space<vmem>>) dst(%dma_wait3A_305 : memref<32x128xf32, #tpu.memory_space<vmem_shared>>)
      } else {
      }
      %add3A_248 = arith.constant 4 : i32
      %add3A_249 = arith.addi %add3A_242, %add3A_248 : i32
      %sub3A_250 = arith.constant 1 : i32
      %sub3A_251 = arith.subi %add3A_249, %sub3A_250 : i32
      %lt3A_252 = arith.constant 80 : i32
      %lt3A_253 = arith.cmpi slt, %sub3A_251, %lt3A_252 : i32
      %convert_element_type3A_254 = arith.extui %lt3A_253 : i1 to i32
      %cond3A_255 = arith.constant 0 : i32
      %cond3A_256 = arith.cmpi ne, %convert_element_type3A_254, %cond3A_255 : i32
      scf.if %cond3A_256 {
        %add3A_300 = arith.constant 4 : i32
        %add3A_301 = arith.addi %add3A_242, %add3A_300 : i32
        %sub3A_302 = arith.constant 1 : i32
        %sub3A_303 = arith.subi %add3A_301, %sub3A_302 : i32
        %dma_start3A_304 = arith.constant 0 : i32
        %dma_start3A_305 = tpu.memref_slice %arg11[%sub3A_303, %dma_start3A_304] : memref<80x32xi32, #tpu.memory_space<vmem>> -> memref<1x32xi32, #tpu.memory_space<vmem>>
        %dma_start3A_306 = tpu.memref_squeeze %dma_start3A_305 : memref<1x32xi32, #tpu.memory_space<vmem>> -> memref<32xi32, #tpu.memory_space<vmem>>
        %dma_start3A_307 = arith.constant 0 : i32
        %dma_start3A_308 = arith.constant 0 : i32
        %dma_start3A_309 = tpu.memref_slice %arg2[%dma_start3A_307, %dma_start3A_308] : memref<10000x128xf32, #tpu.memory_space<hbm>> -> memref<10000x128xf32, #tpu.memory_space<hbm>>
        tpu.enqueue_indirect_dma source(%dma_start3A_309 : memref<10000x128xf32, #tpu.memory_space<hbm>>) target(%arg8 : memref<32x128xf32, #tpu.memory_space<vmem>>) offsets(%dma_start3A_306 : memref<32xi32, #tpu.memory_space<vmem>>) semaphore(%arg14 : memref<!tpu.dma_semaphore, #tpu.memory_space<semaphore_mem>>)
      } else {
      }
      %dma_wait3A_257 = arith.constant 0 : i32
      %dma_wait3A_258 = arith.constant 0 : i32
      %dma_wait3A_259 = tpu.memref_slice %arg2[%dma_wait3A_257, %dma_wait3A_258] : memref<10000x128xf32, #tpu.memory_space<hbm>> -> memref<32x128xf32, #tpu.memory_space<hbm>>
      %dma_wait3A_260 = arith.constant 0 : i32
      %dma_wait3A_261 = arith.constant 0 : i32
      %dma_wait3A_262 = tpu.memref_slice %arg2[%dma_wait3A_260, %dma_wait3A_261] : memref<10000x128xf32, #tpu.memory_space<hbm>> -> memref<32x128xf32, #tpu.memory_space<hbm>>
      tpu.wait_dma2 semaphore(%arg15 : memref<!tpu.dma_semaphore, #tpu.memory_space<semaphore_mem>>) src(%dma_wait3A_262 : memref<32x128xf32, #tpu.memory_space<hbm>>) dst(%arg9 : memref<32x128xf32, #tpu.memory_space<vmem>>)
      %dma_start3A_263 = arith.constant 0 : i32
      %dma_start3A_264 = tpu.memref_slice %arg12[%add3A_242, %dma_start3A_263] : memref<80x32xi32, #tpu.memory_space<vmem>> -> memref<1x32xi32, #tpu.memory_space<vmem>>
      %dma_start3A_265 = tpu.memref_squeeze %dma_start3A_264 : memref<1x32xi32, #tpu.memory_space<vmem>> -> memref<32xi32, #tpu.memory_space<vmem>>
      %dma_start3A_266 = arith.constant 0 : i32
      %dma_start3A_267 = arith.constant 0 : i32
      %dma_start3A_268 = tpu.memref_slice %arg6[%dma_start3A_266, %dma_start3A_267] : memref<10240x128xf32, #tpu.memory_space<vmem_shared>> -> memref<10240x128xf32, #tpu.memory_space<vmem_shared>>
      tpu.enqueue_indirect_dma source(%arg9 : memref<32x128xf32, #tpu.memory_space<vmem>>) target(%dma_start3A_268 : memref<10240x128xf32, #tpu.memory_space<vmem_shared>>) offsets(%dma_start3A_265 : memref<32xi32, #tpu.memory_space<vmem>>) semaphore(%arg19 : memref<!tpu.dma_semaphore, #tpu.memory_space<semaphore_mem>>) {add = true}
      %mul3A_269 = arith.constant 4 : i32
      %mul3A_270 = arith.muli %scan3A_182, %mul3A_269 : i32
      %add3A_271 = arith.constant 3 : i32
      %add3A_272 = arith.addi %mul3A_270, %add3A_271 : i32
      %gt3A_273 = arith.constant 0 : i32
      %gt3A_274 = arith.cmpi sgt, %add3A_272, %gt3A_273 : i32
      %convert_element_type3A_275 = arith.extui %gt3A_274 : i1 to i32
      %cond3A_276 = arith.constant 0 : i32
      %cond3A_277 = arith.cmpi ne, %convert_element_type3A_275, %cond3A_276 : i32
      scf.if %cond3A_277 {
        %dma_wait3A_300 = arith.constant 0 : i32
        %dma_wait3A_301 = arith.constant 0 : i32
        %dma_wait3A_302 = tpu.memref_slice %arg6[%dma_wait3A_300, %dma_wait3A_301] : memref<10240x128xf32, #tpu.memory_space<vmem_shared>> -> memref<32x128xf32, #tpu.memory_space<vmem_shared>>
        %dma_wait3A_303 = arith.constant 0 : i32
        %dma_wait3A_304 = arith.constant 0 : i32
        %dma_wait3A_305 = tpu.memref_slice %arg6[%dma_wait3A_303, %dma_wait3A_304] : memref<10240x128xf32, #tpu.memory_space<vmem_shared>> -> memref<32x128xf32, #tpu.memory_space<vmem_shared>>
        tpu.wait_dma2 semaphore(%arg19 : memref<!tpu.dma_semaphore, #tpu.memory_space<semaphore_mem>>) src(%arg9 : memref<32x128xf32, #tpu.memory_space<vmem>>) dst(%dma_wait3A_305 : memref<32x128xf32, #tpu.memory_space<vmem_shared>>)
      } else {
      }
      %add3A_278 = arith.constant 4 : i32
      %add3A_279 = arith.addi %add3A_272, %add3A_278 : i32
      %sub3A_280 = arith.constant 1 : i32
      %sub3A_281 = arith.subi %add3A_279, %sub3A_280 : i32
      %lt3A_282 = arith.constant 80 : i32
      %lt3A_283 = arith.cmpi slt, %sub3A_281, %lt3A_282 : i32
      %convert_element_type3A_284 = arith.extui %lt3A_283 : i1 to i32
      %cond3A_285 = arith.constant 0 : i32
      %cond3A_286 = arith.cmpi ne, %convert_element_type3A_284, %cond3A_285 : i32
      scf.if %cond3A_286 {
        %add3A_300 = arith.constant 4 : i32
        %add3A_301 = arith.addi %add3A_272, %add3A_300 : i32
        %sub3A_302 = arith.constant 1 : i32
        %sub3A_303 = arith.subi %add3A_301, %sub3A_302 : i32
        %dma_start3A_304 = arith.constant 0 : i32
        %dma_start3A_305 = tpu.memref_slice %arg11[%sub3A_303, %dma_start3A_304] : memref<80x32xi32, #tpu.memory_space<vmem>> -> memref<1x32xi32, #tpu.memory_space<vmem>>
        %dma_start3A_306 = tpu.memref_squeeze %dma_start3A_305 : memref<1x32xi32, #tpu.memory_space<vmem>> -> memref<32xi32, #tpu.memory_space<vmem>>
        %dma_start3A_307 = arith.constant 0 : i32
        %dma_start3A_308 = arith.constant 0 : i32
        %dma_start3A_309 = tpu.memref_slice %arg2[%dma_start3A_307, %dma_start3A_308] : memref<10000x128xf32, #tpu.memory_space<hbm>> -> memref<10000x128xf32, #tpu.memory_space<hbm>>
        tpu.enqueue_indirect_dma source(%dma_start3A_309 : memref<10000x128xf32, #tpu.memory_space<hbm>>) target(%arg9 : memref<32x128xf32, #tpu.memory_space<vmem>>) offsets(%dma_start3A_306 : memref<32xi32, #tpu.memory_space<vmem>>) semaphore(%arg15 : memref<!tpu.dma_semaphore, #tpu.memory_space<semaphore_mem>>)
      } else {
      }
      %dma_wait3A_287 = arith.constant 0 : i32
      %dma_wait3A_288 = arith.constant 0 : i32
      %dma_wait3A_289 = tpu.memref_slice %arg2[%dma_wait3A_287, %dma_wait3A_288] : memref<10000x128xf32, #tpu.memory_space<hbm>> -> memref<32x128xf32, #tpu.memory_space<hbm>>
      %dma_wait3A_290 = arith.constant 0 : i32
      %dma_wait3A_291 = arith.constant 0 : i32
      %dma_wait3A_292 = tpu.memref_slice %arg2[%dma_wait3A_290, %dma_wait3A_291] : memref<10000x128xf32, #tpu.memory_space<hbm>> -> memref<32x128xf32, #tpu.memory_space<hbm>>
      tpu.wait_dma2 semaphore(%arg16 : memref<!tpu.dma_semaphore, #tpu.memory_space<semaphore_mem>>) src(%dma_wait3A_292 : memref<32x128xf32, #tpu.memory_space<hbm>>) dst(%arg10 : memref<32x128xf32, #tpu.memory_space<vmem>>)
      %dma_start3A_293 = arith.constant 0 : i32
      %dma_start3A_294 = tpu.memref_slice %arg12[%add3A_272, %dma_start3A_293] : memref<80x32xi32, #tpu.memory_space<vmem>> -> memref<1x32xi32, #tpu.memory_space<vmem>>
      %dma_start3A_295 = tpu.memref_squeeze %dma_start3A_294 : memref<1x32xi32, #tpu.memory_space<vmem>> -> memref<32xi32, #tpu.memory_space<vmem>>
      %dma_start3A_296 = arith.constant 0 : i32
      %dma_start3A_297 = arith.constant 0 : i32
      %dma_start3A_298 = tpu.memref_slice %arg6[%dma_start3A_296, %dma_start3A_297] : memref<10240x128xf32, #tpu.memory_space<vmem_shared>> -> memref<10240x128xf32, #tpu.memory_space<vmem_shared>>
      tpu.enqueue_indirect_dma source(%arg10 : memref<32x128xf32, #tpu.memory_space<vmem>>) target(%dma_start3A_298 : memref<10240x128xf32, #tpu.memory_space<vmem_shared>>) offsets(%dma_start3A_295 : memref<32xi32, #tpu.memory_space<vmem>>) semaphore(%arg20 : memref<!tpu.dma_semaphore, #tpu.memory_space<semaphore_mem>>) {add = true}
      %scan3A_299 = arith.constant 0 : i32
      scf.yield %scan3A_299 : i32
    }
    %scan3A_45 = arith.constant 20 : i32
    %dma_wait3A = arith.constant 0 : i32
    %dma_wait3A_46 = arith.constant 0 : i32
    %dma_wait3A_47 = tpu.memref_slice %arg6[%dma_wait3A, %dma_wait3A_46] : memref<10240x128xf32, #tpu.memory_space<vmem_shared>> -> memref<32x128xf32, #tpu.memory_space<vmem_shared>>
    %dma_wait3A_48 = arith.constant 0 : i32
    %dma_wait3A_49 = arith.constant 0 : i32
    %dma_wait3A_50 = tpu.memref_slice %arg6[%dma_wait3A_48, %dma_wait3A_49] : memref<10240x128xf32, #tpu.memory_space<vmem_shared>> -> memref<32x128xf32, #tpu.memory_space<vmem_shared>>
    tpu.wait_dma2 semaphore(%arg20 : memref<!tpu.dma_semaphore, #tpu.memory_space<semaphore_mem>>) src(%arg10 : memref<32x128xf32, #tpu.memory_space<vmem>>) dst(%dma_wait3A_50 : memref<32x128xf32, #tpu.memory_space<vmem_shared>>)
    %mul3A_51 = arith.constant 5120 : i32
    %mul3A_52 = arith.muli %arg0, %mul3A_51 : i32
    %mul3A_53 = arith.constant 320 : i32
    %mul3A_54 = arith.muli %arg1, %mul3A_53 : i32
    %add3A_55 = arith.addi %mul3A_52, %mul3A_54 : i32
    %add3A_56 = arith.constant 80 : i32
    %add3A_57 = arith.addi %add3A_55, %add3A_56 : i32
    "tpu.region"() ({
      %run_scoped3A = tpu.sem_alloc : memref<!tpu.dma_semaphore, #tpu.memory_space<semaphore_mem>>
      %dma_start3A_182 = arith.constant 0 : i32
      %dma_start3A_183 = tpu.memref_slice %arg3[%add3A_57, %dma_start3A_182] : memref<10240x32xi32, #tpu.memory_space<hbm>> -> memref<80x32xi32, #tpu.memory_space<hbm>>
      %dma_start3A_184 = arith.constant 0 : i32
      %dma_start3A_185 = tpu.memref_slice %arg3[%add3A_57, %dma_start3A_184] : memref<10240x32xi32, #tpu.memory_space<hbm>> -> memref<80x32xi32, #tpu.memory_space<hbm>>
      tpu.enqueue_dma source(%dma_start3A_185 : memref<80x32xi32, #tpu.memory_space<hbm>>) target(%arg11 : memref<80x32xi32, #tpu.memory_space<vmem>>) target_semaphore(%run_scoped3A : memref<!tpu.dma_semaphore, #tpu.memory_space<semaphore_mem>>)
      %dma_wait3A_186 = arith.constant 0 : i32
      %dma_wait3A_187 = tpu.memref_slice %arg3[%add3A_57, %dma_wait3A_186] : memref<10240x32xi32, #tpu.memory_space<hbm>> -> memref<80x32xi32, #tpu.memory_space<hbm>>
      %dma_wait3A_188 = arith.constant 0 : i32
      %dma_wait3A_189 = tpu.memref_slice %arg3[%add3A_57, %dma_wait3A_188] : memref<10240x32xi32, #tpu.memory_space<hbm>> -> memref<80x32xi32, #tpu.memory_space<hbm>>
      tpu.wait_dma2 semaphore(%run_scoped3A : memref<!tpu.dma_semaphore, #tpu.memory_space<semaphore_mem>>) src(%dma_wait3A_189 : memref<80x32xi32, #tpu.memory_space<hbm>>) dst(%arg11 : memref<80x32xi32, #tpu.memory_space<vmem>>)
      tpu.yield
    }) : () -> ()
    "tpu.region"() ({
      %run_scoped3A = tpu.sem_alloc : memref<!tpu.dma_semaphore, #tpu.memory_space<semaphore_mem>>
      %dma_start3A_182 = arith.constant 0 : i32
      %dma_start3A_183 = tpu.memref_slice %arg4[%add3A_57, %dma_start3A_182] : memref<10240x32xi32, #tpu.memory_space<hbm>> -> memref<80x32xi32, #tpu.memory_space<hbm>>
      %dma_start3A_184 = arith.constant 0 : i32
      %dma_start3A_185 = tpu.memref_slice %arg4[%add3A_57, %dma_start3A_184] : memref<10240x32xi32, #tpu.memory_space<hbm>> -> memref<80x32xi32, #tpu.memory_space<hbm>>
      tpu.enqueue_dma source(%dma_start3A_185 : memref<80x32xi32, #tpu.memory_space<hbm>>) target(%arg12 : memref<80x32xi32, #tpu.memory_space<vmem>>) target_semaphore(%run_scoped3A : memref<!tpu.dma_semaphore, #tpu.memory_space<semaphore_mem>>)
      %dma_wait3A_186 = arith.constant 0 : i32
      %dma_wait3A_187 = tpu.memref_slice %arg4[%add3A_57, %dma_wait3A_186] : memref<10240x32xi32, #tpu.memory_space<hbm>> -> memref<80x32xi32, #tpu.memory_space<hbm>>
      %dma_wait3A_188 = arith.constant 0 : i32
      %dma_wait3A_189 = tpu.memref_slice %arg4[%add3A_57, %dma_wait3A_188] : memref<10240x32xi32, #tpu.memory_space<hbm>> -> memref<80x32xi32, #tpu.memory_space<hbm>>
      tpu.wait_dma2 semaphore(%run_scoped3A : memref<!tpu.dma_semaphore, #tpu.memory_space<semaphore_mem>>) src(%dma_wait3A_189 : memref<80x32xi32, #tpu.memory_space<hbm>>) dst(%arg12 : memref<80x32xi32, #tpu.memory_space<vmem>>)
      tpu.yield
    }) : () -> ()
    %dma_start3A_58 = arith.constant 0 : i32
    %dma_start3A_59 = arith.constant 0 : i32
    %dma_start3A_60 = tpu.memref_slice %arg11[%dma_start3A_58, %dma_start3A_59] : memref<80x32xi32, #tpu.memory_space<vmem>> -> memref<1x32xi32, #tpu.memory_space<vmem>>
    %dma_start3A_61 = tpu.memref_squeeze %dma_start3A_60 : memref<1x32xi32, #tpu.memory_space<vmem>> -> memref<32xi32, #tpu.memory_space<vmem>>
    %dma_start3A_62 = arith.constant 0 : i32
    %dma_start3A_63 = arith.constant 0 : i32
    %dma_start3A_64 = tpu.memref_slice %arg2[%dma_start3A_62, %dma_start3A_63] : memref<10000x128xf32, #tpu.memory_space<hbm>> -> memref<10000x128xf32, #tpu.memory_space<hbm>>
    tpu.enqueue_indirect_dma source(%dma_start3A_64 : memref<10000x128xf32, #tpu.memory_space<hbm>>) target(%arg7 : memref<32x128xf32, #tpu.memory_space<vmem>>) offsets(%dma_start3A_61 : memref<32xi32, #tpu.memory_space<vmem>>) semaphore(%arg13 : memref<!tpu.dma_semaphore, #tpu.memory_space<semaphore_mem>>)
    %dma_start3A_65 = arith.constant 1 : i32
    %dma_start3A_66 = arith.constant 0 : i32
    %dma_start3A_67 = tpu.memref_slice %arg11[%dma_start3A_65, %dma_start3A_66] : memref<80x32xi32, #tpu.memory_space<vmem>> -> memref<1x32xi32, #tpu.memory_space<vmem>>
    %dma_start3A_68 = tpu.memref_squeeze %dma_start3A_67 : memref<1x32xi32, #tpu.memory_space<vmem>> -> memref<32xi32, #tpu.memory_space<vmem>>
    %dma_start3A_69 = arith.constant 0 : i32
    %dma_start3A_70 = arith.constant 0 : i32
    %dma_start3A_71 = tpu.memref_slice %arg2[%dma_start3A_69, %dma_start3A_70] : memref<10000x128xf32, #tpu.memory_space<hbm>> -> memref<10000x128xf32, #tpu.memory_space<hbm>>
    tpu.enqueue_indirect_dma source(%dma_start3A_71 : memref<10000x128xf32, #tpu.memory_space<hbm>>) target(%arg8 : memref<32x128xf32, #tpu.memory_space<vmem>>) offsets(%dma_start3A_68 : memref<32xi32, #tpu.memory_space<vmem>>) semaphore(%arg14 : memref<!tpu.dma_semaphore, #tpu.memory_space<semaphore_mem>>)
    %dma_start3A_72 = arith.constant 2 : i32
    %dma_start3A_73 = arith.constant 0 : i32
    %dma_start3A_74 = tpu.memref_slice %arg11[%dma_start3A_72, %dma_start3A_73] : memref<80x32xi32, #tpu.memory_space<vmem>> -> memref<1x32xi32, #tpu.memory_space<vmem>>
    %dma_start3A_75 = tpu.memref_squeeze %dma_start3A_74 : memref<1x32xi32, #tpu.memory_space<vmem>> -> memref<32xi32, #tpu.memory_space<vmem>>
    %dma_start3A_76 = arith.constant 0 : i32
    %dma_start3A_77 = arith.constant 0 : i32
    %dma_start3A_78 = tpu.memref_slice %arg2[%dma_start3A_76, %dma_start3A_77] : memref<10000x128xf32, #tpu.memory_space<hbm>> -> memref<10000x128xf32, #tpu.memory_space<hbm>>
    tpu.enqueue_indirect_dma source(%dma_start3A_78 : memref<10000x128xf32, #tpu.memory_space<hbm>>) target(%arg9 : memref<32x128xf32, #tpu.memory_space<vmem>>) offsets(%dma_start3A_75 : memref<32xi32, #tpu.memory_space<vmem>>) semaphore(%arg15 : memref<!tpu.dma_semaphore, #tpu.memory_space<semaphore_mem>>)
    %scan3A_79 = arith.constant 0 : i32
    %scan3A_80 = arith.constant 0 : i32
    %scan3A_81 = arith.constant 20 : i32
    %scan3A_82 = arith.addi %scan3A_80, %scan3A_81 : i32
    %scan3A_83 = arith.constant 1 : i32
    %scan3A_84 = scf.for %scan3A_182 = %scan3A_80 to %scan3A_82 step %scan3A_83 iter_args(%scan3A_183 = %scan3A_79) -> (i32)  : i32 {
      %mul3A_184 = arith.constant 4 : i32
      %mul3A_185 = arith.muli %scan3A_182, %mul3A_184 : i32
      %add3A_186 = arith.constant 0 : i32
      %add3A_187 = arith.addi %mul3A_185, %add3A_186 : i32
      %gt3A = arith.constant 0 : i32
      %gt3A_188 = arith.cmpi sgt, %add3A_187, %gt3A : i32
      %convert_element_type3A = arith.extui %gt3A_188 : i1 to i32
      %cond3A = arith.constant 0 : i32
      %cond3A_189 = arith.cmpi ne, %convert_element_type3A, %cond3A : i32
      scf.if %cond3A_189 {
        %dma_wait3A_300 = arith.constant 0 : i32
        %dma_wait3A_301 = arith.constant 0 : i32
        %dma_wait3A_302 = tpu.memref_slice %arg6[%dma_wait3A_300, %dma_wait3A_301] : memref<10240x128xf32, #tpu.memory_space<vmem_shared>> -> memref<32x128xf32, #tpu.memory_space<vmem_shared>>
        %dma_wait3A_303 = arith.constant 0 : i32
        %dma_wait3A_304 = arith.constant 0 : i32
        %dma_wait3A_305 = tpu.memref_slice %arg6[%dma_wait3A_303, %dma_wait3A_304] : memref<10240x128xf32, #tpu.memory_space<vmem_shared>> -> memref<32x128xf32, #tpu.memory_space<vmem_shared>>
        tpu.wait_dma2 semaphore(%arg20 : memref<!tpu.dma_semaphore, #tpu.memory_space<semaphore_mem>>) src(%arg10 : memref<32x128xf32, #tpu.memory_space<vmem>>) dst(%dma_wait3A_305 : memref<32x128xf32, #tpu.memory_space<vmem_shared>>)
      } else {
      }
      %add3A_190 = arith.constant 4 : i32
      %add3A_191 = arith.addi %add3A_187, %add3A_190 : i32
      %sub3A = arith.constant 1 : i32
      %sub3A_192 = arith.subi %add3A_191, %sub3A : i32
      %lt3A = arith.constant 80 : i32
      %lt3A_193 = arith.cmpi slt, %sub3A_192, %lt3A : i32
      %convert_element_type3A_194 = arith.extui %lt3A_193 : i1 to i32
      %cond3A_195 = arith.constant 0 : i32
      %cond3A_196 = arith.cmpi ne, %convert_element_type3A_194, %cond3A_195 : i32
      scf.if %cond3A_196 {
        %add3A_300 = arith.constant 4 : i32
        %add3A_301 = arith.addi %add3A_187, %add3A_300 : i32
        %sub3A_302 = arith.constant 1 : i32
        %sub3A_303 = arith.subi %add3A_301, %sub3A_302 : i32
        %dma_start3A_304 = arith.constant 0 : i32
        %dma_start3A_305 = tpu.memref_slice %arg11[%sub3A_303, %dma_start3A_304] : memref<80x32xi32, #tpu.memory_space<vmem>> -> memref<1x32xi32, #tpu.memory_space<vmem>>
        %dma_start3A_306 = tpu.memref_squeeze %dma_start3A_305 : memref<1x32xi32, #tpu.memory_space<vmem>> -> memref<32xi32, #tpu.memory_space<vmem>>
        %dma_start3A_307 = arith.constant 0 : i32
        %dma_start3A_308 = arith.constant 0 : i32
        %dma_start3A_309 = tpu.memref_slice %arg2[%dma_start3A_307, %dma_start3A_308] : memref<10000x128xf32, #tpu.memory_space<hbm>> -> memref<10000x128xf32, #tpu.memory_space<hbm>>
        tpu.enqueue_indirect_dma source(%dma_start3A_309 : memref<10000x128xf32, #tpu.memory_space<hbm>>) target(%arg10 : memref<32x128xf32, #tpu.memory_space<vmem>>) offsets(%dma_start3A_306 : memref<32xi32, #tpu.memory_space<vmem>>) semaphore(%arg16 : memref<!tpu.dma_semaphore, #tpu.memory_space<semaphore_mem>>)
      } else {
      }
      %dma_wait3A_197 = arith.constant 0 : i32
      %dma_wait3A_198 = arith.constant 0 : i32
      %dma_wait3A_199 = tpu.memref_slice %arg2[%dma_wait3A_197, %dma_wait3A_198] : memref<10000x128xf32, #tpu.memory_space<hbm>> -> memref<32x128xf32, #tpu.memory_space<hbm>>
      %dma_wait3A_200 = arith.constant 0 : i32
      %dma_wait3A_201 = arith.constant 0 : i32
      %dma_wait3A_202 = tpu.memref_slice %arg2[%dma_wait3A_200, %dma_wait3A_201] : memref<10000x128xf32, #tpu.memory_space<hbm>> -> memref<32x128xf32, #tpu.memory_space<hbm>>
      tpu.wait_dma2 semaphore(%arg13 : memref<!tpu.dma_semaphore, #tpu.memory_space<semaphore_mem>>) src(%dma_wait3A_202 : memref<32x128xf32, #tpu.memory_space<hbm>>) dst(%arg7 : memref<32x128xf32, #tpu.memory_space<vmem>>)
      %dma_start3A_203 = arith.constant 0 : i32
      %dma_start3A_204 = tpu.memref_slice %arg12[%add3A_187, %dma_start3A_203] : memref<80x32xi32, #tpu.memory_space<vmem>> -> memref<1x32xi32, #tpu.memory_space<vmem>>
      %dma_start3A_205 = tpu.memref_squeeze %dma_start3A_204 : memref<1x32xi32, #tpu.memory_space<vmem>> -> memref<32xi32, #tpu.memory_space<vmem>>
      %dma_start3A_206 = arith.constant 0 : i32
      %dma_start3A_207 = arith.constant 0 : i32
      %dma_start3A_208 = tpu.memref_slice %arg6[%dma_start3A_206, %dma_start3A_207] : memref<10240x128xf32, #tpu.memory_space<vmem_shared>> -> memref<10240x128xf32, #tpu.memory_space<vmem_shared>>
      tpu.enqueue_indirect_dma source(%arg7 : memref<32x128xf32, #tpu.memory_space<vmem>>) target(%dma_start3A_208 : memref<10240x128xf32, #tpu.memory_space<vmem_shared>>) offsets(%dma_start3A_205 : memref<32xi32, #tpu.memory_space<vmem>>) semaphore(%arg17 : memref<!tpu.dma_semaphore, #tpu.memory_space<semaphore_mem>>) {add = true}
      %mul3A_209 = arith.constant 4 : i32
      %mul3A_210 = arith.muli %scan3A_182, %mul3A_209 : i32
      %add3A_211 = arith.constant 1 : i32
      %add3A_212 = arith.addi %mul3A_210, %add3A_211 : i32
      %gt3A_213 = arith.constant 0 : i32
      %gt3A_214 = arith.cmpi sgt, %add3A_212, %gt3A_213 : i32
      %convert_element_type3A_215 = arith.extui %gt3A_214 : i1 to i32
      %cond3A_216 = arith.constant 0 : i32
      %cond3A_217 = arith.cmpi ne, %convert_element_type3A_215, %cond3A_216 : i32
      scf.if %cond3A_217 {
        %dma_wait3A_300 = arith.constant 0 : i32
        %dma_wait3A_301 = arith.constant 0 : i32
        %dma_wait3A_302 = tpu.memref_slice %arg6[%dma_wait3A_300, %dma_wait3A_301] : memref<10240x128xf32, #tpu.memory_space<vmem_shared>> -> memref<32x128xf32, #tpu.memory_space<vmem_shared>>
        %dma_wait3A_303 = arith.constant 0 : i32
        %dma_wait3A_304 = arith.constant 0 : i32
        %dma_wait3A_305 = tpu.memref_slice %arg6[%dma_wait3A_303, %dma_wait3A_304] : memref<10240x128xf32, #tpu.memory_space<vmem_shared>> -> memref<32x128xf32, #tpu.memory_space<vmem_shared>>
        tpu.wait_dma2 semaphore(%arg17 : memref<!tpu.dma_semaphore, #tpu.memory_space<semaphore_mem>>) src(%arg7 : memref<32x128xf32, #tpu.memory_space<vmem>>) dst(%dma_wait3A_305 : memref<32x128xf32, #tpu.memory_space<vmem_shared>>)
      } else {
      }
      %add3A_218 = arith.constant 4 : i32
      %add3A_219 = arith.addi %add3A_212, %add3A_218 : i32
      %sub3A_220 = arith.constant 1 : i32
      %sub3A_221 = arith.subi %add3A_219, %sub3A_220 : i32
      %lt3A_222 = arith.constant 80 : i32
      %lt3A_223 = arith.cmpi slt, %sub3A_221, %lt3A_222 : i32
      %convert_element_type3A_224 = arith.extui %lt3A_223 : i1 to i32
      %cond3A_225 = arith.constant 0 : i32
      %cond3A_226 = arith.cmpi ne, %convert_element_type3A_224, %cond3A_225 : i32
      scf.if %cond3A_226 {
        %add3A_300 = arith.constant 4 : i32
        %add3A_301 = arith.addi %add3A_212, %add3A_300 : i32
        %sub3A_302 = arith.constant 1 : i32
        %sub3A_303 = arith.subi %add3A_301, %sub3A_302 : i32
        %dma_start3A_304 = arith.constant 0 : i32
        %dma_start3A_305 = tpu.memref_slice %arg11[%sub3A_303, %dma_start3A_304] : memref<80x32xi32, #tpu.memory_space<vmem>> -> memref<1x32xi32, #tpu.memory_space<vmem>>
        %dma_start3A_306 = tpu.memref_squeeze %dma_start3A_305 : memref<1x32xi32, #tpu.memory_space<vmem>> -> memref<32xi32, #tpu.memory_space<vmem>>
        %dma_start3A_307 = arith.constant 0 : i32
        %dma_start3A_308 = arith.constant 0 : i32
        %dma_start3A_309 = tpu.memref_slice %arg2[%dma_start3A_307, %dma_start3A_308] : memref<10000x128xf32, #tpu.memory_space<hbm>> -> memref<10000x128xf32, #tpu.memory_space<hbm>>
        tpu.enqueue_indirect_dma source(%dma_start3A_309 : memref<10000x128xf32, #tpu.memory_space<hbm>>) target(%arg7 : memref<32x128xf32, #tpu.memory_space<vmem>>) offsets(%dma_start3A_306 : memref<32xi32, #tpu.memory_space<vmem>>) semaphore(%arg13 : memref<!tpu.dma_semaphore, #tpu.memory_space<semaphore_mem>>)
      } else {
      }
      %dma_wait3A_227 = arith.constant 0 : i32
      %dma_wait3A_228 = arith.constant 0 : i32
      %dma_wait3A_229 = tpu.memref_slice %arg2[%dma_wait3A_227, %dma_wait3A_228] : memref<10000x128xf32, #tpu.memory_space<hbm>> -> memref<32x128xf32, #tpu.memory_space<hbm>>
      %dma_wait3A_230 = arith.constant 0 : i32
      %dma_wait3A_231 = arith.constant 0 : i32
      %dma_wait3A_232 = tpu.memref_slice %arg2[%dma_wait3A_230, %dma_wait3A_231] : memref<10000x128xf32, #tpu.memory_space<hbm>> -> memref<32x128xf32, #tpu.memory_space<hbm>>
      tpu.wait_dma2 semaphore(%arg14 : memref<!tpu.dma_semaphore, #tpu.memory_space<semaphore_mem>>) src(%dma_wait3A_232 : memref<32x128xf32, #tpu.memory_space<hbm>>) dst(%arg8 : memref<32x128xf32, #tpu.memory_space<vmem>>)
      %dma_start3A_233 = arith.constant 0 : i32
      %dma_start3A_234 = tpu.memref_slice %arg12[%add3A_212, %dma_start3A_233] : memref<80x32xi32, #tpu.memory_space<vmem>> -> memref<1x32xi32, #tpu.memory_space<vmem>>
      %dma_start3A_235 = tpu.memref_squeeze %dma_start3A_234 : memref<1x32xi32, #tpu.memory_space<vmem>> -> memref<32xi32, #tpu.memory_space<vmem>>
      %dma_start3A_236 = arith.constant 0 : i32
      %dma_start3A_237 = arith.constant 0 : i32
      %dma_start3A_238 = tpu.memref_slice %arg6[%dma_start3A_236, %dma_start3A_237] : memref<10240x128xf32, #tpu.memory_space<vmem_shared>> -> memref<10240x128xf32, #tpu.memory_space<vmem_shared>>
      tpu.enqueue_indirect_dma source(%arg8 : memref<32x128xf32, #tpu.memory_space<vmem>>) target(%dma_start3A_238 : memref<10240x128xf32, #tpu.memory_space<vmem_shared>>) offsets(%dma_start3A_235 : memref<32xi32, #tpu.memory_space<vmem>>) semaphore(%arg18 : memref<!tpu.dma_semaphore, #tpu.memory_space<semaphore_mem>>) {add = true}
      %mul3A_239 = arith.constant 4 : i32
      %mul3A_240 = arith.muli %scan3A_182, %mul3A_239 : i32
      %add3A_241 = arith.constant 2 : i32
      %add3A_242 = arith.addi %mul3A_240, %add3A_241 : i32
      %gt3A_243 = arith.constant 0 : i32
      %gt3A_244 = arith.cmpi sgt, %add3A_242, %gt3A_243 : i32
      %convert_element_type3A_245 = arith.extui %gt3A_244 : i1 to i32
      %cond3A_246 = arith.constant 0 : i32
      %cond3A_247 = arith.cmpi ne, %convert_element_type3A_245, %cond3A_246 : i32
      scf.if %cond3A_247 {
        %dma_wait3A_300 = arith.constant 0 : i32
        %dma_wait3A_301 = arith.constant 0 : i32
        %dma_wait3A_302 = tpu.memref_slice %arg6[%dma_wait3A_300, %dma_wait3A_301] : memref<10240x128xf32, #tpu.memory_space<vmem_shared>> -> memref<32x128xf32, #tpu.memory_space<vmem_shared>>
        %dma_wait3A_303 = arith.constant 0 : i32
        %dma_wait3A_304 = arith.constant 0 : i32
        %dma_wait3A_305 = tpu.memref_slice %arg6[%dma_wait3A_303, %dma_wait3A_304] : memref<10240x128xf32, #tpu.memory_space<vmem_shared>> -> memref<32x128xf32, #tpu.memory_space<vmem_shared>>
        tpu.wait_dma2 semaphore(%arg18 : memref<!tpu.dma_semaphore, #tpu.memory_space<semaphore_mem>>) src(%arg8 : memref<32x128xf32, #tpu.memory_space<vmem>>) dst(%dma_wait3A_305 : memref<32x128xf32, #tpu.memory_space<vmem_shared>>)
      } else {
      }
      %add3A_248 = arith.constant 4 : i32
      %add3A_249 = arith.addi %add3A_242, %add3A_248 : i32
      %sub3A_250 = arith.constant 1 : i32
      %sub3A_251 = arith.subi %add3A_249, %sub3A_250 : i32
      %lt3A_252 = arith.constant 80 : i32
      %lt3A_253 = arith.cmpi slt, %sub3A_251, %lt3A_252 : i32
      %convert_element_type3A_254 = arith.extui %lt3A_253 : i1 to i32
      %cond3A_255 = arith.constant 0 : i32
      %cond3A_256 = arith.cmpi ne, %convert_element_type3A_254, %cond3A_255 : i32
      scf.if %cond3A_256 {
        %add3A_300 = arith.constant 4 : i32
        %add3A_301 = arith.addi %add3A_242, %add3A_300 : i32
        %sub3A_302 = arith.constant 1 : i32
        %sub3A_303 = arith.subi %add3A_301, %sub3A_302 : i32
        %dma_start3A_304 = arith.constant 0 : i32
        %dma_start3A_305 = tpu.memref_slice %arg11[%sub3A_303, %dma_start3A_304] : memref<80x32xi32, #tpu.memory_space<vmem>> -> memref<1x32xi32, #tpu.memory_space<vmem>>
        %dma_start3A_306 = tpu.memref_squeeze %dma_start3A_305 : memref<1x32xi32, #tpu.memory_space<vmem>> -> memref<32xi32, #tpu.memory_space<vmem>>
        %dma_start3A_307 = arith.constant 0 : i32
        %dma_start3A_308 = arith.constant 0 : i32
        %dma_start3A_309 = tpu.memref_slice %arg2[%dma_start3A_307, %dma_start3A_308] : memref<10000x128xf32, #tpu.memory_space<hbm>> -> memref<10000x128xf32, #tpu.memory_space<hbm>>
        tpu.enqueue_indirect_dma source(%dma_start3A_309 : memref<10000x128xf32, #tpu.memory_space<hbm>>) target(%arg8 : memref<32x128xf32, #tpu.memory_space<vmem>>) offsets(%dma_start3A_306 : memref<32xi32, #tpu.memory_space<vmem>>) semaphore(%arg14 : memref<!tpu.dma_semaphore, #tpu.memory_space<semaphore_mem>>)
      } else {
      }
      %dma_wait3A_257 = arith.constant 0 : i32
      %dma_wait3A_258 = arith.constant 0 : i32
      %dma_wait3A_259 = tpu.memref_slice %arg2[%dma_wait3A_257, %dma_wait3A_258] : memref<10000x128xf32, #tpu.memory_space<hbm>> -> memref<32x128xf32, #tpu.memory_space<hbm>>
      %dma_wait3A_260 = arith.constant 0 : i32
      %dma_wait3A_261 = arith.constant 0 : i32
      %dma_wait3A_262 = tpu.memref_slice %arg2[%dma_wait3A_260, %dma_wait3A_261] : memref<10000x128xf32, #tpu.memory_space<hbm>> -> memref<32x128xf32, #tpu.memory_space<hbm>>
      tpu.wait_dma2 semaphore(%arg15 : memref<!tpu.dma_semaphore, #tpu.memory_space<semaphore_mem>>) src(%dma_wait3A_262 : memref<32x128xf32, #tpu.memory_space<hbm>>) dst(%arg9 : memref<32x128xf32, #tpu.memory_space<vmem>>)
      %dma_start3A_263 = arith.constant 0 : i32
      %dma_start3A_264 = tpu.memref_slice %arg12[%add3A_242, %dma_start3A_263] : memref<80x32xi32, #tpu.memory_space<vmem>> -> memref<1x32xi32, #tpu.memory_space<vmem>>
      %dma_start3A_265 = tpu.memref_squeeze %dma_start3A_264 : memref<1x32xi32, #tpu.memory_space<vmem>> -> memref<32xi32, #tpu.memory_space<vmem>>
      %dma_start3A_266 = arith.constant 0 : i32
      %dma_start3A_267 = arith.constant 0 : i32
      %dma_start3A_268 = tpu.memref_slice %arg6[%dma_start3A_266, %dma_start3A_267] : memref<10240x128xf32, #tpu.memory_space<vmem_shared>> -> memref<10240x128xf32, #tpu.memory_space<vmem_shared>>
      tpu.enqueue_indirect_dma source(%arg9 : memref<32x128xf32, #tpu.memory_space<vmem>>) target(%dma_start3A_268 : memref<10240x128xf32, #tpu.memory_space<vmem_shared>>) offsets(%dma_start3A_265 : memref<32xi32, #tpu.memory_space<vmem>>) semaphore(%arg19 : memref<!tpu.dma_semaphore, #tpu.memory_space<semaphore_mem>>) {add = true}
      %mul3A_269 = arith.constant 4 : i32
      %mul3A_270 = arith.muli %scan3A_182, %mul3A_269 : i32
      %add3A_271 = arith.constant 3 : i32
      %add3A_272 = arith.addi %mul3A_270, %add3A_271 : i32
      %gt3A_273 = arith.constant 0 : i32
      %gt3A_274 = arith.cmpi sgt, %add3A_272, %gt3A_273 : i32
      %convert_element_type3A_275 = arith.extui %gt3A_274 : i1 to i32
      %cond3A_276 = arith.constant 0 : i32
      %cond3A_277 = arith.cmpi ne, %convert_element_type3A_275, %cond3A_276 : i32
      scf.if %cond3A_277 {
        %dma_wait3A_300 = arith.constant 0 : i32
        %dma_wait3A_301 = arith.constant 0 : i32
        %dma_wait3A_302 = tpu.memref_slice %arg6[%dma_wait3A_300, %dma_wait3A_301] : memref<10240x128xf32, #tpu.memory_space<vmem_shared>> -> memref<32x128xf32, #tpu.memory_space<vmem_shared>>
        %dma_wait3A_303 = arith.constant 0 : i32
        %dma_wait3A_304 = arith.constant 0 : i32
        %dma_wait3A_305 = tpu.memref_slice %arg6[%dma_wait3A_303, %dma_wait3A_304] : memref<10240x128xf32, #tpu.memory_space<vmem_shared>> -> memref<32x128xf32, #tpu.memory_space<vmem_shared>>
        tpu.wait_dma2 semaphore(%arg19 : memref<!tpu.dma_semaphore, #tpu.memory_space<semaphore_mem>>) src(%arg9 : memref<32x128xf32, #tpu.memory_space<vmem>>) dst(%dma_wait3A_305 : memref<32x128xf32, #tpu.memory_space<vmem_shared>>)
      } else {
      }
      %add3A_278 = arith.constant 4 : i32
      %add3A_279 = arith.addi %add3A_272, %add3A_278 : i32
      %sub3A_280 = arith.constant 1 : i32
      %sub3A_281 = arith.subi %add3A_279, %sub3A_280 : i32
      %lt3A_282 = arith.constant 80 : i32
      %lt3A_283 = arith.cmpi slt, %sub3A_281, %lt3A_282 : i32
      %convert_element_type3A_284 = arith.extui %lt3A_283 : i1 to i32
      %cond3A_285 = arith.constant 0 : i32
      %cond3A_286 = arith.cmpi ne, %convert_element_type3A_284, %cond3A_285 : i32
      scf.if %cond3A_286 {
        %add3A_300 = arith.constant 4 : i32
        %add3A_301 = arith.addi %add3A_272, %add3A_300 : i32
        %sub3A_302 = arith.constant 1 : i32
        %sub3A_303 = arith.subi %add3A_301, %sub3A_302 : i32
        %dma_start3A_304 = arith.constant 0 : i32
        %dma_start3A_305 = tpu.memref_slice %arg11[%sub3A_303, %dma_start3A_304] : memref<80x32xi32, #tpu.memory_space<vmem>> -> memref<1x32xi32, #tpu.memory_space<vmem>>
        %dma_start3A_306 = tpu.memref_squeeze %dma_start3A_305 : memref<1x32xi32, #tpu.memory_space<vmem>> -> memref<32xi32, #tpu.memory_space<vmem>>
        %dma_start3A_307 = arith.constant 0 : i32
        %dma_start3A_308 = arith.constant 0 : i32
        %dma_start3A_309 = tpu.memref_slice %arg2[%dma_start3A_307, %dma_start3A_308] : memref<10000x128xf32, #tpu.memory_space<hbm>> -> memref<10000x128xf32, #tpu.memory_space<hbm>>
        tpu.enqueue_indirect_dma source(%dma_start3A_309 : memref<10000x128xf32, #tpu.memory_space<hbm>>) target(%arg9 : memref<32x128xf32, #tpu.memory_space<vmem>>) offsets(%dma_start3A_306 : memref<32xi32, #tpu.memory_space<vmem>>) semaphore(%arg15 : memref<!tpu.dma_semaphore, #tpu.memory_space<semaphore_mem>>)
      } else {
      }
      %dma_wait3A_287 = arith.constant 0 : i32
      %dma_wait3A_288 = arith.constant 0 : i32
      %dma_wait3A_289 = tpu.memref_slice %arg2[%dma_wait3A_287, %dma_wait3A_288] : memref<10000x128xf32, #tpu.memory_space<hbm>> -> memref<32x128xf32, #tpu.memory_space<hbm>>
      %dma_wait3A_290 = arith.constant 0 : i32
      %dma_wait3A_291 = arith.constant 0 : i32
      %dma_wait3A_292 = tpu.memref_slice %arg2[%dma_wait3A_290, %dma_wait3A_291] : memref<10000x128xf32, #tpu.memory_space<hbm>> -> memref<32x128xf32, #tpu.memory_space<hbm>>
      tpu.wait_dma2 semaphore(%arg16 : memref<!tpu.dma_semaphore, #tpu.memory_space<semaphore_mem>>) src(%dma_wait3A_292 : memref<32x128xf32, #tpu.memory_space<hbm>>) dst(%arg10 : memref<32x128xf32, #tpu.memory_space<vmem>>)
      %dma_start3A_293 = arith.constant 0 : i32
      %dma_start3A_294 = tpu.memref_slice %arg12[%add3A_272, %dma_start3A_293] : memref<80x32xi32, #tpu.memory_space<vmem>> -> memref<1x32xi32, #tpu.memory_space<vmem>>
      %dma_start3A_295 = tpu.memref_squeeze %dma_start3A_294 : memref<1x32xi32, #tpu.memory_space<vmem>> -> memref<32xi32, #tpu.memory_space<vmem>>
      %dma_start3A_296 = arith.constant 0 : i32
      %dma_start3A_297 = arith.constant 0 : i32
      %dma_start3A_298 = tpu.memref_slice %arg6[%dma_start3A_296, %dma_start3A_297] : memref<10240x128xf32, #tpu.memory_space<vmem_shared>> -> memref<10240x128xf32, #tpu.memory_space<vmem_shared>>
      tpu.enqueue_indirect_dma source(%arg10 : memref<32x128xf32, #tpu.memory_space<vmem>>) target(%dma_start3A_298 : memref<10240x128xf32, #tpu.memory_space<vmem_shared>>) offsets(%dma_start3A_295 : memref<32xi32, #tpu.memory_space<vmem>>) semaphore(%arg20 : memref<!tpu.dma_semaphore, #tpu.memory_space<semaphore_mem>>) {add = true}
      %scan3A_299 = arith.constant 0 : i32
      scf.yield %scan3A_299 : i32
    }
    %scan3A_85 = arith.constant 20 : i32
    %dma_wait3A_86 = arith.constant 0 : i32
    %dma_wait3A_87 = arith.constant 0 : i32
    %dma_wait3A_88 = tpu.memref_slice %arg6[%dma_wait3A_86, %dma_wait3A_87] : memref<10240x128xf32, #tpu.memory_space<vmem_shared>> -> memref<32x128xf32, #tpu.memory_space<vmem_shared>>
    %dma_wait3A_89 = arith.constant 0 : i32
    %dma_wait3A_90 = arith.constant 0 : i32
    %dma_wait3A_91 = tpu.memref_slice %arg6[%dma_wait3A_89, %dma_wait3A_90] : memref<10240x128xf32, #tpu.memory_space<vmem_shared>> -> memref<32x128xf32, #tpu.memory_space<vmem_shared>>
    tpu.wait_dma2 semaphore(%arg20 : memref<!tpu.dma_semaphore, #tpu.memory_space<semaphore_mem>>) src(%arg10 : memref<32x128xf32, #tpu.memory_space<vmem>>) dst(%dma_wait3A_91 : memref<32x128xf32, #tpu.memory_space<vmem_shared>>)
    %mul3A_92 = arith.constant 5120 : i32
    %mul3A_93 = arith.muli %arg0, %mul3A_92 : i32
    %mul3A_94 = arith.constant 320 : i32
    %mul3A_95 = arith.muli %arg1, %mul3A_94 : i32
    %add3A_96 = arith.addi %mul3A_93, %mul3A_95 : i32
    %add3A_97 = arith.constant 160 : i32
    %add3A_98 = arith.addi %add3A_96, %add3A_97 : i32
    "tpu.region"() ({
      %run_scoped3A = tpu.sem_alloc : memref<!tpu.dma_semaphore, #tpu.memory_space<semaphore_mem>>
      %dma_start3A_182 = arith.constant 0 : i32
      %dma_start3A_183 = tpu.memref_slice %arg3[%add3A_98, %dma_start3A_182] : memref<10240x32xi32, #tpu.memory_space<hbm>> -> memref<80x32xi32, #tpu.memory_space<hbm>>
      %dma_start3A_184 = arith.constant 0 : i32
      %dma_start3A_185 = tpu.memref_slice %arg3[%add3A_98, %dma_start3A_184] : memref<10240x32xi32, #tpu.memory_space<hbm>> -> memref<80x32xi32, #tpu.memory_space<hbm>>
      tpu.enqueue_dma source(%dma_start3A_185 : memref<80x32xi32, #tpu.memory_space<hbm>>) target(%arg11 : memref<80x32xi32, #tpu.memory_space<vmem>>) target_semaphore(%run_scoped3A : memref<!tpu.dma_semaphore, #tpu.memory_space<semaphore_mem>>)
      %dma_wait3A_186 = arith.constant 0 : i32
      %dma_wait3A_187 = tpu.memref_slice %arg3[%add3A_98, %dma_wait3A_186] : memref<10240x32xi32, #tpu.memory_space<hbm>> -> memref<80x32xi32, #tpu.memory_space<hbm>>
      %dma_wait3A_188 = arith.constant 0 : i32
      %dma_wait3A_189 = tpu.memref_slice %arg3[%add3A_98, %dma_wait3A_188] : memref<10240x32xi32, #tpu.memory_space<hbm>> -> memref<80x32xi32, #tpu.memory_space<hbm>>
      tpu.wait_dma2 semaphore(%run_scoped3A : memref<!tpu.dma_semaphore, #tpu.memory_space<semaphore_mem>>) src(%dma_wait3A_189 : memref<80x32xi32, #tpu.memory_space<hbm>>) dst(%arg11 : memref<80x32xi32, #tpu.memory_space<vmem>>)
      tpu.yield
    }) : () -> ()
    "tpu.region"() ({
      %run_scoped3A = tpu.sem_alloc : memref<!tpu.dma_semaphore, #tpu.memory_space<semaphore_mem>>
      %dma_start3A_182 = arith.constant 0 : i32
      %dma_start3A_183 = tpu.memref_slice %arg4[%add3A_98, %dma_start3A_182] : memref<10240x32xi32, #tpu.memory_space<hbm>> -> memref<80x32xi32, #tpu.memory_space<hbm>>
      %dma_start3A_184 = arith.constant 0 : i32
      %dma_start3A_185 = tpu.memref_slice %arg4[%add3A_98, %dma_start3A_184] : memref<10240x32xi32, #tpu.memory_space<hbm>> -> memref<80x32xi32, #tpu.memory_space<hbm>>
      tpu.enqueue_dma source(%dma_start3A_185 : memref<80x32xi32, #tpu.memory_space<hbm>>) target(%arg12 : memref<80x32xi32, #tpu.memory_space<vmem>>) target_semaphore(%run_scoped3A : memref<!tpu.dma_semaphore, #tpu.memory_space<semaphore_mem>>)
      %dma_wait3A_186 = arith.constant 0 : i32
      %dma_wait3A_187 = tpu.memref_slice %arg4[%add3A_98, %dma_wait3A_186] : memref<10240x32xi32, #tpu.memory_space<hbm>> -> memref<80x32xi32, #tpu.memory_space<hbm>>
      %dma_wait3A_188 = arith.constant 0 : i32
      %dma_wait3A_189 = tpu.memref_slice %arg4[%add3A_98, %dma_wait3A_188] : memref<10240x32xi32, #tpu.memory_space<hbm>> -> memref<80x32xi32, #tpu.memory_space<hbm>>
      tpu.wait_dma2 semaphore(%run_scoped3A : memref<!tpu.dma_semaphore, #tpu.memory_space<semaphore_mem>>) src(%dma_wait3A_189 : memref<80x32xi32, #tpu.memory_space<hbm>>) dst(%arg12 : memref<80x32xi32, #tpu.memory_space<vmem>>)
      tpu.yield
    }) : () -> ()
    %dma_start3A_99 = arith.constant 0 : i32
    %dma_start3A_100 = arith.constant 0 : i32
    %dma_start3A_101 = tpu.memref_slice %arg11[%dma_start3A_99, %dma_start3A_100] : memref<80x32xi32, #tpu.memory_space<vmem>> -> memref<1x32xi32, #tpu.memory_space<vmem>>
    %dma_start3A_102 = tpu.memref_squeeze %dma_start3A_101 : memref<1x32xi32, #tpu.memory_space<vmem>> -> memref<32xi32, #tpu.memory_space<vmem>>
    %dma_start3A_103 = arith.constant 0 : i32
    %dma_start3A_104 = arith.constant 0 : i32
    %dma_start3A_105 = tpu.memref_slice %arg2[%dma_start3A_103, %dma_start3A_104] : memref<10000x128xf32, #tpu.memory_space<hbm>> -> memref<10000x128xf32, #tpu.memory_space<hbm>>
    tpu.enqueue_indirect_dma source(%dma_start3A_105 : memref<10000x128xf32, #tpu.memory_space<hbm>>) target(%arg7 : memref<32x128xf32, #tpu.memory_space<vmem>>) offsets(%dma_start3A_102 : memref<32xi32, #tpu.memory_space<vmem>>) semaphore(%arg13 : memref<!tpu.dma_semaphore, #tpu.memory_space<semaphore_mem>>)
    %dma_start3A_106 = arith.constant 1 : i32
    %dma_start3A_107 = arith.constant 0 : i32
    %dma_start3A_108 = tpu.memref_slice %arg11[%dma_start3A_106, %dma_start3A_107] : memref<80x32xi32, #tpu.memory_space<vmem>> -> memref<1x32xi32, #tpu.memory_space<vmem>>
    %dma_start3A_109 = tpu.memref_squeeze %dma_start3A_108 : memref<1x32xi32, #tpu.memory_space<vmem>> -> memref<32xi32, #tpu.memory_space<vmem>>
    %dma_start3A_110 = arith.constant 0 : i32
    %dma_start3A_111 = arith.constant 0 : i32
    %dma_start3A_112 = tpu.memref_slice %arg2[%dma_start3A_110, %dma_start3A_111] : memref<10000x128xf32, #tpu.memory_space<hbm>> -> memref<10000x128xf32, #tpu.memory_space<hbm>>
    tpu.enqueue_indirect_dma source(%dma_start3A_112 : memref<10000x128xf32, #tpu.memory_space<hbm>>) target(%arg8 : memref<32x128xf32, #tpu.memory_space<vmem>>) offsets(%dma_start3A_109 : memref<32xi32, #tpu.memory_space<vmem>>) semaphore(%arg14 : memref<!tpu.dma_semaphore, #tpu.memory_space<semaphore_mem>>)
    %dma_start3A_113 = arith.constant 2 : i32
    %dma_start3A_114 = arith.constant 0 : i32
    %dma_start3A_115 = tpu.memref_slice %arg11[%dma_start3A_113, %dma_start3A_114] : memref<80x32xi32, #tpu.memory_space<vmem>> -> memref<1x32xi32, #tpu.memory_space<vmem>>
    %dma_start3A_116 = tpu.memref_squeeze %dma_start3A_115 : memref<1x32xi32, #tpu.memory_space<vmem>> -> memref<32xi32, #tpu.memory_space<vmem>>
    %dma_start3A_117 = arith.constant 0 : i32
    %dma_start3A_118 = arith.constant 0 : i32
    %dma_start3A_119 = tpu.memref_slice %arg2[%dma_start3A_117, %dma_start3A_118] : memref<10000x128xf32, #tpu.memory_space<hbm>> -> memref<10000x128xf32, #tpu.memory_space<hbm>>
    tpu.enqueue_indirect_dma source(%dma_start3A_119 : memref<10000x128xf32, #tpu.memory_space<hbm>>) target(%arg9 : memref<32x128xf32, #tpu.memory_space<vmem>>) offsets(%dma_start3A_116 : memref<32xi32, #tpu.memory_space<vmem>>) semaphore(%arg15 : memref<!tpu.dma_semaphore, #tpu.memory_space<semaphore_mem>>)
    %scan3A_120 = arith.constant 0 : i32
    %scan3A_121 = arith.constant 0 : i32
    %scan3A_122 = arith.constant 20 : i32
    %scan3A_123 = arith.addi %scan3A_121, %scan3A_122 : i32
    %scan3A_124 = arith.constant 1 : i32
    %scan3A_125 = scf.for %scan3A_182 = %scan3A_121 to %scan3A_123 step %scan3A_124 iter_args(%scan3A_183 = %scan3A_120) -> (i32)  : i32 {
      %mul3A_184 = arith.constant 4 : i32
      %mul3A_185 = arith.muli %scan3A_182, %mul3A_184 : i32
      %add3A_186 = arith.constant 0 : i32
      %add3A_187 = arith.addi %mul3A_185, %add3A_186 : i32
      %gt3A = arith.constant 0 : i32
      %gt3A_188 = arith.cmpi sgt, %add3A_187, %gt3A : i32
      %convert_element_type3A = arith.extui %gt3A_188 : i1 to i32
      %cond3A = arith.constant 0 : i32
      %cond3A_189 = arith.cmpi ne, %convert_element_type3A, %cond3A : i32
      scf.if %cond3A_189 {
        %dma_wait3A_300 = arith.constant 0 : i32
        %dma_wait3A_301 = arith.constant 0 : i32
        %dma_wait3A_302 = tpu.memref_slice %arg6[%dma_wait3A_300, %dma_wait3A_301] : memref<10240x128xf32, #tpu.memory_space<vmem_shared>> -> memref<32x128xf32, #tpu.memory_space<vmem_shared>>
        %dma_wait3A_303 = arith.constant 0 : i32
        %dma_wait3A_304 = arith.constant 0 : i32
        %dma_wait3A_305 = tpu.memref_slice %arg6[%dma_wait3A_303, %dma_wait3A_304] : memref<10240x128xf32, #tpu.memory_space<vmem_shared>> -> memref<32x128xf32, #tpu.memory_space<vmem_shared>>
        tpu.wait_dma2 semaphore(%arg20 : memref<!tpu.dma_semaphore, #tpu.memory_space<semaphore_mem>>) src(%arg10 : memref<32x128xf32, #tpu.memory_space<vmem>>) dst(%dma_wait3A_305 : memref<32x128xf32, #tpu.memory_space<vmem_shared>>)
      } else {
      }
      %add3A_190 = arith.constant 4 : i32
      %add3A_191 = arith.addi %add3A_187, %add3A_190 : i32
      %sub3A = arith.constant 1 : i32
      %sub3A_192 = arith.subi %add3A_191, %sub3A : i32
      %lt3A = arith.constant 80 : i32
      %lt3A_193 = arith.cmpi slt, %sub3A_192, %lt3A : i32
      %convert_element_type3A_194 = arith.extui %lt3A_193 : i1 to i32
      %cond3A_195 = arith.constant 0 : i32
      %cond3A_196 = arith.cmpi ne, %convert_element_type3A_194, %cond3A_195 : i32
      scf.if %cond3A_196 {
        %add3A_300 = arith.constant 4 : i32
        %add3A_301 = arith.addi %add3A_187, %add3A_300 : i32
        %sub3A_302 = arith.constant 1 : i32
        %sub3A_303 = arith.subi %add3A_301, %sub3A_302 : i32
        %dma_start3A_304 = arith.constant 0 : i32
        %dma_start3A_305 = tpu.memref_slice %arg11[%sub3A_303, %dma_start3A_304] : memref<80x32xi32, #tpu.memory_space<vmem>> -> memref<1x32xi32, #tpu.memory_space<vmem>>
        %dma_start3A_306 = tpu.memref_squeeze %dma_start3A_305 : memref<1x32xi32, #tpu.memory_space<vmem>> -> memref<32xi32, #tpu.memory_space<vmem>>
        %dma_start3A_307 = arith.constant 0 : i32
        %dma_start3A_308 = arith.constant 0 : i32
        %dma_start3A_309 = tpu.memref_slice %arg2[%dma_start3A_307, %dma_start3A_308] : memref<10000x128xf32, #tpu.memory_space<hbm>> -> memref<10000x128xf32, #tpu.memory_space<hbm>>
        tpu.enqueue_indirect_dma source(%dma_start3A_309 : memref<10000x128xf32, #tpu.memory_space<hbm>>) target(%arg10 : memref<32x128xf32, #tpu.memory_space<vmem>>) offsets(%dma_start3A_306 : memref<32xi32, #tpu.memory_space<vmem>>) semaphore(%arg16 : memref<!tpu.dma_semaphore, #tpu.memory_space<semaphore_mem>>)
      } else {
      }
      %dma_wait3A_197 = arith.constant 0 : i32
      %dma_wait3A_198 = arith.constant 0 : i32
      %dma_wait3A_199 = tpu.memref_slice %arg2[%dma_wait3A_197, %dma_wait3A_198] : memref<10000x128xf32, #tpu.memory_space<hbm>> -> memref<32x128xf32, #tpu.memory_space<hbm>>
      %dma_wait3A_200 = arith.constant 0 : i32
      %dma_wait3A_201 = arith.constant 0 : i32
      %dma_wait3A_202 = tpu.memref_slice %arg2[%dma_wait3A_200, %dma_wait3A_201] : memref<10000x128xf32, #tpu.memory_space<hbm>> -> memref<32x128xf32, #tpu.memory_space<hbm>>
      tpu.wait_dma2 semaphore(%arg13 : memref<!tpu.dma_semaphore, #tpu.memory_space<semaphore_mem>>) src(%dma_wait3A_202 : memref<32x128xf32, #tpu.memory_space<hbm>>) dst(%arg7 : memref<32x128xf32, #tpu.memory_space<vmem>>)
      %dma_start3A_203 = arith.constant 0 : i32
      %dma_start3A_204 = tpu.memref_slice %arg12[%add3A_187, %dma_start3A_203] : memref<80x32xi32, #tpu.memory_space<vmem>> -> memref<1x32xi32, #tpu.memory_space<vmem>>
      %dma_start3A_205 = tpu.memref_squeeze %dma_start3A_204 : memref<1x32xi32, #tpu.memory_space<vmem>> -> memref<32xi32, #tpu.memory_space<vmem>>
      %dma_start3A_206 = arith.constant 0 : i32
      %dma_start3A_207 = arith.constant 0 : i32
      %dma_start3A_208 = tpu.memref_slice %arg6[%dma_start3A_206, %dma_start3A_207] : memref<10240x128xf32, #tpu.memory_space<vmem_shared>> -> memref<10240x128xf32, #tpu.memory_space<vmem_shared>>
      tpu.enqueue_indirect_dma source(%arg7 : memref<32x128xf32, #tpu.memory_space<vmem>>) target(%dma_start3A_208 : memref<10240x128xf32, #tpu.memory_space<vmem_shared>>) offsets(%dma_start3A_205 : memref<32xi32, #tpu.memory_space<vmem>>) semaphore(%arg17 : memref<!tpu.dma_semaphore, #tpu.memory_space<semaphore_mem>>) {add = true}
      %mul3A_209 = arith.constant 4 : i32
      %mul3A_210 = arith.muli %scan3A_182, %mul3A_209 : i32
      %add3A_211 = arith.constant 1 : i32
      %add3A_212 = arith.addi %mul3A_210, %add3A_211 : i32
      %gt3A_213 = arith.constant 0 : i32
      %gt3A_214 = arith.cmpi sgt, %add3A_212, %gt3A_213 : i32
      %convert_element_type3A_215 = arith.extui %gt3A_214 : i1 to i32
      %cond3A_216 = arith.constant 0 : i32
      %cond3A_217 = arith.cmpi ne, %convert_element_type3A_215, %cond3A_216 : i32
      scf.if %cond3A_217 {
        %dma_wait3A_300 = arith.constant 0 : i32
        %dma_wait3A_301 = arith.constant 0 : i32
        %dma_wait3A_302 = tpu.memref_slice %arg6[%dma_wait3A_300, %dma_wait3A_301] : memref<10240x128xf32, #tpu.memory_space<vmem_shared>> -> memref<32x128xf32, #tpu.memory_space<vmem_shared>>
        %dma_wait3A_303 = arith.constant 0 : i32
        %dma_wait3A_304 = arith.constant 0 : i32
        %dma_wait3A_305 = tpu.memref_slice %arg6[%dma_wait3A_303, %dma_wait3A_304] : memref<10240x128xf32, #tpu.memory_space<vmem_shared>> -> memref<32x128xf32, #tpu.memory_space<vmem_shared>>
        tpu.wait_dma2 semaphore(%arg17 : memref<!tpu.dma_semaphore, #tpu.memory_space<semaphore_mem>>) src(%arg7 : memref<32x128xf32, #tpu.memory_space<vmem>>) dst(%dma_wait3A_305 : memref<32x128xf32, #tpu.memory_space<vmem_shared>>)
      } else {
      }
      %add3A_218 = arith.constant 4 : i32
      %add3A_219 = arith.addi %add3A_212, %add3A_218 : i32
      %sub3A_220 = arith.constant 1 : i32
      %sub3A_221 = arith.subi %add3A_219, %sub3A_220 : i32
      %lt3A_222 = arith.constant 80 : i32
      %lt3A_223 = arith.cmpi slt, %sub3A_221, %lt3A_222 : i32
      %convert_element_type3A_224 = arith.extui %lt3A_223 : i1 to i32
      %cond3A_225 = arith.constant 0 : i32
      %cond3A_226 = arith.cmpi ne, %convert_element_type3A_224, %cond3A_225 : i32
      scf.if %cond3A_226 {
        %add3A_300 = arith.constant 4 : i32
        %add3A_301 = arith.addi %add3A_212, %add3A_300 : i32
        %sub3A_302 = arith.constant 1 : i32
        %sub3A_303 = arith.subi %add3A_301, %sub3A_302 : i32
        %dma_start3A_304 = arith.constant 0 : i32
        %dma_start3A_305 = tpu.memref_slice %arg11[%sub3A_303, %dma_start3A_304] : memref<80x32xi32, #tpu.memory_space<vmem>> -> memref<1x32xi32, #tpu.memory_space<vmem>>
        %dma_start3A_306 = tpu.memref_squeeze %dma_start3A_305 : memref<1x32xi32, #tpu.memory_space<vmem>> -> memref<32xi32, #tpu.memory_space<vmem>>
        %dma_start3A_307 = arith.constant 0 : i32
        %dma_start3A_308 = arith.constant 0 : i32
        %dma_start3A_309 = tpu.memref_slice %arg2[%dma_start3A_307, %dma_start3A_308] : memref<10000x128xf32, #tpu.memory_space<hbm>> -> memref<10000x128xf32, #tpu.memory_space<hbm>>
        tpu.enqueue_indirect_dma source(%dma_start3A_309 : memref<10000x128xf32, #tpu.memory_space<hbm>>) target(%arg7 : memref<32x128xf32, #tpu.memory_space<vmem>>) offsets(%dma_start3A_306 : memref<32xi32, #tpu.memory_space<vmem>>) semaphore(%arg13 : memref<!tpu.dma_semaphore, #tpu.memory_space<semaphore_mem>>)
      } else {
      }
      %dma_wait3A_227 = arith.constant 0 : i32
      %dma_wait3A_228 = arith.constant 0 : i32
      %dma_wait3A_229 = tpu.memref_slice %arg2[%dma_wait3A_227, %dma_wait3A_228] : memref<10000x128xf32, #tpu.memory_space<hbm>> -> memref<32x128xf32, #tpu.memory_space<hbm>>
      %dma_wait3A_230 = arith.constant 0 : i32
      %dma_wait3A_231 = arith.constant 0 : i32
      %dma_wait3A_232 = tpu.memref_slice %arg2[%dma_wait3A_230, %dma_wait3A_231] : memref<10000x128xf32, #tpu.memory_space<hbm>> -> memref<32x128xf32, #tpu.memory_space<hbm>>
      tpu.wait_dma2 semaphore(%arg14 : memref<!tpu.dma_semaphore, #tpu.memory_space<semaphore_mem>>) src(%dma_wait3A_232 : memref<32x128xf32, #tpu.memory_space<hbm>>) dst(%arg8 : memref<32x128xf32, #tpu.memory_space<vmem>>)
      %dma_start3A_233 = arith.constant 0 : i32
      %dma_start3A_234 = tpu.memref_slice %arg12[%add3A_212, %dma_start3A_233] : memref<80x32xi32, #tpu.memory_space<vmem>> -> memref<1x32xi32, #tpu.memory_space<vmem>>
      %dma_start3A_235 = tpu.memref_squeeze %dma_start3A_234 : memref<1x32xi32, #tpu.memory_space<vmem>> -> memref<32xi32, #tpu.memory_space<vmem>>
      %dma_start3A_236 = arith.constant 0 : i32
      %dma_start3A_237 = arith.constant 0 : i32
      %dma_start3A_238 = tpu.memref_slice %arg6[%dma_start3A_236, %dma_start3A_237] : memref<10240x128xf32, #tpu.memory_space<vmem_shared>> -> memref<10240x128xf32, #tpu.memory_space<vmem_shared>>
      tpu.enqueue_indirect_dma source(%arg8 : memref<32x128xf32, #tpu.memory_space<vmem>>) target(%dma_start3A_238 : memref<10240x128xf32, #tpu.memory_space<vmem_shared>>) offsets(%dma_start3A_235 : memref<32xi32, #tpu.memory_space<vmem>>) semaphore(%arg18 : memref<!tpu.dma_semaphore, #tpu.memory_space<semaphore_mem>>) {add = true}
      %mul3A_239 = arith.constant 4 : i32
      %mul3A_240 = arith.muli %scan3A_182, %mul3A_239 : i32
      %add3A_241 = arith.constant 2 : i32
      %add3A_242 = arith.addi %mul3A_240, %add3A_241 : i32
      %gt3A_243 = arith.constant 0 : i32
      %gt3A_244 = arith.cmpi sgt, %add3A_242, %gt3A_243 : i32
      %convert_element_type3A_245 = arith.extui %gt3A_244 : i1 to i32
      %cond3A_246 = arith.constant 0 : i32
      %cond3A_247 = arith.cmpi ne, %convert_element_type3A_245, %cond3A_246 : i32
      scf.if %cond3A_247 {
        %dma_wait3A_300 = arith.constant 0 : i32
        %dma_wait3A_301 = arith.constant 0 : i32
        %dma_wait3A_302 = tpu.memref_slice %arg6[%dma_wait3A_300, %dma_wait3A_301] : memref<10240x128xf32, #tpu.memory_space<vmem_shared>> -> memref<32x128xf32, #tpu.memory_space<vmem_shared>>
        %dma_wait3A_303 = arith.constant 0 : i32
        %dma_wait3A_304 = arith.constant 0 : i32
        %dma_wait3A_305 = tpu.memref_slice %arg6[%dma_wait3A_303, %dma_wait3A_304] : memref<10240x128xf32, #tpu.memory_space<vmem_shared>> -> memref<32x128xf32, #tpu.memory_space<vmem_shared>>
        tpu.wait_dma2 semaphore(%arg18 : memref<!tpu.dma_semaphore, #tpu.memory_space<semaphore_mem>>) src(%arg8 : memref<32x128xf32, #tpu.memory_space<vmem>>) dst(%dma_wait3A_305 : memref<32x128xf32, #tpu.memory_space<vmem_shared>>)
      } else {
      }
      %add3A_248 = arith.constant 4 : i32
      %add3A_249 = arith.addi %add3A_242, %add3A_248 : i32
      %sub3A_250 = arith.constant 1 : i32
      %sub3A_251 = arith.subi %add3A_249, %sub3A_250 : i32
      %lt3A_252 = arith.constant 80 : i32
      %lt3A_253 = arith.cmpi slt, %sub3A_251, %lt3A_252 : i32
      %convert_element_type3A_254 = arith.extui %lt3A_253 : i1 to i32
      %cond3A_255 = arith.constant 0 : i32
      %cond3A_256 = arith.cmpi ne, %convert_element_type3A_254, %cond3A_255 : i32
      scf.if %cond3A_256 {
        %add3A_300 = arith.constant 4 : i32
        %add3A_301 = arith.addi %add3A_242, %add3A_300 : i32
        %sub3A_302 = arith.constant 1 : i32
        %sub3A_303 = arith.subi %add3A_301, %sub3A_302 : i32
        %dma_start3A_304 = arith.constant 0 : i32
        %dma_start3A_305 = tpu.memref_slice %arg11[%sub3A_303, %dma_start3A_304] : memref<80x32xi32, #tpu.memory_space<vmem>> -> memref<1x32xi32, #tpu.memory_space<vmem>>
        %dma_start3A_306 = tpu.memref_squeeze %dma_start3A_305 : memref<1x32xi32, #tpu.memory_space<vmem>> -> memref<32xi32, #tpu.memory_space<vmem>>
        %dma_start3A_307 = arith.constant 0 : i32
        %dma_start3A_308 = arith.constant 0 : i32
        %dma_start3A_309 = tpu.memref_slice %arg2[%dma_start3A_307, %dma_start3A_308] : memref<10000x128xf32, #tpu.memory_space<hbm>> -> memref<10000x128xf32, #tpu.memory_space<hbm>>
        tpu.enqueue_indirect_dma source(%dma_start3A_309 : memref<10000x128xf32, #tpu.memory_space<hbm>>) target(%arg8 : memref<32x128xf32, #tpu.memory_space<vmem>>) offsets(%dma_start3A_306 : memref<32xi32, #tpu.memory_space<vmem>>) semaphore(%arg14 : memref<!tpu.dma_semaphore, #tpu.memory_space<semaphore_mem>>)
      } else {
      }
      %dma_wait3A_257 = arith.constant 0 : i32
      %dma_wait3A_258 = arith.constant 0 : i32
      %dma_wait3A_259 = tpu.memref_slice %arg2[%dma_wait3A_257, %dma_wait3A_258] : memref<10000x128xf32, #tpu.memory_space<hbm>> -> memref<32x128xf32, #tpu.memory_space<hbm>>
      %dma_wait3A_260 = arith.constant 0 : i32
      %dma_wait3A_261 = arith.constant 0 : i32
      %dma_wait3A_262 = tpu.memref_slice %arg2[%dma_wait3A_260, %dma_wait3A_261] : memref<10000x128xf32, #tpu.memory_space<hbm>> -> memref<32x128xf32, #tpu.memory_space<hbm>>
      tpu.wait_dma2 semaphore(%arg15 : memref<!tpu.dma_semaphore, #tpu.memory_space<semaphore_mem>>) src(%dma_wait3A_262 : memref<32x128xf32, #tpu.memory_space<hbm>>) dst(%arg9 : memref<32x128xf32, #tpu.memory_space<vmem>>)
      %dma_start3A_263 = arith.constant 0 : i32
      %dma_start3A_264 = tpu.memref_slice %arg12[%add3A_242, %dma_start3A_263] : memref<80x32xi32, #tpu.memory_space<vmem>> -> memref<1x32xi32, #tpu.memory_space<vmem>>
      %dma_start3A_265 = tpu.memref_squeeze %dma_start3A_264 : memref<1x32xi32, #tpu.memory_space<vmem>> -> memref<32xi32, #tpu.memory_space<vmem>>
      %dma_start3A_266 = arith.constant 0 : i32
      %dma_start3A_267 = arith.constant 0 : i32
      %dma_start3A_268 = tpu.memref_slice %arg6[%dma_start3A_266, %dma_start3A_267] : memref<10240x128xf32, #tpu.memory_space<vmem_shared>> -> memref<10240x128xf32, #tpu.memory_space<vmem_shared>>
      tpu.enqueue_indirect_dma source(%arg9 : memref<32x128xf32, #tpu.memory_space<vmem>>) target(%dma_start3A_268 : memref<10240x128xf32, #tpu.memory_space<vmem_shared>>) offsets(%dma_start3A_265 : memref<32xi32, #tpu.memory_space<vmem>>) semaphore(%arg19 : memref<!tpu.dma_semaphore, #tpu.memory_space<semaphore_mem>>) {add = true}
      %mul3A_269 = arith.constant 4 : i32
      %mul3A_270 = arith.muli %scan3A_182, %mul3A_269 : i32
      %add3A_271 = arith.constant 3 : i32
      %add3A_272 = arith.addi %mul3A_270, %add3A_271 : i32
      %gt3A_273 = arith.constant 0 : i32
      %gt3A_274 = arith.cmpi sgt, %add3A_272, %gt3A_273 : i32
      %convert_element_type3A_275 = arith.extui %gt3A_274 : i1 to i32
      %cond3A_276 = arith.constant 0 : i32
      %cond3A_277 = arith.cmpi ne, %convert_element_type3A_275, %cond3A_276 : i32
      scf.if %cond3A_277 {
        %dma_wait3A_300 = arith.constant 0 : i32
        %dma_wait3A_301 = arith.constant 0 : i32
        %dma_wait3A_302 = tpu.memref_slice %arg6[%dma_wait3A_300, %dma_wait3A_301] : memref<10240x128xf32, #tpu.memory_space<vmem_shared>> -> memref<32x128xf32, #tpu.memory_space<vmem_shared>>
        %dma_wait3A_303 = arith.constant 0 : i32
        %dma_wait3A_304 = arith.constant 0 : i32
        %dma_wait3A_305 = tpu.memref_slice %arg6[%dma_wait3A_303, %dma_wait3A_304] : memref<10240x128xf32, #tpu.memory_space<vmem_shared>> -> memref<32x128xf32, #tpu.memory_space<vmem_shared>>
        tpu.wait_dma2 semaphore(%arg19 : memref<!tpu.dma_semaphore, #tpu.memory_space<semaphore_mem>>) src(%arg9 : memref<32x128xf32, #tpu.memory_space<vmem>>) dst(%dma_wait3A_305 : memref<32x128xf32, #tpu.memory_space<vmem_shared>>)
      } else {
      }
      %add3A_278 = arith.constant 4 : i32
      %add3A_279 = arith.addi %add3A_272, %add3A_278 : i32
      %sub3A_280 = arith.constant 1 : i32
      %sub3A_281 = arith.subi %add3A_279, %sub3A_280 : i32
      %lt3A_282 = arith.constant 80 : i32
      %lt3A_283 = arith.cmpi slt, %sub3A_281, %lt3A_282 : i32
      %convert_element_type3A_284 = arith.extui %lt3A_283 : i1 to i32
      %cond3A_285 = arith.constant 0 : i32
      %cond3A_286 = arith.cmpi ne, %convert_element_type3A_284, %cond3A_285 : i32
      scf.if %cond3A_286 {
        %add3A_300 = arith.constant 4 : i32
        %add3A_301 = arith.addi %add3A_272, %add3A_300 : i32
        %sub3A_302 = arith.constant 1 : i32
        %sub3A_303 = arith.subi %add3A_301, %sub3A_302 : i32
        %dma_start3A_304 = arith.constant 0 : i32
        %dma_start3A_305 = tpu.memref_slice %arg11[%sub3A_303, %dma_start3A_304] : memref<80x32xi32, #tpu.memory_space<vmem>> -> memref<1x32xi32, #tpu.memory_space<vmem>>
        %dma_start3A_306 = tpu.memref_squeeze %dma_start3A_305 : memref<1x32xi32, #tpu.memory_space<vmem>> -> memref<32xi32, #tpu.memory_space<vmem>>
        %dma_start3A_307 = arith.constant 0 : i32
        %dma_start3A_308 = arith.constant 0 : i32
        %dma_start3A_309 = tpu.memref_slice %arg2[%dma_start3A_307, %dma_start3A_308] : memref<10000x128xf32, #tpu.memory_space<hbm>> -> memref<10000x128xf32, #tpu.memory_space<hbm>>
        tpu.enqueue_indirect_dma source(%dma_start3A_309 : memref<10000x128xf32, #tpu.memory_space<hbm>>) target(%arg9 : memref<32x128xf32, #tpu.memory_space<vmem>>) offsets(%dma_start3A_306 : memref<32xi32, #tpu.memory_space<vmem>>) semaphore(%arg15 : memref<!tpu.dma_semaphore, #tpu.memory_space<semaphore_mem>>)
      } else {
      }
      %dma_wait3A_287 = arith.constant 0 : i32
      %dma_wait3A_288 = arith.constant 0 : i32
      %dma_wait3A_289 = tpu.memref_slice %arg2[%dma_wait3A_287, %dma_wait3A_288] : memref<10000x128xf32, #tpu.memory_space<hbm>> -> memref<32x128xf32, #tpu.memory_space<hbm>>
      %dma_wait3A_290 = arith.constant 0 : i32
      %dma_wait3A_291 = arith.constant 0 : i32
      %dma_wait3A_292 = tpu.memref_slice %arg2[%dma_wait3A_290, %dma_wait3A_291] : memref<10000x128xf32, #tpu.memory_space<hbm>> -> memref<32x128xf32, #tpu.memory_space<hbm>>
      tpu.wait_dma2 semaphore(%arg16 : memref<!tpu.dma_semaphore, #tpu.memory_space<semaphore_mem>>) src(%dma_wait3A_292 : memref<32x128xf32, #tpu.memory_space<hbm>>) dst(%arg10 : memref<32x128xf32, #tpu.memory_space<vmem>>)
      %dma_start3A_293 = arith.constant 0 : i32
      %dma_start3A_294 = tpu.memref_slice %arg12[%add3A_272, %dma_start3A_293] : memref<80x32xi32, #tpu.memory_space<vmem>> -> memref<1x32xi32, #tpu.memory_space<vmem>>
      %dma_start3A_295 = tpu.memref_squeeze %dma_start3A_294 : memref<1x32xi32, #tpu.memory_space<vmem>> -> memref<32xi32, #tpu.memory_space<vmem>>
      %dma_start3A_296 = arith.constant 0 : i32
      %dma_start3A_297 = arith.constant 0 : i32
      %dma_start3A_298 = tpu.memref_slice %arg6[%dma_start3A_296, %dma_start3A_297] : memref<10240x128xf32, #tpu.memory_space<vmem_shared>> -> memref<10240x128xf32, #tpu.memory_space<vmem_shared>>
      tpu.enqueue_indirect_dma source(%arg10 : memref<32x128xf32, #tpu.memory_space<vmem>>) target(%dma_start3A_298 : memref<10240x128xf32, #tpu.memory_space<vmem_shared>>) offsets(%dma_start3A_295 : memref<32xi32, #tpu.memory_space<vmem>>) semaphore(%arg20 : memref<!tpu.dma_semaphore, #tpu.memory_space<semaphore_mem>>) {add = true}
      %scan3A_299 = arith.constant 0 : i32
      scf.yield %scan3A_299 : i32
    }
    %scan3A_126 = arith.constant 20 : i32
    %dma_wait3A_127 = arith.constant 0 : i32
    %dma_wait3A_128 = arith.constant 0 : i32
    %dma_wait3A_129 = tpu.memref_slice %arg6[%dma_wait3A_127, %dma_wait3A_128] : memref<10240x128xf32, #tpu.memory_space<vmem_shared>> -> memref<32x128xf32, #tpu.memory_space<vmem_shared>>
    %dma_wait3A_130 = arith.constant 0 : i32
    %dma_wait3A_131 = arith.constant 0 : i32
    %dma_wait3A_132 = tpu.memref_slice %arg6[%dma_wait3A_130, %dma_wait3A_131] : memref<10240x128xf32, #tpu.memory_space<vmem_shared>> -> memref<32x128xf32, #tpu.memory_space<vmem_shared>>
    tpu.wait_dma2 semaphore(%arg20 : memref<!tpu.dma_semaphore, #tpu.memory_space<semaphore_mem>>) src(%arg10 : memref<32x128xf32, #tpu.memory_space<vmem>>) dst(%dma_wait3A_132 : memref<32x128xf32, #tpu.memory_space<vmem_shared>>)
    %mul3A_133 = arith.constant 5120 : i32
    %mul3A_134 = arith.muli %arg0, %mul3A_133 : i32
    %mul3A_135 = arith.constant 320 : i32
    %mul3A_136 = arith.muli %arg1, %mul3A_135 : i32
    %add3A_137 = arith.addi %mul3A_134, %mul3A_136 : i32
    %add3A_138 = arith.constant 240 : i32
    %add3A_139 = arith.addi %add3A_137, %add3A_138 : i32
    "tpu.region"() ({
      %run_scoped3A = tpu.sem_alloc : memref<!tpu.dma_semaphore, #tpu.memory_space<semaphore_mem>>
      %dma_start3A_182 = arith.constant 0 : i32
      %dma_start3A_183 = tpu.memref_slice %arg3[%add3A_139, %dma_start3A_182] : memref<10240x32xi32, #tpu.memory_space<hbm>> -> memref<80x32xi32, #tpu.memory_space<hbm>>
      %dma_start3A_184 = arith.constant 0 : i32
      %dma_start3A_185 = tpu.memref_slice %arg3[%add3A_139, %dma_start3A_184] : memref<10240x32xi32, #tpu.memory_space<hbm>> -> memref<80x32xi32, #tpu.memory_space<hbm>>
      tpu.enqueue_dma source(%dma_start3A_185 : memref<80x32xi32, #tpu.memory_space<hbm>>) target(%arg11 : memref<80x32xi32, #tpu.memory_space<vmem>>) target_semaphore(%run_scoped3A : memref<!tpu.dma_semaphore, #tpu.memory_space<semaphore_mem>>)
      %dma_wait3A_186 = arith.constant 0 : i32
      %dma_wait3A_187 = tpu.memref_slice %arg3[%add3A_139, %dma_wait3A_186] : memref<10240x32xi32, #tpu.memory_space<hbm>> -> memref<80x32xi32, #tpu.memory_space<hbm>>
      %dma_wait3A_188 = arith.constant 0 : i32
      %dma_wait3A_189 = tpu.memref_slice %arg3[%add3A_139, %dma_wait3A_188] : memref<10240x32xi32, #tpu.memory_space<hbm>> -> memref<80x32xi32, #tpu.memory_space<hbm>>
      tpu.wait_dma2 semaphore(%run_scoped3A : memref<!tpu.dma_semaphore, #tpu.memory_space<semaphore_mem>>) src(%dma_wait3A_189 : memref<80x32xi32, #tpu.memory_space<hbm>>) dst(%arg11 : memref<80x32xi32, #tpu.memory_space<vmem>>)
      tpu.yield
    }) : () -> ()
    "tpu.region"() ({
      %run_scoped3A = tpu.sem_alloc : memref<!tpu.dma_semaphore, #tpu.memory_space<semaphore_mem>>
      %dma_start3A_182 = arith.constant 0 : i32
      %dma_start3A_183 = tpu.memref_slice %arg4[%add3A_139, %dma_start3A_182] : memref<10240x32xi32, #tpu.memory_space<hbm>> -> memref<80x32xi32, #tpu.memory_space<hbm>>
      %dma_start3A_184 = arith.constant 0 : i32
      %dma_start3A_185 = tpu.memref_slice %arg4[%add3A_139, %dma_start3A_184] : memref<10240x32xi32, #tpu.memory_space<hbm>> -> memref<80x32xi32, #tpu.memory_space<hbm>>
      tpu.enqueue_dma source(%dma_start3A_185 : memref<80x32xi32, #tpu.memory_space<hbm>>) target(%arg12 : memref<80x32xi32, #tpu.memory_space<vmem>>) target_semaphore(%run_scoped3A : memref<!tpu.dma_semaphore, #tpu.memory_space<semaphore_mem>>)
      %dma_wait3A_186 = arith.constant 0 : i32
      %dma_wait3A_187 = tpu.memref_slice %arg4[%add3A_139, %dma_wait3A_186] : memref<10240x32xi32, #tpu.memory_space<hbm>> -> memref<80x32xi32, #tpu.memory_space<hbm>>
      %dma_wait3A_188 = arith.constant 0 : i32
      %dma_wait3A_189 = tpu.memref_slice %arg4[%add3A_139, %dma_wait3A_188] : memref<10240x32xi32, #tpu.memory_space<hbm>> -> memref<80x32xi32, #tpu.memory_space<hbm>>
      tpu.wait_dma2 semaphore(%run_scoped3A : memref<!tpu.dma_semaphore, #tpu.memory_space<semaphore_mem>>) src(%dma_wait3A_189 : memref<80x32xi32, #tpu.memory_space<hbm>>) dst(%arg12 : memref<80x32xi32, #tpu.memory_space<vmem>>)
      tpu.yield
    }) : () -> ()
    %dma_start3A_140 = arith.constant 0 : i32
    %dma_start3A_141 = arith.constant 0 : i32
    %dma_start3A_142 = tpu.memref_slice %arg11[%dma_start3A_140, %dma_start3A_141] : memref<80x32xi32, #tpu.memory_space<vmem>> -> memref<1x32xi32, #tpu.memory_space<vmem>>
    %dma_start3A_143 = tpu.memref_squeeze %dma_start3A_142 : memref<1x32xi32, #tpu.memory_space<vmem>> -> memref<32xi32, #tpu.memory_space<vmem>>
    %dma_start3A_144 = arith.constant 0 : i32
    %dma_start3A_145 = arith.constant 0 : i32
    %dma_start3A_146 = tpu.memref_slice %arg2[%dma_start3A_144, %dma_start3A_145] : memref<10000x128xf32, #tpu.memory_space<hbm>> -> memref<10000x128xf32, #tpu.memory_space<hbm>>
    tpu.enqueue_indirect_dma source(%dma_start3A_146 : memref<10000x128xf32, #tpu.memory_space<hbm>>) target(%arg7 : memref<32x128xf32, #tpu.memory_space<vmem>>) offsets(%dma_start3A_143 : memref<32xi32, #tpu.memory_space<vmem>>) semaphore(%arg13 : memref<!tpu.dma_semaphore, #tpu.memory_space<semaphore_mem>>)
    %dma_start3A_147 = arith.constant 1 : i32
    %dma_start3A_148 = arith.constant 0 : i32
    %dma_start3A_149 = tpu.memref_slice %arg11[%dma_start3A_147, %dma_start3A_148] : memref<80x32xi32, #tpu.memory_space<vmem>> -> memref<1x32xi32, #tpu.memory_space<vmem>>
    %dma_start3A_150 = tpu.memref_squeeze %dma_start3A_149 : memref<1x32xi32, #tpu.memory_space<vmem>> -> memref<32xi32, #tpu.memory_space<vmem>>
    %dma_start3A_151 = arith.constant 0 : i32
    %dma_start3A_152 = arith.constant 0 : i32
    %dma_start3A_153 = tpu.memref_slice %arg2[%dma_start3A_151, %dma_start3A_152] : memref<10000x128xf32, #tpu.memory_space<hbm>> -> memref<10000x128xf32, #tpu.memory_space<hbm>>
    tpu.enqueue_indirect_dma source(%dma_start3A_153 : memref<10000x128xf32, #tpu.memory_space<hbm>>) target(%arg8 : memref<32x128xf32, #tpu.memory_space<vmem>>) offsets(%dma_start3A_150 : memref<32xi32, #tpu.memory_space<vmem>>) semaphore(%arg14 : memref<!tpu.dma_semaphore, #tpu.memory_space<semaphore_mem>>)
    %dma_start3A_154 = arith.constant 2 : i32
    %dma_start3A_155 = arith.constant 0 : i32
    %dma_start3A_156 = tpu.memref_slice %arg11[%dma_start3A_154, %dma_start3A_155] : memref<80x32xi32, #tpu.memory_space<vmem>> -> memref<1x32xi32, #tpu.memory_space<vmem>>
    %dma_start3A_157 = tpu.memref_squeeze %dma_start3A_156 : memref<1x32xi32, #tpu.memory_space<vmem>> -> memref<32xi32, #tpu.memory_space<vmem>>
    %dma_start3A_158 = arith.constant 0 : i32
    %dma_start3A_159 = arith.constant 0 : i32
    %dma_start3A_160 = tpu.memref_slice %arg2[%dma_start3A_158, %dma_start3A_159] : memref<10000x128xf32, #tpu.memory_space<hbm>> -> memref<10000x128xf32, #tpu.memory_space<hbm>>
    tpu.enqueue_indirect_dma source(%dma_start3A_160 : memref<10000x128xf32, #tpu.memory_space<hbm>>) target(%arg9 : memref<32x128xf32, #tpu.memory_space<vmem>>) offsets(%dma_start3A_157 : memref<32xi32, #tpu.memory_space<vmem>>) semaphore(%arg15 : memref<!tpu.dma_semaphore, #tpu.memory_space<semaphore_mem>>)
    %scan3A_161 = arith.constant 0 : i32
    %scan3A_162 = arith.constant 0 : i32
    %scan3A_163 = arith.constant 20 : i32
    %scan3A_164 = arith.addi %scan3A_162, %scan3A_163 : i32
    %scan3A_165 = arith.constant 1 : i32
    %scan3A_166 = scf.for %scan3A_182 = %scan3A_162 to %scan3A_164 step %scan3A_165 iter_args(%scan3A_183 = %scan3A_161) -> (i32)  : i32 {
      %mul3A_184 = arith.constant 4 : i32
      %mul3A_185 = arith.muli %scan3A_182, %mul3A_184 : i32
      %add3A_186 = arith.constant 0 : i32
      %add3A_187 = arith.addi %mul3A_185, %add3A_186 : i32
      %gt3A = arith.constant 0 : i32
      %gt3A_188 = arith.cmpi sgt, %add3A_187, %gt3A : i32
      %convert_element_type3A = arith.extui %gt3A_188 : i1 to i32
      %cond3A = arith.constant 0 : i32
      %cond3A_189 = arith.cmpi ne, %convert_element_type3A, %cond3A : i32
      scf.if %cond3A_189 {
        %dma_wait3A_300 = arith.constant 0 : i32
        %dma_wait3A_301 = arith.constant 0 : i32
        %dma_wait3A_302 = tpu.memref_slice %arg6[%dma_wait3A_300, %dma_wait3A_301] : memref<10240x128xf32, #tpu.memory_space<vmem_shared>> -> memref<32x128xf32, #tpu.memory_space<vmem_shared>>
        %dma_wait3A_303 = arith.constant 0 : i32
        %dma_wait3A_304 = arith.constant 0 : i32
        %dma_wait3A_305 = tpu.memref_slice %arg6[%dma_wait3A_303, %dma_wait3A_304] : memref<10240x128xf32, #tpu.memory_space<vmem_shared>> -> memref<32x128xf32, #tpu.memory_space<vmem_shared>>
        tpu.wait_dma2 semaphore(%arg20 : memref<!tpu.dma_semaphore, #tpu.memory_space<semaphore_mem>>) src(%arg10 : memref<32x128xf32, #tpu.memory_space<vmem>>) dst(%dma_wait3A_305 : memref<32x128xf32, #tpu.memory_space<vmem_shared>>)
      } else {
      }
      %add3A_190 = arith.constant 4 : i32
      %add3A_191 = arith.addi %add3A_187, %add3A_190 : i32
      %sub3A = arith.constant 1 : i32
      %sub3A_192 = arith.subi %add3A_191, %sub3A : i32
      %lt3A = arith.constant 80 : i32
      %lt3A_193 = arith.cmpi slt, %sub3A_192, %lt3A : i32
      %convert_element_type3A_194 = arith.extui %lt3A_193 : i1 to i32
      %cond3A_195 = arith.constant 0 : i32
      %cond3A_196 = arith.cmpi ne, %convert_element_type3A_194, %cond3A_195 : i32
      scf.if %cond3A_196 {
        %add3A_300 = arith.constant 4 : i32
        %add3A_301 = arith.addi %add3A_187, %add3A_300 : i32
        %sub3A_302 = arith.constant 1 : i32
        %sub3A_303 = arith.subi %add3A_301, %sub3A_302 : i32
        %dma_start3A_304 = arith.constant 0 : i32
        %dma_start3A_305 = tpu.memref_slice %arg11[%sub3A_303, %dma_start3A_304] : memref<80x32xi32, #tpu.memory_space<vmem>> -> memref<1x32xi32, #tpu.memory_space<vmem>>
        %dma_start3A_306 = tpu.memref_squeeze %dma_start3A_305 : memref<1x32xi32, #tpu.memory_space<vmem>> -> memref<32xi32, #tpu.memory_space<vmem>>
        %dma_start3A_307 = arith.constant 0 : i32
        %dma_start3A_308 = arith.constant 0 : i32
        %dma_start3A_309 = tpu.memref_slice %arg2[%dma_start3A_307, %dma_start3A_308] : memref<10000x128xf32, #tpu.memory_space<hbm>> -> memref<10000x128xf32, #tpu.memory_space<hbm>>
        tpu.enqueue_indirect_dma source(%dma_start3A_309 : memref<10000x128xf32, #tpu.memory_space<hbm>>) target(%arg10 : memref<32x128xf32, #tpu.memory_space<vmem>>) offsets(%dma_start3A_306 : memref<32xi32, #tpu.memory_space<vmem>>) semaphore(%arg16 : memref<!tpu.dma_semaphore, #tpu.memory_space<semaphore_mem>>)
      } else {
      }
      %dma_wait3A_197 = arith.constant 0 : i32
      %dma_wait3A_198 = arith.constant 0 : i32
      %dma_wait3A_199 = tpu.memref_slice %arg2[%dma_wait3A_197, %dma_wait3A_198] : memref<10000x128xf32, #tpu.memory_space<hbm>> -> memref<32x128xf32, #tpu.memory_space<hbm>>
      %dma_wait3A_200 = arith.constant 0 : i32
      %dma_wait3A_201 = arith.constant 0 : i32
      %dma_wait3A_202 = tpu.memref_slice %arg2[%dma_wait3A_200, %dma_wait3A_201] : memref<10000x128xf32, #tpu.memory_space<hbm>> -> memref<32x128xf32, #tpu.memory_space<hbm>>
      tpu.wait_dma2 semaphore(%arg13 : memref<!tpu.dma_semaphore, #tpu.memory_space<semaphore_mem>>) src(%dma_wait3A_202 : memref<32x128xf32, #tpu.memory_space<hbm>>) dst(%arg7 : memref<32x128xf32, #tpu.memory_space<vmem>>)
      %dma_start3A_203 = arith.constant 0 : i32
      %dma_start3A_204 = tpu.memref_slice %arg12[%add3A_187, %dma_start3A_203] : memref<80x32xi32, #tpu.memory_space<vmem>> -> memref<1x32xi32, #tpu.memory_space<vmem>>
      %dma_start3A_205 = tpu.memref_squeeze %dma_start3A_204 : memref<1x32xi32, #tpu.memory_space<vmem>> -> memref<32xi32, #tpu.memory_space<vmem>>
      %dma_start3A_206 = arith.constant 0 : i32
      %dma_start3A_207 = arith.constant 0 : i32
      %dma_start3A_208 = tpu.memref_slice %arg6[%dma_start3A_206, %dma_start3A_207] : memref<10240x128xf32, #tpu.memory_space<vmem_shared>> -> memref<10240x128xf32, #tpu.memory_space<vmem_shared>>
      tpu.enqueue_indirect_dma source(%arg7 : memref<32x128xf32, #tpu.memory_space<vmem>>) target(%dma_start3A_208 : memref<10240x128xf32, #tpu.memory_space<vmem_shared>>) offsets(%dma_start3A_205 : memref<32xi32, #tpu.memory_space<vmem>>) semaphore(%arg17 : memref<!tpu.dma_semaphore, #tpu.memory_space<semaphore_mem>>) {add = true}
      %mul3A_209 = arith.constant 4 : i32
      %mul3A_210 = arith.muli %scan3A_182, %mul3A_209 : i32
      %add3A_211 = arith.constant 1 : i32
      %add3A_212 = arith.addi %mul3A_210, %add3A_211 : i32
      %gt3A_213 = arith.constant 0 : i32
      %gt3A_214 = arith.cmpi sgt, %add3A_212, %gt3A_213 : i32
      %convert_element_type3A_215 = arith.extui %gt3A_214 : i1 to i32
      %cond3A_216 = arith.constant 0 : i32
      %cond3A_217 = arith.cmpi ne, %convert_element_type3A_215, %cond3A_216 : i32
      scf.if %cond3A_217 {
        %dma_wait3A_300 = arith.constant 0 : i32
        %dma_wait3A_301 = arith.constant 0 : i32
        %dma_wait3A_302 = tpu.memref_slice %arg6[%dma_wait3A_300, %dma_wait3A_301] : memref<10240x128xf32, #tpu.memory_space<vmem_shared>> -> memref<32x128xf32, #tpu.memory_space<vmem_shared>>
        %dma_wait3A_303 = arith.constant 0 : i32
        %dma_wait3A_304 = arith.constant 0 : i32
        %dma_wait3A_305 = tpu.memref_slice %arg6[%dma_wait3A_303, %dma_wait3A_304] : memref<10240x128xf32, #tpu.memory_space<vmem_shared>> -> memref<32x128xf32, #tpu.memory_space<vmem_shared>>
        tpu.wait_dma2 semaphore(%arg17 : memref<!tpu.dma_semaphore, #tpu.memory_space<semaphore_mem>>) src(%arg7 : memref<32x128xf32, #tpu.memory_space<vmem>>) dst(%dma_wait3A_305 : memref<32x128xf32, #tpu.memory_space<vmem_shared>>)
      } else {
      }
      %add3A_218 = arith.constant 4 : i32
      %add3A_219 = arith.addi %add3A_212, %add3A_218 : i32
      %sub3A_220 = arith.constant 1 : i32
      %sub3A_221 = arith.subi %add3A_219, %sub3A_220 : i32
      %lt3A_222 = arith.constant 80 : i32
      %lt3A_223 = arith.cmpi slt, %sub3A_221, %lt3A_222 : i32
      %convert_element_type3A_224 = arith.extui %lt3A_223 : i1 to i32
      %cond3A_225 = arith.constant 0 : i32
      %cond3A_226 = arith.cmpi ne, %convert_element_type3A_224, %cond3A_225 : i32
      scf.if %cond3A_226 {
        %add3A_300 = arith.constant 4 : i32
        %add3A_301 = arith.addi %add3A_212, %add3A_300 : i32
        %sub3A_302 = arith.constant 1 : i32
        %sub3A_303 = arith.subi %add3A_301, %sub3A_302 : i32
        %dma_start3A_304 = arith.constant 0 : i32
        %dma_start3A_305 = tpu.memref_slice %arg11[%sub3A_303, %dma_start3A_304] : memref<80x32xi32, #tpu.memory_space<vmem>> -> memref<1x32xi32, #tpu.memory_space<vmem>>
        %dma_start3A_306 = tpu.memref_squeeze %dma_start3A_305 : memref<1x32xi32, #tpu.memory_space<vmem>> -> memref<32xi32, #tpu.memory_space<vmem>>
        %dma_start3A_307 = arith.constant 0 : i32
        %dma_start3A_308 = arith.constant 0 : i32
        %dma_start3A_309 = tpu.memref_slice %arg2[%dma_start3A_307, %dma_start3A_308] : memref<10000x128xf32, #tpu.memory_space<hbm>> -> memref<10000x128xf32, #tpu.memory_space<hbm>>
        tpu.enqueue_indirect_dma source(%dma_start3A_309 : memref<10000x128xf32, #tpu.memory_space<hbm>>) target(%arg7 : memref<32x128xf32, #tpu.memory_space<vmem>>) offsets(%dma_start3A_306 : memref<32xi32, #tpu.memory_space<vmem>>) semaphore(%arg13 : memref<!tpu.dma_semaphore, #tpu.memory_space<semaphore_mem>>)
      } else {
      }
      %dma_wait3A_227 = arith.constant 0 : i32
      %dma_wait3A_228 = arith.constant 0 : i32
      %dma_wait3A_229 = tpu.memref_slice %arg2[%dma_wait3A_227, %dma_wait3A_228] : memref<10000x128xf32, #tpu.memory_space<hbm>> -> memref<32x128xf32, #tpu.memory_space<hbm>>
      %dma_wait3A_230 = arith.constant 0 : i32
      %dma_wait3A_231 = arith.constant 0 : i32
      %dma_wait3A_232 = tpu.memref_slice %arg2[%dma_wait3A_230, %dma_wait3A_231] : memref<10000x128xf32, #tpu.memory_space<hbm>> -> memref<32x128xf32, #tpu.memory_space<hbm>>
      tpu.wait_dma2 semaphore(%arg14 : memref<!tpu.dma_semaphore, #tpu.memory_space<semaphore_mem>>) src(%dma_wait3A_232 : memref<32x128xf32, #tpu.memory_space<hbm>>) dst(%arg8 : memref<32x128xf32, #tpu.memory_space<vmem>>)
      %dma_start3A_233 = arith.constant 0 : i32
      %dma_start3A_234 = tpu.memref_slice %arg12[%add3A_212, %dma_start3A_233] : memref<80x32xi32, #tpu.memory_space<vmem>> -> memref<1x32xi32, #tpu.memory_space<vmem>>
      %dma_start3A_235 = tpu.memref_squeeze %dma_start3A_234 : memref<1x32xi32, #tpu.memory_space<vmem>> -> memref<32xi32, #tpu.memory_space<vmem>>
      %dma_start3A_236 = arith.constant 0 : i32
      %dma_start3A_237 = arith.constant 0 : i32
      %dma_start3A_238 = tpu.memref_slice %arg6[%dma_start3A_236, %dma_start3A_237] : memref<10240x128xf32, #tpu.memory_space<vmem_shared>> -> memref<10240x128xf32, #tpu.memory_space<vmem_shared>>
      tpu.enqueue_indirect_dma source(%arg8 : memref<32x128xf32, #tpu.memory_space<vmem>>) target(%dma_start3A_238 : memref<10240x128xf32, #tpu.memory_space<vmem_shared>>) offsets(%dma_start3A_235 : memref<32xi32, #tpu.memory_space<vmem>>) semaphore(%arg18 : memref<!tpu.dma_semaphore, #tpu.memory_space<semaphore_mem>>) {add = true}
      %mul3A_239 = arith.constant 4 : i32
      %mul3A_240 = arith.muli %scan3A_182, %mul3A_239 : i32
      %add3A_241 = arith.constant 2 : i32
      %add3A_242 = arith.addi %mul3A_240, %add3A_241 : i32
      %gt3A_243 = arith.constant 0 : i32
      %gt3A_244 = arith.cmpi sgt, %add3A_242, %gt3A_243 : i32
      %convert_element_type3A_245 = arith.extui %gt3A_244 : i1 to i32
      %cond3A_246 = arith.constant 0 : i32
      %cond3A_247 = arith.cmpi ne, %convert_element_type3A_245, %cond3A_246 : i32
      scf.if %cond3A_247 {
        %dma_wait3A_300 = arith.constant 0 : i32
        %dma_wait3A_301 = arith.constant 0 : i32
        %dma_wait3A_302 = tpu.memref_slice %arg6[%dma_wait3A_300, %dma_wait3A_301] : memref<10240x128xf32, #tpu.memory_space<vmem_shared>> -> memref<32x128xf32, #tpu.memory_space<vmem_shared>>
        %dma_wait3A_303 = arith.constant 0 : i32
        %dma_wait3A_304 = arith.constant 0 : i32
        %dma_wait3A_305 = tpu.memref_slice %arg6[%dma_wait3A_303, %dma_wait3A_304] : memref<10240x128xf32, #tpu.memory_space<vmem_shared>> -> memref<32x128xf32, #tpu.memory_space<vmem_shared>>
        tpu.wait_dma2 semaphore(%arg18 : memref<!tpu.dma_semaphore, #tpu.memory_space<semaphore_mem>>) src(%arg8 : memref<32x128xf32, #tpu.memory_space<vmem>>) dst(%dma_wait3A_305 : memref<32x128xf32, #tpu.memory_space<vmem_shared>>)
      } else {
      }
      %add3A_248 = arith.constant 4 : i32
      %add3A_249 = arith.addi %add3A_242, %add3A_248 : i32
      %sub3A_250 = arith.constant 1 : i32
      %sub3A_251 = arith.subi %add3A_249, %sub3A_250 : i32
      %lt3A_252 = arith.constant 80 : i32
      %lt3A_253 = arith.cmpi slt, %sub3A_251, %lt3A_252 : i32
      %convert_element_type3A_254 = arith.extui %lt3A_253 : i1 to i32
      %cond3A_255 = arith.constant 0 : i32
      %cond3A_256 = arith.cmpi ne, %convert_element_type3A_254, %cond3A_255 : i32
      scf.if %cond3A_256 {
        %add3A_300 = arith.constant 4 : i32
        %add3A_301 = arith.addi %add3A_242, %add3A_300 : i32
        %sub3A_302 = arith.constant 1 : i32
        %sub3A_303 = arith.subi %add3A_301, %sub3A_302 : i32
        %dma_start3A_304 = arith.constant 0 : i32
        %dma_start3A_305 = tpu.memref_slice %arg11[%sub3A_303, %dma_start3A_304] : memref<80x32xi32, #tpu.memory_space<vmem>> -> memref<1x32xi32, #tpu.memory_space<vmem>>
        %dma_start3A_306 = tpu.memref_squeeze %dma_start3A_305 : memref<1x32xi32, #tpu.memory_space<vmem>> -> memref<32xi32, #tpu.memory_space<vmem>>
        %dma_start3A_307 = arith.constant 0 : i32
        %dma_start3A_308 = arith.constant 0 : i32
        %dma_start3A_309 = tpu.memref_slice %arg2[%dma_start3A_307, %dma_start3A_308] : memref<10000x128xf32, #tpu.memory_space<hbm>> -> memref<10000x128xf32, #tpu.memory_space<hbm>>
        tpu.enqueue_indirect_dma source(%dma_start3A_309 : memref<10000x128xf32, #tpu.memory_space<hbm>>) target(%arg8 : memref<32x128xf32, #tpu.memory_space<vmem>>) offsets(%dma_start3A_306 : memref<32xi32, #tpu.memory_space<vmem>>) semaphore(%arg14 : memref<!tpu.dma_semaphore, #tpu.memory_space<semaphore_mem>>)
      } else {
      }
      %dma_wait3A_257 = arith.constant 0 : i32
      %dma_wait3A_258 = arith.constant 0 : i32
      %dma_wait3A_259 = tpu.memref_slice %arg2[%dma_wait3A_257, %dma_wait3A_258] : memref<10000x128xf32, #tpu.memory_space<hbm>> -> memref<32x128xf32, #tpu.memory_space<hbm>>
      %dma_wait3A_260 = arith.constant 0 : i32
      %dma_wait3A_261 = arith.constant 0 : i32
      %dma_wait3A_262 = tpu.memref_slice %arg2[%dma_wait3A_260, %dma_wait3A_261] : memref<10000x128xf32, #tpu.memory_space<hbm>> -> memref<32x128xf32, #tpu.memory_space<hbm>>
      tpu.wait_dma2 semaphore(%arg15 : memref<!tpu.dma_semaphore, #tpu.memory_space<semaphore_mem>>) src(%dma_wait3A_262 : memref<32x128xf32, #tpu.memory_space<hbm>>) dst(%arg9 : memref<32x128xf32, #tpu.memory_space<vmem>>)
      %dma_start3A_263 = arith.constant 0 : i32
      %dma_start3A_264 = tpu.memref_slice %arg12[%add3A_242, %dma_start3A_263] : memref<80x32xi32, #tpu.memory_space<vmem>> -> memref<1x32xi32, #tpu.memory_space<vmem>>
      %dma_start3A_265 = tpu.memref_squeeze %dma_start3A_264 : memref<1x32xi32, #tpu.memory_space<vmem>> -> memref<32xi32, #tpu.memory_space<vmem>>
      %dma_start3A_266 = arith.constant 0 : i32
      %dma_start3A_267 = arith.constant 0 : i32
      %dma_start3A_268 = tpu.memref_slice %arg6[%dma_start3A_266, %dma_start3A_267] : memref<10240x128xf32, #tpu.memory_space<vmem_shared>> -> memref<10240x128xf32, #tpu.memory_space<vmem_shared>>
      tpu.enqueue_indirect_dma source(%arg9 : memref<32x128xf32, #tpu.memory_space<vmem>>) target(%dma_start3A_268 : memref<10240x128xf32, #tpu.memory_space<vmem_shared>>) offsets(%dma_start3A_265 : memref<32xi32, #tpu.memory_space<vmem>>) semaphore(%arg19 : memref<!tpu.dma_semaphore, #tpu.memory_space<semaphore_mem>>) {add = true}
      %mul3A_269 = arith.constant 4 : i32
      %mul3A_270 = arith.muli %scan3A_182, %mul3A_269 : i32
      %add3A_271 = arith.constant 3 : i32
      %add3A_272 = arith.addi %mul3A_270, %add3A_271 : i32
      %gt3A_273 = arith.constant 0 : i32
      %gt3A_274 = arith.cmpi sgt, %add3A_272, %gt3A_273 : i32
      %convert_element_type3A_275 = arith.extui %gt3A_274 : i1 to i32
      %cond3A_276 = arith.constant 0 : i32
      %cond3A_277 = arith.cmpi ne, %convert_element_type3A_275, %cond3A_276 : i32
      scf.if %cond3A_277 {
        %dma_wait3A_300 = arith.constant 0 : i32
        %dma_wait3A_301 = arith.constant 0 : i32
        %dma_wait3A_302 = tpu.memref_slice %arg6[%dma_wait3A_300, %dma_wait3A_301] : memref<10240x128xf32, #tpu.memory_space<vmem_shared>> -> memref<32x128xf32, #tpu.memory_space<vmem_shared>>
        %dma_wait3A_303 = arith.constant 0 : i32
        %dma_wait3A_304 = arith.constant 0 : i32
        %dma_wait3A_305 = tpu.memref_slice %arg6[%dma_wait3A_303, %dma_wait3A_304] : memref<10240x128xf32, #tpu.memory_space<vmem_shared>> -> memref<32x128xf32, #tpu.memory_space<vmem_shared>>
        tpu.wait_dma2 semaphore(%arg19 : memref<!tpu.dma_semaphore, #tpu.memory_space<semaphore_mem>>) src(%arg9 : memref<32x128xf32, #tpu.memory_space<vmem>>) dst(%dma_wait3A_305 : memref<32x128xf32, #tpu.memory_space<vmem_shared>>)
      } else {
      }
      %add3A_278 = arith.constant 4 : i32
      %add3A_279 = arith.addi %add3A_272, %add3A_278 : i32
      %sub3A_280 = arith.constant 1 : i32
      %sub3A_281 = arith.subi %add3A_279, %sub3A_280 : i32
      %lt3A_282 = arith.constant 80 : i32
      %lt3A_283 = arith.cmpi slt, %sub3A_281, %lt3A_282 : i32
      %convert_element_type3A_284 = arith.extui %lt3A_283 : i1 to i32
      %cond3A_285 = arith.constant 0 : i32
      %cond3A_286 = arith.cmpi ne, %convert_element_type3A_284, %cond3A_285 : i32
      scf.if %cond3A_286 {
        %add3A_300 = arith.constant 4 : i32
        %add3A_301 = arith.addi %add3A_272, %add3A_300 : i32
        %sub3A_302 = arith.constant 1 : i32
        %sub3A_303 = arith.subi %add3A_301, %sub3A_302 : i32
        %dma_start3A_304 = arith.constant 0 : i32
        %dma_start3A_305 = tpu.memref_slice %arg11[%sub3A_303, %dma_start3A_304] : memref<80x32xi32, #tpu.memory_space<vmem>> -> memref<1x32xi32, #tpu.memory_space<vmem>>
        %dma_start3A_306 = tpu.memref_squeeze %dma_start3A_305 : memref<1x32xi32, #tpu.memory_space<vmem>> -> memref<32xi32, #tpu.memory_space<vmem>>
        %dma_start3A_307 = arith.constant 0 : i32
        %dma_start3A_308 = arith.constant 0 : i32
        %dma_start3A_309 = tpu.memref_slice %arg2[%dma_start3A_307, %dma_start3A_308] : memref<10000x128xf32, #tpu.memory_space<hbm>> -> memref<10000x128xf32, #tpu.memory_space<hbm>>
        tpu.enqueue_indirect_dma source(%dma_start3A_309 : memref<10000x128xf32, #tpu.memory_space<hbm>>) target(%arg9 : memref<32x128xf32, #tpu.memory_space<vmem>>) offsets(%dma_start3A_306 : memref<32xi32, #tpu.memory_space<vmem>>) semaphore(%arg15 : memref<!tpu.dma_semaphore, #tpu.memory_space<semaphore_mem>>)
      } else {
      }
      %dma_wait3A_287 = arith.constant 0 : i32
      %dma_wait3A_288 = arith.constant 0 : i32
      %dma_wait3A_289 = tpu.memref_slice %arg2[%dma_wait3A_287, %dma_wait3A_288] : memref<10000x128xf32, #tpu.memory_space<hbm>> -> memref<32x128xf32, #tpu.memory_space<hbm>>
      %dma_wait3A_290 = arith.constant 0 : i32
      %dma_wait3A_291 = arith.constant 0 : i32
      %dma_wait3A_292 = tpu.memref_slice %arg2[%dma_wait3A_290, %dma_wait3A_291] : memref<10000x128xf32, #tpu.memory_space<hbm>> -> memref<32x128xf32, #tpu.memory_space<hbm>>
      tpu.wait_dma2 semaphore(%arg16 : memref<!tpu.dma_semaphore, #tpu.memory_space<semaphore_mem>>) src(%dma_wait3A_292 : memref<32x128xf32, #tpu.memory_space<hbm>>) dst(%arg10 : memref<32x128xf32, #tpu.memory_space<vmem>>)
      %dma_start3A_293 = arith.constant 0 : i32
      %dma_start3A_294 = tpu.memref_slice %arg12[%add3A_272, %dma_start3A_293] : memref<80x32xi32, #tpu.memory_space<vmem>> -> memref<1x32xi32, #tpu.memory_space<vmem>>
      %dma_start3A_295 = tpu.memref_squeeze %dma_start3A_294 : memref<1x32xi32, #tpu.memory_space<vmem>> -> memref<32xi32, #tpu.memory_space<vmem>>
      %dma_start3A_296 = arith.constant 0 : i32
      %dma_start3A_297 = arith.constant 0 : i32
      %dma_start3A_298 = tpu.memref_slice %arg6[%dma_start3A_296, %dma_start3A_297] : memref<10240x128xf32, #tpu.memory_space<vmem_shared>> -> memref<10240x128xf32, #tpu.memory_space<vmem_shared>>
      tpu.enqueue_indirect_dma source(%arg10 : memref<32x128xf32, #tpu.memory_space<vmem>>) target(%dma_start3A_298 : memref<10240x128xf32, #tpu.memory_space<vmem_shared>>) offsets(%dma_start3A_295 : memref<32xi32, #tpu.memory_space<vmem>>) semaphore(%arg20 : memref<!tpu.dma_semaphore, #tpu.memory_space<semaphore_mem>>) {add = true}
      %scan3A_299 = arith.constant 0 : i32
      scf.yield %scan3A_299 : i32
    }
    %scan3A_167 = arith.constant 20 : i32
    %dma_wait3A_168 = arith.constant 0 : i32
    %dma_wait3A_169 = arith.constant 0 : i32
    %dma_wait3A_170 = tpu.memref_slice %arg6[%dma_wait3A_168, %dma_wait3A_169] : memref<10240x128xf32, #tpu.memory_space<vmem_shared>> -> memref<32x128xf32, #tpu.memory_space<vmem_shared>>
    %dma_wait3A_171 = arith.constant 0 : i32
    %dma_wait3A_172 = arith.constant 0 : i32
    %dma_wait3A_173 = tpu.memref_slice %arg6[%dma_wait3A_171, %dma_wait3A_172] : memref<10240x128xf32, #tpu.memory_space<vmem_shared>> -> memref<32x128xf32, #tpu.memory_space<vmem_shared>>
    tpu.wait_dma2 semaphore(%arg20 : memref<!tpu.dma_semaphore, #tpu.memory_space<semaphore_mem>>) src(%arg10 : memref<32x128xf32, #tpu.memory_space<vmem>>) dst(%dma_wait3A_173 : memref<32x128xf32, #tpu.memory_space<vmem_shared>>)
    %barrier3A_174 = arith.constant 0 : index
    tpu.barrier barrier_id(%barrier3A_174)
    %scan3A_175 = arith.constant 0 : i32
    %scan3A_176 = arith.constant 0 : i32
    %scan3A_177 = arith.constant 20 : i32
    %scan3A_178 = arith.addi %scan3A_176, %scan3A_177 : i32
    %scan3A_179 = arith.constant 1 : i32
    %scan3A_180 = scf.for %scan3A_182 = %scan3A_176 to %scan3A_178 step %scan3A_179 iter_args(%scan3A_183 = %scan3A_175) -> (i32)  : i32 {
      %mul3A_184 = arith.constant 640 : i32
      %mul3A_185 = arith.muli %arg1, %mul3A_184 : i32
      %mul3A_186 = arith.constant 32 : i32
      %mul3A_187 = arith.muli %scan3A_182, %mul3A_186 : i32
      %add3A_188 = arith.addi %mul3A_185, %mul3A_187 : i32
      "tpu.region"() ({
        %run_scoped3A = tpu.sem_alloc : memref<!tpu.dma_semaphore, #tpu.memory_space<semaphore_mem>>
        %dma_start3A_193 = arith.constant 0 : i32
        %dma_start3A_194 = tpu.memref_slice %arg6[%add3A_188, %dma_start3A_193] : memref<10240x128xf32, #tpu.memory_space<vmem_shared>> -> memref<32x128xf32, #tpu.memory_space<vmem_shared>>
        %dma_start3A_195 = arith.constant 0 : i32
        %dma_start3A_196 = tpu.memref_slice %arg6[%add3A_188, %dma_start3A_195] : memref<10240x128xf32, #tpu.memory_space<vmem_shared>> -> memref<32x128xf32, #tpu.memory_space<vmem_shared>>
        tpu.enqueue_dma source(%dma_start3A_196 : memref<32x128xf32, #tpu.memory_space<vmem_shared>>) target(%arg7 : memref<32x128xf32, #tpu.memory_space<vmem>>) target_semaphore(%run_scoped3A : memref<!tpu.dma_semaphore, #tpu.memory_space<semaphore_mem>>)
        %dma_wait3A_197 = arith.constant 0 : i32
        %dma_wait3A_198 = tpu.memref_slice %arg6[%add3A_188, %dma_wait3A_197] : memref<10240x128xf32, #tpu.memory_space<vmem_shared>> -> memref<32x128xf32, #tpu.memory_space<vmem_shared>>
        %dma_wait3A_199 = arith.constant 0 : i32
        %dma_wait3A_200 = tpu.memref_slice %arg6[%add3A_188, %dma_wait3A_199] : memref<10240x128xf32, #tpu.memory_space<vmem_shared>> -> memref<32x128xf32, #tpu.memory_space<vmem_shared>>
        tpu.wait_dma2 semaphore(%run_scoped3A : memref<!tpu.dma_semaphore, #tpu.memory_space<semaphore_mem>>) src(%dma_wait3A_200 : memref<32x128xf32, #tpu.memory_space<vmem_shared>>) dst(%arg7 : memref<32x128xf32, #tpu.memory_space<vmem>>)
        tpu.yield
      }) : () -> ()
      %mul3A_189 = arith.constant 10240 : i32
      %mul3A_190 = arith.muli %arg0, %mul3A_189 : i32
      %add3A_191 = arith.addi %mul3A_190, %add3A_188 : i32
      "tpu.region"() ({
        %run_scoped3A = tpu.sem_alloc : memref<!tpu.dma_semaphore, #tpu.memory_space<semaphore_mem>>
        %dma_start3A_193 = arith.constant 0 : i32
        %dma_start3A_194 = tpu.memref_slice %arg5[%add3A_191, %dma_start3A_193] : memref<20480x128xf32, #tpu.memory_space<hbm>> -> memref<32x128xf32, #tpu.memory_space<hbm>>
        %dma_start3A_195 = arith.constant 0 : i32
        %dma_start3A_196 = tpu.memref_slice %arg5[%add3A_191, %dma_start3A_195] : memref<20480x128xf32, #tpu.memory_space<hbm>> -> memref<32x128xf32, #tpu.memory_space<hbm>>
        tpu.enqueue_dma source(%arg7 : memref<32x128xf32, #tpu.memory_space<vmem>>) target(%dma_start3A_196 : memref<32x128xf32, #tpu.memory_space<hbm>>) target_semaphore(%run_scoped3A : memref<!tpu.dma_semaphore, #tpu.memory_space<semaphore_mem>>)
        %dma_wait3A_197 = arith.constant 0 : i32
        %dma_wait3A_198 = tpu.memref_slice %arg5[%add3A_191, %dma_wait3A_197] : memref<20480x128xf32, #tpu.memory_space<hbm>> -> memref<32x128xf32, #tpu.memory_space<hbm>>
        %dma_wait3A_199 = arith.constant 0 : i32
        %dma_wait3A_200 = tpu.memref_slice %arg5[%add3A_191, %dma_wait3A_199] : memref<20480x128xf32, #tpu.memory_space<hbm>> -> memref<32x128xf32, #tpu.memory_space<hbm>>
        tpu.wait_dma2 semaphore(%run_scoped3A : memref<!tpu.dma_semaphore, #tpu.memory_space<semaphore_mem>>) src(%arg7 : memref<32x128xf32, #tpu.memory_space<vmem>>) dst(%dma_wait3A_200 : memref<32x128xf32, #tpu.memory_space<hbm>>)
        tpu.yield
      }) : () -> ()
      %scan3A_192 = arith.constant 0 : i32
      scf.yield %scan3A_192 : i32
    }
    %scan3A_181 = arith.constant 20 : i32
    return
  }
}

module attributes {stable_mosaic.version = 14 : i64} {
  func.func @_tc_mm_scale_body(%arg0: memref<10000x128xf32, #tpu.memory_space<vmem>>, %arg1: memref<128x128xf32, #tpu.memory_space<vmem>>, %arg2: memref<2x10000xf32, #tpu.memory_space<vmem>>, %arg3: memref<10000x128xf32, #tpu.memory_space<vmem>>) attributes {dimension_semantics = [], scalar_prefetch = 0 : i64, scratch_operands = 0 : i64, tpu.core_type = #tpu.core_type<tc>} {
    %get3A = arith.constant 0 : index
    %get3A_0 = arith.constant 0 : index
    %get3A_1 = vector.load %arg0[%get3A, %get3A_0] : memref<10000x128xf32, #tpu.memory_space<vmem>>, vector<10000x128xf32>
    %get3A_2 = arith.constant 0 : index
    %get3A_3 = arith.constant 0 : index
    %get3A_4 = vector.load %arg1[%get3A_2, %get3A_3] : memref<128x128xf32, #tpu.memory_space<vmem>>, vector<128x128xf32>
    %dot_general3A = arith.constant dense<0.000000e+00> : vector<10000x128xf32>
    %dot_general3A_5 = tpu.matmul %get3A_1, %get3A_4, %dot_general3A {dimension_numbers = #tpu.dot_dimension_numbers<[1], [0], [0], [1], [0, 0, 1, 1], [], []>, transpose_lhs_hint = false} : vector<10000x128xf32>, vector<128x128xf32>, vector<10000x128xf32> -> vector<10000x128xf32>
    %get3A_6 = arith.constant 0 : index
    %get3A_7 = arith.constant 0 : index
    %get3A_8 = vector.load %arg2[%get3A_6, %get3A_7] : memref<2x10000xf32, #tpu.memory_space<vmem>>, vector<1x10000xf32>
    %get3A_9 = vector.shape_cast %get3A_8 : vector<1x10000xf32> to vector<10000xf32>
    %add3A = arith.constant 1.000000e+00 : f32
    %add3A_10 = vector.broadcast %add3A : f32 to vector<10000xf32>
    %add3A_11 = arith.addf %add3A_10, %get3A_9 : vector<10000xf32>
    %get3A_12 = arith.constant 1 : index
    %get3A_13 = arith.constant 0 : index
    %get3A_14 = vector.load %arg2[%get3A_12, %get3A_13] : memref<2x10000xf32, #tpu.memory_space<vmem>>, vector<1x10000xf32>
    %get3A_15 = vector.shape_cast %get3A_14 : vector<1x10000xf32> to vector<10000xf32>
    %add3A_16 = arith.addf %add3A_11, %get3A_15 : vector<10000xf32>
    %rsqrt3A = math.rsqrt %add3A_16 : vector<10000xf32>
    %broadcast_in_dim3A = vector.shape_cast %rsqrt3A : vector<10000xf32> to vector<10000x1xf32>
    %mul3A = vector.broadcast %broadcast_in_dim3A : vector<10000x1xf32> to vector<10000x128xf32>
    %mul3A_17 = arith.mulf %dot_general3A_5, %mul3A : vector<10000x128xf32>
    %swap3A = arith.constant 0 : index
    %swap3A_18 = arith.constant 0 : index
    %swap3A_19 = vector.load %arg3[%swap3A, %swap3A_18] : memref<10000x128xf32, #tpu.memory_space<vmem>>, vector<10000x128xf32>
    tpu.vector_store %arg3[%swap3A, %swap3A_18], %mul3A_17 {strides = array<i32>} : memref<10000x128xf32, #tpu.memory_space<vmem>>, vector<10000x128xf32>,
    return
  }
}

module attributes {stable_mosaic.version = 14 : i64} {
  func.func @_tc_mid_body(%arg0: memref<20480x128xf32, #tpu.memory_space<vmem>>, %arg1: memref<10000x128xf32, #tpu.memory_space<vmem>>, %arg2: memref<2x10000xf32, #tpu.memory_space<vmem>>, %arg3: memref<1x128xf32, #tpu.memory_space<vmem>>, %arg4: memref<128x128xf32, #tpu.memory_space<vmem>>, %arg5: memref<10000x128xf32, #tpu.memory_space<vmem>>) attributes {dimension_semantics = [], scalar_prefetch = 0 : i64, scratch_operands = 0 : i64, tpu.core_type = #tpu.core_type<tc>} {
    %get3A = arith.constant 0 : index
    %get3A_0 = arith.constant 0 : index
    %get3A_1 = vector.load %arg2[%get3A, %get3A_0] : memref<2x10000xf32, #tpu.memory_space<vmem>>, vector<1x10000xf32>
    %get3A_2 = vector.shape_cast %get3A_1 : vector<1x10000xf32> to vector<10000xf32>
    %add3A = arith.constant 1.000000e+00 : f32
    %add3A_3 = vector.broadcast %add3A : f32 to vector<10000xf32>
    %add3A_4 = arith.addf %add3A_3, %get3A_2 : vector<10000xf32>
    %get3A_5 = arith.constant 1 : index
    %get3A_6 = arith.constant 0 : index
    %get3A_7 = vector.load %arg2[%get3A_5, %get3A_6] : memref<2x10000xf32, #tpu.memory_space<vmem>>, vector<1x10000xf32>
    %get3A_8 = vector.shape_cast %get3A_7 : vector<1x10000xf32> to vector<10000xf32>
    %add3A_9 = arith.addf %add3A_4, %get3A_8 : vector<10000xf32>
    %rsqrt3A = math.rsqrt %add3A_9 : vector<10000xf32>
    %broadcast_in_dim3A = vector.shape_cast %rsqrt3A : vector<10000xf32> to vector<10000x1xf32>
    %get3A_10 = arith.constant 0 : index
    %get3A_11 = arith.constant 0 : index
    %get3A_12 = vector.load %arg0[%get3A_10, %get3A_11] : memref<20480x128xf32, #tpu.memory_space<vmem>>, vector<10000x128xf32>
    %get3A_13 = arith.constant 10240 : index
    %get3A_14 = arith.constant 0 : index
    %get3A_15 = vector.load %arg0[%get3A_13, %get3A_14] : memref<20480x128xf32, #tpu.memory_space<vmem>>, vector<10000x128xf32>
    %add3A_16 = arith.addf %get3A_12, %get3A_15 : vector<10000x128xf32>
    %get3A_17 = arith.constant 0 : index
    %get3A_18 = arith.constant 0 : index
    %get3A_19 = vector.load %arg1[%get3A_17, %get3A_18] : memref<10000x128xf32, #tpu.memory_space<vmem>>, vector<10000x128xf32>
    %add3A_20 = arith.addf %add3A_16, %get3A_19 : vector<10000x128xf32>
    %mul3A = vector.broadcast %broadcast_in_dim3A : vector<10000x1xf32> to vector<10000x128xf32>
    %mul3A_21 = arith.mulf %mul3A, %add3A_20 : vector<10000x128xf32>
    %get3A_22 = arith.constant 0 : index
    %get3A_23 = arith.constant 0 : index
    %get3A_24 = vector.load %arg3[%get3A_22, %get3A_23] : memref<1x128xf32, #tpu.memory_space<vmem>>, vector<1x128xf32>
    %add3A_25 = vector.broadcast %get3A_24 : vector<1x128xf32> to vector<10000x128xf32>
    %add3A_26 = arith.addf %mul3A_21, %add3A_25 : vector<10000x128xf32>
    %max3A = arith.constant 0.000000e+00 : f32
    %max3A_27 = vector.broadcast %max3A : f32 to vector<10000x128xf32>
    %max3A_28 = arith.maximumf %add3A_26, %max3A_27 : vector<10000x128xf32>
    %get3A_29 = arith.constant 0 : index
    %get3A_30 = arith.constant 0 : index
    %get3A_31 = vector.load %arg4[%get3A_29, %get3A_30] : memref<128x128xf32, #tpu.memory_space<vmem>>, vector<128x128xf32>
    %dot_general3A = arith.constant dense<0.000000e+00> : vector<10000x128xf32>
    %dot_general3A_32 = tpu.matmul %max3A_28, %get3A_31, %dot_general3A {dimension_numbers = #tpu.dot_dimension_numbers<[1], [0], [0], [1], [0, 0, 1, 1], [], []>, transpose_lhs_hint = false} : vector<10000x128xf32>, vector<128x128xf32>, vector<10000x128xf32> -> vector<10000x128xf32>
    %mul3A_33 = vector.broadcast %broadcast_in_dim3A : vector<10000x1xf32> to vector<10000x128xf32>
    %mul3A_34 = arith.mulf %dot_general3A_32, %mul3A_33 : vector<10000x128xf32>
    %swap3A = arith.constant 0 : index
    %swap3A_35 = arith.constant 0 : index
    %swap3A_36 = vector.load %arg5[%swap3A, %swap3A_35] : memref<10000x128xf32, #tpu.memory_space<vmem>>, vector<10000x128xf32>
    tpu.vector_store %arg5[%swap3A, %swap3A_35], %mul3A_34 {strides = array<i32>} : memref<10000x128xf32, #tpu.memory_space<vmem>>, vector<10000x128xf32>,
    return
  }
}

module attributes {stable_mosaic.version = 14 : i64} {
  func.func @_tc_fin_body(%arg0: memref<20480x128xf32, #tpu.memory_space<vmem>>, %arg1: memref<10000x128xf32, #tpu.memory_space<vmem>>, %arg2: memref<2x10000xf32, #tpu.memory_space<vmem>>, %arg3: memref<1x128xf32, #tpu.memory_space<vmem>>, %arg4: memref<128x128xf32, #tpu.memory_space<vmem>>, %arg5: memref<1x128xf32, #tpu.memory_space<vmem>>, %arg6: memref<128x128xf32, #tpu.memory_space<vmem>>, %arg7: memref<1x128xf32, #tpu.memory_space<vmem>>, %arg8: memref<10000x128xf32, #tpu.memory_space<vmem>>, %arg9: memref<10000x128xf32, #tpu.memory_space<vmem>>, %arg10: memref<10000x128xf32, #tpu.memory_space<vmem>>) attributes {dimension_semantics = [], scalar_prefetch = 0 : i64, scratch_operands = 0 : i64, tpu.core_type = #tpu.core_type<tc>} {
    %get3A = arith.constant 0 : index
    %get3A_0 = arith.constant 0 : index
    %get3A_1 = vector.load %arg2[%get3A, %get3A_0] : memref<2x10000xf32, #tpu.memory_space<vmem>>, vector<1x10000xf32>
    %get3A_2 = vector.shape_cast %get3A_1 : vector<1x10000xf32> to vector<10000xf32>
    %add3A = arith.constant 1.000000e+00 : f32
    %add3A_3 = vector.broadcast %add3A : f32 to vector<10000xf32>
    %add3A_4 = arith.addf %add3A_3, %get3A_2 : vector<10000xf32>
    %get3A_5 = arith.constant 1 : index
    %get3A_6 = arith.constant 0 : index
    %get3A_7 = vector.load %arg2[%get3A_5, %get3A_6] : memref<2x10000xf32, #tpu.memory_space<vmem>>, vector<1x10000xf32>
    %get3A_8 = vector.shape_cast %get3A_7 : vector<1x10000xf32> to vector<10000xf32>
    %add3A_9 = arith.addf %add3A_4, %get3A_8 : vector<10000xf32>
    %rsqrt3A = math.rsqrt %add3A_9 : vector<10000xf32>
    %broadcast_in_dim3A = vector.shape_cast %rsqrt3A : vector<10000xf32> to vector<10000x1xf32>
    %get3A_10 = arith.constant 0 : index
    %get3A_11 = arith.constant 0 : index
    %get3A_12 = vector.load %arg0[%get3A_10, %get3A_11] : memref<20480x128xf32, #tpu.memory_space<vmem>>, vector<10000x128xf32>
    %get3A_13 = arith.constant 10240 : index
    %get3A_14 = arith.constant 0 : index
    %get3A_15 = vector.load %arg0[%get3A_13, %get3A_14] : memref<20480x128xf32, #tpu.memory_space<vmem>>, vector<10000x128xf32>
    %add3A_16 = arith.addf %get3A_12, %get3A_15 : vector<10000x128xf32>
    %get3A_17 = arith.constant 0 : index
    %get3A_18 = arith.constant 0 : index
    %get3A_19 = vector.load %arg1[%get3A_17, %get3A_18] : memref<10000x128xf32, #tpu.memory_space<vmem>>, vector<10000x128xf32>
    %add3A_20 = arith.addf %add3A_16, %get3A_19 : vector<10000x128xf32>
    %mul3A = vector.broadcast %broadcast_in_dim3A : vector<10000x1xf32> to vector<10000x128xf32>
    %mul3A_21 = arith.mulf %mul3A, %add3A_20 : vector<10000x128xf32>
    %get3A_22 = arith.constant 0 : index
    %get3A_23 = arith.constant 0 : index
    %get3A_24 = vector.load %arg3[%get3A_22, %get3A_23] : memref<1x128xf32, #tpu.memory_space<vmem>>, vector<1x128xf32>
    %add3A_25 = vector.broadcast %get3A_24 : vector<1x128xf32> to vector<10000x128xf32>
    %add3A_26 = arith.addf %mul3A_21, %add3A_25 : vector<10000x128xf32>
    %swap3A = arith.constant 0 : index
    %swap3A_27 = arith.constant 0 : index
    %swap3A_28 = vector.load %arg8[%swap3A, %swap3A_27] : memref<10000x128xf32, #tpu.memory_space<vmem>>, vector<10000x128xf32>
    tpu.vector_store %arg8[%swap3A, %swap3A_27], %add3A_26 {strides = array<i32>} : memref<10000x128xf32, #tpu.memory_space<vmem>>, vector<10000x128xf32>,
    %get3A_29 = arith.constant 0 : index
    %get3A_30 = arith.constant 0 : index
    %get3A_31 = vector.load %arg4[%get3A_29, %get3A_30] : memref<128x128xf32, #tpu.memory_space<vmem>>, vector<128x128xf32>
    %dot_general3A = arith.constant dense<0.000000e+00> : vector<10000x128xf32>
    %dot_general3A_32 = tpu.matmul %add3A_26, %get3A_31, %dot_general3A {dimension_numbers = #tpu.dot_dimension_numbers<[1], [0], [0], [1], [0, 0, 1, 1], [], []>, transpose_lhs_hint = false} : vector<10000x128xf32>, vector<128x128xf32>, vector<10000x128xf32> -> vector<10000x128xf32>
    %get3A_33 = arith.constant 0 : index
    %get3A_34 = arith.constant 0 : index
    %get3A_35 = vector.load %arg5[%get3A_33, %get3A_34] : memref<1x128xf32, #tpu.memory_space<vmem>>, vector<1x128xf32>
    %add3A_36 = vector.broadcast %get3A_35 : vector<1x128xf32> to vector<10000x128xf32>
    %add3A_37 = arith.addf %dot_general3A_32, %add3A_36 : vector<10000x128xf32>
    %max3A = arith.constant 0.000000e+00 : f32
    %max3A_38 = vector.broadcast %max3A : f32 to vector<10000x128xf32>
    %max3A_39 = arith.maximumf %add3A_37, %max3A_38 : vector<10000x128xf32>
    %swap3A_40 = arith.constant 0 : index
    %swap3A_41 = arith.constant 0 : index
    %swap3A_42 = vector.load %arg9[%swap3A_40, %swap3A_41] : memref<10000x128xf32, #tpu.memory_space<vmem>>, vector<10000x128xf32>
    tpu.vector_store %arg9[%swap3A_40, %swap3A_41], %max3A_39 {strides = array<i32>} : memref<10000x128xf32, #tpu.memory_space<vmem>>, vector<10000x128xf32>,
    %get3A_43 = arith.constant 0 : index
    %get3A_44 = arith.constant 0 : index
    %get3A_45 = vector.load %arg6[%get3A_43, %get3A_44] : memref<128x128xf32, #tpu.memory_space<vmem>>, vector<128x128xf32>
    %dot_general3A_46 = arith.constant dense<0.000000e+00> : vector<10000x128xf32>
    %dot_general3A_47 = tpu.matmul %add3A_26, %get3A_45, %dot_general3A_46 {dimension_numbers = #tpu.dot_dimension_numbers<[1], [0], [0], [1], [0, 0, 1, 1], [], []>, transpose_lhs_hint = false} : vector<10000x128xf32>, vector<128x128xf32>, vector<10000x128xf32> -> vector<10000x128xf32>
    %get3A_48 = arith.constant 0 : index
    %get3A_49 = arith.constant 0 : index
    %get3A_50 = vector.load %arg7[%get3A_48, %get3A_49] : memref<1x128xf32, #tpu.memory_space<vmem>>, vector<1x128xf32>
    %add3A_51 = vector.broadcast %get3A_50 : vector<1x128xf32> to vector<10000x128xf32>
    %add3A_52 = arith.addf %dot_general3A_47, %add3A_51 : vector<10000x128xf32>
    %max3A_53 = arith.constant 0.000000e+00 : f32
    %max3A_54 = vector.broadcast %max3A_53 : f32 to vector<10000x128xf32>
    %max3A_55 = arith.maximumf %add3A_52, %max3A_54 : vector<10000x128xf32>
    %swap3A_56 = arith.constant 0 : index
    %swap3A_57 = arith.constant 0 : index
    %swap3A_58 = vector.load %arg10[%swap3A_56, %swap3A_57] : memref<10000x128xf32, #tpu.memory_space<vmem>>, vector<10000x128xf32>
    tpu.vector_store %arg10[%swap3A_56, %swap3A_57], %max3A_55 {strides = array<i32>} : memref<10000x128xf32, #tpu.memory_space<vmem>>, vector<10000x128xf32>,
    return
  }
}

</mosaic_0001>

<sc_bundles>
// kernel: sc_degree_count.3.cloned.1.call-start
scs
__scs_entry_jumppad:
0x0: {  	(pc) =	sbr.rel $0x88, $3  }
0x1: {  	(tag) =	ssettag $0x0;
	lr =	simm.s32 $0x1  }
0x2: {  	[smem:$0x3F97] =	sst lr;
	_ =	strace $0xD0000000  }
0x3: {  	_ = 	snop  }
0x4: {  	_ = 	snop  }
0x5: {  	_ = 	snop  }
0x6: {  	_ = 	snop  }
0x7: {  	_ = 	snop  }
__scs_overlays_trampoline_lowered:
0x8: {  	[smem:$0x3FA6] =	sst s0  }
0x9: {  	[smem:$0x3FA7] =	sst s1  }
0xa: {  	[smem:$0x3FA8] =	sst s2  }
0xb: {  	[smem:$0x3FA9] =	sst s3  }
0xc: {  	[smem:$0x3FAA] =	sst s4  }
0xd: {  	[smem:$0x3FAB] =	sst s5  }
0xe: {  	[smem:$0x3FAC] =	sst s6  }
0xf: {  	[smem:$0x3FAD] =	sst s7  }
0x10: {  	[smem:$0x3FAE] =	sst s8  }
0x11: {  	[smem:$0x3FAF] =	sst s9;
	s0 =	simm.s32 @!p0 $0x0  }
0x12: {  	s1 =	sld [smem:$0x3F95];
	s0 =	simm.s32 @p0 $0x1  }
0x13: {  	[smem:$0x3FB0] =	sst s0;
	s0 =	simm.s32 @!p1 $0x0  }
0x14: {  	s2 =	sld [smem:$0x3F94];
	s0 =	simm.s32 @p1 $0x1  }
0x15: {  	[smem:$0x3FB1] =	sst s0;
	s0 =	simm.s32 @!p2 $0x0  }
0x16: {  	s3 =	sld [smem:$0x3FDB];
	s0 =	simm.s32 @p2 $0x1  }
0x17: {  	s4 =	simm.s32 $0x1BF5;
	[smem:$0x3FB3] =	sst s0  }
0x18: {  	s0 =	sld [smem:$0x3F96];
	_ =	swait.ge [sflag:s4], $0x0  }
0x19: {  	s7 =	sld [smem:$0x3F97]  }
0x1a: {  	s8 =	sadd.s32 $0xFFFFE003, lr  }
0x1b: {  	s9 =	sadd.s32 $0xFFFFFEF7, lr;
	s5 =	simm.s32 $0xFFFFFFFF;
	p2 =	slt.u32 s8, $0xFFFFF086  }
0x1c: {  	p1 =	slt.u32 s9, $0xF7A;
	s5 =	simm.s32 @!p2 $0x0  }
0x1d: {  	s5 =	simm.s32 @p1 $0x1;
	p0 =	seq.s32 s7, s2  }
0x1e: {  	s7 =	smul.u32 @!p0 $0xF7A, s2;
	p2 =	seq.s32 @!p0 s5, $0x0  }
0x1f: {  	s9 =	smul.u32 $0xF7A, s1;
	s8 =	simm.s32 @!p0 $0x1BF5;
	p2 =	por !p2, p0  }
0x20: {  	[sflag:s8] =	ssyncset.s32 @!p0 $0xFFFFF086;
	s6 =	sadd.s32 @!p0 s3, s7;
	s7 =	simm.s32 @!p0 $0x108  }
0x21: {  	s3 =	sadd.s32 s3, s9;
	s6 =	sadd.s32 @!p0 $0x88, s6;
	s7 =	simm.s32 @p2 $0x1082  }
0x22: {  	[simem:s7], [sflag:s8] =	dma.local @!p0 [hbm:s6], $0xF7A  }
0x23: {  	s9 =	sor.u32 $0xD0000000, s2;
	s6 =	simm.s32 $0x108;
	_ =	swait.ge @!p0 [sflag:s8], $0x0  }
0x24: {  	s3 =	sadd.s32 $0x88, s3;
	s6 =	simm.s32 @!p1 $0x1082;
	[sflag:s4] =	ssyncset.s32 $0xFFFFF086  }
0x25: {  	[simem:s6], [sflag:s4] =	dma.local [hbm:s3], $0xF7A  }
0x26: {  	[smem:$0x3F97] =	sst s1;
	(tag) =	ssettag s2;
	_ =	strace s9  }
0x27: {  	s1 =	sld [smem:$0x3FA7]  }
0x28: {  	s2 =	sld [smem:$0x3FA8]  }
0x29: {  	s4 =	sld [smem:$0x3FAA]  }
0x2a: {  	p0 =	seq.s32 s5, $0x0;
	s5 =	sld [smem:$0x3FAB]  }
0x2b: {  	s6 =	sld [smem:$0x3FAC]  }
0x2c: {  	s7 =	sld [smem:$0x3FAD]  }
0x2d: {  	s3 =	simm.s32 $0x108;
	s8 =	sld [smem:$0x3FAE]  }
0x2e: {  	s3 =	simm.s32 @!p0 $0x1082;
	s9 =	sld [smem:$0x3FAF]  }
0x2f: {  	lr =	sadd.s32 s0, s3;
	s0 =	sld [smem:$0x3FA6]  }
0x30: {  	s3 =	sld [smem:$0x3FA9]  }
0x31: {  	[smem:$0x3FB2] =	sst s10  }
0x32: {  	s10 =	sld [smem:$0x3FB0];
	_ =	sdelay $0x3  }
0x33: {  	p0 =	seq.s32 s10, $0x1;
	s10 =	sld [smem:$0x3FB2];
	_ =	sdelay $0x3  }
0x34: {  	[smem:$0x3FB2] =	sst s10  }
0x35: {  	s10 =	sld [smem:$0x3FB1];
	_ =	sdelay $0x3  }
0x36: {  	p1 =	seq.s32 s10, $0x1;
	s10 =	sld [smem:$0x3FB2];
	_ =	sdelay $0x3  }
0x37: {  	[smem:$0x3FB2] =	sst s10  }
0x38: {  	s10 =	sld [smem:$0x3FB3]  }
0x39: {  	_ = 	snop;
	(pc) =	sbr.ind lr, $3  }
0x3a: {  	_ = 	snop  }
0x3b: {  	_ = 	snop  }
0x3c: {  	p2 =	seq.s32 s10, $0x1;
	s10 =	sld [smem:$0x3FB2]  }
0x3d: {  	_ =	shalt  }
0x3e: {  	_ =	shalt  }
0x3f: {  	_ =	shalt  }
0x40: {  	_ =	shalt  }
0x41: {  	_ =	shalt  }
0x42: {  	_ =	shalt  }
0x43: {  	_ =	shalt  }
0x44: {  	_ =	shalt  }
0x45: {  	_ =	shalt  }
0x46: {  	_ =	shalt  }
0x47: {  	_ =	shalt  }
0x48: {  	_ =	shalt  }
0x49: {  	_ =	shalt  }
0x4a: {  	_ =	shalt  }
0x4b: {  	_ =	shalt  }
0x4c: {  	_ =	shalt  }
0x4d: {  	_ =	shalt  }
0x4e: {  	_ =	shalt  }
0x4f: {  	_ =	shalt  }
0x50: {  	_ =	shalt  }
0x51: {  	_ =	shalt  }
0x52: {  	_ =	shalt  }
0x53: {  	_ =	shalt  }
0x54: {  	_ =	shalt  }
0x55: {  	_ =	shalt  }
0x56: {  	_ =	shalt  }
0x57: {  	_ =	shalt  }
0x58: {  	_ =	shalt  }
0x59: {  	_ =	shalt  }
0x5a: {  	_ =	shalt  }
0x5b: {  	_ =	shalt  }
0x5c: {  	_ =	shalt  }
0x5d: {  	_ =	shalt  }
0x5e: {  	_ =	shalt  }
0x5f: {  	_ =	shalt  }
0x60: {  	_ =	shalt  }
0x61: {  	_ =	shalt  }
0x62: {  	_ =	shalt  }
0x63: {  	_ =	shalt  }
0x64: {  	_ =	shalt  }
0x65: {  	_ =	shalt  }
0x66: {  	_ =	shalt  }
0x67: {  	_ =	shalt  }
0x68: {  	_ =	shalt  }
0x69: {  	_ =	shalt  }
0x6a: {  	_ =	shalt  }
0x6b: {  	_ =	shalt  }
0x6c: {  	_ =	shalt  }
0x6d: {  	_ =	shalt  }
0x6e: {  	_ =	shalt  }
0x6f: {  	_ =	shalt  }
0x70: {  	_ =	shalt  }
0x71: {  	_ =	shalt  }
0x72: {  	_ =	shalt  }
0x73: {  	_ =	shalt  }
0x74: {  	_ =	shalt  }
0x75: {  	_ =	shalt  }
0x76: {  	_ =	shalt  }
0x77: {  	_ =	shalt  }
0x78: {  	_ =	shalt  }
0x79: {  	_ =	shalt  }
0x7a: {  	_ =	shalt  }
0x7b: {  	_ =	shalt  }
0x7c: {  	_ =	shalt  }
0x7d: {  	_ =	shalt  }
0x7e: {  	_ =	shalt  }
0x7f: {  	_ =	shalt  }
0x80: {  	_ =	shalt  }
0x81: {  	_ =	shalt  }
0x82: {  	_ =	shalt  }
0x83: {  	_ =	shalt  }
0x84: {  	_ =	shalt  }
0x85: {  	_ =	shalt  }
0x86: {  	_ =	shalt  }
0x87: {  	_ =	shalt  }
.Lfunc_end0:
.L_simem_size_0:
called_computation_lowered:
.L_overlay_start_0:
0x88: {  	s2 =	sld [smem:$0x3FD9]  }
0x89: {  	s3 =	sld [smem:$0x3FFE];
	_ =	sdelay $0x1  }
0x8a: {  	s1 =	srdreg.scid  }
0x8b: {  	s0 =	sand.u32 $0x1, s1  }
0x8c: {  	s14 =	sshll.u32 s0, $0xA;
	s2 =	sadd.s32 s3, s2  }
0x8d: {  	s2 =	sadd.s32 s2, s14  }
0x8e: {  	[smem:$0x3FBE] =	sst s2  }
0x8f: {  	_ = 	snop  }
0x90: {  	s2 =	sld [smem:$0x3FD0];
	_ =	sdelay $0x2  }
0x91: {  	s15 =	simm.s32 $0xA;
	s4 =	simm.s32 $0x10  }
0x92: {  	[smem:s4], [sflag:s15] =	dma.local [hbm:s2], $0x1  }
0x93: {  	_ =	swait.eq [sflag:s15], $0x1  }
0x94: {  	[sflag:s15] =	ssyncset.done $0x0  }
0x95: {  	[sflag:s15] =	ssyncadd.s32 $0xFFFFFFFF  }
0x96: {  	s16 =	sld [smem:$0x12];
	(tm) =	ssettm $0x1  }
0x97: {  	s17 =	sld [smem:$0x3FFB];
	_ =	sdelay $0x3  }
0x98: {  	_ =	strace s17  }
0x99: {  	s3 =	sld [smem:$0x3FFC];
	_ =	sdelay $0x3  }
0x9a: {  	_ =	strace s3  }
0x9b: {  	s3 =	sld [smem:$0x3FFD];
	_ =	sdelay $0x3  }
0x9c: {  	_ =	strace s3  }
0x9d: {  	_ =	strace $0x8FFFFFFF  }
0x9e: {  	s18 =	sld [smem:$0x3FDB];
	_ =	sdelay $0x1  }
0x9f: {  	s19 =	simm.s32 $_scs_section_size  }
0xa0: {  	s5 =	simm.s32 $_size__tile_overlayer_lowered;
	s6 =	simm.s32 $_tile_overlayer_lowered  }
0xa1: {  	s22 =	simm.s32 $0x1BFF;
	s21 =	sshll.u32 s6, $0x1;
	s3 =	sadd.s32 s19, s18  }
0xa2: {  	s7 =	simm.s32 $0x0;
	s20 =	sshll.u32 s5, $0x1;
	s5 =	sadd.s32 s21, s3  }
0xa3: {  	[timem:s7], [sflag:s22] =	dma.local [hbm:s5], s20  }
0xa4: {  	_ =	swait.ge [sflag:s22], s20  }
0xa5: {  	s4 =	ssub.s32 $0x0, s20;
	[sflag:s22] =	ssyncset.done $0x0  }
0xa6: {  	[sflag:s22] =	ssyncadd.s32 s4;
	_ =	sdelay $0x1  }
0xa7: {  	s23 =	simm.s32 $0x1B8B  }
0xa8: {  	_ =	swait.ge [sflag:s23], $0x1  }
0xa9: {  	[sflag:s23] =	ssyncset.done $0x0  }
0xaa: {  	s25 =	simm.s32 $0x1B8E;
	s24 =	sld [smem:$0x3FFE];
	[sflag:s23] =	ssyncadd.s32 $0xFFFFFFFF  }
0xab: {  	s26 =	simm.s32 $execute0_lowered;
	[smem:$0x3FD2] =	sst s25  }
0xac: {  	s5 =	sshll.u32 s26, $0x1;
	_ =	strace $0x80000046;
	[dreg:$0x1] =	wrdreg $0xFFFFFFFF  }
0xad: {  	s28 =	simm.s32 $_size_execute0_lowered;
	s3 =	sadd.s32 s3, s5;
	[dreg:$0x0] =	wrdreg $0x0  }
0xae: {  	s5 =	sshll.u32 s28, $0x1;
	[dreg:$0x2] =	wrdreg s3  }
0xaf: {  	[dreg:$0x3] =	wrdreg s5  }
0xb0: {  	[dreg:$0x4] =	wrdreg $0xC0  }
0xb1: {  	_ =	task [dreg:s7], $0x5FFFF  }
0xb2: {  	[dreg:$0x1] =	wrdreg $0xFFFFFFFF  }
0xb3: {  	[dreg:$0x0] =	wrdreg $0x60  }
0xb4: {  	[dreg:$0x2] =	wrdreg s24  }
0xb5: {  	[dreg:$0x3] =	wrdreg s16  }
0xb6: {  	[dreg:$0x4] =	wrdreg $0x0  }
0xb7: {  	[dreg:$0x5] =	wrdreg $0x9  }
0xb8: {  	_ =	task.clear_ibuf [dreg:s7], $0x6FFFF;
	_ =	strace $0x90000046  }
0xb9: {  	s29 =	simm.s32 $0x9;
	_ =	strace $0x80000048  }
0xba: {  	_ =	swait.ge [sflag:s29], $0x1  }
0xbb: {  	[sflag:s29] =	ssyncadd.s32 $0xFFFFFFFF  }
0xbc: {  	_ =	strace $0x90000048  }
0xbd: {  	_ =	sfence  }
0xbe: {  	s30 =	sld [smem:$0x0];
	_ =	sdelay $0x2  }
0xbf: {  	s31 =	sshll.u32 s1, $0xD;
	s1 =	sshrl.u32 s1, $0x2  }
0xc0: {  	s3 =	sand.u32 $0x4000, s31;
	s1 =	sadd.s32 s1, s30  }
0xc1: {  	s0 =	sor.u32 s3, s0;
	s1 =	sshll.u32 s1, $0x11  }
0xc2: {  	s0 =	sor.u32 s1, s0  }
0xc3: {  	s0 =	sadd.s32 $0x8F2B, s0  }
0xc4: {  	[sflag:s0] =	ssyncadd.remote.s32 $0x1  }
0xc5: {  	_ =	sfence.sel $0xFFFF  }
0xc6: {  	[dreg:$0x0] =	wrdreg $0xFFFFFFFF;
	(pc) =	sbr.abs _section_cstart, $3  }
0xc7: {  	[dreg:$0x1] =	wrdreg $0xFFFFFFFF  }
0xc8: {  	_ =	task.clear_ibuf [dreg:s7], $0x2FFFF;
	_ =	strace $0x9FFFFFFF  }
0xc9: {  	(tm) =	ssettm $0x7FFFFFFF  }
tec
execute0_lowered:
.L_overlay_start_1:
0x0: {  	(tag) =	ssettag $0x1  }
0x1: {  	s4 =	rddreg [dreg:$0x0]  }
0x2: {  	s7 =	rddreg [dreg:$0x1]  }
0x3: {  	s1 =	rddreg [dreg:$0x2];
	s2 =	srdreg.scid  }
0x4: {  	s0 =	rddreg [dreg:$0x3];
	s3 =	simm.s32 $0x0;
	s5 =	sand.u32 $0x1, s2  }
0x5: {  	s11 =	simm.s32 $0x20;
	s2 =	stileid.u32;
	s6 =	smul.u32 $0x14000, s5  }
0x6: {  	s12 =	simm.s32 $0xA80;
	[smem:$0x7FF] =	sst s3;
	s8 =	smul.u32 $0x1400, s2  }
0x7: {  	s13 =	simm.s32 $0x1;
	_ =	strace $0x80000047;
	s9 =	smul.u32 $0x3E8, s2  }
0x8: {  	s28 =	ssub.s32 $0x2, s5;
	s5 =	smul.u32 $0x2710, s5;
	s10 =	sshll.u32 s2, $0xB  }
0x9: {  	p0 =	sgt.u32 s2, $0x4;
	p1 =	sgt.u32 s2, $0x9;
	s29 =	sshrl.u32 s28, $0x1  }
0xa: {  	s6 =	sadd.s32 s8, s6;
	s8 =	ssub.s32 s28, s29;
	s30 =	sadd.s32 s9, s5  }
0xb: {  	s6 =	sadd.s32 s6, s4;
	s4 =	sadd.s32 s10, s1;
	s31 =	sshrl.u32 s30, $0x3  }
0xc: {  	s8 =	smax.u32 s8, $0x1;
	s10 =	simm.s32 $0x2;
	s5 =	sadd.s32 $0x2A00, s6  }
0xd: {  	v0 =	vimm.f32 $0.0e+00;
	v1 =	vimm.f32 $1.000000000e+00;
	s6 =	sadd.s32 s9, s1;
	s7 =	sadd.s32 s7, s31;
	s9 =	simm.s32 $0xB00  }
.LBB2_1:
0xe: {  	s14 =	simm.s32 $0x40;
	s15 =	simm.s32 $0x0  }
.LBB2_2:
0xf: {  	p2 =	sne.s32 s14, $0x1FC0;
	[tilespmem:s15+$0x280] =	vst v0;
	s15 =	smov.u32 s14;
	s14 =	sadd.s32 $0x40, s14  }
.Ltmp0:
0x10: {  	(pc) =	sbr.rel @p2 .LBB2_2-.Ltmp0, $2  }
0x11: {  	_ =	sdelay $0x2  }
0x12: {  	s15 =	sshra.s32 s15, $0x2  }
0x13: {  	[tilespmem:s15+$0x280] =	vst v0  }
0x14: {  	[tilespmem:$0xA80] =	vst v1  }
0x15: {  	s14 =	simm.s32 @!p0 $0x280;
	[tilespmem:$0xA90] =	vst v1  }
0x16: {  	[spmem:s4] =	stream.linear.scatter @!p0 [tilespmem:s14], [sflag:$0x2], $0x800, $0x38;
	[tilespmem:$0xAB00] =	vst v63  }
0x17: {  	s14 =	simm.s32 @!p0 $0x2  }
0x18: {  	_ =	swait.ge @!p0 [sflag:s14], $0x800  }
0x19: {  	[sflag:s14] =	ssyncset.done @!p0 $0x0  }
0x1a: {  	[sflag:s14] =	ssyncadd.s32 @!p0 $0xFFFFF800;
	s14 =	simm.s32 $0x0  }
0x1b: {  	[tilespmem:s9], [sflag:$0x2] =	stream.linear.gather [hbm4b:s5+s14], $0xA000, $0x38;
	[tilespmem:$0xAB00] =	vst v63  }
0x1c: {  	_ =	swait.ge [sflag:s10], $0xA000  }
0x1d: {  	[sflag:s10] =	ssyncset.done $0x0  }
0x1e: {  	[sflag:s10] =	ssyncadd.s32 $0xFFFF6000  }
0x1f: {  	[bflag:$0x0] =	sbarrier.arrive $0xFFFF  }
.LBB2_4:
0x20: {  	p2 =	sne.s32 s14, $0x27E00  }
.Ltmp1:
0x21: {  	_ = 	snop;
	(pc) =	sbr.rel @p2 .LBB2_4-.Ltmp1, $4  }
0x22: {  	_ = 	snop  }
0x23: {  	s15 =	sshra.s32 s14, $0x2  }
0x24: {  	s14 =	sadd.s32 $0x200, s14;
	s15 =	sadd.s32 $0xB00, s15  }
0x25: {  	[spmem:s1] =	stream.indirect.scatter.add.f32 [tilespmem:s12], [sflag:$0x1], $0x1, s15, s11, $0xb8;
	[tilespmem:$0xAB00] =	vst v63  }
0x26: {  	_ =	swait.ge [sflag:s13], $0x20  }
0x27: {  	s14 =	simm.s32 $0x13F;
	[sflag:s13] =	ssyncset.done $0x0  }
.LBB2_6:
0x28: {  	p2 =	sne.s32 s14, $0x1;
	s14 =	sadd.s32 $0xFFFFFFFF, s14;
	[sflag:s13] =	ssyncadd.s32 $0xFFFFFFE0  }
.Ltmp2:
0x29: {  	(pc) =	sbr.rel @p2 .LBB2_6-.Ltmp2, $3  }
0x2a: {  	_ =	sdelay $0x1  }
0x2b: {  	_ =	swait.ge [sflag:s13], $0x20  }
0x2c: {  	[sflag:s13] =	ssyncset.done $0x0  }
0x2d: {  	[sflag:s13] =	ssyncadd.s32 $0xFFFFFFE0  }
0x2e: {  	s14 =	simm.s32 @!p1 $0x280;
	s15 =	simm.s32 @!p1 $0x2;
	[bflag:$0x0] =	sbarrier.arrive $0xFFFF  }
0x2f: {  	[tilespmem:s14], [sflag:$0x2] =	stream.linear.gather @!p1 [spmem:s6], $0x3E8, $0x38;
	[tilespmem:$0xAB00] =	vst v63  }
0x30: {  	s3 =	sadd.s32 $0x1, s3;
	_ =	swait.ge @!p1 [sflag:s15], $0x3E8  }
0x31: {  	p2 =	sne.s32 s3, s8;
	[sflag:s15] =	ssyncset.done @!p1 $0x0  }
.Ltmp3:
0x32: {  	s16 =	simm.s32 @!p1 $0x0;
	[sflag:s15] =	ssyncadd.s32 @!p1 $0xFFFFFC18;
	(pc) =	sbr.rel @p2 .LBB2_1-.Ltmp3, $4  }
0x33: {  	[hbm4b:s7+s16] =	stream.linear.scatter @!p1 [tilespmem:s14], [sflag:$0x2], $0x3E8, $0x38;
	[tilespmem:$0xAB00] =	vst v63  }
0x34: {  	_ =	swait.ge @!p1 [sflag:s15], $0x3E8  }
0x35: {  	[sflag:s15] =	ssyncset.done @!p1 $0x0  }
0x36: {  	[sflag:s15] =	ssyncadd.s32 @!p1 $0xFFFFFC18  }
0x37: {  	_ =	sfence.sel $0x180000  }
0x38: {  	[bflag:$0x0] =	sbarrier.arrive $0xFFFF  }
0x39: {  	p0 =	sne.s32 s2, $0x0;
	_ =	strace $0x90000047  }
0x3a: {  	s0 =	sadd.s32 @!p0 $0x100000, s0;
	[bflag:$0x2] =	sbarrier.arrive $0xFFFF  }
0x3b: {  	[sflag:s0] =	ssyncadd.tile.s32 @!p0 $0x1;
	_ =	shalt  }
.Lfunc_end2:
_tile_overlayer_lowered:
.L_overlay_start_2:
0x3c: {  	(tag) =	ssettag $0x2  }
0x3d: {  	s0 =	rddreg [dreg:$0x0];
	s2 =	stileid.u32  }
0x3e: {  	s1 =	rddreg [dreg:$0x1];
	p0 =	sne.s32 s2, $0x0  }
0x3f: {  	s3 =	rddreg [dreg:$0x2];
	[bflag:$0x3] =	sbarrier.arrive $0xFFFF;
	s2 =	simm.s32 @!p0 $0x1C02  }
0x40: {  	[timem:s3], [sflag:s2] =	dma.local @!p0 [hbm:s0], s1  }
0x41: {  	s0 =	simm.s32 @!p0 $0x2  }
0x42: {  	_ =	swait.ge @!p0 [sflag:s0], s1  }
0x43: {  	s1 =	ssub.s32 @!p0 $0x0, s1;
	[sflag:s0] =	ssyncset.done @!p0 $0x0  }
0x44: {  	[sflag:s0] =	ssyncadd.s32 @!p0 s1  }
0x45: {  	[bflag:$0x3] =	sbarrier.arrive $0xFFFF  }
0x46: {  	_ =	shalt  }

// kernel: sc_edge_scatter.4.cloned.1.call-start
scs
__scs_entry_jumppad:
0x0: {  	(pc) =	sbr.rel $0x88, $3  }
0x1: {  	(tag) =	ssettag $0x0;
	lr =	simm.s32 $0x1  }
0x2: {  	[smem:$0x3F97] =	sst lr;
	_ =	strace $0xD0000000  }
0x3: {  	_ = 	snop  }
0x4: {  	_ = 	snop  }
0x5: {  	_ = 	snop  }
0x6: {  	_ = 	snop  }
0x7: {  	_ = 	snop  }
__scs_overlays_trampoline_lowered:
0x8: {  	[smem:$0x3FA6] =	sst s0  }
0x9: {  	[smem:$0x3FA7] =	sst s1  }
0xa: {  	[smem:$0x3FA8] =	sst s2  }
0xb: {  	[smem:$0x3FA9] =	sst s3  }
0xc: {  	[smem:$0x3FAA] =	sst s4  }
0xd: {  	[smem:$0x3FAB] =	sst s5  }
0xe: {  	[smem:$0x3FAC] =	sst s6  }
0xf: {  	[smem:$0x3FAD] =	sst s7  }
0x10: {  	[smem:$0x3FAE] =	sst s8  }
0x11: {  	[smem:$0x3FAF] =	sst s9;
	s0 =	simm.s32 @!p0 $0x0  }
0x12: {  	s1 =	sld [smem:$0x3F95];
	s0 =	simm.s32 @p0 $0x1  }
0x13: {  	[smem:$0x3FB0] =	sst s0;
	s0 =	simm.s32 @!p1 $0x0  }
0x14: {  	s2 =	sld [smem:$0x3F94];
	s0 =	simm.s32 @p1 $0x1  }
0x15: {  	[smem:$0x3FB1] =	sst s0;
	s0 =	simm.s32 @!p2 $0x0  }
0x16: {  	s3 =	sld [smem:$0x3FDB];
	s0 =	simm.s32 @p2 $0x1  }
0x17: {  	s4 =	simm.s32 $0x1BF5;
	[smem:$0x3FB3] =	sst s0  }
0x18: {  	s0 =	sld [smem:$0x3F96];
	_ =	swait.ge [sflag:s4], $0x0  }
0x19: {  	s7 =	sld [smem:$0x3F97]  }
0x1a: {  	s8 =	sadd.s32 $0xFFFFE003, lr  }
0x1b: {  	s9 =	sadd.s32 $0xFFFFFEF7, lr;
	s5 =	simm.s32 $0xFFFFFFFF;
	p2 =	slt.u32 s8, $0xFFFFF086  }
0x1c: {  	p1 =	slt.u32 s9, $0xF7A;
	s5 =	simm.s32 @!p2 $0x0  }
0x1d: {  	s5 =	simm.s32 @p1 $0x1;
	p0 =	seq.s32 s7, s2  }
0x1e: {  	s7 =	smul.u32 @!p0 $0xF7A, s2;
	p2 =	seq.s32 @!p0 s5, $0x0  }
0x1f: {  	s9 =	smul.u32 $0xF7A, s1;
	s8 =	simm.s32 @!p0 $0x1BF5;
	p2 =	por !p2, p0  }
0x20: {  	[sflag:s8] =	ssyncset.s32 @!p0 $0xFFFFF086;
	s6 =	sadd.s32 @!p0 s3, s7;
	s7 =	simm.s32 @!p0 $0x108  }
0x21: {  	s3 =	sadd.s32 s3, s9;
	s6 =	sadd.s32 @!p0 $0x88, s6;
	s7 =	simm.s32 @p2 $0x1082  }
0x22: {  	[simem:s7], [sflag:s8] =	dma.local @!p0 [hbm:s6], $0xF7A  }
0x23: {  	s9 =	sor.u32 $0xD0000000, s2;
	s6 =	simm.s32 $0x108;
	_ =	swait.ge @!p0 [sflag:s8], $0x0  }
0x24: {  	s3 =	sadd.s32 $0x88, s3;
	s6 =	simm.s32 @!p1 $0x1082;
	[sflag:s4] =	ssyncset.s32 $0xFFFFF086  }
0x25: {  	[simem:s6], [sflag:s4] =	dma.local [hbm:s3], $0xF7A  }
0x26: {  	[smem:$0x3F97] =	sst s1;
	(tag) =	ssettag s2;
	_ =	strace s9  }
0x27: {  	s1 =	sld [smem:$0x3FA7]  }
0x28: {  	s2 =	sld [smem:$0x3FA8]  }
0x29: {  	s4 =	sld [smem:$0x3FAA]  }
0x2a: {  	p0 =	seq.s32 s5, $0x0;
	s5 =	sld [smem:$0x3FAB]  }
0x2b: {  	s6 =	sld [smem:$0x3FAC]  }
0x2c: {  	s7 =	sld [smem:$0x3FAD]  }
0x2d: {  	s3 =	simm.s32 $0x108;
	s8 =	sld [smem:$0x3FAE]  }
0x2e: {  	s3 =	simm.s32 @!p0 $0x1082;
	s9 =	sld [smem:$0x3FAF]  }
0x2f: {  	lr =	sadd.s32 s0, s3;
	s0 =	sld [smem:$0x3FA6]  }
0x30: {  	s3 =	sld [smem:$0x3FA9]  }
0x31: {  	[smem:$0x3FB2] =	sst s10  }
0x32: {  	s10 =	sld [smem:$0x3FB0];
	_ =	sdelay $0x3  }
0x33: {  	p0 =	seq.s32 s10, $0x1;
	s10 =	sld [smem:$0x3FB2];
	_ =	sdelay $0x3  }
0x34: {  	[smem:$0x3FB2] =	sst s10  }
0x35: {  	s10 =	sld [smem:$0x3FB1];
	_ =	sdelay $0x3  }
0x36: {  	p1 =	seq.s32 s10, $0x1;
	s10 =	sld [smem:$0x3FB2];
	_ =	sdelay $0x3  }
0x37: {  	[smem:$0x3FB2] =	sst s10  }
0x38: {  	s10 =	sld [smem:$0x3FB3]  }
0x39: {  	_ = 	snop;
	(pc) =	sbr.ind lr, $3  }
0x3a: {  	_ = 	snop  }
0x3b: {  	_ = 	snop  }
0x3c: {  	p2 =	seq.s32 s10, $0x1;
	s10 =	sld [smem:$0x3FB2]  }
0x3d: {  	_ =	shalt  }
0x3e: {  	_ =	shalt  }
0x3f: {  	_ =	shalt  }
0x40: {  	_ =	shalt  }
0x41: {  	_ =	shalt  }
0x42: {  	_ =	shalt  }
0x43: {  	_ =	shalt  }
0x44: {  	_ =	shalt  }
0x45: {  	_ =	shalt  }
0x46: {  	_ =	shalt  }
0x47: {  	_ =	shalt  }
0x48: {  	_ =	shalt  }
0x49: {  	_ =	shalt  }
0x4a: {  	_ =	shalt  }
0x4b: {  	_ =	shalt  }
0x4c: {  	_ =	shalt  }
0x4d: {  	_ =	shalt  }
0x4e: {  	_ =	shalt  }
0x4f: {  	_ =	shalt  }
0x50: {  	_ =	shalt  }
0x51: {  	_ =	shalt  }
0x52: {  	_ =	shalt  }
0x53: {  	_ =	shalt  }
0x54: {  	_ =	shalt  }
0x55: {  	_ =	shalt  }
0x56: {  	_ =	shalt  }
0x57: {  	_ =	shalt  }
0x58: {  	_ =	shalt  }
0x59: {  	_ =	shalt  }
0x5a: {  	_ =	shalt  }
0x5b: {  	_ =	shalt  }
0x5c: {  	_ =	shalt  }
0x5d: {  	_ =	shalt  }
0x5e: {  	_ =	shalt  }
0x5f: {  	_ =	shalt  }
0x60: {  	_ =	shalt  }
0x61: {  	_ =	shalt  }
0x62: {  	_ =	shalt  }
0x63: {  	_ =	shalt  }
0x64: {  	_ =	shalt  }
0x65: {  	_ =	shalt  }
0x66: {  	_ =	shalt  }
0x67: {  	_ =	shalt  }
0x68: {  	_ =	shalt  }
0x69: {  	_ =	shalt  }
0x6a: {  	_ =	shalt  }
0x6b: {  	_ =	shalt  }
0x6c: {  	_ =	shalt  }
0x6d: {  	_ =	shalt  }
0x6e: {  	_ =	shalt  }
0x6f: {  	_ =	shalt  }
0x70: {  	_ =	shalt  }
0x71: {  	_ =	shalt  }
0x72: {  	_ =	shalt  }
0x73: {  	_ =	shalt  }
0x74: {  	_ =	shalt  }
0x75: {  	_ =	shalt  }
0x76: {  	_ =	shalt  }
0x77: {  	_ =	shalt  }
0x78: {  	_ =	shalt  }
0x79: {  	_ =	shalt  }
0x7a: {  	_ =	shalt  }
0x7b: {  	_ =	shalt  }
0x7c: {  	_ =	shalt  }
0x7d: {  	_ =	shalt  }
0x7e: {  	_ =	shalt  }
0x7f: {  	_ =	shalt  }
0x80: {  	_ =	shalt  }
0x81: {  	_ =	shalt  }
0x82: {  	_ =	shalt  }
0x83: {  	_ =	shalt  }
0x84: {  	_ =	shalt  }
0x85: {  	_ =	shalt  }
0x86: {  	_ =	shalt  }
0x87: {  	_ =	shalt  }
.Lfunc_end0:
.L_simem_size_0:
called_computation.1_lowered:
.L_overlay_start_0:
0x88: {  	s2 =	sld [smem:$0x3FD9]  }
0x89: {  	s3 =	sld [smem:$0x3FFE];
	_ =	sdelay $0x1  }
0x8a: {  	s1 =	srdreg.scid  }
0x8b: {  	s0 =	sand.u32 $0x1, s1  }
0x8c: {  	s14 =	sshll.u32 s0, $0xA;
	s2 =	sadd.s32 s3, s2  }
0x8d: {  	s2 =	sadd.s32 s2, s14  }
0x8e: {  	[smem:$0x3FBE] =	sst s2  }
0x8f: {  	_ = 	snop  }
0x90: {  	s2 =	sld [smem:$0x3FD0];
	_ =	sdelay $0x2  }
0x91: {  	s15 =	simm.s32 $0xA;
	s4 =	simm.s32 $0x10  }
0x92: {  	[smem:s4], [sflag:s15] =	dma.local [hbm:s2], $0x1  }
0x93: {  	_ =	swait.eq [sflag:s15], $0x1  }
0x94: {  	[sflag:s15] =	ssyncset.done $0x0  }
0x95: {  	[sflag:s15] =	ssyncadd.s32 $0xFFFFFFFF  }
0x96: {  	s16 =	sld [smem:$0x12];
	(tm) =	ssettm $0x1  }
0x97: {  	s17 =	sld [smem:$0x3FFB];
	_ =	sdelay $0x3  }
0x98: {  	_ =	strace s17  }
0x99: {  	s3 =	sld [smem:$0x3FFC];
	_ =	sdelay $0x3  }
0x9a: {  	_ =	strace s3  }
0x9b: {  	s3 =	sld [smem:$0x3FFD];
	_ =	sdelay $0x3  }
0x9c: {  	_ =	strace s3  }
0x9d: {  	_ =	strace $0x8FFFFFFF  }
0x9e: {  	s18 =	sld [smem:$0x3FDB];
	_ =	sdelay $0x1  }
0x9f: {  	s19 =	simm.s32 $_scs_section_size  }
0xa0: {  	s5 =	simm.s32 $_size__tile_overlayer_lowered;
	s6 =	simm.s32 $_tile_overlayer_lowered  }
0xa1: {  	s22 =	simm.s32 $0x1BFF;
	s21 =	sshll.u32 s6, $0x1;
	s3 =	sadd.s32 s19, s18  }
0xa2: {  	s7 =	simm.s32 $0x0;
	s20 =	sshll.u32 s5, $0x1;
	s5 =	sadd.s32 s21, s3  }
0xa3: {  	[timem:s7], [sflag:s22] =	dma.local [hbm:s5], s20  }
0xa4: {  	_ =	swait.ge [sflag:s22], s20  }
0xa5: {  	s4 =	ssub.s32 $0x0, s20;
	[sflag:s22] =	ssyncset.done $0x0  }
0xa6: {  	[sflag:s22] =	ssyncadd.s32 s4;
	_ =	sdelay $0x1  }
0xa7: {  	s23 =	simm.s32 $0x1B8B  }
0xa8: {  	_ =	swait.ge [sflag:s23], $0x1  }
0xa9: {  	[sflag:s23] =	ssyncset.done $0x0  }
0xaa: {  	s25 =	simm.s32 $0x1B8E;
	s24 =	sld [smem:$0x3FFE];
	[sflag:s23] =	ssyncadd.s32 $0xFFFFFFFF  }
0xab: {  	s26 =	simm.s32 $execute0_lowered;
	[smem:$0x3FD2] =	sst s25  }
0xac: {  	s5 =	sshll.u32 s26, $0x1;
	_ =	strace $0x80000049;
	[dreg:$0x1] =	wrdreg $0xFFFFFFFF  }
0xad: {  	s28 =	simm.s32 $_size_execute0_lowered;
	s3 =	sadd.s32 s3, s5;
	[dreg:$0x0] =	wrdreg $0x0  }
0xae: {  	s5 =	sshll.u32 s28, $0x1;
	[dreg:$0x2] =	wrdreg s3  }
0xaf: {  	[dreg:$0x3] =	wrdreg s5  }
0xb0: {  	[dreg:$0x4] =	wrdreg $0xC0  }
0xb1: {  	_ =	task [dreg:s7], $0x5FFFF  }
0xb2: {  	[dreg:$0x1] =	wrdreg $0xFFFFFFFF  }
0xb3: {  	[dreg:$0x0] =	wrdreg $0x60  }
0xb4: {  	[dreg:$0x2] =	wrdreg s16  }
0xb5: {  	[dreg:$0x3] =	wrdreg s24  }
0xb6: {  	[dreg:$0x4] =	wrdreg $0x0  }
0xb7: {  	[dreg:$0x5] =	wrdreg $0x9  }
0xb8: {  	_ =	task.clear_ibuf [dreg:s7], $0x6FFFF;
	_ =	strace $0x90000049  }
0xb9: {  	s29 =	simm.s32 $0x9;
	_ =	strace $0x8000004B  }
0xba: {  	_ =	swait.ge [sflag:s29], $0x1  }
0xbb: {  	[sflag:s29] =	ssyncadd.s32 $0xFFFFFFFF  }
0xbc: {  	_ =	strace $0x9000004B  }
0xbd: {  	_ =	sfence  }
0xbe: {  	s30 =	sld [smem:$0x0];
	_ =	sdelay $0x2  }
0xbf: {  	s31 =	sshll.u32 s1, $0xD;
	s1 =	sshrl.u32 s1, $0x2  }
0xc0: {  	s3 =	sand.u32 $0x4000, s31;
	s1 =	sadd.s32 s1, s30  }
0xc1: {  	s0 =	sor.u32 s3, s0;
	s1 =	sshll.u32 s1, $0x11  }
0xc2: {  	s0 =	sor.u32 s1, s0  }
0xc3: {  	s0 =	sadd.s32 $0x8F2B, s0  }
0xc4: {  	[sflag:s0] =	ssyncadd.remote.s32 $0x1  }
0xc5: {  	_ =	sfence.sel $0xFFFF  }
0xc6: {  	[dreg:$0x0] =	wrdreg $0xFFFFFFFF;
	(pc) =	sbr.abs _section_cstart, $3  }
0xc7: {  	[dreg:$0x1] =	wrdreg $0xFFFFFFFF  }
0xc8: {  	_ =	task.clear_ibuf [dreg:s7], $0x2FFFF;
	_ =	strace $0x9FFFFFFF  }
0xc9: {  	(tm) =	ssettm $0x7FFFFFFF  }
tec
execute0_lowered:
.L_overlay_start_1:
0x0: {  	(tag) =	ssettag $0x1  }
0x1: {  	s1 =	rddreg [dreg:$0x0]  }
0x2: {  	s0 =	rddreg [dreg:$0x1]  }
0x3: {  	s2 =	rddreg [dreg:$0x2]  }
0x4: {  	s3 =	srdreg.scid;
	s11 =	stileid.u32  }
0x5: {  	s4 =	simm.s32 $0x0;
	s3 =	sand.u32 $0x1, s3;
	s10 =	smul.u32 $0x50000, s11  }
0x6: {  	s28 =	simm.s32 $0x3;
	s30 =	simm.s32 $0x7;
	s5 =	smul.u32 $0x28000, s3  }
0x7: {  	[smem:$0x7FF] =	sst s4;
	s6 =	smul.u32 $0x1400, s3;
	s3 =	ssub.s32 $0x2, s3  }
0x8: {  	s7 =	sadd.s32 $0x2AA00, s0;
	s8 =	smul.u32 $0x140, s11;
	s20 =	sshrl.u32 s3, $0x1  }
0x9: {  	s9 =	sadd.s32 $0x2A00, s0;
	s21 =	sshrl.u32 s10, $0x2;
	s3 =	ssub.s32 s3, s20  }
0xa: {  	s0 =	sadd.s32 s5, s0;
	s5 =	sadd.s32 s21, s2;
	s3 =	smax.u32 s3, $0x1  }
0xb: {  	_ =	strace $0x8000004A;
	s10 =	sadd.s32 $0x4000, s5;
	[dreg:$0xc] =	wrdreg s3  }
0xc: {  	s12 =	smul.u32 $0x2800, s11;
	s13 =	sadd.s32 $0x5000, s5;
	[dreg:$0x10] =	wrdreg s10  }
0xd: {  	s11 =	simm.s32 $0x1A800;
	s14 =	sadd.s32 $0x6000, s5;
	[dreg:$0x11] =	wrdreg s13  }
0xe: {  	s6 =	sadd.s32 s8, s6;
	s15 =	sadd.s32 $0x7000, s5;
	[dreg:$0x12] =	wrdreg s14  }
0xf: {  	s6 =	sshll.u32 s6, $0x4;
	s16 =	sadd.s32 $0x8000, s5;
	[dreg:$0x13] =	wrdreg s15  }
0x10: {  	s17 =	sadd.s32 $0x9000, s5;
	s0 =	sadd.s32 s12, s0;
	[dreg:$0x14] =	wrdreg s16  }
0x11: {  	s18 =	sadd.s32 $0xA000, s5;
	s19 =	sadd.s32 $0xB000, s5;
	[dreg:$0x15] =	wrdreg s17  }
0x12: {  	s20 =	sadd.s32 $0xC000, s5;
	s21 =	sadd.s32 $0xD000, s5;
	[dreg:$0x16] =	wrdreg s18  }
0x13: {  	s12 =	simm.s32 $0x20;
	s22 =	sadd.s32 s7, s6;
	[dreg:$0x17] =	wrdreg s19  }
0x14: {  	s23 =	sadd.s32 $0x500, s6;
	s24 =	sadd.s32 s9, s6;
	[dreg:$0x18] =	wrdreg s20  }
0x15: {  	s26 =	sadd.s32 $0xA00, s6;
	s6 =	sadd.s32 $0xF00, s6;
	[dreg:$0x19] =	wrdreg s21  }
0x16: {  	s10 =	simm.s32 $0x18000;
	s14 =	simm.s32 $0x15000;
	[dreg:$0x4] =	wrdreg s22  }
0x17: {  	s16 =	simm.s32 $0x16000;
	[dreg:$0x5] =	wrdreg s24;
	s25 =	sadd.s32 s7, s23  }
0x18: {  	s18 =	simm.s32 $0x17000;
	s8 =	sadd.s32 s9, s23;
	[dreg:$0x6] =	wrdreg s25  }
0x19: {  	s19 =	simm.s32 $0x1;
	s29 =	sadd.s32 s7, s26;
	[dreg:$0x7] =	wrdreg s8  }
0x1a: {  	s20 =	simm.s32 $0x5;
	s31 =	sadd.s32 s9, s26;
	[dreg:$0x8] =	wrdreg s29  }
0x1b: {  	s13 =	simm.s32 $0x1CE00;
	s7 =	sadd.s32 s7, s6;
	[dreg:$0x9] =	wrdreg s31  }
0x1c: {  	s15 =	simm.s32 $0x1CE80;
	s6 =	sadd.s32 s9, s6;
	[dreg:$0xa] =	wrdreg s7  }
0x1d: {  	s17 =	simm.s32 $0x1CF00;
	s9 =	sadd.s32 $0x3000, s5;
	[dreg:$0xb] =	wrdreg s6  }
0x1e: {  	s21 =	simm.s32 $0x1CF80;
	s22 =	sadd.s32 $0xE000, s5;
	[dreg:$0xf] =	wrdreg s9  }
0x1f: {  	s23 =	sadd.s32 $0xF000, s5;
	s24 =	sadd.s32 $0x10000, s5;
	[dreg:$0x1a] =	wrdreg s22  }
0x20: {  	s26 =	sadd.s32 $0x11000, s5;
	s7 =	sadd.s32 $0x1000, s5;
	[dreg:$0x1b] =	wrdreg s23  }
0x21: {  	s8 =	sadd.s32 $0x2000, s5;
	s25 =	sadd.s32 $0x52A00, s0;
	[dreg:$0x1c] =	wrdreg s24  }
0x22: {  	[dreg:$0x1d] =	wrdreg s26;
	s29 =	sadd.s32 $0x12000, s5;
	s31 =	sadd.s32 $0x13000, s5  }
0x23: {  	s9 =	simm.s32 $0x9;
	s22 =	simm.s32 $0x2;
	[dreg:$0xd] =	wrdreg s7  }
0x24: {  	s24 =	simm.s32 $0x6;
	s0 =	simm.s32 $0x4;
	[dreg:$0xe] =	wrdreg s8  }
0x25: {  	s6 =	simm.s32 $0x8;
	s23 =	simm.s32 $0x0;
	[dreg:$0x1e] =	wrdreg s29  }
0x26: {  	v0 =	vimm.f32 $0.0e+00;
	[dreg:$0x1f] =	wrdreg s31;
	s8 =	simm.s32 $0x14000;
	s7 =	simm.s32 $0x1A780  }
.LBB2_1:
0x27: {  	s26 =	sand.u32 $0x3E00, s4  }
0x28: {  	s29 =	sand.u32 $0x70, s4;
	s31 =	sshrl.u32 s26, $0x2  }
0x29: {  	s26 =	simm.s32 $0x40;
	s31 =	sor.u32 s29, s31;
	s29 =	simm.s32 $0x0  }
.LBB2_2:
0x2a: {  	p0 =	sne.s32 s26, $0x3FC0  }
0x2b: {  	[tilespmem:s31+$0x14000] =	vst v0;
	s29 =	sadd.s32 $0x10, s29;
	s31 =	smov.u32 s26;
	s26 =	sadd.s32 $0x40, s26  }
.Ltmp0:
0x2c: {  	(pc) =	sbr.rel @p0 .LBB2_2-.Ltmp0, $4  }
0x2d: {  	_ = 	snop  }
0x2e: {  	s31 =	sand.u32 $0x3E00, s31  }
0x2f: {  	s3 =	sand.u32 $0x70, s29;
	s31 =	sshrl.u32 s31, $0x2  }
0x30: {  	s31 =	sor.u32 s3, s31  }
0x31: {  	[tilespmem:s31+$0x14000] =	vst v0  }
0x32: {  	[spmem:s5] =	stream.linear.scatter [tilespmem:s8], [sflag:$0x9], $0x1000, $0x38;
	[tilespmem:$0x1D000] =	vst v63  }
0x33: {  	_ =	swait.ge [sflag:s9], $0x1000  }
0x34: {  	[sflag:s9] =	ssyncset.done $0x0  }
0x35: {  	s3 =	rddreg [dreg:$0xd];
	[sflag:s9] =	ssyncadd.s32 $0xFFFFF000  }
0x36: {  	[spmem:s3] =	stream.linear.scatter [tilespmem:s8], [sflag:$0x9], $0x1000, $0x38;
	[tilespmem:$0x1D000] =	vst v63  }
0x37: {  	_ =	swait.ge [sflag:s9], $0x1000  }
0x38: {  	[sflag:s9] =	ssyncset.done $0x0  }
0x39: {  	s26 =	rddreg [dreg:$0xe];
	[sflag:s9] =	ssyncadd.s32 $0xFFFFF000  }
0x3a: {  	[spmem:s26] =	stream.linear.scatter [tilespmem:s8], [sflag:$0x9], $0x1000, $0x38;
	[tilespmem:$0x1D000] =	vst v63  }
0x3b: {  	_ =	swait.ge [sflag:s9], $0x1000  }
0x3c: {  	[sflag:s9] =	ssyncset.done $0x0  }
0x3d: {  	s26 =	rddreg [dreg:$0xf];
	[sflag:s9] =	ssyncadd.s32 $0xFFFFF000  }
0x3e: {  	[spmem:s26] =	stream.linear.scatter [tilespmem:s8], [sflag:$0x9], $0x1000, $0x38;
	[tilespmem:$0x1D000] =	vst v63  }
0x3f: {  	_ =	swait.ge [sflag:s9], $0x1000  }
0x40: {  	[sflag:s9] =	ssyncset.done $0x0  }
0x41: {  	s26 =	rddreg [dreg:$0x10];
	[sflag:s9] =	ssyncadd.s32 $0xFFFFF000  }
0x42: {  	[spmem:s26] =	stream.linear.scatter [tilespmem:s8], [sflag:$0x9], $0x1000, $0x38;
	[tilespmem:$0x1D000] =	vst v63  }
0x43: {  	_ =	swait.ge [sflag:s9], $0x1000  }
0x44: {  	[sflag:s9] =	ssyncset.done $0x0  }
0x45: {  	s26 =	rddreg [dreg:$0x11];
	[sflag:s9] =	ssyncadd.s32 $0xFFFFF000  }
0x46: {  	[spmem:s26] =	stream.linear.scatter [tilespmem:s8], [sflag:$0x9], $0x1000, $0x38;
	[tilespmem:$0x1D000] =	vst v63  }
0x47: {  	_ =	swait.ge [sflag:s9], $0x1000  }
0x48: {  	[sflag:s9] =	ssyncset.done $0x0  }
0x49: {  	s26 =	rddreg [dreg:$0x12];
	[sflag:s9] =	ssyncadd.s32 $0xFFFFF000  }
0x4a: {  	[spmem:s26] =	stream.linear.scatter [tilespmem:s8], [sflag:$0x9], $0x1000, $0x38;
	[tilespmem:$0x1D000] =	vst v63  }
0x4b: {  	_ =	swait.ge [sflag:s9], $0x1000  }
0x4c: {  	[sflag:s9] =	ssyncset.done $0x0  }
0x4d: {  	s26 =	rddreg [dreg:$0x13];
	[sflag:s9] =	ssyncadd.s32 $0xFFFFF000  }
0x4e: {  	[spmem:s26] =	stream.linear.scatter [tilespmem:s8], [sflag:$0x9], $0x1000, $0x38;
	[tilespmem:$0x1D000] =	vst v63  }
0x4f: {  	_ =	swait.ge [sflag:s9], $0x1000  }
0x50: {  	[sflag:s9] =	ssyncset.done $0x0  }
0x51: {  	s26 =	rddreg [dreg:$0x14];
	[sflag:s9] =	ssyncadd.s32 $0xFFFFF000  }
0x52: {  	[spmem:s26] =	stream.linear.scatter [tilespmem:s8], [sflag:$0x9], $0x1000, $0x38;
	[tilespmem:$0x1D000] =	vst v63  }
0x53: {  	_ =	swait.ge [sflag:s9], $0x1000  }
0x54: {  	[sflag:s9] =	ssyncset.done $0x0  }
0x55: {  	s26 =	rddreg [dreg:$0x15];
	[sflag:s9] =	ssyncadd.s32 $0xFFFFF000  }
0x56: {  	[spmem:s26] =	stream.linear.scatter [tilespmem:s8], [sflag:$0x9], $0x1000, $0x38;
	[tilespmem:$0x1D000] =	vst v63  }
0x57: {  	_ =	swait.ge [sflag:s9], $0x1000  }
0x58: {  	[sflag:s9] =	ssyncset.done $0x0  }
0x59: {  	s26 =	rddreg [dreg:$0x16];
	[sflag:s9] =	ssyncadd.s32 $0xFFFFF000  }
0x5a: {  	[spmem:s26] =	stream.linear.scatter [tilespmem:s8], [sflag:$0x9], $0x1000, $0x38;
	[tilespmem:$0x1D000] =	vst v63  }
0x5b: {  	_ =	swait.ge [sflag:s9], $0x1000  }
0x5c: {  	[sflag:s9] =	ssyncset.done $0x0  }
0x5d: {  	s26 =	rddreg [dreg:$0x17];
	[sflag:s9] =	ssyncadd.s32 $0xFFFFF000  }
0x5e: {  	[spmem:s26] =	stream.linear.scatter [tilespmem:s8], [sflag:$0x9], $0x1000, $0x38;
	[tilespmem:$0x1D000] =	vst v63  }
0x5f: {  	_ =	swait.ge [sflag:s9], $0x1000  }
0x60: {  	[sflag:s9] =	ssyncset.done $0x0  }
0x61: {  	s26 =	rddreg [dreg:$0x18];
	[sflag:s9] =	ssyncadd.s32 $0xFFFFF000  }
0x62: {  	[spmem:s26] =	stream.linear.scatter [tilespmem:s8], [sflag:$0x9], $0x1000, $0x38;
	[tilespmem:$0x1D000] =	vst v63  }
0x63: {  	_ =	swait.ge [sflag:s9], $0x1000  }
0x64: {  	[sflag:s9] =	ssyncset.done $0x0  }
0x65: {  	s26 =	rddreg [dreg:$0x19];
	[sflag:s9] =	ssyncadd.s32 $0xFFFFF000  }
0x66: {  	[spmem:s26] =	stream.linear.scatter [tilespmem:s8], [sflag:$0x9], $0x1000, $0x38;
	[tilespmem:$0x1D000] =	vst v63  }
0x67: {  	_ =	swait.ge [sflag:s9], $0x1000  }
0x68: {  	[sflag:s9] =	ssyncset.done $0x0  }
0x69: {  	s26 =	rddreg [dreg:$0x1a];
	[sflag:s9] =	ssyncadd.s32 $0xFFFFF000  }
0x6a: {  	[spmem:s26] =	stream.linear.scatter [tilespmem:s8], [sflag:$0x9], $0x1000, $0x38;
	[tilespmem:$0x1D000] =	vst v63  }
0x6b: {  	_ =	swait.ge [sflag:s9], $0x1000  }
0x6c: {  	[sflag:s9] =	ssyncset.done $0x0  }
0x6d: {  	s26 =	rddreg [dreg:$0x1b];
	[sflag:s9] =	ssyncadd.s32 $0xFFFFF000  }
0x6e: {  	[spmem:s26] =	stream.linear.scatter [tilespmem:s8], [sflag:$0x9], $0x1000, $0x38;
	[tilespmem:$0x1D000] =	vst v63  }
0x6f: {  	_ =	swait.ge [sflag:s9], $0x1000  }
0x70: {  	[sflag:s9] =	ssyncset.done $0x0  }
0x71: {  	s26 =	rddreg [dreg:$0x1c];
	[sflag:s9] =	ssyncadd.s32 $0xFFFFF000  }
0x72: {  	[spmem:s26] =	stream.linear.scatter [tilespmem:s8], [sflag:$0x9], $0x1000, $0x38;
	[tilespmem:$0x1D000] =	vst v63  }
0x73: {  	_ =	swait.ge [sflag:s9], $0x1000  }
0x74: {  	[sflag:s9] =	ssyncset.done $0x0  }
0x75: {  	s26 =	rddreg [dreg:$0x1d];
	[sflag:s9] =	ssyncadd.s32 $0xFFFFF000  }
0x76: {  	[spmem:s26] =	stream.linear.scatter [tilespmem:s8], [sflag:$0x9], $0x1000, $0x38;
	[tilespmem:$0x1D000] =	vst v63  }
0x77: {  	_ =	swait.ge [sflag:s9], $0x1000  }
0x78: {  	[sflag:s9] =	ssyncset.done $0x0  }
0x79: {  	s26 =	rddreg [dreg:$0x1e];
	[sflag:s9] =	ssyncadd.s32 $0xFFFFF000  }
0x7a: {  	[spmem:s26] =	stream.linear.scatter [tilespmem:s8], [sflag:$0x9], $0x1000, $0x38;
	[tilespmem:$0x1D000] =	vst v63  }
0x7b: {  	_ =	swait.ge [sflag:s9], $0x1000  }
0x7c: {  	[sflag:s9] =	ssyncset.done $0x0  }
0x7d: {  	s26 =	rddreg [dreg:$0x1f];
	[sflag:s9] =	ssyncadd.s32 $0xFFFFF000  }
0x7e: {  	[spmem:s26] =	stream.linear.scatter [tilespmem:s8], [sflag:$0x9], $0x1000, $0x38;
	[tilespmem:$0x1D000] =	vst v63  }
0x7f: {  	_ =	swait.ge [sflag:s9], $0x1000  }
0x80: {  	[sflag:s9] =	ssyncset.done $0x0  }
0x81: {  	[sflag:s9] =	ssyncadd.s32 $0xFFFFF000  }
0x82: {  	[bflag:$0x0] =	sbarrier.arrive $0xFFFF  }
0x83: {  	s3 =	simm.s32 $0x0;
	s26 =	rddreg [dreg:$0x4]  }
0x84: {  	[tilespmem:s10], [sflag:$0x9] =	stream.linear.gather [hbm4b:s26+s3], $0x2800, $0x38;
	[tilespmem:$0x1D000] =	vst v63  }
0x85: {  	_ =	swait.ge [sflag:s9], $0x2800  }
0x86: {  	[sflag:s9] =	ssyncset.done $0x0  }
0x87: {  	s26 =	rddreg [dreg:$0x5];
	[sflag:s9] =	ssyncadd.s32 $0xFFFFD800  }
0x88: {  	[tilespmem:s11], [sflag:$0x9] =	stream.linear.gather [hbm4b:s26+s3], $0x2800, $0x38;
	[tilespmem:$0x1D000] =	vst v63  }
0x89: {  	_ =	swait.ge [sflag:s9], $0x2800  }
0x8a: {  	[sflag:s9] =	ssyncset.done $0x0  }
0x8b: {  	[sflag:s9] =	ssyncadd.s32 $0xFFFFD800  }
0x8c: {  	[tilespmem:s8], [sflag:$0x1] =	stream.indirect.gather [hbm4b:s1+s12], $0x80, s10, s12, $0xb8;
	[tilespmem:$0x1D000] =	vst v63  }
0x8d: {  	s31 =	simm.s32 $0x18080  }
0x8e: {  	[tilespmem:s14], [sflag:$0x2] =	stream.indirect.gather [hbm4b:s1+s12], $0x80, s31, s12, $0xb8;
	[tilespmem:$0x1D000] =	vst v63  }
0x8f: {  	s26 =	simm.s32 $0x18100  }
0x90: {  	[tilespmem:s16], [sflag:$0x3] =	stream.indirect.gather [hbm4b:s1+s12], $0x80, s26, s12, $0xb8;
	[tilespmem:$0x1D000] =	vst v63  }
0x91: {  	s26 =	simm.s32 $0x18180  }
0x92: {  	[tilespmem:s18], [sflag:$0x4] =	stream.indirect.gather [hbm4b:s1+s12], $0x80, s26, s12, $0xb8;
	[tilespmem:$0x1D000] =	vst v63  }
0x93: {  	_ =	swait.ge [sflag:s19], $0x1000  }
0x94: {  	[sflag:s19] =	ssyncset.done $0x0  }
0x95: {  	[sflag:s19] =	ssyncadd.s32 $0xFFFFF000  }
0x96: {  	[spmem:s2] =	stream.indirect.scatter.add.f32 [tilespmem:s8], [sflag:$0x5], $0x80, s11, s12, $0xb8;
	[tilespmem:$0x1D000] =	vst v63  }
0x97: {  	_ =	swait.ge [sflag:s20], $0x1000  }
0x98: {  	[sflag:s20] =	ssyncset.done $0x0  }
0x99: {  	s26 =	simm.s32 $0x18200;
	[sflag:s20] =	ssyncadd.s32 $0xFFFFF000  }
0x9a: {  	[tilespmem:s8], [sflag:$0x1] =	stream.indirect.gather [hbm4b:s1+s12], $0x80, s26, s12, $0xb8;
	[tilespmem:$0x1D000] =	vst v63  }
0x9b: {  	_ =	swait.ge [sflag:s22], $0x1000  }
0x9c: {  	[sflag:s22] =	ssyncset.done $0x0  }
0x9d: {  	s26 =	simm.s32 $0x1A880;
	[sflag:s22] =	ssyncadd.s32 $0xFFFFF000  }
0x9e: {  	[spmem:s2] =	stream.indirect.scatter.add.f32 [tilespmem:s14], [sflag:$0x6], $0x80, s26, s12, $0xb8;
	[tilespmem:$0x1D000] =	vst v63  }
0x9f: {  	_ =	swait.ge [sflag:s24], $0x1000  }
0xa0: {  	[sflag:s24] =	ssyncset.done $0x0  }
0xa1: {  	s26 =	simm.s32 $0x18280;
	[sflag:s24] =	ssyncadd.s32 $0xFFFFF000  }
0xa2: {  	[tilespmem:s14], [sflag:$0x2] =	stream.indirect.gather [hbm4b:s1+s12], $0x80, s26, s12, $0xb8;
	[tilespmem:$0x1D000] =	vst v63  }
0xa3: {  	_ =	swait.ge [sflag:s28], $0x1000  }
0xa4: {  	[sflag:s28] =	ssyncset.done $0x0  }
0xa5: {  	s26 =	simm.s32 $0x1A900;
	[sflag:s28] =	ssyncadd.s32 $0xFFFFF000  }
0xa6: {  	[spmem:s2] =	stream.indirect.scatter.add.f32 [tilespmem:s16], [sflag:$0x7], $0x80, s26, s12, $0xb8;
	[tilespmem:$0x1D000] =	vst v63  }
0xa7: {  	_ =	swait.ge [sflag:s30], $0x1000  }
0xa8: {  	[sflag:s30] =	ssyncset.done $0x0  }
0xa9: {  	s26 =	simm.s32 $0x18300;
	[sflag:s30] =	ssyncadd.s32 $0xFFFFF000  }
0xaa: {  	[tilespmem:s16], [sflag:$0x3] =	stream.indirect.gather [hbm4b:s1+s12], $0x80, s26, s12, $0xb8;
	[tilespmem:$0x1D000] =	vst v63  }
0xab: {  	_ =	swait.ge [sflag:s0], $0x1000  }
0xac: {  	[sflag:s0] =	ssyncset.done $0x0  }
0xad: {  	s26 =	simm.s32 $0x1A980;
	[sflag:s0] =	ssyncadd.s32 $0xFFFFF000  }
0xae: {  	[spmem:s2] =	stream.indirect.scatter.add.f32 [tilespmem:s18], [sflag:$0x8], $0x80, s26, s12, $0xb8;
	[tilespmem:$0x1D000] =	vst v63  }
0xaf: {  	_ =	swait.ge [sflag:s6], $0x1000  }
0xb0: {  	[sflag:s6] =	ssyncset.done $0x0  }
0xb1: {  	s26 =	simm.s32 $0x18380;
	[sflag:s6] =	ssyncadd.s32 $0xFFFFF000  }
0xb2: {  	[tilespmem:s18], [sflag:$0x4] =	stream.indirect.gather [hbm4b:s1+s12], $0x80, s26, s12, $0xb8;
	[tilespmem:$0x1D000] =	vst v63  }
0xb3: {  	_ =	swait.ge [sflag:s19], $0x1000  }
0xb4: {  	[sflag:s19] =	ssyncset.done $0x0  }
0xb5: {  	s26 =	simm.s32 $0x1AA00;
	[sflag:s19] =	ssyncadd.s32 $0xFFFFF000  }
0xb6: {  	[spmem:s2] =	stream.indirect.scatter.add.f32 [tilespmem:s8], [sflag:$0x5], $0x80, s26, s12, $0xb8;
	[tilespmem:$0x1D000] =	vst v63  }
0xb7: {  	_ =	swait.ge [sflag:s20], $0x1000  }
0xb8: {  	[sflag:s20] =	ssyncset.done $0x0  }
0xb9: {  	s26 =	simm.s32 $0x18400;
	[sflag:s20] =	ssyncadd.s32 $0xFFFFF000  }
0xba: {  	[tilespmem:s8], [sflag:$0x1] =	stream.indirect.gather [hbm4b:s1+s12], $0x80, s26, s12, $0xb8;
	[tilespmem:$0x1D000] =	vst v63  }
0xbb: {  	_ =	swait.ge [sflag:s22], $0x1000  }
0xbc: {  	[sflag:s22] =	ssyncset.done $0x0  }
0xbd: {  	s26 =	simm.s32 $0x1AA80;
	[sflag:s22] =	ssyncadd.s32 $0xFFFFF000  }
0xbe: {  	[spmem:s2] =	stream.indirect.scatter.add.f32 [tilespmem:s14], [sflag:$0x6], $0x80, s26, s12, $0xb8;
	[tilespmem:$0x1D000] =	vst v63  }
0xbf: {  	_ =	swait.ge [sflag:s24], $0x1000  }
0xc0: {  	[sflag:s24] =	ssyncset.done $0x0  }
0xc1: {  	s26 =	simm.s32 $0x18480;
	[sflag:s24] =	ssyncadd.s32 $0xFFFFF000  }
0xc2: {  	[tilespmem:s14], [sflag:$0x2] =	stream.indirect.gather [hbm4b:s1+s12], $0x80, s26, s12, $0xb8;
	[tilespmem:$0x1D000] =	vst v63  }
0xc3: {  	_ =	swait.ge [sflag:s28], $0x1000  }
0xc4: {  	[sflag:s28] =	ssyncset.done $0x0  }
0xc5: {  	s26 =	simm.s32 $0x1AB00;
	[sflag:s28] =	ssyncadd.s32 $0xFFFFF000  }
0xc6: {  	[spmem:s2] =	stream.indirect.scatter.add.f32 [tilespmem:s16], [sflag:$0x7], $0x80, s26, s12, $0xb8;
	[tilespmem:$0x1D000] =	vst v63  }
0xc7: {  	_ =	swait.ge [sflag:s30], $0x1000  }
0xc8: {  	[sflag:s30] =	ssyncset.done $0x0  }
0xc9: {  	s26 =	simm.s32 $0x18500;
	[sflag:s30] =	ssyncadd.s32 $0xFFFFF000  }
0xca: {  	[tilespmem:s16], [sflag:$0x3] =	stream.indirect.gather [hbm4b:s1+s12], $0x80, s26, s12, $0xb8;
	[tilespmem:$0x1D000] =	vst v63  }
0xcb: {  	_ =	swait.ge [sflag:s0], $0x1000  }
0xcc: {  	[sflag:s0] =	ssyncset.done $0x0  }
0xcd: {  	s29 =	simm.s32 $0x1AB80;
	s26 =	simm.s32 $0x800;
	[sflag:s0] =	ssyncadd.s32 $0xFFFFF000  }
.LBB2_4:
0xce: {  	[spmem:s2] =	stream.indirect.scatter.add.f32 [tilespmem:s18], [sflag:$0x8], $0x80, s29, s12, $0xb8;
	[tilespmem:$0x1D000] =	vst v63  }
0xcf: {  	s3 =	smov.u32 s26  }
0xd0: {  	p0 =	sne.s32 s26, $0x8800;
	s26 =	sadd.s32 $0x800, s26;
	_ =	swait.ge [sflag:s6], $0x1000  }
0xd1: {  	s29 =	sshra.s32 s3, $0x2;
	[sflag:s6] =	ssyncset.done $0x0  }
0xd2: {  	s3 =	sadd.s32 $0x18380, s29;
	[sflag:s6] =	ssyncadd.s32 $0xFFFFF000  }
0xd3: {  	[tilespmem:s18], [sflag:$0x4] =	stream.indirect.gather [hbm4b:s1+s12], $0x80, s3, s12, $0xb8;
	[tilespmem:$0x1D000] =	vst v63  }
0xd4: {  	_ =	swait.ge [sflag:s19], $0x1000  }
0xd5: {  	[sflag:s19] =	ssyncset.done $0x0  }
0xd6: {  	s3 =	sadd.s32 $0x1AA00, s29;
	[sflag:s19] =	ssyncadd.s32 $0xFFFFF000  }
0xd7: {  	[spmem:s2] =	stream.indirect.scatter.add.f32 [tilespmem:s8], [sflag:$0x5], $0x80, s3, s12, $0xb8;
	[tilespmem:$0x1D000] =	vst v63  }
0xd8: {  	_ =	swait.ge [sflag:s20], $0x1000  }
0xd9: {  	[sflag:s20] =	ssyncset.done $0x0  }
0xda: {  	s3 =	sadd.s32 $0x18400, s29;
	[sflag:s20] =	ssyncadd.s32 $0xFFFFF000  }
0xdb: {  	[tilespmem:s8], [sflag:$0x1] =	stream.indirect.gather [hbm4b:s1+s12], $0x80, s3, s12, $0xb8;
	[tilespmem:$0x1D000] =	vst v63  }
0xdc: {  	_ =	swait.ge [sflag:s22], $0x1000  }
0xdd: {  	[sflag:s22] =	ssyncset.done $0x0  }
0xde: {  	s3 =	sadd.s32 $0x1AA80, s29;
	[sflag:s22] =	ssyncadd.s32 $0xFFFFF000  }
0xdf: {  	[spmem:s2] =	stream.indirect.scatter.add.f32 [tilespmem:s14], [sflag:$0x6], $0x80, s3, s12, $0xb8;
	[tilespmem:$0x1D000] =	vst v63  }
0xe0: {  	_ =	swait.ge [sflag:s24], $0x1000  }
0xe1: {  	[sflag:s24] =	ssyncset.done $0x0  }
0xe2: {  	s3 =	sadd.s32 $0x18480, s29;
	[sflag:s24] =	ssyncadd.s32 $0xFFFFF000  }
0xe3: {  	[tilespmem:s14], [sflag:$0x2] =	stream.indirect.gather [hbm4b:s1+s12], $0x80, s3, s12, $0xb8;
	[tilespmem:$0x1D000] =	vst v63  }
0xe4: {  	_ =	swait.ge [sflag:s28], $0x1000  }
0xe5: {  	[sflag:s28] =	ssyncset.done $0x0  }
0xe6: {  	s3 =	sadd.s32 $0x1AB00, s29;
	[sflag:s28] =	ssyncadd.s32 $0xFFFFF000  }
0xe7: {  	[spmem:s2] =	stream.indirect.scatter.add.f32 [tilespmem:s16], [sflag:$0x7], $0x80, s3, s12, $0xb8;
	[tilespmem:$0x1D000] =	vst v63  }
0xe8: {  	_ =	swait.ge [sflag:s30], $0x1000  }
0xe9: {  	[sflag:s30] =	ssyncset.done $0x0  }
.Ltmp1:
0xea: {  	s3 =	sadd.s32 $0x18500, s29;
	[sflag:s30] =	ssyncadd.s32 $0xFFFFF000;
	(pc) =	sbr.rel @p0 .LBB2_4-.Ltmp1, $4  }
0xeb: {  	[tilespmem:s16], [sflag:$0x3] =	stream.indirect.gather [hbm4b:s1+s12], $0x80, s3, s12, $0xb8;
	[tilespmem:$0x1D000] =	vst v63  }
0xec: {  	_ =	swait.ge [sflag:s0], $0x1000  }
0xed: {  	[sflag:s0] =	ssyncset.done $0x0  }
0xee: {  	s29 =	sadd.s32 $0x1AB80, s29;
	[sflag:s0] =	ssyncadd.s32 $0xFFFFF000  }
0xef: {  	[spmem:s2] =	stream.indirect.scatter.add.f32 [tilespmem:s18], [sflag:$0x8], $0x80, s29, s12, $0xb8;
	[tilespmem:$0x1D000] =	vst v63  }
0xf0: {  	_ =	swait.ge [sflag:s6], $0x1000  }
0xf1: {  	[sflag:s6] =	ssyncset.done $0x0  }
0xf2: {  	[sflag:s6] =	ssyncadd.s32 $0xFFFFF000  }
0xf3: {  	[tilespmem:s18], [sflag:$0x4] =	stream.indirect.gather [hbm4b:s1+s12], $0x80, s7, s12, $0xb8;
	[tilespmem:$0x1D000] =	vst v63  }
0xf4: {  	_ =	swait.ge [sflag:s19], $0x1000  }
0xf5: {  	[sflag:s19] =	ssyncset.done $0x0  }
0xf6: {  	[sflag:s19] =	ssyncadd.s32 $0xFFFFF000  }
0xf7: {  	[spmem:s2] =	stream.indirect.scatter.add.f32 [tilespmem:s8], [sflag:$0x5], $0x80, s13, s12, $0xb8;
	[tilespmem:$0x1D000] =	vst v63  }
0xf8: {  	_ =	swait.ge [sflag:s20], $0x1000  }
0xf9: {  	[sflag:s20] =	ssyncset.done $0x0  }
0xfa: {  	[sflag:s20] =	ssyncadd.s32 $0xFFFFF000  }
0xfb: {  	_ =	swait.ge [sflag:s22], $0x1000  }
0xfc: {  	[sflag:s22] =	ssyncset.done $0x0  }
0xfd: {  	[sflag:s22] =	ssyncadd.s32 $0xFFFFF000  }
0xfe: {  	[spmem:s2] =	stream.indirect.scatter.add.f32 [tilespmem:s14], [sflag:$0x6], $0x80, s15, s12, $0xb8;
	[tilespmem:$0x1D000] =	vst v63  }
0xff: {  	_ =	swait.ge [sflag:s24], $0x1000  }
0x100: {  	[sflag:s24] =	ssyncset.done $0x0  }
0x101: {  	[sflag:s24] =	ssyncadd.s32 $0xFFFFF000  }
0x102: {  	_ =	swait.ge [sflag:s28], $0x1000  }
0x103: {  	[sflag:s28] =	ssyncset.done $0x0  }
0x104: {  	[sflag:s28] =	ssyncadd.s32 $0xFFFFF000  }
0x105: {  	[spmem:s2] =	stream.indirect.scatter.add.f32 [tilespmem:s16], [sflag:$0x7], $0x80, s17, s12, $0xb8;
	[tilespmem:$0x1D000] =	vst v63  }
0x106: {  	_ =	swait.ge [sflag:s30], $0x1000  }
0x107: {  	[sflag:s30] =	ssyncset.done $0x0  }
0x108: {  	[sflag:s30] =	ssyncadd.s32 $0xFFFFF000  }
0x109: {  	_ =	swait.ge [sflag:s0], $0x1000  }
0x10a: {  	[sflag:s0] =	ssyncset.done $0x0  }
0x10b: {  	[sflag:s0] =	ssyncadd.s32 $0xFFFFF000  }
0x10c: {  	[spmem:s2] =	stream.indirect.scatter.add.f32 [tilespmem:s18], [sflag:$0x8], $0x80, s21, s12, $0xb8;
	[tilespmem:$0x1D000] =	vst v63  }
0x10d: {  	_ =	swait.ge [sflag:s6], $0x1000  }
0x10e: {  	[sflag:s6] =	ssyncset.done $0x0  }
0x10f: {  	s3 =	simm.s32 $0x0;
	s26 =	rddreg [dreg:$0x6];
	[sflag:s6] =	ssyncadd.s32 $0xFFFFF000  }
0x110: {  	[tilespmem:s10], [sflag:$0x9] =	stream.linear.gather [hbm4b:s26+s3], $0x2800, $0x38;
	[tilespmem:$0x1D000] =	vst v63  }
0x111: {  	_ =	swait.ge [sflag:s9], $0x2800  }
0x112: {  	[sflag:s9] =	ssyncset.done $0x0  }
0x113: {  	s26 =	rddreg [dreg:$0x7];
	[sflag:s9] =	ssyncadd.s32 $0xFFFFD800  }
0x114: {  	[tilespmem:s11], [sflag:$0x9] =	stream.linear.gather [hbm4b:s26+s3], $0x2800, $0x38;
	[tilespmem:$0x1D000] =	vst v63  }
0x115: {  	_ =	swait.ge [sflag:s9], $0x2800  }
0x116: {  	[sflag:s9] =	ssyncset.done $0x0  }
0x117: {  	[sflag:s9] =	ssyncadd.s32 $0xFFFFD800  }
0x118: {  	[tilespmem:s8], [sflag:$0x1] =	stream.indirect.gather [hbm4b:s1+s12], $0x80, s10, s12, $0xb8;
	[tilespmem:$0x1D000] =	vst v63  }
0x119: {  	_ = 	snop  }
0x11a: {  	[tilespmem:s14], [sflag:$0x2] =	stream.indirect.gather [hbm4b:s1+s12], $0x80, s31, s12, $0xb8;
	[tilespmem:$0x1D000] =	vst v63  }
0x11b: {  	s26 =	simm.s32 $0x18100  }
0x11c: {  	[tilespmem:s16], [sflag:$0x3] =	stream.indirect.gather [hbm4b:s1+s12], $0x80, s26, s12, $0xb8;
	[tilespmem:$0x1D000] =	vst v63  }
0x11d: {  	s26 =	simm.s32 $0x18180  }
0x11e: {  	[tilespmem:s18], [sflag:$0x4] =	stream.indirect.gather [hbm4b:s1+s12], $0x80, s26, s12, $0xb8;
	[tilespmem:$0x1D000] =	vst v63  }
0x11f: {  	_ =	swait.ge [sflag:s19], $0x1000  }
0x120: {  	[sflag:s19] =	ssyncset.done $0x0  }
0x121: {  	[sflag:s19] =	ssyncadd.s32 $0xFFFFF000  }
0x122: {  	[spmem:s2] =	stream.indirect.scatter.add.f32 [tilespmem:s8], [sflag:$0x5], $0x80, s11, s12, $0xb8;
	[tilespmem:$0x1D000] =	vst v63  }
0x123: {  	_ =	swait.ge [sflag:s20], $0x1000  }
0x124: {  	[sflag:s20] =	ssyncset.done $0x0  }
0x125: {  	s26 =	simm.s32 $0x18200;
	[sflag:s20] =	ssyncadd.s32 $0xFFFFF000  }
0x126: {  	[tilespmem:s8], [sflag:$0x1] =	stream.indirect.gather [hbm4b:s1+s12], $0x80, s26, s12, $0xb8;
	[tilespmem:$0x1D000] =	vst v63  }
0x127: {  	_ =	swait.ge [sflag:s22], $0x1000  }
0x128: {  	[sflag:s22] =	ssyncset.done $0x0  }
0x129: {  	s26 =	simm.s32 $0x1A880;
	[sflag:s22] =	ssyncadd.s32 $0xFFFFF000  }
0x12a: {  	[spmem:s2] =	stream.indirect.scatter.add.f32 [tilespmem:s14], [sflag:$0x6], $0x80, s26, s12, $0xb8;
	[tilespmem:$0x1D000] =	vst v63  }
0x12b: {  	_ =	swait.ge [sflag:s24], $0x1000  }
0x12c: {  	[sflag:s24] =	ssyncset.done $0x0  }
0x12d: {  	s26 =	simm.s32 $0x18280;
	[sflag:s24] =	ssyncadd.s32 $0xFFFFF000  }
0x12e: {  	[tilespmem:s14], [sflag:$0x2] =	stream.indirect.gather [hbm4b:s1+s12], $0x80, s26, s12, $0xb8;
	[tilespmem:$0x1D000] =	vst v63  }
0x12f: {  	_ =	swait.ge [sflag:s28], $0x1000  }
0x130: {  	[sflag:s28] =	ssyncset.done $0x0  }
0x131: {  	s26 =	simm.s32 $0x1A900;
	[sflag:s28] =	ssyncadd.s32 $0xFFFFF000  }
0x132: {  	[spmem:s2] =	stream.indirect.scatter.add.f32 [tilespmem:s16], [sflag:$0x7], $0x80, s26, s12, $0xb8;
	[tilespmem:$0x1D000] =	vst v63  }
0x133: {  	_ =	swait.ge [sflag:s30], $0x1000  }
0x134: {  	[sflag:s30] =	ssyncset.done $0x0  }
0x135: {  	s26 =	simm.s32 $0x18300;
	[sflag:s30] =	ssyncadd.s32 $0xFFFFF000  }
0x136: {  	[tilespmem:s16], [sflag:$0x3] =	stream.indirect.gather [hbm4b:s1+s12], $0x80, s26, s12, $0xb8;
	[tilespmem:$0x1D000] =	vst v63  }
0x137: {  	_ =	swait.ge [sflag:s0], $0x1000  }
0x138: {  	[sflag:s0] =	ssyncset.done $0x0  }
0x139: {  	s26 =	simm.s32 $0x1A980;
	[sflag:s0] =	ssyncadd.s32 $0xFFFFF000  }
0x13a: {  	[spmem:s2] =	stream.indirect.scatter.add.f32 [tilespmem:s18], [sflag:$0x8], $0x80, s26, s12, $0xb8;
	[tilespmem:$0x1D000] =	vst v63  }
0x13b: {  	_ =	swait.ge [sflag:s6], $0x1000  }
0x13c: {  	[sflag:s6] =	ssyncset.done $0x0  }
0x13d: {  	s26 =	simm.s32 $0x18380;
	[sflag:s6] =	ssyncadd.s32 $0xFFFFF000  }
0x13e: {  	[tilespmem:s18], [sflag:$0x4] =	stream.indirect.gather [hbm4b:s1+s12], $0x80, s26, s12, $0xb8;
	[tilespmem:$0x1D000] =	vst v63  }
0x13f: {  	_ =	swait.ge [sflag:s19], $0x1000  }
0x140: {  	[sflag:s19] =	ssyncset.done $0x0  }
0x141: {  	s26 =	simm.s32 $0x1AA00;
	[sflag:s19] =	ssyncadd.s32 $0xFFFFF000  }
0x142: {  	[spmem:s2] =	stream.indirect.scatter.add.f32 [tilespmem:s8], [sflag:$0x5], $0x80, s26, s12, $0xb8;
	[tilespmem:$0x1D000] =	vst v63  }
0x143: {  	_ =	swait.ge [sflag:s20], $0x1000  }
0x144: {  	[sflag:s20] =	ssyncset.done $0x0  }
0x145: {  	s26 =	simm.s32 $0x18400;
	[sflag:s20] =	ssyncadd.s32 $0xFFFFF000  }
0x146: {  	[tilespmem:s8], [sflag:$0x1] =	stream.indirect.gather [hbm4b:s1+s12], $0x80, s26, s12, $0xb8;
	[tilespmem:$0x1D000] =	vst v63  }
0x147: {  	_ =	swait.ge [sflag:s22], $0x1000  }
0x148: {  	[sflag:s22] =	ssyncset.done $0x0  }
0x149: {  	s26 =	simm.s32 $0x1AA80;
	[sflag:s22] =	ssyncadd.s32 $0xFFFFF000  }
0x14a: {  	[spmem:s2] =	stream.indirect.scatter.add.f32 [tilespmem:s14], [sflag:$0x6], $0x80, s26, s12, $0xb8;
	[tilespmem:$0x1D000] =	vst v63  }
0x14b: {  	_ =	swait.ge [sflag:s24], $0x1000  }
0x14c: {  	[sflag:s24] =	ssyncset.done $0x0  }
0x14d: {  	s26 =	simm.s32 $0x18480;
	[sflag:s24] =	ssyncadd.s32 $0xFFFFF000  }
0x14e: {  	[tilespmem:s14], [sflag:$0x2] =	stream.indirect.gather [hbm4b:s1+s12], $0x80, s26, s12, $0xb8;
	[tilespmem:$0x1D000] =	vst v63  }
0x14f: {  	_ =	swait.ge [sflag:s28], $0x1000  }
0x150: {  	[sflag:s28] =	ssyncset.done $0x0  }
0x151: {  	s26 =	simm.s32 $0x1AB00;
	[sflag:s28] =	ssyncadd.s32 $0xFFFFF000  }
0x152: {  	[spmem:s2] =	stream.indirect.scatter.add.f32 [tilespmem:s16], [sflag:$0x7], $0x80, s26, s12, $0xb8;
	[tilespmem:$0x1D000] =	vst v63  }
0x153: {  	_ =	swait.ge [sflag:s30], $0x1000  }
0x154: {  	[sflag:s30] =	ssyncset.done $0x0  }
0x155: {  	s26 =	simm.s32 $0x18500;
	[sflag:s30] =	ssyncadd.s32 $0xFFFFF000  }
0x156: {  	[tilespmem:s16], [sflag:$0x3] =	stream.indirect.gather [hbm4b:s1+s12], $0x80, s26, s12, $0xb8;
	[tilespmem:$0x1D000] =	vst v63  }
0x157: {  	_ =	swait.ge [sflag:s0], $0x1000  }
0x158: {  	[sflag:s0] =	ssyncset.done $0x0  }
0x159: {  	s29 =	simm.s32 $0x1AB80;
	s26 =	simm.s32 $0x800;
	[sflag:s0] =	ssyncadd.s32 $0xFFFFF000  }
.LBB2_6:
0x15a: {  	[spmem:s2] =	stream.indirect.scatter.add.f32 [tilespmem:s18], [sflag:$0x8], $0x80, s29, s12, $0xb8;
	[tilespmem:$0x1D000] =	vst v63  }
0x15b: {  	s3 =	smov.u32 s26  }
0x15c: {  	p0 =	sne.s32 s26, $0x8800;
	s26 =	sadd.s32 $0x800, s26;
	_ =	swait.ge [sflag:s6], $0x1000  }
0x15d: {  	s29 =	sshra.s32 s3, $0x2;
	[sflag:s6] =	ssyncset.done $0x0  }
0x15e: {  	s3 =	sadd.s32 $0x18380, s29;
	[sflag:s6] =	ssyncadd.s32 $0xFFFFF000  }
0x15f: {  	[tilespmem:s18], [sflag:$0x4] =	stream.indirect.gather [hbm4b:s1+s12], $0x80, s3, s12, $0xb8;
	[tilespmem:$0x1D000] =	vst v63  }
0x160: {  	_ =	swait.ge [sflag:s19], $0x1000  }
0x161: {  	[sflag:s19] =	ssyncset.done $0x0  }
0x162: {  	s3 =	sadd.s32 $0x1AA00, s29;
	[sflag:s19] =	ssyncadd.s32 $0xFFFFF000  }
0x163: {  	[spmem:s2] =	stream.indirect.scatter.add.f32 [tilespmem:s8], [sflag:$0x5], $0x80, s3, s12, $0xb8;
	[tilespmem:$0x1D000] =	vst v63  }
0x164: {  	_ =	swait.ge [sflag:s20], $0x1000  }
0x165: {  	[sflag:s20] =	ssyncset.done $0x0  }
0x166: {  	s3 =	sadd.s32 $0x18400, s29;
	[sflag:s20] =	ssyncadd.s32 $0xFFFFF000  }
0x167: {  	[tilespmem:s8], [sflag:$0x1] =	stream.indirect.gather [hbm4b:s1+s12], $0x80, s3, s12, $0xb8;
	[tilespmem:$0x1D000] =	vst v63  }
0x168: {  	_ =	swait.ge [sflag:s22], $0x1000  }
0x169: {  	[sflag:s22] =	ssyncset.done $0x0  }
0x16a: {  	s3 =	sadd.s32 $0x1AA80, s29;
	[sflag:s22] =	ssyncadd.s32 $0xFFFFF000  }
0x16b: {  	[spmem:s2] =	stream.indirect.scatter.add.f32 [tilespmem:s14], [sflag:$0x6], $0x80, s3, s12, $0xb8;
	[tilespmem:$0x1D000] =	vst v63  }
0x16c: {  	_ =	swait.ge [sflag:s24], $0x1000  }
0x16d: {  	[sflag:s24] =	ssyncset.done $0x0  }
0x16e: {  	s3 =	sadd.s32 $0x18480, s29;
	[sflag:s24] =	ssyncadd.s32 $0xFFFFF000  }
0x16f: {  	[tilespmem:s14], [sflag:$0x2] =	stream.indirect.gather [hbm4b:s1+s12], $0x80, s3, s12, $0xb8;
	[tilespmem:$0x1D000] =	vst v63  }
0x170: {  	_ =	swait.ge [sflag:s28], $0x1000  }
0x171: {  	[sflag:s28] =	ssyncset.done $0x0  }
0x172: {  	s3 =	sadd.s32 $0x1AB00, s29;
	[sflag:s28] =	ssyncadd.s32 $0xFFFFF000  }
0x173: {  	[spmem:s2] =	stream.indirect.scatter.add.f32 [tilespmem:s16], [sflag:$0x7], $0x80, s3, s12, $0xb8;
	[tilespmem:$0x1D000] =	vst v63  }
0x174: {  	_ =	swait.ge [sflag:s30], $0x1000  }
0x175: {  	[sflag:s30] =	ssyncset.done $0x0  }
.Ltmp2:
0x176: {  	s3 =	sadd.s32 $0x18500, s29;
	[sflag:s30] =	ssyncadd.s32 $0xFFFFF000;
	(pc) =	sbr.rel @p0 .LBB2_6-.Ltmp2, $4  }
0x177: {  	[tilespmem:s16], [sflag:$0x3] =	stream.indirect.gather [hbm4b:s1+s12], $0x80, s3, s12, $0xb8;
	[tilespmem:$0x1D000] =	vst v63  }
0x178: {  	_ =	swait.ge [sflag:s0], $0x1000  }
0x179: {  	[sflag:s0] =	ssyncset.done $0x0  }
0x17a: {  	s29 =	sadd.s32 $0x1AB80, s29;
	[sflag:s0] =	ssyncadd.s32 $0xFFFFF000  }
0x17b: {  	[spmem:s2] =	stream.indirect.scatter.add.f32 [tilespmem:s18], [sflag:$0x8], $0x80, s29, s12, $0xb8;
	[tilespmem:$0x1D000] =	vst v63  }
0x17c: {  	_ =	swait.ge [sflag:s6], $0x1000  }
0x17d: {  	[sflag:s6] =	ssyncset.done $0x0  }
0x17e: {  	[sflag:s6] =	ssyncadd.s32 $0xFFFFF000  }
0x17f: {  	[tilespmem:s18], [sflag:$0x4] =	stream.indirect.gather [hbm4b:s1+s12], $0x80, s7, s12, $0xb8;
	[tilespmem:$0x1D000] =	vst v63  }
0x180: {  	_ =	swait.ge [sflag:s19], $0x1000  }
0x181: {  	[sflag:s19] =	ssyncset.done $0x0  }
0x182: {  	[sflag:s19] =	ssyncadd.s32 $0xFFFFF000  }
0x183: {  	[spmem:s2] =	stream.indirect.scatter.add.f32 [tilespmem:s8], [sflag:$0x5], $0x80, s13, s12, $0xb8;
	[tilespmem:$0x1D000] =	vst v63  }
0x184: {  	_ =	swait.ge [sflag:s20], $0x1000  }
0x185: {  	[sflag:s20] =	ssyncset.done $0x0  }
0x186: {  	[sflag:s20] =	ssyncadd.s32 $0xFFFFF000  }
0x187: {  	_ =	swait.ge [sflag:s22], $0x1000  }
0x188: {  	[sflag:s22] =	ssyncset.done $0x0  }
0x189: {  	[sflag:s22] =	ssyncadd.s32 $0xFFFFF000  }
0x18a: {  	[spmem:s2] =	stream.indirect.scatter.add.f32 [tilespmem:s14], [sflag:$0x6], $0x80, s15, s12, $0xb8;
	[tilespmem:$0x1D000] =	vst v63  }
0x18b: {  	_ =	swait.ge [sflag:s24], $0x1000  }
0x18c: {  	[sflag:s24] =	ssyncset.done $0x0  }
0x18d: {  	[sflag:s24] =	ssyncadd.s32 $0xFFFFF000  }
0x18e: {  	_ =	swait.ge [sflag:s28], $0x1000  }
0x18f: {  	[sflag:s28] =	ssyncset.done $0x0  }
0x190: {  	[sflag:s28] =	ssyncadd.s32 $0xFFFFF000  }
0x191: {  	[spmem:s2] =	stream.indirect.scatter.add.f32 [tilespmem:s16], [sflag:$0x7], $0x80, s17, s12, $0xb8;
	[tilespmem:$0x1D000] =	vst v63  }
0x192: {  	_ =	swait.ge [sflag:s30], $0x1000  }
0x193: {  	[sflag:s30] =	ssyncset.done $0x0  }
0x194: {  	[sflag:s30] =	ssyncadd.s32 $0xFFFFF000  }
0x195: {  	_ =	swait.ge [sflag:s0], $0x1000  }
0x196: {  	[sflag:s0] =	ssyncset.done $0x0  }
0x197: {  	[sflag:s0] =	ssyncadd.s32 $0xFFFFF000  }
0x198: {  	[spmem:s2] =	stream.indirect.scatter.add.f32 [tilespmem:s18], [sflag:$0x8], $0x80, s21, s12, $0xb8;
	[tilespmem:$0x1D000] =	vst v63  }
0x199: {  	_ =	swait.ge [sflag:s6], $0x1000  }
0x19a: {  	[sflag:s6] =	ssyncset.done $0x0  }
0x19b: {  	s3 =	simm.s32 $0x0;
	s26 =	rddreg [dreg:$0x8];
	[sflag:s6] =	ssyncadd.s32 $0xFFFFF000  }
0x19c: {  	[tilespmem:s10], [sflag:$0x9] =	stream.linear.gather [hbm4b:s26+s3], $0x2800, $0x38;
	[tilespmem:$0x1D000] =	vst v63  }
0x19d: {  	_ =	swait.ge [sflag:s9], $0x2800  }
0x19e: {  	[sflag:s9] =	ssyncset.done $0x0  }
0x19f: {  	s26 =	rddreg [dreg:$0x9];
	[sflag:s9] =	ssyncadd.s32 $0xFFFFD800  }
0x1a0: {  	[tilespmem:s11], [sflag:$0x9] =	stream.linear.gather [hbm4b:s26+s3], $0x2800, $0x38;
	[tilespmem:$0x1D000] =	vst v63  }
0x1a1: {  	_ =	swait.ge [sflag:s9], $0x2800  }
0x1a2: {  	[sflag:s9] =	ssyncset.done $0x0  }
0x1a3: {  	[sflag:s9] =	ssyncadd.s32 $0xFFFFD800  }
0x1a4: {  	[tilespmem:s8], [sflag:$0x1] =	stream.indirect.gather [hbm4b:s1+s12], $0x80, s10, s12, $0xb8;
	[tilespmem:$0x1D000] =	vst v63  }
0x1a5: {  	_ = 	snop  }
0x1a6: {  	[tilespmem:s14], [sflag:$0x2] =	stream.indirect.gather [hbm4b:s1+s12], $0x80, s31, s12, $0xb8;
	[tilespmem:$0x1D000] =	vst v63  }
0x1a7: {  	s26 =	simm.s32 $0x18100  }
0x1a8: {  	[tilespmem:s16], [sflag:$0x3] =	stream.indirect.gather [hbm4b:s1+s12], $0x80, s26, s12, $0xb8;
	[tilespmem:$0x1D000] =	vst v63  }
0x1a9: {  	s26 =	simm.s32 $0x18180  }
0x1aa: {  	[tilespmem:s18], [sflag:$0x4] =	stream.indirect.gather [hbm4b:s1+s12], $0x80, s26, s12, $0xb8;
	[tilespmem:$0x1D000] =	vst v63  }
0x1ab: {  	_ =	swait.ge [sflag:s19], $0x1000  }
0x1ac: {  	[sflag:s19] =	ssyncset.done $0x0  }
0x1ad: {  	[sflag:s19] =	ssyncadd.s32 $0xFFFFF000  }
0x1ae: {  	[spmem:s2] =	stream.indirect.scatter.add.f32 [tilespmem:s8], [sflag:$0x5], $0x80, s11, s12, $0xb8;
	[tilespmem:$0x1D000] =	vst v63  }
0x1af: {  	_ =	swait.ge [sflag:s20], $0x1000  }
0x1b0: {  	[sflag:s20] =	ssyncset.done $0x0  }
0x1b1: {  	s26 =	simm.s32 $0x18200;
	[sflag:s20] =	ssyncadd.s32 $0xFFFFF000  }
0x1b2: {  	[tilespmem:s8], [sflag:$0x1] =	stream.indirect.gather [hbm4b:s1+s12], $0x80, s26, s12, $0xb8;
	[tilespmem:$0x1D000] =	vst v63  }
0x1b3: {  	_ =	swait.ge [sflag:s22], $0x1000  }
0x1b4: {  	[sflag:s22] =	ssyncset.done $0x0  }
0x1b5: {  	s26 =	simm.s32 $0x1A880;
	[sflag:s22] =	ssyncadd.s32 $0xFFFFF000  }
0x1b6: {  	[spmem:s2] =	stream.indirect.scatter.add.f32 [tilespmem:s14], [sflag:$0x6], $0x80, s26, s12, $0xb8;
	[tilespmem:$0x1D000] =	vst v63  }
0x1b7: {  	_ =	swait.ge [sflag:s24], $0x1000  }
0x1b8: {  	[sflag:s24] =	ssyncset.done $0x0  }
0x1b9: {  	s26 =	simm.s32 $0x18280;
	[sflag:s24] =	ssyncadd.s32 $0xFFFFF000  }
0x1ba: {  	[tilespmem:s14], [sflag:$0x2] =	stream.indirect.gather [hbm4b:s1+s12], $0x80, s26, s12, $0xb8;
	[tilespmem:$0x1D000] =	vst v63  }
0x1bb: {  	_ =	swait.ge [sflag:s28], $0x1000  }
0x1bc: {  	[sflag:s28] =	ssyncset.done $0x0  }
0x1bd: {  	s26 =	simm.s32 $0x1A900;
	[sflag:s28] =	ssyncadd.s32 $0xFFFFF000  }
0x1be: {  	[spmem:s2] =	stream.indirect.scatter.add.f32 [tilespmem:s16], [sflag:$0x7], $0x80, s26, s12, $0xb8;
	[tilespmem:$0x1D000] =	vst v63  }
0x1bf: {  	_ =	swait.ge [sflag:s30], $0x1000  }
0x1c0: {  	[sflag:s30] =	ssyncset.done $0x0  }
0x1c1: {  	s26 =	simm.s32 $0x18300;
	[sflag:s30] =	ssyncadd.s32 $0xFFFFF000  }
0x1c2: {  	[tilespmem:s16], [sflag:$0x3] =	stream.indirect.gather [hbm4b:s1+s12], $0x80, s26, s12, $0xb8;
	[tilespmem:$0x1D000] =	vst v63  }
0x1c3: {  	_ =	swait.ge [sflag:s0], $0x1000  }
0x1c4: {  	[sflag:s0] =	ssyncset.done $0x0  }
0x1c5: {  	s26 =	simm.s32 $0x1A980;
	[sflag:s0] =	ssyncadd.s32 $0xFFFFF000  }
0x1c6: {  	[spmem:s2] =	stream.indirect.scatter.add.f32 [tilespmem:s18], [sflag:$0x8], $0x80, s26, s12, $0xb8;
	[tilespmem:$0x1D000] =	vst v63  }
0x1c7: {  	_ =	swait.ge [sflag:s6], $0x1000  }
0x1c8: {  	[sflag:s6] =	ssyncset.done $0x0  }
0x1c9: {  	s26 =	simm.s32 $0x18380;
	[sflag:s6] =	ssyncadd.s32 $0xFFFFF000  }
0x1ca: {  	[tilespmem:s18], [sflag:$0x4] =	stream.indirect.gather [hbm4b:s1+s12], $0x80, s26, s12, $0xb8;
	[tilespmem:$0x1D000] =	vst v63  }
0x1cb: {  	_ =	swait.ge [sflag:s19], $0x1000  }
0x1cc: {  	[sflag:s19] =	ssyncset.done $0x0  }
0x1cd: {  	s26 =	simm.s32 $0x1AA00;
	[sflag:s19] =	ssyncadd.s32 $0xFFFFF000  }
0x1ce: {  	[spmem:s2] =	stream.indirect.scatter.add.f32 [tilespmem:s8], [sflag:$0x5], $0x80, s26, s12, $0xb8;
	[tilespmem:$0x1D000] =	vst v63  }
0x1cf: {  	_ =	swait.ge [sflag:s20], $0x1000  }
0x1d0: {  	[sflag:s20] =	ssyncset.done $0x0  }
0x1d1: {  	s26 =	simm.s32 $0x18400;
	[sflag:s20] =	ssyncadd.s32 $0xFFFFF000  }
0x1d2: {  	[tilespmem:s8], [sflag:$0x1] =	stream.indirect.gather [hbm4b:s1+s12], $0x80, s26, s12, $0xb8;
	[tilespmem:$0x1D000] =	vst v63  }
0x1d3: {  	_ =	swait.ge [sflag:s22], $0x1000  }
0x1d4: {  	[sflag:s22] =	ssyncset.done $0x0  }
0x1d5: {  	s26 =	simm.s32 $0x1AA80;
	[sflag:s22] =	ssyncadd.s32 $0xFFFFF000  }
0x1d6: {  	[spmem:s2] =	stream.indirect.scatter.add.f32 [tilespmem:s14], [sflag:$0x6], $0x80, s26, s12, $0xb8;
	[tilespmem:$0x1D000] =	vst v63  }
0x1d7: {  	_ =	swait.ge [sflag:s24], $0x1000  }
0x1d8: {  	[sflag:s24] =	ssyncset.done $0x0  }
0x1d9: {  	s26 =	simm.s32 $0x18480;
	[sflag:s24] =	ssyncadd.s32 $0xFFFFF000  }
0x1da: {  	[tilespmem:s14], [sflag:$0x2] =	stream.indirect.gather [hbm4b:s1+s12], $0x80, s26, s12, $0xb8;
	[tilespmem:$0x1D000] =	vst v63  }
0x1db: {  	_ =	swait.ge [sflag:s28], $0x1000  }
0x1dc: {  	[sflag:s28] =	ssyncset.done $0x0  }
0x1dd: {  	s26 =	simm.s32 $0x1AB00;
	[sflag:s28] =	ssyncadd.s32 $0xFFFFF000  }
0x1de: {  	[spmem:s2] =	stream.indirect.scatter.add.f32 [tilespmem:s16], [sflag:$0x7], $0x80, s26, s12, $0xb8;
	[tilespmem:$0x1D000] =	vst v63  }
0x1df: {  	_ =	swait.ge [sflag:s30], $0x1000  }
0x1e0: {  	[sflag:s30] =	ssyncset.done $0x0  }
0x1e1: {  	s26 =	simm.s32 $0x18500;
	[sflag:s30] =	ssyncadd.s32 $0xFFFFF000  }
0x1e2: {  	[tilespmem:s16], [sflag:$0x3] =	stream.indirect.gather [hbm4b:s1+s12], $0x80, s26, s12, $0xb8;
	[tilespmem:$0x1D000] =	vst v63  }
0x1e3: {  	_ =	swait.ge [sflag:s0], $0x1000  }
0x1e4: {  	[sflag:s0] =	ssyncset.done $0x0  }
0x1e5: {  	s29 =	simm.s32 $0x1AB80;
	s26 =	simm.s32 $0x800;
	[sflag:s0] =	ssyncadd.s32 $0xFFFFF000  }
.LBB2_8:
0x1e6: {  	[spmem:s2] =	stream.indirect.scatter.add.f32 [tilespmem:s18], [sflag:$0x8], $0x80, s29, s12, $0xb8;
	[tilespmem:$0x1D000] =	vst v63  }
0x1e7: {  	s3 =	smov.u32 s26  }
0x1e8: {  	p0 =	sne.s32 s26, $0x8800;
	s26 =	sadd.s32 $0x800, s26;
	_ =	swait.ge [sflag:s6], $0x1000  }
0x1e9: {  	s29 =	sshra.s32 s3, $0x2;
	[sflag:s6] =	ssyncset.done $0x0  }
0x1ea: {  	s3 =	sadd.s32 $0x18380, s29;
	[sflag:s6] =	ssyncadd.s32 $0xFFFFF000  }
0x1eb: {  	[tilespmem:s18], [sflag:$0x4] =	stream.indirect.gather [hbm4b:s1+s12], $0x80, s3, s12, $0xb8;
	[tilespmem:$0x1D000] =	vst v63  }
0x1ec: {  	_ =	swait.ge [sflag:s19], $0x1000  }
0x1ed: {  	[sflag:s19] =	ssyncset.done $0x0  }
0x1ee: {  	s3 =	sadd.s32 $0x1AA00, s29;
	[sflag:s19] =	ssyncadd.s32 $0xFFFFF000  }
0x1ef: {  	[spmem:s2] =	stream.indirect.scatter.add.f32 [tilespmem:s8], [sflag:$0x5], $0x80, s3, s12, $0xb8;
	[tilespmem:$0x1D000] =	vst v63  }
0x1f0: {  	_ =	swait.ge [sflag:s20], $0x1000  }
0x1f1: {  	[sflag:s20] =	ssyncset.done $0x0  }
0x1f2: {  	s3 =	sadd.s32 $0x18400, s29;
	[sflag:s20] =	ssyncadd.s32 $0xFFFFF000  }
0x1f3: {  	[tilespmem:s8], [sflag:$0x1] =	stream.indirect.gather [hbm4b:s1+s12], $0x80, s3, s12, $0xb8;
	[tilespmem:$0x1D000] =	vst v63  }
0x1f4: {  	_ =	swait.ge [sflag:s22], $0x1000  }
0x1f5: {  	[sflag:s22] =	ssyncset.done $0x0  }
0x1f6: {  	s3 =	sadd.s32 $0x1AA80, s29;
	[sflag:s22] =	ssyncadd.s32 $0xFFFFF000  }
0x1f7: {  	[spmem:s2] =	stream.indirect.scatter.add.f32 [tilespmem:s14], [sflag:$0x6], $0x80, s3, s12, $0xb8;
	[tilespmem:$0x1D000] =	vst v63  }
0x1f8: {  	_ =	swait.ge [sflag:s24], $0x1000  }
0x1f9: {  	[sflag:s24] =	ssyncset.done $0x0  }
0x1fa: {  	s3 =	sadd.s32 $0x18480, s29;
	[sflag:s24] =	ssyncadd.s32 $0xFFFFF000  }
0x1fb: {  	[tilespmem:s14], [sflag:$0x2] =	stream.indirect.gather [hbm4b:s1+s12], $0x80, s3, s12, $0xb8;
	[tilespmem:$0x1D000] =	vst v63  }
0x1fc: {  	_ =	swait.ge [sflag:s28], $0x1000  }
0x1fd: {  	[sflag:s28] =	ssyncset.done $0x0  }
0x1fe: {  	s3 =	sadd.s32 $0x1AB00, s29;
	[sflag:s28] =	ssyncadd.s32 $0xFFFFF000  }
0x1ff: {  	[spmem:s2] =	stream.indirect.scatter.add.f32 [tilespmem:s16], [sflag:$0x7], $0x80, s3, s12, $0xb8;
	[tilespmem:$0x1D000] =	vst v63  }
0x200: {  	_ =	swait.ge [sflag:s30], $0x1000  }
0x201: {  	[sflag:s30] =	ssyncset.done $0x0  }
.Ltmp3:
0x202: {  	s3 =	sadd.s32 $0x18500, s29;
	[sflag:s30] =	ssyncadd.s32 $0xFFFFF000;
	(pc) =	sbr.rel @p0 .LBB2_8-.Ltmp3, $4  }
0x203: {  	[tilespmem:s16], [sflag:$0x3] =	stream.indirect.gather [hbm4b:s1+s12], $0x80, s3, s12, $0xb8;
	[tilespmem:$0x1D000] =	vst v63  }
0x204: {  	_ =	swait.ge [sflag:s0], $0x1000  }
0x205: {  	[sflag:s0] =	ssyncset.done $0x0  }
0x206: {  	s29 =	sadd.s32 $0x1AB80, s29;
	[sflag:s0] =	ssyncadd.s32 $0xFFFFF000  }
0x207: {  	[spmem:s2] =	stream.indirect.scatter.add.f32 [tilespmem:s18], [sflag:$0x8], $0x80, s29, s12, $0xb8;
	[tilespmem:$0x1D000] =	vst v63  }
0x208: {  	_ =	swait.ge [sflag:s6], $0x1000  }
0x209: {  	[sflag:s6] =	ssyncset.done $0x0  }
0x20a: {  	[sflag:s6] =	ssyncadd.s32 $0xFFFFF000  }
0x20b: {  	[tilespmem:s18], [sflag:$0x4] =	stream.indirect.gather [hbm4b:s1+s12], $0x80, s7, s12, $0xb8;
	[tilespmem:$0x1D000] =	vst v63  }
0x20c: {  	_ =	swait.ge [sflag:s19], $0x1000  }
0x20d: {  	[sflag:s19] =	ssyncset.done $0x0  }
0x20e: {  	[sflag:s19] =	ssyncadd.s32 $0xFFFFF000  }
0x20f: {  	[spmem:s2] =	stream.indirect.scatter.add.f32 [tilespmem:s8], [sflag:$0x5], $0x80, s13, s12, $0xb8;
	[tilespmem:$0x1D000] =	vst v63  }
0x210: {  	_ =	swait.ge [sflag:s20], $0x1000  }
0x211: {  	[sflag:s20] =	ssyncset.done $0x0  }
0x212: {  	[sflag:s20] =	ssyncadd.s32 $0xFFFFF000  }
0x213: {  	_ =	swait.ge [sflag:s22], $0x1000  }
0x214: {  	[sflag:s22] =	ssyncset.done $0x0  }
0x215: {  	[sflag:s22] =	ssyncadd.s32 $0xFFFFF000  }
0x216: {  	[spmem:s2] =	stream.indirect.scatter.add.f32 [tilespmem:s14], [sflag:$0x6], $0x80, s15, s12, $0xb8;
	[tilespmem:$0x1D000] =	vst v63  }
0x217: {  	_ =	swait.ge [sflag:s24], $0x1000  }
0x218: {  	[sflag:s24] =	ssyncset.done $0x0  }
0x219: {  	[sflag:s24] =	ssyncadd.s32 $0xFFFFF000  }
0x21a: {  	_ =	swait.ge [sflag:s28], $0x1000  }
0x21b: {  	[sflag:s28] =	ssyncset.done $0x0  }
0x21c: {  	[sflag:s28] =	ssyncadd.s32 $0xFFFFF000  }
0x21d: {  	[spmem:s2] =	stream.indirect.scatter.add.f32 [tilespmem:s16], [sflag:$0x7], $0x80, s17, s12, $0xb8;
	[tilespmem:$0x1D000] =	vst v63  }
0x21e: {  	_ =	swait.ge [sflag:s30], $0x1000  }
0x21f: {  	[sflag:s30] =	ssyncset.done $0x0  }
0x220: {  	[sflag:s30] =	ssyncadd.s32 $0xFFFFF000  }
0x221: {  	_ =	swait.ge [sflag:s0], $0x1000  }
0x222: {  	[sflag:s0] =	ssyncset.done $0x0  }
0x223: {  	[sflag:s0] =	ssyncadd.s32 $0xFFFFF000  }
0x224: {  	[spmem:s2] =	stream.indirect.scatter.add.f32 [tilespmem:s18], [sflag:$0x8], $0x80, s21, s12, $0xb8;
	[tilespmem:$0x1D000] =	vst v63  }
0x225: {  	_ =	swait.ge [sflag:s6], $0x1000  }
0x226: {  	[sflag:s6] =	ssyncset.done $0x0  }
0x227: {  	s3 =	simm.s32 $0x0;
	s26 =	rddreg [dreg:$0xa];
	[sflag:s6] =	ssyncadd.s32 $0xFFFFF000  }
0x228: {  	[tilespmem:s10], [sflag:$0x9] =	stream.linear.gather [hbm4b:s26+s3], $0x2800, $0x38;
	[tilespmem:$0x1D000] =	vst v63  }
0x229: {  	_ =	swait.ge [sflag:s9], $0x2800  }
0x22a: {  	[sflag:s9] =	ssyncset.done $0x0  }
0x22b: {  	s26 =	rddreg [dreg:$0xb];
	[sflag:s9] =	ssyncadd.s32 $0xFFFFD800  }
0x22c: {  	[tilespmem:s11], [sflag:$0x9] =	stream.linear.gather [hbm4b:s26+s3], $0x2800, $0x38;
	[tilespmem:$0x1D000] =	vst v63  }
0x22d: {  	_ =	swait.ge [sflag:s9], $0x2800  }
0x22e: {  	[sflag:s9] =	ssyncset.done $0x0  }
0x22f: {  	[sflag:s9] =	ssyncadd.s32 $0xFFFFD800  }
0x230: {  	[tilespmem:s8], [sflag:$0x1] =	stream.indirect.gather [hbm4b:s1+s12], $0x80, s10, s12, $0xb8;
	[tilespmem:$0x1D000] =	vst v63  }
0x231: {  	_ = 	snop  }
0x232: {  	[tilespmem:s14], [sflag:$0x2] =	stream.indirect.gather [hbm4b:s1+s12], $0x80, s31, s12, $0xb8;
	[tilespmem:$0x1D000] =	vst v63  }
0x233: {  	s31 =	simm.s32 $0x18100  }
0x234: {  	[tilespmem:s16], [sflag:$0x3] =	stream.indirect.gather [hbm4b:s1+s12], $0x80, s31, s12, $0xb8;
	[tilespmem:$0x1D000] =	vst v63  }
0x235: {  	s26 =	simm.s32 $0x18180  }
0x236: {  	[tilespmem:s18], [sflag:$0x4] =	stream.indirect.gather [hbm4b:s1+s12], $0x80, s26, s12, $0xb8;
	[tilespmem:$0x1D000] =	vst v63  }
0x237: {  	_ =	swait.ge [sflag:s19], $0x1000  }
0x238: {  	[sflag:s19] =	ssyncset.done $0x0  }
0x239: {  	[sflag:s19] =	ssyncadd.s32 $0xFFFFF000  }
0x23a: {  	[spmem:s2] =	stream.indirect.scatter.add.f32 [tilespmem:s8], [sflag:$0x5], $0x80, s11, s12, $0xb8;
	[tilespmem:$0x1D000] =	vst v63  }
0x23b: {  	_ =	swait.ge [sflag:s20], $0x1000  }
0x23c: {  	[sflag:s20] =	ssyncset.done $0x0  }
0x23d: {  	s31 =	simm.s32 $0x18200;
	[sflag:s20] =	ssyncadd.s32 $0xFFFFF000  }
0x23e: {  	[tilespmem:s8], [sflag:$0x1] =	stream.indirect.gather [hbm4b:s1+s12], $0x80, s31, s12, $0xb8;
	[tilespmem:$0x1D000] =	vst v63  }
0x23f: {  	_ =	swait.ge [sflag:s22], $0x1000  }
0x240: {  	[sflag:s22] =	ssyncset.done $0x0  }
0x241: {  	s26 =	simm.s32 $0x1A880;
	[sflag:s22] =	ssyncadd.s32 $0xFFFFF000  }
0x242: {  	[spmem:s2] =	stream.indirect.scatter.add.f32 [tilespmem:s14], [sflag:$0x6], $0x80, s26, s12, $0xb8;
	[tilespmem:$0x1D000] =	vst v63  }
0x243: {  	_ =	swait.ge [sflag:s24], $0x1000  }
0x244: {  	[sflag:s24] =	ssyncset.done $0x0  }
0x245: {  	s31 =	simm.s32 $0x18280;
	[sflag:s24] =	ssyncadd.s32 $0xFFFFF000  }
0x246: {  	[tilespmem:s14], [sflag:$0x2] =	stream.indirect.gather [hbm4b:s1+s12], $0x80, s31, s12, $0xb8;
	[tilespmem:$0x1D000] =	vst v63  }
0x247: {  	_ =	swait.ge [sflag:s28], $0x1000  }
0x248: {  	[sflag:s28] =	ssyncset.done $0x0  }
0x249: {  	s26 =	simm.s32 $0x1A900;
	[sflag:s28] =	ssyncadd.s32 $0xFFFFF000  }
0x24a: {  	[spmem:s2] =	stream.indirect.scatter.add.f32 [tilespmem:s16], [sflag:$0x7], $0x80, s26, s12, $0xb8;
	[tilespmem:$0x1D000] =	vst v63  }
0x24b: {  	_ =	swait.ge [sflag:s30], $0x1000  }
0x24c: {  	[sflag:s30] =	ssyncset.done $0x0  }
0x24d: {  	s31 =	simm.s32 $0x18300;
	[sflag:s30] =	ssyncadd.s32 $0xFFFFF000  }
0x24e: {  	[tilespmem:s16], [sflag:$0x3] =	stream.indirect.gather [hbm4b:s1+s12], $0x80, s31, s12, $0xb8;
	[tilespmem:$0x1D000] =	vst v63  }
0x24f: {  	_ =	swait.ge [sflag:s0], $0x1000  }
0x250: {  	[sflag:s0] =	ssyncset.done $0x0  }
0x251: {  	s26 =	simm.s32 $0x1A980;
	[sflag:s0] =	ssyncadd.s32 $0xFFFFF000  }
0x252: {  	[spmem:s2] =	stream.indirect.scatter.add.f32 [tilespmem:s18], [sflag:$0x8], $0x80, s26, s12, $0xb8;
	[tilespmem:$0x1D000] =	vst v63  }
0x253: {  	_ =	swait.ge [sflag:s6], $0x1000  }
0x254: {  	[sflag:s6] =	ssyncset.done $0x0  }
0x255: {  	s31 =	simm.s32 $0x18380;
	[sflag:s6] =	ssyncadd.s32 $0xFFFFF000  }
0x256: {  	[tilespmem:s18], [sflag:$0x4] =	stream.indirect.gather [hbm4b:s1+s12], $0x80, s31, s12, $0xb8;
	[tilespmem:$0x1D000] =	vst v63  }
0x257: {  	_ =	swait.ge [sflag:s19], $0x1000  }
0x258: {  	[sflag:s19] =	ssyncset.done $0x0  }
0x259: {  	s26 =	simm.s32 $0x1AA00;
	[sflag:s19] =	ssyncadd.s32 $0xFFFFF000  }
0x25a: {  	[spmem:s2] =	stream.indirect.scatter.add.f32 [tilespmem:s8], [sflag:$0x5], $0x80, s26, s12, $0xb8;
	[tilespmem:$0x1D000] =	vst v63  }
0x25b: {  	_ =	swait.ge [sflag:s20], $0x1000  }
0x25c: {  	[sflag:s20] =	ssyncset.done $0x0  }
0x25d: {  	s31 =	simm.s32 $0x18400;
	[sflag:s20] =	ssyncadd.s32 $0xFFFFF000  }
0x25e: {  	[tilespmem:s8], [sflag:$0x1] =	stream.indirect.gather [hbm4b:s1+s12], $0x80, s31, s12, $0xb8;
	[tilespmem:$0x1D000] =	vst v63  }
0x25f: {  	_ =	swait.ge [sflag:s22], $0x1000  }
0x260: {  	[sflag:s22] =	ssyncset.done $0x0  }
0x261: {  	s26 =	simm.s32 $0x1AA80;
	[sflag:s22] =	ssyncadd.s32 $0xFFFFF000  }
0x262: {  	[spmem:s2] =	stream.indirect.scatter.add.f32 [tilespmem:s14], [sflag:$0x6], $0x80, s26, s12, $0xb8;
	[tilespmem:$0x1D000] =	vst v63  }
0x263: {  	_ =	swait.ge [sflag:s24], $0x1000  }
0x264: {  	[sflag:s24] =	ssyncset.done $0x0  }
0x265: {  	s31 =	simm.s32 $0x18480;
	[sflag:s24] =	ssyncadd.s32 $0xFFFFF000  }
0x266: {  	[tilespmem:s14], [sflag:$0x2] =	stream.indirect.gather [hbm4b:s1+s12], $0x80, s31, s12, $0xb8;
	[tilespmem:$0x1D000] =	vst v63  }
0x267: {  	_ =	swait.ge [sflag:s28], $0x1000  }
0x268: {  	[sflag:s28] =	ssyncset.done $0x0  }
0x269: {  	s26 =	simm.s32 $0x1AB00;
	[sflag:s28] =	ssyncadd.s32 $0xFFFFF000  }
0x26a: {  	[spmem:s2] =	stream.indirect.scatter.add.f32 [tilespmem:s16], [sflag:$0x7], $0x80, s26, s12, $0xb8;
	[tilespmem:$0x1D000] =	vst v63  }
0x26b: {  	_ =	swait.ge [sflag:s30], $0x1000  }
0x26c: {  	[sflag:s30] =	ssyncset.done $0x0  }
0x26d: {  	s31 =	simm.s32 $0x18500;
	[sflag:s30] =	ssyncadd.s32 $0xFFFFF000  }
0x26e: {  	[tilespmem:s16], [sflag:$0x3] =	stream.indirect.gather [hbm4b:s1+s12], $0x80, s31, s12, $0xb8;
	[tilespmem:$0x1D000] =	vst v63  }
0x26f: {  	_ =	swait.ge [sflag:s0], $0x1000  }
0x270: {  	[sflag:s0] =	ssyncset.done $0x0  }
0x271: {  	s29 =	simm.s32 $0x1AB80;
	s26 =	simm.s32 $0x800;
	[sflag:s0] =	ssyncadd.s32 $0xFFFFF000  }
.LBB2_10:
0x272: {  	[spmem:s2] =	stream.indirect.scatter.add.f32 [tilespmem:s18], [sflag:$0x8], $0x80, s29, s12, $0xb8;
	[tilespmem:$0x1D000] =	vst v63  }
0x273: {  	s3 =	smov.u32 s26  }
0x274: {  	p0 =	sne.s32 s26, $0x8800;
	s26 =	sadd.s32 $0x800, s26;
	_ =	swait.ge [sflag:s6], $0x1000  }
0x275: {  	s29 =	sshra.s32 s3, $0x2;
	[sflag:s6] =	ssyncset.done $0x0  }
0x276: {  	s3 =	sadd.s32 $0x18380, s29;
	[sflag:s6] =	ssyncadd.s32 $0xFFFFF000  }
0x277: {  	[tilespmem:s18], [sflag:$0x4] =	stream.indirect.gather [hbm4b:s1+s12], $0x80, s3, s12, $0xb8;
	[tilespmem:$0x1D000] =	vst v63  }
0x278: {  	_ =	swait.ge [sflag:s19], $0x1000  }
0x279: {  	[sflag:s19] =	ssyncset.done $0x0  }
0x27a: {  	s3 =	sadd.s32 $0x1AA00, s29;
	[sflag:s19] =	ssyncadd.s32 $0xFFFFF000  }
0x27b: {  	[spmem:s2] =	stream.indirect.scatter.add.f32 [tilespmem:s8], [sflag:$0x5], $0x80, s3, s12, $0xb8;
	[tilespmem:$0x1D000] =	vst v63  }
0x27c: {  	_ =	swait.ge [sflag:s20], $0x1000  }
0x27d: {  	[sflag:s20] =	ssyncset.done $0x0  }
0x27e: {  	s3 =	sadd.s32 $0x18400, s29;
	[sflag:s20] =	ssyncadd.s32 $0xFFFFF000  }
0x27f: {  	[tilespmem:s8], [sflag:$0x1] =	stream.indirect.gather [hbm4b:s1+s12], $0x80, s3, s12, $0xb8;
	[tilespmem:$0x1D000] =	vst v63  }
0x280: {  	_ =	swait.ge [sflag:s22], $0x1000  }
0x281: {  	[sflag:s22] =	ssyncset.done $0x0  }
0x282: {  	s3 =	sadd.s32 $0x1AA80, s29;
	[sflag:s22] =	ssyncadd.s32 $0xFFFFF000  }
0x283: {  	[spmem:s2] =	stream.indirect.scatter.add.f32 [tilespmem:s14], [sflag:$0x6], $0x80, s3, s12, $0xb8;
	[tilespmem:$0x1D000] =	vst v63  }
0x284: {  	_ =	swait.ge [sflag:s24], $0x1000  }
0x285: {  	[sflag:s24] =	ssyncset.done $0x0  }
0x286: {  	s3 =	sadd.s32 $0x18480, s29;
	[sflag:s24] =	ssyncadd.s32 $0xFFFFF000  }
0x287: {  	[tilespmem:s14], [sflag:$0x2] =	stream.indirect.gather [hbm4b:s1+s12], $0x80, s3, s12, $0xb8;
	[tilespmem:$0x1D000] =	vst v63  }
0x288: {  	_ =	swait.ge [sflag:s28], $0x1000  }
0x289: {  	[sflag:s28] =	ssyncset.done $0x0  }
0x28a: {  	s3 =	sadd.s32 $0x1AB00, s29;
	[sflag:s28] =	ssyncadd.s32 $0xFFFFF000  }
0x28b: {  	[spmem:s2] =	stream.indirect.scatter.add.f32 [tilespmem:s16], [sflag:$0x7], $0x80, s3, s12, $0xb8;
	[tilespmem:$0x1D000] =	vst v63  }
0x28c: {  	_ =	swait.ge [sflag:s30], $0x1000  }
0x28d: {  	[sflag:s30] =	ssyncset.done $0x0  }
.Ltmp4:
0x28e: {  	s3 =	sadd.s32 $0x18500, s29;
	[sflag:s30] =	ssyncadd.s32 $0xFFFFF000;
	(pc) =	sbr.rel @p0 .LBB2_10-.Ltmp4, $4  }
0x28f: {  	[tilespmem:s16], [sflag:$0x3] =	stream.indirect.gather [hbm4b:s1+s12], $0x80, s3, s12, $0xb8;
	[tilespmem:$0x1D000] =	vst v63  }
0x290: {  	_ =	swait.ge [sflag:s0], $0x1000  }
0x291: {  	[sflag:s0] =	ssyncset.done $0x0  }
0x292: {  	s29 =	sadd.s32 $0x1AB80, s29;
	[sflag:s0] =	ssyncadd.s32 $0xFFFFF000  }
0x293: {  	[spmem:s2] =	stream.indirect.scatter.add.f32 [tilespmem:s18], [sflag:$0x8], $0x80, s29, s12, $0xb8;
	[tilespmem:$0x1D000] =	vst v63  }
0x294: {  	_ =	swait.ge [sflag:s6], $0x1000  }
0x295: {  	[sflag:s6] =	ssyncset.done $0x0  }
0x296: {  	[sflag:s6] =	ssyncadd.s32 $0xFFFFF000  }
0x297: {  	[tilespmem:s18], [sflag:$0x4] =	stream.indirect.gather [hbm4b:s1+s12], $0x80, s7, s12, $0xb8;
	[tilespmem:$0x1D000] =	vst v63  }
0x298: {  	_ =	swait.ge [sflag:s19], $0x1000  }
0x299: {  	[sflag:s19] =	ssyncset.done $0x0  }
0x29a: {  	[sflag:s19] =	ssyncadd.s32 $0xFFFFF000  }
0x29b: {  	[spmem:s2] =	stream.indirect.scatter.add.f32 [tilespmem:s8], [sflag:$0x5], $0x80, s13, s12, $0xb8;
	[tilespmem:$0x1D000] =	vst v63  }
0x29c: {  	_ =	swait.ge [sflag:s20], $0x1000  }
0x29d: {  	[sflag:s20] =	ssyncset.done $0x0  }
0x29e: {  	[sflag:s20] =	ssyncadd.s32 $0xFFFFF000  }
0x29f: {  	_ =	swait.ge [sflag:s22], $0x1000  }
0x2a0: {  	[sflag:s22] =	ssyncset.done $0x0  }
0x2a1: {  	[sflag:s22] =	ssyncadd.s32 $0xFFFFF000  }
0x2a2: {  	[spmem:s2] =	stream.indirect.scatter.add.f32 [tilespmem:s14], [sflag:$0x6], $0x80, s15, s12, $0xb8;
	[tilespmem:$0x1D000] =	vst v63  }
0x2a3: {  	_ =	swait.ge [sflag:s24], $0x1000  }
0x2a4: {  	[sflag:s24] =	ssyncset.done $0x0  }
0x2a5: {  	[sflag:s24] =	ssyncadd.s32 $0xFFFFF000  }
0x2a6: {  	_ =	swait.ge [sflag:s28], $0x1000  }
0x2a7: {  	[sflag:s28] =	ssyncset.done $0x0  }
0x2a8: {  	[sflag:s28] =	ssyncadd.s32 $0xFFFFF000  }
0x2a9: {  	[spmem:s2] =	stream.indirect.scatter.add.f32 [tilespmem:s16], [sflag:$0x7], $0x80, s17, s12, $0xb8;
	[tilespmem:$0x1D000] =	vst v63  }
0x2aa: {  	_ =	swait.ge [sflag:s30], $0x1000  }
0x2ab: {  	[sflag:s30] =	ssyncset.done $0x0  }
0x2ac: {  	[sflag:s30] =	ssyncadd.s32 $0xFFFFF000  }
0x2ad: {  	_ =	swait.ge [sflag:s0], $0x1000  }
0x2ae: {  	[sflag:s0] =	ssyncset.done $0x0  }
0x2af: {  	[sflag:s0] =	ssyncadd.s32 $0xFFFFF000  }
0x2b0: {  	[spmem:s2] =	stream.indirect.scatter.add.f32 [tilespmem:s18], [sflag:$0x8], $0x80, s21, s12, $0xb8;
	[tilespmem:$0x1D000] =	vst v63  }
0x2b1: {  	_ =	swait.ge [sflag:s6], $0x1000  }
0x2b2: {  	[sflag:s6] =	ssyncset.done $0x0  }
0x2b3: {  	[sflag:s6] =	ssyncadd.s32 $0xFFFFF000  }
0x2b4: {  	[bflag:$0x0] =	sbarrier.arrive $0xFFFF  }
0x2b5: {  	[tilespmem:s8], [sflag:$0x9] =	stream.linear.gather [spmem:s5], $0x1000, $0x38;
	[tilespmem:$0x1D000] =	vst v63  }
0x2b6: {  	_ =	swait.ge [sflag:s9], $0x1000  }
0x2b7: {  	[sflag:s9] =	ssyncset.done $0x0  }
0x2b8: {  	s3 =	sadd.s32 $0x0, s25;
	[sflag:s9] =	ssyncadd.s32 $0xFFFFF000  }
0x2b9: {  	[hbm4b:s3+s4] =	stream.linear.scatter [tilespmem:s8], [sflag:$0x9], $0x1000, $0x38;
	[tilespmem:$0x1D000] =	vst v63  }
0x2ba: {  	_ =	swait.ge [sflag:s9], $0x1000  }
0x2bb: {  	s26 =	simm.s32 $0x200;
	s29 =	smov.u32 s5;
	[sflag:s9] =	ssyncset.done $0x0  }
.LBB2_12:
0x2bc: {  	p0 =	sne.s32 s26, $0x2600;
	[sflag:s9] =	ssyncadd.s32 $0xFFFFF000;
	s29 =	sadd.s32 $0x1000, s29  }
0x2bd: {  	[tilespmem:s8], [sflag:$0x9] =	stream.linear.gather [spmem:s29], $0x1000, $0x38;
	[tilespmem:$0x1D000] =	vst v63  }
0x2be: {  	s3 =	smov.u32 s26;
	s26 =	sadd.s32 $0x200, s26;
	_ =	swait.ge [sflag:s9], $0x1000  }
.Ltmp5:
0x2bf: {  	[sflag:s9] =	ssyncset.done $0x0;
	(pc) =	sbr.rel @p0 .LBB2_12-.Ltmp5, $4  }
0x2c0: {  	s3 =	sadd.s32 s3, s25;
	[sflag:s9] =	ssyncadd.s32 $0xFFFFF000  }
0x2c1: {  	[hbm4b:s3+s4] =	stream.linear.scatter [tilespmem:s8], [sflag:$0x9], $0x1000, $0x38;
	[tilespmem:$0x1D000] =	vst v63  }
0x2c2: {  	_ =	swait.ge [sflag:s9], $0x1000  }
0x2c3: {  	[sflag:s9] =	ssyncset.done $0x0  }
0x2c4: {  	s23 =	sadd.s32 $0x1, s23;
	s3 =	rddreg [dreg:$0xc]  }
0x2c5: {  	p0 =	sne.s32 s23, s3  }
.Ltmp6:
0x2c6: {  	_ = 	snop;
	(pc) =	sbr.rel @p0 .LBB2_1-.Ltmp6, $2  }
0x2c7: {  	_ =	sdelay $0x2  }
0x2c8: {  	[sflag:s9] =	ssyncadd.s32 $0xFFFFF000  }
0x2c9: {  	_ =	sfence.sel $0x180000  }
0x2ca: {  	[bflag:$0x0] =	sbarrier.arrive $0xFFFF  }
0x2cb: {  	_ =	strace $0x9000004A  }
0x2cc: {  	s0 =	stileid.u32;
	[bflag:$0x2] =	sbarrier.arrive $0xFFFF  }
0x2cd: {  	p0 =	sne.s32 s0, $0x0;
	s0 =	rddreg [dreg:$0x3]  }
0x2ce: {  	s0 =	sadd.s32 @!p0 $0x100000, s0  }
0x2cf: {  	[sflag:s0] =	ssyncadd.tile.s32 @!p0 $0x1;
	_ =	shalt  }
.Lfunc_end2:
_tile_overlayer_lowered:
.L_overlay_start_2:
0x2d0: {  	(tag) =	ssettag $0x2  }
0x2d1: {  	s0 =	rddreg [dreg:$0x0];
	s2 =	stileid.u32  }
0x2d2: {  	s1 =	rddreg [dreg:$0x1];
	p0 =	sne.s32 s2, $0x0  }
0x2d3: {  	s3 =	rddreg [dreg:$0x2];
	[bflag:$0x3] =	sbarrier.arrive $0xFFFF;
	s2 =	simm.s32 @!p0 $0x1C09  }
0x2d4: {  	[timem:s3], [sflag:s2] =	dma.local @!p0 [hbm:s0], s1  }
0x2d5: {  	s0 =	simm.s32 @!p0 $0x9  }
0x2d6: {  	_ =	swait.ge @!p0 [sflag:s0], s1  }
0x2d7: {  	s1 =	ssub.s32 @!p0 $0x0, s1;
	[sflag:s0] =	ssyncset.done @!p0 $0x0  }
0x2d8: {  	[sflag:s0] =	ssyncadd.s32 @!p0 s1  }
0x2d9: {  	[bflag:$0x3] =	sbarrier.arrive $0xFFFF  }
0x2da: {  	_ =	shalt  }

// kernel: sc_edge_scatter.7.cloned.1.call-start
scs
__scs_entry_jumppad:
0x0: {  	(pc) =	sbr.rel $0x88, $3  }
0x1: {  	(tag) =	ssettag $0x0;
	lr =	simm.s32 $0x1  }
0x2: {  	[smem:$0x3F97] =	sst lr;
	_ =	strace $0xD0000000  }
0x3: {  	_ = 	snop  }
0x4: {  	_ = 	snop  }
0x5: {  	_ = 	snop  }
0x6: {  	_ = 	snop  }
0x7: {  	_ = 	snop  }
__scs_overlays_trampoline_lowered:
0x8: {  	[smem:$0x3FA6] =	sst s0  }
0x9: {  	[smem:$0x3FA7] =	sst s1  }
0xa: {  	[smem:$0x3FA8] =	sst s2  }
0xb: {  	[smem:$0x3FA9] =	sst s3  }
0xc: {  	[smem:$0x3FAA] =	sst s4  }
0xd: {  	[smem:$0x3FAB] =	sst s5  }
0xe: {  	[smem:$0x3FAC] =	sst s6  }
0xf: {  	[smem:$0x3FAD] =	sst s7  }
0x10: {  	[smem:$0x3FAE] =	sst s8  }
0x11: {  	[smem:$0x3FAF] =	sst s9;
	s0 =	simm.s32 @!p0 $0x0  }
0x12: {  	s1 =	sld [smem:$0x3F95];
	s0 =	simm.s32 @p0 $0x1  }
0x13: {  	[smem:$0x3FB0] =	sst s0;
	s0 =	simm.s32 @!p1 $0x0  }
0x14: {  	s2 =	sld [smem:$0x3F94];
	s0 =	simm.s32 @p1 $0x1  }
0x15: {  	[smem:$0x3FB1] =	sst s0;
	s0 =	simm.s32 @!p2 $0x0  }
0x16: {  	s3 =	sld [smem:$0x3FDB];
	s0 =	simm.s32 @p2 $0x1  }
0x17: {  	s4 =	simm.s32 $0x1BF5;
	[smem:$0x3FB3] =	sst s0  }
0x18: {  	s0 =	sld [smem:$0x3F96];
	_ =	swait.ge [sflag:s4], $0x0  }
0x19: {  	s7 =	sld [smem:$0x3F97]  }
0x1a: {  	s8 =	sadd.s32 $0xFFFFE003, lr  }
0x1b: {  	s9 =	sadd.s32 $0xFFFFFEF7, lr;
	s5 =	simm.s32 $0xFFFFFFFF;
	p2 =	slt.u32 s8, $0xFFFFF086  }
0x1c: {  	p1 =	slt.u32 s9, $0xF7A;
	s5 =	simm.s32 @!p2 $0x0  }
0x1d: {  	s5 =	simm.s32 @p1 $0x1;
	p0 =	seq.s32 s7, s2  }
0x1e: {  	s7 =	smul.u32 @!p0 $0xF7A, s2;
	p2 =	seq.s32 @!p0 s5, $0x0  }
0x1f: {  	s9 =	smul.u32 $0xF7A, s1;
	s8 =	simm.s32 @!p0 $0x1BF5;
	p2 =	por !p2, p0  }
0x20: {  	[sflag:s8] =	ssyncset.s32 @!p0 $0xFFFFF086;
	s6 =	sadd.s32 @!p0 s3, s7;
	s7 =	simm.s32 @!p0 $0x108  }
0x21: {  	s3 =	sadd.s32 s3, s9;
	s6 =	sadd.s32 @!p0 $0x88, s6;
	s7 =	simm.s32 @p2 $0x1082  }
0x22: {  	[simem:s7], [sflag:s8] =	dma.local @!p0 [hbm:s6], $0xF7A  }
0x23: {  	s9 =	sor.u32 $0xD0000000, s2;
	s6 =	simm.s32 $0x108;
	_ =	swait.ge @!p0 [sflag:s8], $0x0  }
0x24: {  	s3 =	sadd.s32 $0x88, s3;
	s6 =	simm.s32 @!p1 $0x1082;
	[sflag:s4] =	ssyncset.s32 $0xFFFFF086  }
0x25: {  	[simem:s6], [sflag:s4] =	dma.local [hbm:s3], $0xF7A  }
0x26: {  	[smem:$0x3F97] =	sst s1;
	(tag) =	ssettag s2;
	_ =	strace s9  }
0x27: {  	s1 =	sld [smem:$0x3FA7]  }
0x28: {  	s2 =	sld [smem:$0x3FA8]  }
0x29: {  	s4 =	sld [smem:$0x3FAA]  }
0x2a: {  	p0 =	seq.s32 s5, $0x0;
	s5 =	sld [smem:$0x3FAB]  }
0x2b: {  	s6 =	sld [smem:$0x3FAC]  }
0x2c: {  	s7 =	sld [smem:$0x3FAD]  }
0x2d: {  	s3 =	simm.s32 $0x108;
	s8 =	sld [smem:$0x3FAE]  }
0x2e: {  	s3 =	simm.s32 @!p0 $0x1082;
	s9 =	sld [smem:$0x3FAF]  }
0x2f: {  	lr =	sadd.s32 s0, s3;
	s0 =	sld [smem:$0x3FA6]  }
0x30: {  	s3 =	sld [smem:$0x3FA9]  }
0x31: {  	[smem:$0x3FB2] =	sst s10  }
0x32: {  	s10 =	sld [smem:$0x3FB0];
	_ =	sdelay $0x3  }
0x33: {  	p0 =	seq.s32 s10, $0x1;
	s10 =	sld [smem:$0x3FB2];
	_ =	sdelay $0x3  }
0x34: {  	[smem:$0x3FB2] =	sst s10  }
0x35: {  	s10 =	sld [smem:$0x3FB1];
	_ =	sdelay $0x3  }
0x36: {  	p1 =	seq.s32 s10, $0x1;
	s10 =	sld [smem:$0x3FB2];
	_ =	sdelay $0x3  }
0x37: {  	[smem:$0x3FB2] =	sst s10  }
0x38: {  	s10 =	sld [smem:$0x3FB3]  }
0x39: {  	_ = 	snop;
	(pc) =	sbr.ind lr, $3  }
0x3a: {  	_ = 	snop  }
0x3b: {  	_ = 	snop  }
0x3c: {  	p2 =	seq.s32 s10, $0x1;
	s10 =	sld [smem:$0x3FB2]  }
0x3d: {  	_ =	shalt  }
0x3e: {  	_ =	shalt  }
0x3f: {  	_ =	shalt  }
0x40: {  	_ =	shalt  }
0x41: {  	_ =	shalt  }
0x42: {  	_ =	shalt  }
0x43: {  	_ =	shalt  }
0x44: {  	_ =	shalt  }
0x45: {  	_ =	shalt  }
0x46: {  	_ =	shalt  }
0x47: {  	_ =	shalt  }
0x48: {  	_ =	shalt  }
0x49: {  	_ =	shalt  }
0x4a: {  	_ =	shalt  }
0x4b: {  	_ =	shalt  }
0x4c: {  	_ =	shalt  }
0x4d: {  	_ =	shalt  }
0x4e: {  	_ =	shalt  }
0x4f: {  	_ =	shalt  }
0x50: {  	_ =	shalt  }
0x51: {  	_ =	shalt  }
0x52: {  	_ =	shalt  }
0x53: {  	_ =	shalt  }
0x54: {  	_ =	shalt  }
0x55: {  	_ =	shalt  }
0x56: {  	_ =	shalt  }
0x57: {  	_ =	shalt  }
0x58: {  	_ =	shalt  }
0x59: {  	_ =	shalt  }
0x5a: {  	_ =	shalt  }
0x5b: {  	_ =	shalt  }
0x5c: {  	_ =	shalt  }
0x5d: {  	_ =	shalt  }
0x5e: {  	_ =	shalt  }
0x5f: {  	_ =	shalt  }
0x60: {  	_ =	shalt  }
0x61: {  	_ =	shalt  }
0x62: {  	_ =	shalt  }
0x63: {  	_ =	shalt  }
0x64: {  	_ =	shalt  }
0x65: {  	_ =	shalt  }
0x66: {  	_ =	shalt  }
0x67: {  	_ =	shalt  }
0x68: {  	_ =	shalt  }
0x69: {  	_ =	shalt  }
0x6a: {  	_ =	shalt  }
0x6b: {  	_ =	shalt  }
0x6c: {  	_ =	shalt  }
0x6d: {  	_ =	shalt  }
0x6e: {  	_ =	shalt  }
0x6f: {  	_ =	shalt  }
0x70: {  	_ =	shalt  }
0x71: {  	_ =	shalt  }
0x72: {  	_ =	shalt  }
0x73: {  	_ =	shalt  }
0x74: {  	_ =	shalt  }
0x75: {  	_ =	shalt  }
0x76: {  	_ =	shalt  }
0x77: {  	_ =	shalt  }
0x78: {  	_ =	shalt  }
0x79: {  	_ =	shalt  }
0x7a: {  	_ =	shalt  }
0x7b: {  	_ =	shalt  }
0x7c: {  	_ =	shalt  }
0x7d: {  	_ =	shalt  }
0x7e: {  	_ =	shalt  }
0x7f: {  	_ =	shalt  }
0x80: {  	_ =	shalt  }
0x81: {  	_ =	shalt  }
0x82: {  	_ =	shalt  }
0x83: {  	_ =	shalt  }
0x84: {  	_ =	shalt  }
0x85: {  	_ =	shalt  }
0x86: {  	_ =	shalt  }
0x87: {  	_ =	shalt  }
.Lfunc_end0:
.L_simem_size_0:
called_computation.2_lowered:
.L_overlay_start_0:
0x88: {  	s2 =	sld [smem:$0x3FD9]  }
0x89: {  	s3 =	sld [smem:$0x3FFE];
	_ =	sdelay $0x1  }
0x8a: {  	s1 =	srdreg.scid  }
0x8b: {  	s0 =	sand.u32 $0x1, s1  }
0x8c: {  	s14 =	sshll.u32 s0, $0xA;
	s2 =	sadd.s32 s3, s2  }
0x8d: {  	s2 =	sadd.s32 s2, s14  }
0x8e: {  	[smem:$0x3FBE] =	sst s2  }
0x8f: {  	_ = 	snop  }
0x90: {  	s2 =	sld [smem:$0x3FD0];
	_ =	sdelay $0x2  }
0x91: {  	s15 =	simm.s32 $0xA;
	s4 =	simm.s32 $0x10  }
0x92: {  	[smem:s4], [sflag:s15] =	dma.local [hbm:s2], $0x1  }
0x93: {  	_ =	swait.eq [sflag:s15], $0x1  }
0x94: {  	[sflag:s15] =	ssyncset.done $0x0  }
0x95: {  	[sflag:s15] =	ssyncadd.s32 $0xFFFFFFFF  }
0x96: {  	s16 =	sld [smem:$0x12];
	(tm) =	ssettm $0x1  }
0x97: {  	s17 =	sld [smem:$0x3FFB];
	_ =	sdelay $0x3  }
0x98: {  	_ =	strace s17  }
0x99: {  	s3 =	sld [smem:$0x3FFC];
	_ =	sdelay $0x3  }
0x9a: {  	_ =	strace s3  }
0x9b: {  	s3 =	sld [smem:$0x3FFD];
	_ =	sdelay $0x3  }
0x9c: {  	_ =	strace s3  }
0x9d: {  	_ =	strace $0x8FFFFFFF  }
0x9e: {  	s18 =	sld [smem:$0x3FDB];
	_ =	sdelay $0x1  }
0x9f: {  	s19 =	simm.s32 $_scs_section_size  }
0xa0: {  	s5 =	simm.s32 $_size__tile_overlayer_lowered;
	s6 =	simm.s32 $_tile_overlayer_lowered  }
0xa1: {  	s22 =	simm.s32 $0x1BFF;
	s21 =	sshll.u32 s6, $0x1;
	s3 =	sadd.s32 s19, s18  }
0xa2: {  	s7 =	simm.s32 $0x0;
	s20 =	sshll.u32 s5, $0x1;
	s5 =	sadd.s32 s21, s3  }
0xa3: {  	[timem:s7], [sflag:s22] =	dma.local [hbm:s5], s20  }
0xa4: {  	_ =	swait.ge [sflag:s22], s20  }
0xa5: {  	s4 =	ssub.s32 $0x0, s20;
	[sflag:s22] =	ssyncset.done $0x0  }
0xa6: {  	[sflag:s22] =	ssyncadd.s32 s4;
	_ =	sdelay $0x1  }
0xa7: {  	s23 =	simm.s32 $0x1B8B  }
0xa8: {  	_ =	swait.ge [sflag:s23], $0x1  }
0xa9: {  	[sflag:s23] =	ssyncset.done $0x0  }
0xaa: {  	s25 =	simm.s32 $0x1B8E;
	s24 =	sld [smem:$0x3FFE];
	[sflag:s23] =	ssyncadd.s32 $0xFFFFFFFF  }
0xab: {  	s26 =	simm.s32 $execute0_lowered;
	[smem:$0x3FD2] =	sst s25  }
0xac: {  	s5 =	sshll.u32 s26, $0x1;
	_ =	strace $0x8000004C;
	[dreg:$0x1] =	wrdreg $0xFFFFFFFF  }
0xad: {  	s28 =	simm.s32 $_size_execute0_lowered;
	s3 =	sadd.s32 s3, s5;
	[dreg:$0x0] =	wrdreg $0x0  }
0xae: {  	s5 =	sshll.u32 s28, $0x1;
	[dreg:$0x2] =	wrdreg s3  }
0xaf: {  	[dreg:$0x3] =	wrdreg s5  }
0xb0: {  	[dreg:$0x4] =	wrdreg $0xC0  }
0xb1: {  	_ =	task [dreg:s7], $0x5FFFF  }
0xb2: {  	[dreg:$0x1] =	wrdreg $0xFFFFFFFF  }
0xb3: {  	[dreg:$0x0] =	wrdreg $0x60  }
0xb4: {  	[dreg:$0x2] =	wrdreg s16  }
0xb5: {  	[dreg:$0x3] =	wrdreg s24  }
0xb6: {  	[dreg:$0x4] =	wrdreg $0x0  }
0xb7: {  	[dreg:$0x5] =	wrdreg $0x9  }
0xb8: {  	_ =	task.clear_ibuf [dreg:s7], $0x6FFFF;
	_ =	strace $0x9000004C  }
0xb9: {  	s29 =	simm.s32 $0x9;
	_ =	strace $0x8000004E  }
0xba: {  	_ =	swait.ge [sflag:s29], $0x1  }
0xbb: {  	[sflag:s29] =	ssyncadd.s32 $0xFFFFFFFF  }
0xbc: {  	_ =	strace $0x9000004E  }
0xbd: {  	_ =	sfence  }
0xbe: {  	s30 =	sld [smem:$0x0];
	_ =	sdelay $0x2  }
0xbf: {  	s31 =	sshll.u32 s1, $0xD;
	s1 =	sshrl.u32 s1, $0x2  }
0xc0: {  	s3 =	sand.u32 $0x4000, s31;
	s1 =	sadd.s32 s1, s30  }
0xc1: {  	s0 =	sor.u32 s3, s0;
	s1 =	sshll.u32 s1, $0x11  }
0xc2: {  	s0 =	sor.u32 s1, s0  }
0xc3: {  	s0 =	sadd.s32 $0x8F2B, s0  }
0xc4: {  	[sflag:s0] =	ssyncadd.remote.s32 $0x1  }
0xc5: {  	_ =	sfence.sel $0xFFFF  }
0xc6: {  	[dreg:$0x0] =	wrdreg $0xFFFFFFFF;
	(pc) =	sbr.abs _section_cstart, $3  }
0xc7: {  	[dreg:$0x1] =	wrdreg $0xFFFFFFFF  }
0xc8: {  	_ =	task.clear_ibuf [dreg:s7], $0x2FFFF;
	_ =	strace $0x9FFFFFFF  }
0xc9: {  	(tm) =	ssettm $0x7FFFFFFF  }
tec
execute0_lowered:
.L_overlay_start_1:
0x0: {  	(tag) =	ssettag $0x1  }
0x1: {  	s1 =	rddreg [dreg:$0x0]  }
0x2: {  	s0 =	rddreg [dreg:$0x1]  }
0x3: {  	s2 =	rddreg [dreg:$0x2]  }
0x4: {  	s3 =	srdreg.scid;
	s11 =	stileid.u32  }
0x5: {  	s4 =	simm.s32 $0x0;
	s3 =	sand.u32 $0x1, s3;
	s10 =	smul.u32 $0x50000, s11  }
0x6: {  	s28 =	simm.s32 $0x3;
	s30 =	simm.s32 $0x7;
	s5 =	smul.u32 $0x28000, s3  }
0x7: {  	[smem:$0x7FF] =	sst s4;
	s6 =	smul.u32 $0x1400, s3;
	s3 =	ssub.s32 $0x2, s3  }
0x8: {  	s7 =	sadd.s32 $0x2AA00, s0;
	s8 =	smul.u32 $0x140, s11;
	s20 =	sshrl.u32 s3, $0x1  }
0x9: {  	s9 =	sadd.s32 $0x2A00, s0;
	s21 =	sshrl.u32 s10, $0x2;
	s3 =	ssub.s32 s3, s20  }
0xa: {  	s0 =	sadd.s32 s5, s0;
	s5 =	sadd.s32 s21, s2;
	s3 =	smax.u32 s3, $0x1  }
0xb: {  	_ =	strace $0x8000004D;
	s10 =	sadd.s32 $0x4000, s5;
	[dreg:$0xc] =	wrdreg s3  }
0xc: {  	s12 =	smul.u32 $0x2800, s11;
	s13 =	sadd.s32 $0x5000, s5;
	[dreg:$0x10] =	wrdreg s10  }
0xd: {  	s11 =	simm.s32 $0x1A800;
	s14 =	sadd.s32 $0x6000, s5;
	[dreg:$0x11] =	wrdreg s13  }
0xe: {  	s6 =	sadd.s32 s8, s6;
	s15 =	sadd.s32 $0x7000, s5;
	[dreg:$0x12] =	wrdreg s14  }
0xf: {  	s6 =	sshll.u32 s6, $0x4;
	s16 =	sadd.s32 $0x8000, s5;
	[dreg:$0x13] =	wrdreg s15  }
0x10: {  	s17 =	sadd.s32 $0x9000, s5;
	s0 =	sadd.s32 s12, s0;
	[dreg:$0x14] =	wrdreg s16  }
0x11: {  	s18 =	sadd.s32 $0xA000, s5;
	s19 =	sadd.s32 $0xB000, s5;
	[dreg:$0x15] =	wrdreg s17  }
0x12: {  	s20 =	sadd.s32 $0xC000, s5;
	s21 =	sadd.s32 $0xD000, s5;
	[dreg:$0x16] =	wrdreg s18  }
0x13: {  	s12 =	simm.s32 $0x20;
	s22 =	sadd.s32 s7, s6;
	[dreg:$0x17] =	wrdreg s19  }
0x14: {  	s23 =	sadd.s32 $0x500, s6;
	s24 =	sadd.s32 s9, s6;
	[dreg:$0x18] =	wrdreg s20  }
0x15: {  	s26 =	sadd.s32 $0xA00, s6;
	s6 =	sadd.s32 $0xF00, s6;
	[dreg:$0x19] =	wrdreg s21  }
0x16: {  	s10 =	simm.s32 $0x18000;
	s14 =	simm.s32 $0x15000;
	[dreg:$0x4] =	wrdreg s22  }
0x17: {  	s16 =	simm.s32 $0x16000;
	[dreg:$0x5] =	wrdreg s24;
	s25 =	sadd.s32 s7, s23  }
0x18: {  	s18 =	simm.s32 $0x17000;
	s8 =	sadd.s32 s9, s23;
	[dreg:$0x6] =	wrdreg s25  }
0x19: {  	s19 =	simm.s32 $0x1;
	s29 =	sadd.s32 s7, s26;
	[dreg:$0x7] =	wrdreg s8  }
0x1a: {  	s20 =	simm.s32 $0x5;
	s31 =	sadd.s32 s9, s26;
	[dreg:$0x8] =	wrdreg s29  }
0x1b: {  	s13 =	simm.s32 $0x1CE00;
	s7 =	sadd.s32 s7, s6;
	[dreg:$0x9] =	wrdreg s31  }
0x1c: {  	s15 =	simm.s32 $0x1CE80;
	s6 =	sadd.s32 s9, s6;
	[dreg:$0xa] =	wrdreg s7  }
0x1d: {  	s17 =	simm.s32 $0x1CF00;
	s9 =	sadd.s32 $0x3000, s5;
	[dreg:$0xb] =	wrdreg s6  }
0x1e: {  	s21 =	simm.s32 $0x1CF80;
	s22 =	sadd.s32 $0xE000, s5;
	[dreg:$0xf] =	wrdreg s9  }
0x1f: {  	s23 =	sadd.s32 $0xF000, s5;
	s24 =	sadd.s32 $0x10000, s5;
	[dreg:$0x1a] =	wrdreg s22  }
0x20: {  	s26 =	sadd.s32 $0x11000, s5;
	s7 =	sadd.s32 $0x1000, s5;
	[dreg:$0x1b] =	wrdreg s23  }
0x21: {  	s8 =	sadd.s32 $0x2000, s5;
	s25 =	sadd.s32 $0x52A00, s0;
	[dreg:$0x1c] =	wrdreg s24  }
0x22: {  	[dreg:$0x1d] =	wrdreg s26;
	s29 =	sadd.s32 $0x12000, s5;
	s31 =	sadd.s32 $0x13000, s5  }
0x23: {  	s9 =	simm.s32 $0x9;
	s22 =	simm.s32 $0x2;
	[dreg:$0xd] =	wrdreg s7  }
0x24: {  	s24 =	simm.s32 $0x6;
	s0 =	simm.s32 $0x4;
	[dreg:$0xe] =	wrdreg s8  }
0x25: {  	s6 =	simm.s32 $0x8;
	s23 =	simm.s32 $0x0;
	[dreg:$0x1e] =	wrdreg s29  }
0x26: {  	v0 =	vimm.f32 $0.0e+00;
	[dreg:$0x1f] =	wrdreg s31;
	s8 =	simm.s32 $0x14000;
	s7 =	simm.s32 $0x1A780  }
.LBB2_1:
0x27: {  	s26 =	sand.u32 $0x3E00, s4  }
0x28: {  	s29 =	sand.u32 $0x70, s4;
	s31 =	sshrl.u32 s26, $0x2  }
0x29: {  	s26 =	simm.s32 $0x40;
	s31 =	sor.u32 s29, s31;
	s29 =	simm.s32 $0x0  }
.LBB2_2:
0x2a: {  	p0 =	sne.s32 s26, $0x3FC0  }
0x2b: {  	[tilespmem:s31+$0x14000] =	vst v0;
	s29 =	sadd.s32 $0x10, s29;
	s31 =	smov.u32 s26;
	s26 =	sadd.s32 $0x40, s26  }
.Ltmp0:
0x2c: {  	(pc) =	sbr.rel @p0 .LBB2_2-.Ltmp0, $4  }
0x2d: {  	_ = 	snop  }
0x2e: {  	s31 =	sand.u32 $0x3E00, s31  }
0x2f: {  	s3 =	sand.u32 $0x70, s29;
	s31 =	sshrl.u32 s31, $0x2  }
0x30: {  	s31 =	sor.u32 s3, s31  }
0x31: {  	[tilespmem:s31+$0x14000] =	vst v0  }
0x32: {  	[spmem:s5] =	stream.linear.scatter [tilespmem:s8], [sflag:$0x9], $0x1000, $0x38;
	[tilespmem:$0x1D000] =	vst v63  }
0x33: {  	_ =	swait.ge [sflag:s9], $0x1000  }
0x34: {  	[sflag:s9] =	ssyncset.done $0x0  }
0x35: {  	s3 =	rddreg [dreg:$0xd];
	[sflag:s9] =	ssyncadd.s32 $0xFFFFF000  }
0x36: {  	[spmem:s3] =	stream.linear.scatter [tilespmem:s8], [sflag:$0x9], $0x1000, $0x38;
	[tilespmem:$0x1D000] =	vst v63  }
0x37: {  	_ =	swait.ge [sflag:s9], $0x1000  }
0x38: {  	[sflag:s9] =	ssyncset.done $0x0  }
0x39: {  	s26 =	rddreg [dreg:$0xe];
	[sflag:s9] =	ssyncadd.s32 $0xFFFFF000  }
0x3a: {  	[spmem:s26] =	stream.linear.scatter [tilespmem:s8], [sflag:$0x9], $0x1000, $0x38;
	[tilespmem:$0x1D000] =	vst v63  }
0x3b: {  	_ =	swait.ge [sflag:s9], $0x1000  }
0x3c: {  	[sflag:s9] =	ssyncset.done $0x0  }
0x3d: {  	s26 =	rddreg [dreg:$0xf];
	[sflag:s9] =	ssyncadd.s32 $0xFFFFF000  }
0x3e: {  	[spmem:s26] =	stream.linear.scatter [tilespmem:s8], [sflag:$0x9], $0x1000, $0x38;
	[tilespmem:$0x1D000] =	vst v63  }
0x3f: {  	_ =	swait.ge [sflag:s9], $0x1000  }
0x40: {  	[sflag:s9] =	ssyncset.done $0x0  }
0x41: {  	s26 =	rddreg [dreg:$0x10];
	[sflag:s9] =	ssyncadd.s32 $0xFFFFF000  }
0x42: {  	[spmem:s26] =	stream.linear.scatter [tilespmem:s8], [sflag:$0x9], $0x1000, $0x38;
	[tilespmem:$0x1D000] =	vst v63  }
0x43: {  	_ =	swait.ge [sflag:s9], $0x1000  }
0x44: {  	[sflag:s9] =	ssyncset.done $0x0  }
0x45: {  	s26 =	rddreg [dreg:$0x11];
	[sflag:s9] =	ssyncadd.s32 $0xFFFFF000  }
0x46: {  	[spmem:s26] =	stream.linear.scatter [tilespmem:s8], [sflag:$0x9], $0x1000, $0x38;
	[tilespmem:$0x1D000] =	vst v63  }
0x47: {  	_ =	swait.ge [sflag:s9], $0x1000  }
0x48: {  	[sflag:s9] =	ssyncset.done $0x0  }
0x49: {  	s26 =	rddreg [dreg:$0x12];
	[sflag:s9] =	ssyncadd.s32 $0xFFFFF000  }
0x4a: {  	[spmem:s26] =	stream.linear.scatter [tilespmem:s8], [sflag:$0x9], $0x1000, $0x38;
	[tilespmem:$0x1D000] =	vst v63  }
0x4b: {  	_ =	swait.ge [sflag:s9], $0x1000  }
0x4c: {  	[sflag:s9] =	ssyncset.done $0x0  }
0x4d: {  	s26 =	rddreg [dreg:$0x13];
	[sflag:s9] =	ssyncadd.s32 $0xFFFFF000  }
0x4e: {  	[spmem:s26] =	stream.linear.scatter [tilespmem:s8], [sflag:$0x9], $0x1000, $0x38;
	[tilespmem:$0x1D000] =	vst v63  }
0x4f: {  	_ =	swait.ge [sflag:s9], $0x1000  }
0x50: {  	[sflag:s9] =	ssyncset.done $0x0  }
0x51: {  	s26 =	rddreg [dreg:$0x14];
	[sflag:s9] =	ssyncadd.s32 $0xFFFFF000  }
0x52: {  	[spmem:s26] =	stream.linear.scatter [tilespmem:s8], [sflag:$0x9], $0x1000, $0x38;
	[tilespmem:$0x1D000] =	vst v63  }
0x53: {  	_ =	swait.ge [sflag:s9], $0x1000  }
0x54: {  	[sflag:s9] =	ssyncset.done $0x0  }
0x55: {  	s26 =	rddreg [dreg:$0x15];
	[sflag:s9] =	ssyncadd.s32 $0xFFFFF000  }
0x56: {  	[spmem:s26] =	stream.linear.scatter [tilespmem:s8], [sflag:$0x9], $0x1000, $0x38;
	[tilespmem:$0x1D000] =	vst v63  }
0x57: {  	_ =	swait.ge [sflag:s9], $0x1000  }
0x58: {  	[sflag:s9] =	ssyncset.done $0x0  }
0x59: {  	s26 =	rddreg [dreg:$0x16];
	[sflag:s9] =	ssyncadd.s32 $0xFFFFF000  }
0x5a: {  	[spmem:s26] =	stream.linear.scatter [tilespmem:s8], [sflag:$0x9], $0x1000, $0x38;
	[tilespmem:$0x1D000] =	vst v63  }
0x5b: {  	_ =	swait.ge [sflag:s9], $0x1000  }
0x5c: {  	[sflag:s9] =	ssyncset.done $0x0  }
0x5d: {  	s26 =	rddreg [dreg:$0x17];
	[sflag:s9] =	ssyncadd.s32 $0xFFFFF000  }
0x5e: {  	[spmem:s26] =	stream.linear.scatter [tilespmem:s8], [sflag:$0x9], $0x1000, $0x38;
	[tilespmem:$0x1D000] =	vst v63  }
0x5f: {  	_ =	swait.ge [sflag:s9], $0x1000  }
0x60: {  	[sflag:s9] =	ssyncset.done $0x0  }
0x61: {  	s26 =	rddreg [dreg:$0x18];
	[sflag:s9] =	ssyncadd.s32 $0xFFFFF000  }
0x62: {  	[spmem:s26] =	stream.linear.scatter [tilespmem:s8], [sflag:$0x9], $0x1000, $0x38;
	[tilespmem:$0x1D000] =	vst v63  }
0x63: {  	_ =	swait.ge [sflag:s9], $0x1000  }
0x64: {  	[sflag:s9] =	ssyncset.done $0x0  }
0x65: {  	s26 =	rddreg [dreg:$0x19];
	[sflag:s9] =	ssyncadd.s32 $0xFFFFF000  }
0x66: {  	[spmem:s26] =	stream.linear.scatter [tilespmem:s8], [sflag:$0x9], $0x1000, $0x38;
	[tilespmem:$0x1D000] =	vst v63  }
0x67: {  	_ =	swait.ge [sflag:s9], $0x1000  }
0x68: {  	[sflag:s9] =	ssyncset.done $0x0  }
0x69: {  	s26 =	rddreg [dreg:$0x1a];
	[sflag:s9] =	ssyncadd.s32 $0xFFFFF000  }
0x6a: {  	[spmem:s26] =	stream.linear.scatter [tilespmem:s8], [sflag:$0x9], $0x1000, $0x38;
	[tilespmem:$0x1D000] =	vst v63  }
0x6b: {  	_ =	swait.ge [sflag:s9], $0x1000  }
0x6c: {  	[sflag:s9] =	ssyncset.done $0x0  }
0x6d: {  	s26 =	rddreg [dreg:$0x1b];
	[sflag:s9] =	ssyncadd.s32 $0xFFFFF000  }
0x6e: {  	[spmem:s26] =	stream.linear.scatter [tilespmem:s8], [sflag:$0x9], $0x1000, $0x38;
	[tilespmem:$0x1D000] =	vst v63  }
0x6f: {  	_ =	swait.ge [sflag:s9], $0x1000  }
0x70: {  	[sflag:s9] =	ssyncset.done $0x0  }
0x71: {  	s26 =	rddreg [dreg:$0x1c];
	[sflag:s9] =	ssyncadd.s32 $0xFFFFF000  }
0x72: {  	[spmem:s26] =	stream.linear.scatter [tilespmem:s8], [sflag:$0x9], $0x1000, $0x38;
	[tilespmem:$0x1D000] =	vst v63  }
0x73: {  	_ =	swait.ge [sflag:s9], $0x1000  }
0x74: {  	[sflag:s9] =	ssyncset.done $0x0  }
0x75: {  	s26 =	rddreg [dreg:$0x1d];
	[sflag:s9] =	ssyncadd.s32 $0xFFFFF000  }
0x76: {  	[spmem:s26] =	stream.linear.scatter [tilespmem:s8], [sflag:$0x9], $0x1000, $0x38;
	[tilespmem:$0x1D000] =	vst v63  }
0x77: {  	_ =	swait.ge [sflag:s9], $0x1000  }
0x78: {  	[sflag:s9] =	ssyncset.done $0x0  }
0x79: {  	s26 =	rddreg [dreg:$0x1e];
	[sflag:s9] =	ssyncadd.s32 $0xFFFFF000  }
0x7a: {  	[spmem:s26] =	stream.linear.scatter [tilespmem:s8], [sflag:$0x9], $0x1000, $0x38;
	[tilespmem:$0x1D000] =	vst v63  }
0x7b: {  	_ =	swait.ge [sflag:s9], $0x1000  }
0x7c: {  	[sflag:s9] =	ssyncset.done $0x0  }
0x7d: {  	s26 =	rddreg [dreg:$0x1f];
	[sflag:s9] =	ssyncadd.s32 $0xFFFFF000  }
0x7e: {  	[spmem:s26] =	stream.linear.scatter [tilespmem:s8], [sflag:$0x9], $0x1000, $0x38;
	[tilespmem:$0x1D000] =	vst v63  }
0x7f: {  	_ =	swait.ge [sflag:s9], $0x1000  }
0x80: {  	[sflag:s9] =	ssyncset.done $0x0  }
0x81: {  	[sflag:s9] =	ssyncadd.s32 $0xFFFFF000  }
0x82: {  	[bflag:$0x0] =	sbarrier.arrive $0xFFFF  }
0x83: {  	s3 =	simm.s32 $0x0;
	s26 =	rddreg [dreg:$0x4]  }
0x84: {  	[tilespmem:s10], [sflag:$0x9] =	stream.linear.gather [hbm4b:s26+s3], $0x2800, $0x38;
	[tilespmem:$0x1D000] =	vst v63  }
0x85: {  	_ =	swait.ge [sflag:s9], $0x2800  }
0x86: {  	[sflag:s9] =	ssyncset.done $0x0  }
0x87: {  	s26 =	rddreg [dreg:$0x5];
	[sflag:s9] =	ssyncadd.s32 $0xFFFFD800  }
0x88: {  	[tilespmem:s11], [sflag:$0x9] =	stream.linear.gather [hbm4b:s26+s3], $0x2800, $0x38;
	[tilespmem:$0x1D000] =	vst v63  }
0x89: {  	_ =	swait.ge [sflag:s9], $0x2800  }
0x8a: {  	[sflag:s9] =	ssyncset.done $0x0  }
0x8b: {  	[sflag:s9] =	ssyncadd.s32 $0xFFFFD800  }
0x8c: {  	[tilespmem:s8], [sflag:$0x1] =	stream.indirect.gather [hbm4b:s1+s12], $0x80, s10, s12, $0xb8;
	[tilespmem:$0x1D000] =	vst v63  }
0x8d: {  	s31 =	simm.s32 $0x18080  }
0x8e: {  	[tilespmem:s14], [sflag:$0x2] =	stream.indirect.gather [hbm4b:s1+s12], $0x80, s31, s12, $0xb8;
	[tilespmem:$0x1D000] =	vst v63  }
0x8f: {  	s26 =	simm.s32 $0x18100  }
0x90: {  	[tilespmem:s16], [sflag:$0x3] =	stream.indirect.gather [hbm4b:s1+s12], $0x80, s26, s12, $0xb8;
	[tilespmem:$0x1D000] =	vst v63  }
0x91: {  	s26 =	simm.s32 $0x18180  }
0x92: {  	[tilespmem:s18], [sflag:$0x4] =	stream.indirect.gather [hbm4b:s1+s12], $0x80, s26, s12, $0xb8;
	[tilespmem:$0x1D000] =	vst v63  }
0x93: {  	_ =	swait.ge [sflag:s19], $0x1000  }
0x94: {  	[sflag:s19] =	ssyncset.done $0x0  }
0x95: {  	[sflag:s19] =	ssyncadd.s32 $0xFFFFF000  }
0x96: {  	[spmem:s2] =	stream.indirect.scatter.add.f32 [tilespmem:s8], [sflag:$0x5], $0x80, s11, s12, $0xb8;
	[tilespmem:$0x1D000] =	vst v63  }
0x97: {  	_ =	swait.ge [sflag:s20], $0x1000  }
0x98: {  	[sflag:s20] =	ssyncset.done $0x0  }
0x99: {  	s26 =	simm.s32 $0x18200;
	[sflag:s20] =	ssyncadd.s32 $0xFFFFF000  }
0x9a: {  	[tilespmem:s8], [sflag:$0x1] =	stream.indirect.gather [hbm4b:s1+s12], $0x80, s26, s12, $0xb8;
	[tilespmem:$0x1D000] =	vst v63  }
0x9b: {  	_ =	swait.ge [sflag:s22], $0x1000  }
0x9c: {  	[sflag:s22] =	ssyncset.done $0x0  }
0x9d: {  	s26 =	simm.s32 $0x1A880;
	[sflag:s22] =	ssyncadd.s32 $0xFFFFF000  }
0x9e: {  	[spmem:s2] =	stream.indirect.scatter.add.f32 [tilespmem:s14], [sflag:$0x6], $0x80, s26, s12, $0xb8;
	[tilespmem:$0x1D000] =	vst v63  }
0x9f: {  	_ =	swait.ge [sflag:s24], $0x1000  }
0xa0: {  	[sflag:s24] =	ssyncset.done $0x0  }
0xa1: {  	s26 =	simm.s32 $0x18280;
	[sflag:s24] =	ssyncadd.s32 $0xFFFFF000  }
0xa2: {  	[tilespmem:s14], [sflag:$0x2] =	stream.indirect.gather [hbm4b:s1+s12], $0x80, s26, s12, $0xb8;
	[tilespmem:$0x1D000] =	vst v63  }
0xa3: {  	_ =	swait.ge [sflag:s28], $0x1000  }
0xa4: {  	[sflag:s28] =	ssyncset.done $0x0  }
0xa5: {  	s26 =	simm.s32 $0x1A900;
	[sflag:s28] =	ssyncadd.s32 $0xFFFFF000  }
0xa6: {  	[spmem:s2] =	stream.indirect.scatter.add.f32 [tilespmem:s16], [sflag:$0x7], $0x80, s26, s12, $0xb8;
	[tilespmem:$0x1D000] =	vst v63  }
0xa7: {  	_ =	swait.ge [sflag:s30], $0x1000  }
0xa8: {  	[sflag:s30] =	ssyncset.done $0x0  }
0xa9: {  	s26 =	simm.s32 $0x18300;
	[sflag:s30] =	ssyncadd.s32 $0xFFFFF000  }
0xaa: {  	[tilespmem:s16], [sflag:$0x3] =	stream.indirect.gather [hbm4b:s1+s12], $0x80, s26, s12, $0xb8;
	[tilespmem:$0x1D000] =	vst v63  }
0xab: {  	_ =	swait.ge [sflag:s0], $0x1000  }
0xac: {  	[sflag:s0] =	ssyncset.done $0x0  }
0xad: {  	s26 =	simm.s32 $0x1A980;
	[sflag:s0] =	ssyncadd.s32 $0xFFFFF000  }
0xae: {  	[spmem:s2] =	stream.indirect.scatter.add.f32 [tilespmem:s18], [sflag:$0x8], $0x80, s26, s12, $0xb8;
	[tilespmem:$0x1D000] =	vst v63  }
0xaf: {  	_ =	swait.ge [sflag:s6], $0x1000  }
0xb0: {  	[sflag:s6] =	ssyncset.done $0x0  }
0xb1: {  	s26 =	simm.s32 $0x18380;
	[sflag:s6] =	ssyncadd.s32 $0xFFFFF000  }
0xb2: {  	[tilespmem:s18], [sflag:$0x4] =	stream.indirect.gather [hbm4b:s1+s12], $0x80, s26, s12, $0xb8;
	[tilespmem:$0x1D000] =	vst v63  }
0xb3: {  	_ =	swait.ge [sflag:s19], $0x1000  }
0xb4: {  	[sflag:s19] =	ssyncset.done $0x0  }
0xb5: {  	s26 =	simm.s32 $0x1AA00;
	[sflag:s19] =	ssyncadd.s32 $0xFFFFF000  }
0xb6: {  	[spmem:s2] =	stream.indirect.scatter.add.f32 [tilespmem:s8], [sflag:$0x5], $0x80, s26, s12, $0xb8;
	[tilespmem:$0x1D000] =	vst v63  }
0xb7: {  	_ =	swait.ge [sflag:s20], $0x1000  }
0xb8: {  	[sflag:s20] =	ssyncset.done $0x0  }
0xb9: {  	s26 =	simm.s32 $0x18400;
	[sflag:s20] =	ssyncadd.s32 $0xFFFFF000  }
0xba: {  	[tilespmem:s8], [sflag:$0x1] =	stream.indirect.gather [hbm4b:s1+s12], $0x80, s26, s12, $0xb8;
	[tilespmem:$0x1D000] =	vst v63  }
0xbb: {  	_ =	swait.ge [sflag:s22], $0x1000  }
0xbc: {  	[sflag:s22] =	ssyncset.done $0x0  }
0xbd: {  	s26 =	simm.s32 $0x1AA80;
	[sflag:s22] =	ssyncadd.s32 $0xFFFFF000  }
0xbe: {  	[spmem:s2] =	stream.indirect.scatter.add.f32 [tilespmem:s14], [sflag:$0x6], $0x80, s26, s12, $0xb8;
	[tilespmem:$0x1D000] =	vst v63  }
0xbf: {  	_ =	swait.ge [sflag:s24], $0x1000  }
0xc0: {  	[sflag:s24] =	ssyncset.done $0x0  }
0xc1: {  	s26 =	simm.s32 $0x18480;
	[sflag:s24] =	ssyncadd.s32 $0xFFFFF000  }
0xc2: {  	[tilespmem:s14], [sflag:$0x2] =	stream.indirect.gather [hbm4b:s1+s12], $0x80, s26, s12, $0xb8;
	[tilespmem:$0x1D000] =	vst v63  }
0xc3: {  	_ =	swait.ge [sflag:s28], $0x1000  }
0xc4: {  	[sflag:s28] =	ssyncset.done $0x0  }
0xc5: {  	s26 =	simm.s32 $0x1AB00;
	[sflag:s28] =	ssyncadd.s32 $0xFFFFF000  }
0xc6: {  	[spmem:s2] =	stream.indirect.scatter.add.f32 [tilespmem:s16], [sflag:$0x7], $0x80, s26, s12, $0xb8;
	[tilespmem:$0x1D000] =	vst v63  }
0xc7: {  	_ =	swait.ge [sflag:s30], $0x1000  }
0xc8: {  	[sflag:s30] =	ssyncset.done $0x0  }
0xc9: {  	s26 =	simm.s32 $0x18500;
	[sflag:s30] =	ssyncadd.s32 $0xFFFFF000  }
0xca: {  	[tilespmem:s16], [sflag:$0x3] =	stream.indirect.gather [hbm4b:s1+s12], $0x80, s26, s12, $0xb8;
	[tilespmem:$0x1D000] =	vst v63  }
0xcb: {  	_ =	swait.ge [sflag:s0], $0x1000  }
0xcc: {  	[sflag:s0] =	ssyncset.done $0x0  }
0xcd: {  	s29 =	simm.s32 $0x1AB80;
	s26 =	simm.s32 $0x800;
	[sflag:s0] =	ssyncadd.s32 $0xFFFFF000  }
.LBB2_4:
0xce: {  	[spmem:s2] =	stream.indirect.scatter.add.f32 [tilespmem:s18], [sflag:$0x8], $0x80, s29, s12, $0xb8;
	[tilespmem:$0x1D000] =	vst v63  }
0xcf: {  	s3 =	smov.u32 s26  }
0xd0: {  	p0 =	sne.s32 s26, $0x8800;
	s26 =	sadd.s32 $0x800, s26;
	_ =	swait.ge [sflag:s6], $0x1000  }
0xd1: {  	s29 =	sshra.s32 s3, $0x2;
	[sflag:s6] =	ssyncset.done $0x0  }
0xd2: {  	s3 =	sadd.s32 $0x18380, s29;
	[sflag:s6] =	ssyncadd.s32 $0xFFFFF000  }
0xd3: {  	[tilespmem:s18], [sflag:$0x4] =	stream.indirect.gather [hbm4b:s1+s12], $0x80, s3, s12, $0xb8;
	[tilespmem:$0x1D000] =	vst v63  }
0xd4: {  	_ =	swait.ge [sflag:s19], $0x1000  }
0xd5: {  	[sflag:s19] =	ssyncset.done $0x0  }
0xd6: {  	s3 =	sadd.s32 $0x1AA00, s29;
	[sflag:s19] =	ssyncadd.s32 $0xFFFFF000  }
0xd7: {  	[spmem:s2] =	stream.indirect.scatter.add.f32 [tilespmem:s8], [sflag:$0x5], $0x80, s3, s12, $0xb8;
	[tilespmem:$0x1D000] =	vst v63  }
0xd8: {  	_ =	swait.ge [sflag:s20], $0x1000  }
0xd9: {  	[sflag:s20] =	ssyncset.done $0x0  }
0xda: {  	s3 =	sadd.s32 $0x18400, s29;
	[sflag:s20] =	ssyncadd.s32 $0xFFFFF000  }
0xdb: {  	[tilespmem:s8], [sflag:$0x1] =	stream.indirect.gather [hbm4b:s1+s12], $0x80, s3, s12, $0xb8;
	[tilespmem:$0x1D000] =	vst v63  }
0xdc: {  	_ =	swait.ge [sflag:s22], $0x1000  }
0xdd: {  	[sflag:s22] =	ssyncset.done $0x0  }
0xde: {  	s3 =	sadd.s32 $0x1AA80, s29;
	[sflag:s22] =	ssyncadd.s32 $0xFFFFF000  }
0xdf: {  	[spmem:s2] =	stream.indirect.scatter.add.f32 [tilespmem:s14], [sflag:$0x6], $0x80, s3, s12, $0xb8;
	[tilespmem:$0x1D000] =	vst v63  }
0xe0: {  	_ =	swait.ge [sflag:s24], $0x1000  }
0xe1: {  	[sflag:s24] =	ssyncset.done $0x0  }
0xe2: {  	s3 =	sadd.s32 $0x18480, s29;
	[sflag:s24] =	ssyncadd.s32 $0xFFFFF000  }
0xe3: {  	[tilespmem:s14], [sflag:$0x2] =	stream.indirect.gather [hbm4b:s1+s12], $0x80, s3, s12, $0xb8;
	[tilespmem:$0x1D000] =	vst v63  }
0xe4: {  	_ =	swait.ge [sflag:s28], $0x1000  }
0xe5: {  	[sflag:s28] =	ssyncset.done $0x0  }
0xe6: {  	s3 =	sadd.s32 $0x1AB00, s29;
	[sflag:s28] =	ssyncadd.s32 $0xFFFFF000  }
0xe7: {  	[spmem:s2] =	stream.indirect.scatter.add.f32 [tilespmem:s16], [sflag:$0x7], $0x80, s3, s12, $0xb8;
	[tilespmem:$0x1D000] =	vst v63  }
0xe8: {  	_ =	swait.ge [sflag:s30], $0x1000  }
0xe9: {  	[sflag:s30] =	ssyncset.done $0x0  }
.Ltmp1:
0xea: {  	s3 =	sadd.s32 $0x18500, s29;
	[sflag:s30] =	ssyncadd.s32 $0xFFFFF000;
	(pc) =	sbr.rel @p0 .LBB2_4-.Ltmp1, $4  }
0xeb: {  	[tilespmem:s16], [sflag:$0x3] =	stream.indirect.gather [hbm4b:s1+s12], $0x80, s3, s12, $0xb8;
	[tilespmem:$0x1D000] =	vst v63  }
0xec: {  	_ =	swait.ge [sflag:s0], $0x1000  }
0xed: {  	[sflag:s0] =	ssyncset.done $0x0  }
0xee: {  	s29 =	sadd.s32 $0x1AB80, s29;
	[sflag:s0] =	ssyncadd.s32 $0xFFFFF000  }
0xef: {  	[spmem:s2] =	stream.indirect.scatter.add.f32 [tilespmem:s18], [sflag:$0x8], $0x80, s29, s12, $0xb8;
	[tilespmem:$0x1D000] =	vst v63  }
0xf0: {  	_ =	swait.ge [sflag:s6], $0x1000  }
0xf1: {  	[sflag:s6] =	ssyncset.done $0x0  }
0xf2: {  	[sflag:s6] =	ssyncadd.s32 $0xFFFFF000  }
0xf3: {  	[tilespmem:s18], [sflag:$0x4] =	stream.indirect.gather [hbm4b:s1+s12], $0x80, s7, s12, $0xb8;
	[tilespmem:$0x1D000] =	vst v63  }
0xf4: {  	_ =	swait.ge [sflag:s19], $0x1000  }
0xf5: {  	[sflag:s19] =	ssyncset.done $0x0  }
0xf6: {  	[sflag:s19] =	ssyncadd.s32 $0xFFFFF000  }
0xf7: {  	[spmem:s2] =	stream.indirect.scatter.add.f32 [tilespmem:s8], [sflag:$0x5], $0x80, s13, s12, $0xb8;
	[tilespmem:$0x1D000] =	vst v63  }
0xf8: {  	_ =	swait.ge [sflag:s20], $0x1000  }
0xf9: {  	[sflag:s20] =	ssyncset.done $0x0  }
0xfa: {  	[sflag:s20] =	ssyncadd.s32 $0xFFFFF000  }
0xfb: {  	_ =	swait.ge [sflag:s22], $0x1000  }
0xfc: {  	[sflag:s22] =	ssyncset.done $0x0  }
0xfd: {  	[sflag:s22] =	ssyncadd.s32 $0xFFFFF000  }
0xfe: {  	[spmem:s2] =	stream.indirect.scatter.add.f32 [tilespmem:s14], [sflag:$0x6], $0x80, s15, s12, $0xb8;
	[tilespmem:$0x1D000] =	vst v63  }
0xff: {  	_ =	swait.ge [sflag:s24], $0x1000  }
0x100: {  	[sflag:s24] =	ssyncset.done $0x0  }
0x101: {  	[sflag:s24] =	ssyncadd.s32 $0xFFFFF000  }
0x102: {  	_ =	swait.ge [sflag:s28], $0x1000  }
0x103: {  	[sflag:s28] =	ssyncset.done $0x0  }
0x104: {  	[sflag:s28] =	ssyncadd.s32 $0xFFFFF000  }
0x105: {  	[spmem:s2] =	stream.indirect.scatter.add.f32 [tilespmem:s16], [sflag:$0x7], $0x80, s17, s12, $0xb8;
	[tilespmem:$0x1D000] =	vst v63  }
0x106: {  	_ =	swait.ge [sflag:s30], $0x1000  }
0x107: {  	[sflag:s30] =	ssyncset.done $0x0  }
0x108: {  	[sflag:s30] =	ssyncadd.s32 $0xFFFFF000  }
0x109: {  	_ =	swait.ge [sflag:s0], $0x1000  }
0x10a: {  	[sflag:s0] =	ssyncset.done $0x0  }
0x10b: {  	[sflag:s0] =	ssyncadd.s32 $0xFFFFF000  }
0x10c: {  	[spmem:s2] =	stream.indirect.scatter.add.f32 [tilespmem:s18], [sflag:$0x8], $0x80, s21, s12, $0xb8;
	[tilespmem:$0x1D000] =	vst v63  }
0x10d: {  	_ =	swait.ge [sflag:s6], $0x1000  }
0x10e: {  	[sflag:s6] =	ssyncset.done $0x0  }
0x10f: {  	s3 =	simm.s32 $0x0;
	s26 =	rddreg [dreg:$0x6];
	[sflag:s6] =	ssyncadd.s32 $0xFFFFF000  }
0x110: {  	[tilespmem:s10], [sflag:$0x9] =	stream.linear.gather [hbm4b:s26+s3], $0x2800, $0x38;
	[tilespmem:$0x1D000] =	vst v63  }
0x111: {  	_ =	swait.ge [sflag:s9], $0x2800  }
0x112: {  	[sflag:s9] =	ssyncset.done $0x0  }
0x113: {  	s26 =	rddreg [dreg:$0x7];
	[sflag:s9] =	ssyncadd.s32 $0xFFFFD800  }
0x114: {  	[tilespmem:s11], [sflag:$0x9] =	stream.linear.gather [hbm4b:s26+s3], $0x2800, $0x38;
	[tilespmem:$0x1D000] =	vst v63  }
0x115: {  	_ =	swait.ge [sflag:s9], $0x2800  }
0x116: {  	[sflag:s9] =	ssyncset.done $0x0  }
0x117: {  	[sflag:s9] =	ssyncadd.s32 $0xFFFFD800  }
0x118: {  	[tilespmem:s8], [sflag:$0x1] =	stream.indirect.gather [hbm4b:s1+s12], $0x80, s10, s12, $0xb8;
	[tilespmem:$0x1D000] =	vst v63  }
0x119: {  	_ = 	snop  }
0x11a: {  	[tilespmem:s14], [sflag:$0x2] =	stream.indirect.gather [hbm4b:s1+s12], $0x80, s31, s12, $0xb8;
	[tilespmem:$0x1D000] =	vst v63  }
0x11b: {  	s26 =	simm.s32 $0x18100  }
0x11c: {  	[tilespmem:s16], [sflag:$0x3] =	stream.indirect.gather [hbm4b:s1+s12], $0x80, s26, s12, $0xb8;
	[tilespmem:$0x1D000] =	vst v63  }
0x11d: {  	s26 =	simm.s32 $0x18180  }
0x11e: {  	[tilespmem:s18], [sflag:$0x4] =	stream.indirect.gather [hbm4b:s1+s12], $0x80, s26, s12, $0xb8;
	[tilespmem:$0x1D000] =	vst v63  }
0x11f: {  	_ =	swait.ge [sflag:s19], $0x1000  }
0x120: {  	[sflag:s19] =	ssyncset.done $0x0  }
0x121: {  	[sflag:s19] =	ssyncadd.s32 $0xFFFFF000  }
0x122: {  	[spmem:s2] =	stream.indirect.scatter.add.f32 [tilespmem:s8], [sflag:$0x5], $0x80, s11, s12, $0xb8;
	[tilespmem:$0x1D000] =	vst v63  }
0x123: {  	_ =	swait.ge [sflag:s20], $0x1000  }
0x124: {  	[sflag:s20] =	ssyncset.done $0x0  }
0x125: {  	s26 =	simm.s32 $0x18200;
	[sflag:s20] =	ssyncadd.s32 $0xFFFFF000  }
0x126: {  	[tilespmem:s8], [sflag:$0x1] =	stream.indirect.gather [hbm4b:s1+s12], $0x80, s26, s12, $0xb8;
	[tilespmem:$0x1D000] =	vst v63  }
0x127: {  	_ =	swait.ge [sflag:s22], $0x1000  }
0x128: {  	[sflag:s22] =	ssyncset.done $0x0  }
0x129: {  	s26 =	simm.s32 $0x1A880;
	[sflag:s22] =	ssyncadd.s32 $0xFFFFF000  }
0x12a: {  	[spmem:s2] =	stream.indirect.scatter.add.f32 [tilespmem:s14], [sflag:$0x6], $0x80, s26, s12, $0xb8;
	[tilespmem:$0x1D000] =	vst v63  }
0x12b: {  	_ =	swait.ge [sflag:s24], $0x1000  }
0x12c: {  	[sflag:s24] =	ssyncset.done $0x0  }
0x12d: {  	s26 =	simm.s32 $0x18280;
	[sflag:s24] =	ssyncadd.s32 $0xFFFFF000  }
0x12e: {  	[tilespmem:s14], [sflag:$0x2] =	stream.indirect.gather [hbm4b:s1+s12], $0x80, s26, s12, $0xb8;
	[tilespmem:$0x1D000] =	vst v63  }
0x12f: {  	_ =	swait.ge [sflag:s28], $0x1000  }
0x130: {  	[sflag:s28] =	ssyncset.done $0x0  }
0x131: {  	s26 =	simm.s32 $0x1A900;
	[sflag:s28] =	ssyncadd.s32 $0xFFFFF000  }
0x132: {  	[spmem:s2] =	stream.indirect.scatter.add.f32 [tilespmem:s16], [sflag:$0x7], $0x80, s26, s12, $0xb8;
	[tilespmem:$0x1D000] =	vst v63  }
0x133: {  	_ =	swait.ge [sflag:s30], $0x1000  }
0x134: {  	[sflag:s30] =	ssyncset.done $0x0  }
0x135: {  	s26 =	simm.s32 $0x18300;
	[sflag:s30] =	ssyncadd.s32 $0xFFFFF000  }
0x136: {  	[tilespmem:s16], [sflag:$0x3] =	stream.indirect.gather [hbm4b:s1+s12], $0x80, s26, s12, $0xb8;
	[tilespmem:$0x1D000] =	vst v63  }
0x137: {  	_ =	swait.ge [sflag:s0], $0x1000  }
0x138: {  	[sflag:s0] =	ssyncset.done $0x0  }
0x139: {  	s26 =	simm.s32 $0x1A980;
	[sflag:s0] =	ssyncadd.s32 $0xFFFFF000  }
0x13a: {  	[spmem:s2] =	stream.indirect.scatter.add.f32 [tilespmem:s18], [sflag:$0x8], $0x80, s26, s12, $0xb8;
	[tilespmem:$0x1D000] =	vst v63  }
0x13b: {  	_ =	swait.ge [sflag:s6], $0x1000  }
0x13c: {  	[sflag:s6] =	ssyncset.done $0x0  }
0x13d: {  	s26 =	simm.s32 $0x18380;
	[sflag:s6] =	ssyncadd.s32 $0xFFFFF000  }
0x13e: {  	[tilespmem:s18], [sflag:$0x4] =	stream.indirect.gather [hbm4b:s1+s12], $0x80, s26, s12, $0xb8;
	[tilespmem:$0x1D000] =	vst v63  }
0x13f: {  	_ =	swait.ge [sflag:s19], $0x1000  }
0x140: {  	[sflag:s19] =	ssyncset.done $0x0  }
0x141: {  	s26 =	simm.s32 $0x1AA00;
	[sflag:s19] =	ssyncadd.s32 $0xFFFFF000  }
0x142: {  	[spmem:s2] =	stream.indirect.scatter.add.f32 [tilespmem:s8], [sflag:$0x5], $0x80, s26, s12, $0xb8;
	[tilespmem:$0x1D000] =	vst v63  }
0x143: {  	_ =	swait.ge [sflag:s20], $0x1000  }
0x144: {  	[sflag:s20] =	ssyncset.done $0x0  }
0x145: {  	s26 =	simm.s32 $0x18400;
	[sflag:s20] =	ssyncadd.s32 $0xFFFFF000  }
0x146: {  	[tilespmem:s8], [sflag:$0x1] =	stream.indirect.gather [hbm4b:s1+s12], $0x80, s26, s12, $0xb8;
	[tilespmem:$0x1D000] =	vst v63  }
0x147: {  	_ =	swait.ge [sflag:s22], $0x1000  }
0x148: {  	[sflag:s22] =	ssyncset.done $0x0  }
0x149: {  	s26 =	simm.s32 $0x1AA80;
	[sflag:s22] =	ssyncadd.s32 $0xFFFFF000  }
0x14a: {  	[spmem:s2] =	stream.indirect.scatter.add.f32 [tilespmem:s14], [sflag:$0x6], $0x80, s26, s12, $0xb8;
	[tilespmem:$0x1D000] =	vst v63  }
0x14b: {  	_ =	swait.ge [sflag:s24], $0x1000  }
0x14c: {  	[sflag:s24] =	ssyncset.done $0x0  }
0x14d: {  	s26 =	simm.s32 $0x18480;
	[sflag:s24] =	ssyncadd.s32 $0xFFFFF000  }
0x14e: {  	[tilespmem:s14], [sflag:$0x2] =	stream.indirect.gather [hbm4b:s1+s12], $0x80, s26, s12, $0xb8;
	[tilespmem:$0x1D000] =	vst v63  }
0x14f: {  	_ =	swait.ge [sflag:s28], $0x1000  }
0x150: {  	[sflag:s28] =	ssyncset.done $0x0  }
0x151: {  	s26 =	simm.s32 $0x1AB00;
	[sflag:s28] =	ssyncadd.s32 $0xFFFFF000  }
0x152: {  	[spmem:s2] =	stream.indirect.scatter.add.f32 [tilespmem:s16], [sflag:$0x7], $0x80, s26, s12, $0xb8;
	[tilespmem:$0x1D000] =	vst v63  }
0x153: {  	_ =	swait.ge [sflag:s30], $0x1000  }
0x154: {  	[sflag:s30] =	ssyncset.done $0x0  }
0x155: {  	s26 =	simm.s32 $0x18500;
	[sflag:s30] =	ssyncadd.s32 $0xFFFFF000  }
0x156: {  	[tilespmem:s16], [sflag:$0x3] =	stream.indirect.gather [hbm4b:s1+s12], $0x80, s26, s12, $0xb8;
	[tilespmem:$0x1D000] =	vst v63  }
0x157: {  	_ =	swait.ge [sflag:s0], $0x1000  }
0x158: {  	[sflag:s0] =	ssyncset.done $0x0  }
0x159: {  	s29 =	simm.s32 $0x1AB80;
	s26 =	simm.s32 $0x800;
	[sflag:s0] =	ssyncadd.s32 $0xFFFFF000  }
.LBB2_6:
0x15a: {  	[spmem:s2] =	stream.indirect.scatter.add.f32 [tilespmem:s18], [sflag:$0x8], $0x80, s29, s12, $0xb8;
	[tilespmem:$0x1D000] =	vst v63  }
0x15b: {  	s3 =	smov.u32 s26  }
0x15c: {  	p0 =	sne.s32 s26, $0x8800;
	s26 =	sadd.s32 $0x800, s26;
	_ =	swait.ge [sflag:s6], $0x1000  }
0x15d: {  	s29 =	sshra.s32 s3, $0x2;
	[sflag:s6] =	ssyncset.done $0x0  }
0x15e: {  	s3 =	sadd.s32 $0x18380, s29;
	[sflag:s6] =	ssyncadd.s32 $0xFFFFF000  }
0x15f: {  	[tilespmem:s18], [sflag:$0x4] =	stream.indirect.gather [hbm4b:s1+s12], $0x80, s3, s12, $0xb8;
	[tilespmem:$0x1D000] =	vst v63  }
0x160: {  	_ =	swait.ge [sflag:s19], $0x1000  }
0x161: {  	[sflag:s19] =	ssyncset.done $0x0  }
0x162: {  	s3 =	sadd.s32 $0x1AA00, s29;
	[sflag:s19] =	ssyncadd.s32 $0xFFFFF000  }
0x163: {  	[spmem:s2] =	stream.indirect.scatter.add.f32 [tilespmem:s8], [sflag:$0x5], $0x80, s3, s12, $0xb8;
	[tilespmem:$0x1D000] =	vst v63  }
0x164: {  	_ =	swait.ge [sflag:s20], $0x1000  }
0x165: {  	[sflag:s20] =	ssyncset.done $0x0  }
0x166: {  	s3 =	sadd.s32 $0x18400, s29;
	[sflag:s20] =	ssyncadd.s32 $0xFFFFF000  }
0x167: {  	[tilespmem:s8], [sflag:$0x1] =	stream.indirect.gather [hbm4b:s1+s12], $0x80, s3, s12, $0xb8;
	[tilespmem:$0x1D000] =	vst v63  }
0x168: {  	_ =	swait.ge [sflag:s22], $0x1000  }
0x169: {  	[sflag:s22] =	ssyncset.done $0x0  }
0x16a: {  	s3 =	sadd.s32 $0x1AA80, s29;
	[sflag:s22] =	ssyncadd.s32 $0xFFFFF000  }
0x16b: {  	[spmem:s2] =	stream.indirect.scatter.add.f32 [tilespmem:s14], [sflag:$0x6], $0x80, s3, s12, $0xb8;
	[tilespmem:$0x1D000] =	vst v63  }
0x16c: {  	_ =	swait.ge [sflag:s24], $0x1000  }
0x16d: {  	[sflag:s24] =	ssyncset.done $0x0  }
0x16e: {  	s3 =	sadd.s32 $0x18480, s29;
	[sflag:s24] =	ssyncadd.s32 $0xFFFFF000  }
0x16f: {  	[tilespmem:s14], [sflag:$0x2] =	stream.indirect.gather [hbm4b:s1+s12], $0x80, s3, s12, $0xb8;
	[tilespmem:$0x1D000] =	vst v63  }
0x170: {  	_ =	swait.ge [sflag:s28], $0x1000  }
0x171: {  	[sflag:s28] =	ssyncset.done $0x0  }
0x172: {  	s3 =	sadd.s32 $0x1AB00, s29;
	[sflag:s28] =	ssyncadd.s32 $0xFFFFF000  }
0x173: {  	[spmem:s2] =	stream.indirect.scatter.add.f32 [tilespmem:s16], [sflag:$0x7], $0x80, s3, s12, $0xb8;
	[tilespmem:$0x1D000] =	vst v63  }
0x174: {  	_ =	swait.ge [sflag:s30], $0x1000  }
0x175: {  	[sflag:s30] =	ssyncset.done $0x0  }
.Ltmp2:
0x176: {  	s3 =	sadd.s32 $0x18500, s29;
	[sflag:s30] =	ssyncadd.s32 $0xFFFFF000;
	(pc) =	sbr.rel @p0 .LBB2_6-.Ltmp2, $4  }
0x177: {  	[tilespmem:s16], [sflag:$0x3] =	stream.indirect.gather [hbm4b:s1+s12], $0x80, s3, s12, $0xb8;
	[tilespmem:$0x1D000] =	vst v63  }
0x178: {  	_ =	swait.ge [sflag:s0], $0x1000  }
0x179: {  	[sflag:s0] =	ssyncset.done $0x0  }
0x17a: {  	s29 =	sadd.s32 $0x1AB80, s29;
	[sflag:s0] =	ssyncadd.s32 $0xFFFFF000  }
0x17b: {  	[spmem:s2] =	stream.indirect.scatter.add.f32 [tilespmem:s18], [sflag:$0x8], $0x80, s29, s12, $0xb8;
	[tilespmem:$0x1D000] =	vst v63  }
0x17c: {  	_ =	swait.ge [sflag:s6], $0x1000  }
0x17d: {  	[sflag:s6] =	ssyncset.done $0x0  }
0x17e: {  	[sflag:s6] =	ssyncadd.s32 $0xFFFFF000  }
0x17f: {  	[tilespmem:s18], [sflag:$0x4] =	stream.indirect.gather [hbm4b:s1+s12], $0x80, s7, s12, $0xb8;
	[tilespmem:$0x1D000] =	vst v63  }
0x180: {  	_ =	swait.ge [sflag:s19], $0x1000  }
0x181: {  	[sflag:s19] =	ssyncset.done $0x0  }
0x182: {  	[sflag:s19] =	ssyncadd.s32 $0xFFFFF000  }
0x183: {  	[spmem:s2] =	stream.indirect.scatter.add.f32 [tilespmem:s8], [sflag:$0x5], $0x80, s13, s12, $0xb8;
	[tilespmem:$0x1D000] =	vst v63  }
0x184: {  	_ =	swait.ge [sflag:s20], $0x1000  }
0x185: {  	[sflag:s20] =	ssyncset.done $0x0  }
0x186: {  	[sflag:s20] =	ssyncadd.s32 $0xFFFFF000  }
0x187: {  	_ =	swait.ge [sflag:s22], $0x1000  }
0x188: {  	[sflag:s22] =	ssyncset.done $0x0  }
0x189: {  	[sflag:s22] =	ssyncadd.s32 $0xFFFFF000  }
0x18a: {  	[spmem:s2] =	stream.indirect.scatter.add.f32 [tilespmem:s14], [sflag:$0x6], $0x80, s15, s12, $0xb8;
	[tilespmem:$0x1D000] =	vst v63  }
0x18b: {  	_ =	swait.ge [sflag:s24], $0x1000  }
0x18c: {  	[sflag:s24] =	ssyncset.done $0x0  }
0x18d: {  	[sflag:s24] =	ssyncadd.s32 $0xFFFFF000  }
0x18e: {  	_ =	swait.ge [sflag:s28], $0x1000  }
0x18f: {  	[sflag:s28] =	ssyncset.done $0x0  }
0x190: {  	[sflag:s28] =	ssyncadd.s32 $0xFFFFF000  }
0x191: {  	[spmem:s2] =	stream.indirect.scatter.add.f32 [tilespmem:s16], [sflag:$0x7], $0x80, s17, s12, $0xb8;
	[tilespmem:$0x1D000] =	vst v63  }
0x192: {  	_ =	swait.ge [sflag:s30], $0x1000  }
0x193: {  	[sflag:s30] =	ssyncset.done $0x0  }
0x194: {  	[sflag:s30] =	ssyncadd.s32 $0xFFFFF000  }
0x195: {  	_ =	swait.ge [sflag:s0], $0x1000  }
0x196: {  	[sflag:s0] =	ssyncset.done $0x0  }
0x197: {  	[sflag:s0] =	ssyncadd.s32 $0xFFFFF000  }
0x198: {  	[spmem:s2] =	stream.indirect.scatter.add.f32 [tilespmem:s18], [sflag:$0x8], $0x80, s21, s12, $0xb8;
	[tilespmem:$0x1D000] =	vst v63  }
0x199: {  	_ =	swait.ge [sflag:s6], $0x1000  }
0x19a: {  	[sflag:s6] =	ssyncset.done $0x0  }
0x19b: {  	s3 =	simm.s32 $0x0;
	s26 =	rddreg [dreg:$0x8];
	[sflag:s6] =	ssyncadd.s32 $0xFFFFF000  }
0x19c: {  	[tilespmem:s10], [sflag:$0x9] =	stream.linear.gather [hbm4b:s26+s3], $0x2800, $0x38;
	[tilespmem:$0x1D000] =	vst v63  }
0x19d: {  	_ =	swait.ge [sflag:s9], $0x2800  }
0x19e: {  	[sflag:s9] =	ssyncset.done $0x0  }
0x19f: {  	s26 =	rddreg [dreg:$0x9];
	[sflag:s9] =	ssyncadd.s32 $0xFFFFD800  }
0x1a0: {  	[tilespmem:s11], [sflag:$0x9] =	stream.linear.gather [hbm4b:s26+s3], $0x2800, $0x38;
	[tilespmem:$0x1D000] =	vst v63  }
0x1a1: {  	_ =	swait.ge [sflag:s9], $0x2800  }
0x1a2: {  	[sflag:s9] =	ssyncset.done $0x0  }
0x1a3: {  	[sflag:s9] =	ssyncadd.s32 $0xFFFFD800  }
0x1a4: {  	[tilespmem:s8], [sflag:$0x1] =	stream.indirect.gather [hbm4b:s1+s12], $0x80, s10, s12, $0xb8;
	[tilespmem:$0x1D000] =	vst v63  }
0x1a5: {  	_ = 	snop  }
0x1a6: {  	[tilespmem:s14], [sflag:$0x2] =	stream.indirect.gather [hbm4b:s1+s12], $0x80, s31, s12, $0xb8;
	[tilespmem:$0x1D000] =	vst v63  }
0x1a7: {  	s26 =	simm.s32 $0x18100  }
0x1a8: {  	[tilespmem:s16], [sflag:$0x3] =	stream.indirect.gather [hbm4b:s1+s12], $0x80, s26, s12, $0xb8;
	[tilespmem:$0x1D000] =	vst v63  }
0x1a9: {  	s26 =	simm.s32 $0x18180  }
0x1aa: {  	[tilespmem:s18], [sflag:$0x4] =	stream.indirect.gather [hbm4b:s1+s12], $0x80, s26, s12, $0xb8;
	[tilespmem:$0x1D000] =	vst v63  }
0x1ab: {  	_ =	swait.ge [sflag:s19], $0x1000  }
0x1ac: {  	[sflag:s19] =	ssyncset.done $0x0  }
0x1ad: {  	[sflag:s19] =	ssyncadd.s32 $0xFFFFF000  }
0x1ae: {  	[spmem:s2] =	stream.indirect.scatter.add.f32 [tilespmem:s8], [sflag:$0x5], $0x80, s11, s12, $0xb8;
	[tilespmem:$0x1D000] =	vst v63  }
0x1af: {  	_ =	swait.ge [sflag:s20], $0x1000  }
0x1b0: {  	[sflag:s20] =	ssyncset.done $0x0  }
0x1b1: {  	s26 =	simm.s32 $0x18200;
	[sflag:s20] =	ssyncadd.s32 $0xFFFFF000  }
0x1b2: {  	[tilespmem:s8], [sflag:$0x1] =	stream.indirect.gather [hbm4b:s1+s12], $0x80, s26, s12, $0xb8;
	[tilespmem:$0x1D000] =	vst v63  }
0x1b3: {  	_ =	swait.ge [sflag:s22], $0x1000  }
0x1b4: {  	[sflag:s22] =	ssyncset.done $0x0  }
0x1b5: {  	s26 =	simm.s32 $0x1A880;
	[sflag:s22] =	ssyncadd.s32 $0xFFFFF000  }
0x1b6: {  	[spmem:s2] =	stream.indirect.scatter.add.f32 [tilespmem:s14], [sflag:$0x6], $0x80, s26, s12, $0xb8;
	[tilespmem:$0x1D000] =	vst v63  }
0x1b7: {  	_ =	swait.ge [sflag:s24], $0x1000  }
0x1b8: {  	[sflag:s24] =	ssyncset.done $0x0  }
0x1b9: {  	s26 =	simm.s32 $0x18280;
	[sflag:s24] =	ssyncadd.s32 $0xFFFFF000  }
0x1ba: {  	[tilespmem:s14], [sflag:$0x2] =	stream.indirect.gather [hbm4b:s1+s12], $0x80, s26, s12, $0xb8;
	[tilespmem:$0x1D000] =	vst v63  }
0x1bb: {  	_ =	swait.ge [sflag:s28], $0x1000  }
0x1bc: {  	[sflag:s28] =	ssyncset.done $0x0  }
0x1bd: {  	s26 =	simm.s32 $0x1A900;
	[sflag:s28] =	ssyncadd.s32 $0xFFFFF000  }
0x1be: {  	[spmem:s2] =	stream.indirect.scatter.add.f32 [tilespmem:s16], [sflag:$0x7], $0x80, s26, s12, $0xb8;
	[tilespmem:$0x1D000] =	vst v63  }
0x1bf: {  	_ =	swait.ge [sflag:s30], $0x1000  }
0x1c0: {  	[sflag:s30] =	ssyncset.done $0x0  }
0x1c1: {  	s26 =	simm.s32 $0x18300;
	[sflag:s30] =	ssyncadd.s32 $0xFFFFF000  }
0x1c2: {  	[tilespmem:s16], [sflag:$0x3] =	stream.indirect.gather [hbm4b:s1+s12], $0x80, s26, s12, $0xb8;
	[tilespmem:$0x1D000] =	vst v63  }
0x1c3: {  	_ =	swait.ge [sflag:s0], $0x1000  }
0x1c4: {  	[sflag:s0] =	ssyncset.done $0x0  }
0x1c5: {  	s26 =	simm.s32 $0x1A980;
	[sflag:s0] =	ssyncadd.s32 $0xFFFFF000  }
0x1c6: {  	[spmem:s2] =	stream.indirect.scatter.add.f32 [tilespmem:s18], [sflag:$0x8], $0x80, s26, s12, $0xb8;
	[tilespmem:$0x1D000] =	vst v63  }
0x1c7: {  	_ =	swait.ge [sflag:s6], $0x1000  }
0x1c8: {  	[sflag:s6] =	ssyncset.done $0x0  }
0x1c9: {  	s26 =	simm.s32 $0x18380;
	[sflag:s6] =	ssyncadd.s32 $0xFFFFF000  }
0x1ca: {  	[tilespmem:s18], [sflag:$0x4] =	stream.indirect.gather [hbm4b:s1+s12], $0x80, s26, s12, $0xb8;
	[tilespmem:$0x1D000] =	vst v63  }
0x1cb: {  	_ =	swait.ge [sflag:s19], $0x1000  }
0x1cc: {  	[sflag:s19] =	ssyncset.done $0x0  }
0x1cd: {  	s26 =	simm.s32 $0x1AA00;
	[sflag:s19] =	ssyncadd.s32 $0xFFFFF000  }
0x1ce: {  	[spmem:s2] =	stream.indirect.scatter.add.f32 [tilespmem:s8], [sflag:$0x5], $0x80, s26, s12, $0xb8;
	[tilespmem:$0x1D000] =	vst v63  }
0x1cf: {  	_ =	swait.ge [sflag:s20], $0x1000  }
0x1d0: {  	[sflag:s20] =	ssyncset.done $0x0  }
0x1d1: {  	s26 =	simm.s32 $0x18400;
	[sflag:s20] =	ssyncadd.s32 $0xFFFFF000  }
0x1d2: {  	[tilespmem:s8], [sflag:$0x1] =	stream.indirect.gather [hbm4b:s1+s12], $0x80, s26, s12, $0xb8;
	[tilespmem:$0x1D000] =	vst v63  }
0x1d3: {  	_ =	swait.ge [sflag:s22], $0x1000  }
0x1d4: {  	[sflag:s22] =	ssyncset.done $0x0  }
0x1d5: {  	s26 =	simm.s32 $0x1AA80;
	[sflag:s22] =	ssyncadd.s32 $0xFFFFF000  }
0x1d6: {  	[spmem:s2] =	stream.indirect.scatter.add.f32 [tilespmem:s14], [sflag:$0x6], $0x80, s26, s12, $0xb8;
	[tilespmem:$0x1D000] =	vst v63  }
0x1d7: {  	_ =	swait.ge [sflag:s24], $0x1000  }
0x1d8: {  	[sflag:s24] =	ssyncset.done $0x0  }
0x1d9: {  	s26 =	simm.s32 $0x18480;
	[sflag:s24] =	ssyncadd.s32 $0xFFFFF000  }
0x1da: {  	[tilespmem:s14], [sflag:$0x2] =	stream.indirect.gather [hbm4b:s1+s12], $0x80, s26, s12, $0xb8;
	[tilespmem:$0x1D000] =	vst v63  }
0x1db: {  	_ =	swait.ge [sflag:s28], $0x1000  }
0x1dc: {  	[sflag:s28] =	ssyncset.done $0x0  }
0x1dd: {  	s26 =	simm.s32 $0x1AB00;
	[sflag:s28] =	ssyncadd.s32 $0xFFFFF000  }
0x1de: {  	[spmem:s2] =	stream.indirect.scatter.add.f32 [tilespmem:s16], [sflag:$0x7], $0x80, s26, s12, $0xb8;
	[tilespmem:$0x1D000] =	vst v63  }
0x1df: {  	_ =	swait.ge [sflag:s30], $0x1000  }
0x1e0: {  	[sflag:s30] =	ssyncset.done $0x0  }
0x1e1: {  	s26 =	simm.s32 $0x18500;
	[sflag:s30] =	ssyncadd.s32 $0xFFFFF000  }
0x1e2: {  	[tilespmem:s16], [sflag:$0x3] =	stream.indirect.gather [hbm4b:s1+s12], $0x80, s26, s12, $0xb8;
	[tilespmem:$0x1D000] =	vst v63  }
0x1e3: {  	_ =	swait.ge [sflag:s0], $0x1000  }
0x1e4: {  	[sflag:s0] =	ssyncset.done $0x0  }
0x1e5: {  	s29 =	simm.s32 $0x1AB80;
	s26 =	simm.s32 $0x800;
	[sflag:s0] =	ssyncadd.s32 $0xFFFFF000  }
.LBB2_8:
0x1e6: {  	[spmem:s2] =	stream.indirect.scatter.add.f32 [tilespmem:s18], [sflag:$0x8], $0x80, s29, s12, $0xb8;
	[tilespmem:$0x1D000] =	vst v63  }
0x1e7: {  	s3 =	smov.u32 s26  }
0x1e8: {  	p0 =	sne.s32 s26, $0x8800;
	s26 =	sadd.s32 $0x800, s26;
	_ =	swait.ge [sflag:s6], $0x1000  }
0x1e9: {  	s29 =	sshra.s32 s3, $0x2;
	[sflag:s6] =	ssyncset.done $0x0  }
0x1ea: {  	s3 =	sadd.s32 $0x18380, s29;
	[sflag:s6] =	ssyncadd.s32 $0xFFFFF000  }
0x1eb: {  	[tilespmem:s18], [sflag:$0x4] =	stream.indirect.gather [hbm4b:s1+s12], $0x80, s3, s12, $0xb8;
	[tilespmem:$0x1D000] =	vst v63  }
0x1ec: {  	_ =	swait.ge [sflag:s19], $0x1000  }
0x1ed: {  	[sflag:s19] =	ssyncset.done $0x0  }
0x1ee: {  	s3 =	sadd.s32 $0x1AA00, s29;
	[sflag:s19] =	ssyncadd.s32 $0xFFFFF000  }
0x1ef: {  	[spmem:s2] =	stream.indirect.scatter.add.f32 [tilespmem:s8], [sflag:$0x5], $0x80, s3, s12, $0xb8;
	[tilespmem:$0x1D000] =	vst v63  }
0x1f0: {  	_ =	swait.ge [sflag:s20], $0x1000  }
0x1f1: {  	[sflag:s20] =	ssyncset.done $0x0  }
0x1f2: {  	s3 =	sadd.s32 $0x18400, s29;
	[sflag:s20] =	ssyncadd.s32 $0xFFFFF000  }
0x1f3: {  	[tilespmem:s8], [sflag:$0x1] =	stream.indirect.gather [hbm4b:s1+s12], $0x80, s3, s12, $0xb8;
	[tilespmem:$0x1D000] =	vst v63  }
0x1f4: {  	_ =	swait.ge [sflag:s22], $0x1000  }
0x1f5: {  	[sflag:s22] =	ssyncset.done $0x0  }
0x1f6: {  	s3 =	sadd.s32 $0x1AA80, s29;
	[sflag:s22] =	ssyncadd.s32 $0xFFFFF000  }
0x1f7: {  	[spmem:s2] =	stream.indirect.scatter.add.f32 [tilespmem:s14], [sflag:$0x6], $0x80, s3, s12, $0xb8;
	[tilespmem:$0x1D000] =	vst v63  }
0x1f8: {  	_ =	swait.ge [sflag:s24], $0x1000  }
0x1f9: {  	[sflag:s24] =	ssyncset.done $0x0  }
0x1fa: {  	s3 =	sadd.s32 $0x18480, s29;
	[sflag:s24] =	ssyncadd.s32 $0xFFFFF000  }
0x1fb: {  	[tilespmem:s14], [sflag:$0x2] =	stream.indirect.gather [hbm4b:s1+s12], $0x80, s3, s12, $0xb8;
	[tilespmem:$0x1D000] =	vst v63  }
0x1fc: {  	_ =	swait.ge [sflag:s28], $0x1000  }
0x1fd: {  	[sflag:s28] =	ssyncset.done $0x0  }
0x1fe: {  	s3 =	sadd.s32 $0x1AB00, s29;
	[sflag:s28] =	ssyncadd.s32 $0xFFFFF000  }
0x1ff: {  	[spmem:s2] =	stream.indirect.scatter.add.f32 [tilespmem:s16], [sflag:$0x7], $0x80, s3, s12, $0xb8;
	[tilespmem:$0x1D000] =	vst v63  }
0x200: {  	_ =	swait.ge [sflag:s30], $0x1000  }
0x201: {  	[sflag:s30] =	ssyncset.done $0x0  }
.Ltmp3:
0x202: {  	s3 =	sadd.s32 $0x18500, s29;
	[sflag:s30] =	ssyncadd.s32 $0xFFFFF000;
	(pc) =	sbr.rel @p0 .LBB2_8-.Ltmp3, $4  }
0x203: {  	[tilespmem:s16], [sflag:$0x3] =	stream.indirect.gather [hbm4b:s1+s12], $0x80, s3, s12, $0xb8;
	[tilespmem:$0x1D000] =	vst v63  }
0x204: {  	_ =	swait.ge [sflag:s0], $0x1000  }
0x205: {  	[sflag:s0] =	ssyncset.done $0x0  }
0x206: {  	s29 =	sadd.s32 $0x1AB80, s29;
	[sflag:s0] =	ssyncadd.s32 $0xFFFFF000  }
0x207: {  	[spmem:s2] =	stream.indirect.scatter.add.f32 [tilespmem:s18], [sflag:$0x8], $0x80, s29, s12, $0xb8;
	[tilespmem:$0x1D000] =	vst v63  }
0x208: {  	_ =	swait.ge [sflag:s6], $0x1000  }
0x209: {  	[sflag:s6] =	ssyncset.done $0x0  }
0x20a: {  	[sflag:s6] =	ssyncadd.s32 $0xFFFFF000  }
0x20b: {  	[tilespmem:s18], [sflag:$0x4] =	stream.indirect.gather [hbm4b:s1+s12], $0x80, s7, s12, $0xb8;
	[tilespmem:$0x1D000] =	vst v63  }
0x20c: {  	_ =	swait.ge [sflag:s19], $0x1000  }
0x20d: {  	[sflag:s19] =	ssyncset.done $0x0  }
0x20e: {  	[sflag:s19] =	ssyncadd.s32 $0xFFFFF000  }
0x20f: {  	[spmem:s2] =	stream.indirect.scatter.add.f32 [tilespmem:s8], [sflag:$0x5], $0x80, s13, s12, $0xb8;
	[tilespmem:$0x1D000] =	vst v63  }
0x210: {  	_ =	swait.ge [sflag:s20], $0x1000  }
0x211: {  	[sflag:s20] =	ssyncset.done $0x0  }
0x212: {  	[sflag:s20] =	ssyncadd.s32 $0xFFFFF000  }
0x213: {  	_ =	swait.ge [sflag:s22], $0x1000  }
0x214: {  	[sflag:s22] =	ssyncset.done $0x0  }
0x215: {  	[sflag:s22] =	ssyncadd.s32 $0xFFFFF000  }
0x216: {  	[spmem:s2] =	stream.indirect.scatter.add.f32 [tilespmem:s14], [sflag:$0x6], $0x80, s15, s12, $0xb8;
	[tilespmem:$0x1D000] =	vst v63  }
0x217: {  	_ =	swait.ge [sflag:s24], $0x1000  }
0x218: {  	[sflag:s24] =	ssyncset.done $0x0  }
0x219: {  	[sflag:s24] =	ssyncadd.s32 $0xFFFFF000  }
0x21a: {  	_ =	swait.ge [sflag:s28], $0x1000  }
0x21b: {  	[sflag:s28] =	ssyncset.done $0x0  }
0x21c: {  	[sflag:s28] =	ssyncadd.s32 $0xFFFFF000  }
0x21d: {  	[spmem:s2] =	stream.indirect.scatter.add.f32 [tilespmem:s16], [sflag:$0x7], $0x80, s17, s12, $0xb8;
	[tilespmem:$0x1D000] =	vst v63  }
0x21e: {  	_ =	swait.ge [sflag:s30], $0x1000  }
0x21f: {  	[sflag:s30] =	ssyncset.done $0x0  }
0x220: {  	[sflag:s30] =	ssyncadd.s32 $0xFFFFF000  }
0x221: {  	_ =	swait.ge [sflag:s0], $0x1000  }
0x222: {  	[sflag:s0] =	ssyncset.done $0x0  }
0x223: {  	[sflag:s0] =	ssyncadd.s32 $0xFFFFF000  }
0x224: {  	[spmem:s2] =	stream.indirect.scatter.add.f32 [tilespmem:s18], [sflag:$0x8], $0x80, s21, s12, $0xb8;
	[tilespmem:$0x1D000] =	vst v63  }
0x225: {  	_ =	swait.ge [sflag:s6], $0x1000  }
0x226: {  	[sflag:s6] =	ssyncset.done $0x0  }
0x227: {  	s3 =	simm.s32 $0x0;
	s26 =	rddreg [dreg:$0xa];
	[sflag:s6] =	ssyncadd.s32 $0xFFFFF000  }
0x228: {  	[tilespmem:s10], [sflag:$0x9] =	stream.linear.gather [hbm4b:s26+s3], $0x2800, $0x38;
	[tilespmem:$0x1D000] =	vst v63  }
0x229: {  	_ =	swait.ge [sflag:s9], $0x2800  }
0x22a: {  	[sflag:s9] =	ssyncset.done $0x0  }
0x22b: {  	s26 =	rddreg [dreg:$0xb];
	[sflag:s9] =	ssyncadd.s32 $0xFFFFD800  }
0x22c: {  	[tilespmem:s11], [sflag:$0x9] =	stream.linear.gather [hbm4b:s26+s3], $0x2800, $0x38;
	[tilespmem:$0x1D000] =	vst v63  }
0x22d: {  	_ =	swait.ge [sflag:s9], $0x2800  }
0x22e: {  	[sflag:s9] =	ssyncset.done $0x0  }
0x22f: {  	[sflag:s9] =	ssyncadd.s32 $0xFFFFD800  }
0x230: {  	[tilespmem:s8], [sflag:$0x1] =	stream.indirect.gather [hbm4b:s1+s12], $0x80, s10, s12, $0xb8;
	[tilespmem:$0x1D000] =	vst v63  }
0x231: {  	_ = 	snop  }
0x232: {  	[tilespmem:s14], [sflag:$0x2] =	stream.indirect.gather [hbm4b:s1+s12], $0x80, s31, s12, $0xb8;
	[tilespmem:$0x1D000] =	vst v63  }
0x233: {  	s31 =	simm.s32 $0x18100  }
0x234: {  	[tilespmem:s16], [sflag:$0x3] =	stream.indirect.gather [hbm4b:s1+s12], $0x80, s31, s12, $0xb8;
	[tilespmem:$0x1D000] =	vst v63  }
0x235: {  	s26 =	simm.s32 $0x18180  }
0x236: {  	[tilespmem:s18], [sflag:$0x4] =	stream.indirect.gather [hbm4b:s1+s12], $0x80, s26, s12, $0xb8;
	[tilespmem:$0x1D000] =	vst v63  }
0x237: {  	_ =	swait.ge [sflag:s19], $0x1000  }
0x238: {  	[sflag:s19] =	ssyncset.done $0x0  }
0x239: {  	[sflag:s19] =	ssyncadd.s32 $0xFFFFF000  }
0x23a: {  	[spmem:s2] =	stream.indirect.scatter.add.f32 [tilespmem:s8], [sflag:$0x5], $0x80, s11, s12, $0xb8;
	[tilespmem:$0x1D000] =	vst v63  }
0x23b: {  	_ =	swait.ge [sflag:s20], $0x1000  }
0x23c: {  	[sflag:s20] =	ssyncset.done $0x0  }
0x23d: {  	s31 =	simm.s32 $0x18200;
	[sflag:s20] =	ssyncadd.s32 $0xFFFFF000  }
0x23e: {  	[tilespmem:s8], [sflag:$0x1] =	stream.indirect.gather [hbm4b:s1+s12], $0x80, s31, s12, $0xb8;
	[tilespmem:$0x1D000] =	vst v63  }
0x23f: {  	_ =	swait.ge [sflag:s22], $0x1000  }
0x240: {  	[sflag:s22] =	ssyncset.done $0x0  }
0x241: {  	s26 =	simm.s32 $0x1A880;
	[sflag:s22] =	ssyncadd.s32 $0xFFFFF000  }
0x242: {  	[spmem:s2] =	stream.indirect.scatter.add.f32 [tilespmem:s14], [sflag:$0x6], $0x80, s26, s12, $0xb8;
	[tilespmem:$0x1D000] =	vst v63  }
0x243: {  	_ =	swait.ge [sflag:s24], $0x1000  }
0x244: {  	[sflag:s24] =	ssyncset.done $0x0  }
0x245: {  	s31 =	simm.s32 $0x18280;
	[sflag:s24] =	ssyncadd.s32 $0xFFFFF000  }
0x246: {  	[tilespmem:s14], [sflag:$0x2] =	stream.indirect.gather [hbm4b:s1+s12], $0x80, s31, s12, $0xb8;
	[tilespmem:$0x1D000] =	vst v63  }
0x247: {  	_ =	swait.ge [sflag:s28], $0x1000  }
0x248: {  	[sflag:s28] =	ssyncset.done $0x0  }
0x249: {  	s26 =	simm.s32 $0x1A900;
	[sflag:s28] =	ssyncadd.s32 $0xFFFFF000  }
0x24a: {  	[spmem:s2] =	stream.indirect.scatter.add.f32 [tilespmem:s16], [sflag:$0x7], $0x80, s26, s12, $0xb8;
	[tilespmem:$0x1D000] =	vst v63  }
0x24b: {  	_ =	swait.ge [sflag:s30], $0x1000  }
0x24c: {  	[sflag:s30] =	ssyncset.done $0x0  }
0x24d: {  	s31 =	simm.s32 $0x18300;
	[sflag:s30] =	ssyncadd.s32 $0xFFFFF000  }
0x24e: {  	[tilespmem:s16], [sflag:$0x3] =	stream.indirect.gather [hbm4b:s1+s12], $0x80, s31, s12, $0xb8;
	[tilespmem:$0x1D000] =	vst v63  }
0x24f: {  	_ =	swait.ge [sflag:s0], $0x1000  }
0x250: {  	[sflag:s0] =	ssyncset.done $0x0  }
0x251: {  	s26 =	simm.s32 $0x1A980;
	[sflag:s0] =	ssyncadd.s32 $0xFFFFF000  }
0x252: {  	[spmem:s2] =	stream.indirect.scatter.add.f32 [tilespmem:s18], [sflag:$0x8], $0x80, s26, s12, $0xb8;
	[tilespmem:$0x1D000] =	vst v63  }
0x253: {  	_ =	swait.ge [sflag:s6], $0x1000  }
0x254: {  	[sflag:s6] =	ssyncset.done $0x0  }
0x255: {  	s31 =	simm.s32 $0x18380;
	[sflag:s6] =	ssyncadd.s32 $0xFFFFF000  }
0x256: {  	[tilespmem:s18], [sflag:$0x4] =	stream.indirect.gather [hbm4b:s1+s12], $0x80, s31, s12, $0xb8;
	[tilespmem:$0x1D000] =	vst v63  }
0x257: {  	_ =	swait.ge [sflag:s19], $0x1000  }
0x258: {  	[sflag:s19] =	ssyncset.done $0x0  }
0x259: {  	s26 =	simm.s32 $0x1AA00;
	[sflag:s19] =	ssyncadd.s32 $0xFFFFF000  }
0x25a: {  	[spmem:s2] =	stream.indirect.scatter.add.f32 [tilespmem:s8], [sflag:$0x5], $0x80, s26, s12, $0xb8;
	[tilespmem:$0x1D000] =	vst v63  }
0x25b: {  	_ =	swait.ge [sflag:s20], $0x1000  }
0x25c: {  	[sflag:s20] =	ssyncset.done $0x0  }
0x25d: {  	s31 =	simm.s32 $0x18400;
	[sflag:s20] =	ssyncadd.s32 $0xFFFFF000  }
0x25e: {  	[tilespmem:s8], [sflag:$0x1] =	stream.indirect.gather [hbm4b:s1+s12], $0x80, s31, s12, $0xb8;
	[tilespmem:$0x1D000] =	vst v63  }
0x25f: {  	_ =	swait.ge [sflag:s22], $0x1000  }
0x260: {  	[sflag:s22] =	ssyncset.done $0x0  }
0x261: {  	s26 =	simm.s32 $0x1AA80;
	[sflag:s22] =	ssyncadd.s32 $0xFFFFF000  }
0x262: {  	[spmem:s2] =	stream.indirect.scatter.add.f32 [tilespmem:s14], [sflag:$0x6], $0x80, s26, s12, $0xb8;
	[tilespmem:$0x1D000] =	vst v63  }
0x263: {  	_ =	swait.ge [sflag:s24], $0x1000  }
0x264: {  	[sflag:s24] =	ssyncset.done $0x0  }
0x265: {  	s31 =	simm.s32 $0x18480;
	[sflag:s24] =	ssyncadd.s32 $0xFFFFF000  }
0x266: {  	[tilespmem:s14], [sflag:$0x2] =	stream.indirect.gather [hbm4b:s1+s12], $0x80, s31, s12, $0xb8;
	[tilespmem:$0x1D000] =	vst v63  }
0x267: {  	_ =	swait.ge [sflag:s28], $0x1000  }
0x268: {  	[sflag:s28] =	ssyncset.done $0x0  }
0x269: {  	s26 =	simm.s32 $0x1AB00;
	[sflag:s28] =	ssyncadd.s32 $0xFFFFF000  }
0x26a: {  	[spmem:s2] =	stream.indirect.scatter.add.f32 [tilespmem:s16], [sflag:$0x7], $0x80, s26, s12, $0xb8;
	[tilespmem:$0x1D000] =	vst v63  }
0x26b: {  	_ =	swait.ge [sflag:s30], $0x1000  }
0x26c: {  	[sflag:s30] =	ssyncset.done $0x0  }
0x26d: {  	s31 =	simm.s32 $0x18500;
	[sflag:s30] =	ssyncadd.s32 $0xFFFFF000  }
0x26e: {  	[tilespmem:s16], [sflag:$0x3] =	stream.indirect.gather [hbm4b:s1+s12], $0x80, s31, s12, $0xb8;
	[tilespmem:$0x1D000] =	vst v63  }
0x26f: {  	_ =	swait.ge [sflag:s0], $0x1000  }
0x270: {  	[sflag:s0] =	ssyncset.done $0x0  }
0x271: {  	s29 =	simm.s32 $0x1AB80;
	s26 =	simm.s32 $0x800;
	[sflag:s0] =	ssyncadd.s32 $0xFFFFF000  }
.LBB2_10:
0x272: {  	[spmem:s2] =	stream.indirect.scatter.add.f32 [tilespmem:s18], [sflag:$0x8], $0x80, s29, s12, $0xb8;
	[tilespmem:$0x1D000] =	vst v63  }
0x273: {  	s3 =	smov.u32 s26  }
0x274: {  	p0 =	sne.s32 s26, $0x8800;
	s26 =	sadd.s32 $0x800, s26;
	_ =	swait.ge [sflag:s6], $0x1000  }
0x275: {  	s29 =	sshra.s32 s3, $0x2;
	[sflag:s6] =	ssyncset.done $0x0  }
0x276: {  	s3 =	sadd.s32 $0x18380, s29;
	[sflag:s6] =	ssyncadd.s32 $0xFFFFF000  }
0x277: {  	[tilespmem:s18], [sflag:$0x4] =	stream.indirect.gather [hbm4b:s1+s12], $0x80, s3, s12, $0xb8;
	[tilespmem:$0x1D000] =	vst v63  }
0x278: {  	_ =	swait.ge [sflag:s19], $0x1000  }
0x279: {  	[sflag:s19] =	ssyncset.done $0x0  }
0x27a: {  	s3 =	sadd.s32 $0x1AA00, s29;
	[sflag:s19] =	ssyncadd.s32 $0xFFFFF000  }
0x27b: {  	[spmem:s2] =	stream.indirect.scatter.add.f32 [tilespmem:s8], [sflag:$0x5], $0x80, s3, s12, $0xb8;
	[tilespmem:$0x1D000] =	vst v63  }
0x27c: {  	_ =	swait.ge [sflag:s20], $0x1000  }
0x27d: {  	[sflag:s20] =	ssyncset.done $0x0  }
0x27e: {  	s3 =	sadd.s32 $0x18400, s29;
	[sflag:s20] =	ssyncadd.s32 $0xFFFFF000  }
0x27f: {  	[tilespmem:s8], [sflag:$0x1] =	stream.indirect.gather [hbm4b:s1+s12], $0x80, s3, s12, $0xb8;
	[tilespmem:$0x1D000] =	vst v63  }
0x280: {  	_ =	swait.ge [sflag:s22], $0x1000  }
0x281: {  	[sflag:s22] =	ssyncset.done $0x0  }
0x282: {  	s3 =	sadd.s32 $0x1AA80, s29;
	[sflag:s22] =	ssyncadd.s32 $0xFFFFF000  }
0x283: {  	[spmem:s2] =	stream.indirect.scatter.add.f32 [tilespmem:s14], [sflag:$0x6], $0x80, s3, s12, $0xb8;
	[tilespmem:$0x1D000] =	vst v63  }
0x284: {  	_ =	swait.ge [sflag:s24], $0x1000  }
0x285: {  	[sflag:s24] =	ssyncset.done $0x0  }
0x286: {  	s3 =	sadd.s32 $0x18480, s29;
	[sflag:s24] =	ssyncadd.s32 $0xFFFFF000  }
0x287: {  	[tilespmem:s14], [sflag:$0x2] =	stream.indirect.gather [hbm4b:s1+s12], $0x80, s3, s12, $0xb8;
	[tilespmem:$0x1D000] =	vst v63  }
0x288: {  	_ =	swait.ge [sflag:s28], $0x1000  }
0x289: {  	[sflag:s28] =	ssyncset.done $0x0  }
0x28a: {  	s3 =	sadd.s32 $0x1AB00, s29;
	[sflag:s28] =	ssyncadd.s32 $0xFFFFF000  }
0x28b: {  	[spmem:s2] =	stream.indirect.scatter.add.f32 [tilespmem:s16], [sflag:$0x7], $0x80, s3, s12, $0xb8;
	[tilespmem:$0x1D000] =	vst v63  }
0x28c: {  	_ =	swait.ge [sflag:s30], $0x1000  }
0x28d: {  	[sflag:s30] =	ssyncset.done $0x0  }
.Ltmp4:
0x28e: {  	s3 =	sadd.s32 $0x18500, s29;
	[sflag:s30] =	ssyncadd.s32 $0xFFFFF000;
	(pc) =	sbr.rel @p0 .LBB2_10-.Ltmp4, $4  }
0x28f: {  	[tilespmem:s16], [sflag:$0x3] =	stream.indirect.gather [hbm4b:s1+s12], $0x80, s3, s12, $0xb8;
	[tilespmem:$0x1D000] =	vst v63  }
0x290: {  	_ =	swait.ge [sflag:s0], $0x1000  }
0x291: {  	[sflag:s0] =	ssyncset.done $0x0  }
0x292: {  	s29 =	sadd.s32 $0x1AB80, s29;
	[sflag:s0] =	ssyncadd.s32 $0xFFFFF000  }
0x293: {  	[spmem:s2] =	stream.indirect.scatter.add.f32 [tilespmem:s18], [sflag:$0x8], $0x80, s29, s12, $0xb8;
	[tilespmem:$0x1D000] =	vst v63  }
0x294: {  	_ =	swait.ge [sflag:s6], $0x1000  }
0x295: {  	[sflag:s6] =	ssyncset.done $0x0  }
0x296: {  	[sflag:s6] =	ssyncadd.s32 $0xFFFFF000  }
0x297: {  	[tilespmem:s18], [sflag:$0x4] =	stream.indirect.gather [hbm4b:s1+s12], $0x80, s7, s12, $0xb8;
	[tilespmem:$0x1D000] =	vst v63  }
0x298: {  	_ =	swait.ge [sflag:s19], $0x1000  }
0x299: {  	[sflag:s19] =	ssyncset.done $0x0  }
0x29a: {  	[sflag:s19] =	ssyncadd.s32 $0xFFFFF000  }
0x29b: {  	[spmem:s2] =	stream.indirect.scatter.add.f32 [tilespmem:s8], [sflag:$0x5], $0x80, s13, s12, $0xb8;
	[tilespmem:$0x1D000] =	vst v63  }
0x29c: {  	_ =	swait.ge [sflag:s20], $0x1000  }
0x29d: {  	[sflag:s20] =	ssyncset.done $0x0  }
0x29e: {  	[sflag:s20] =	ssyncadd.s32 $0xFFFFF000  }
0x29f: {  	_ =	swait.ge [sflag:s22], $0x1000  }
0x2a0: {  	[sflag:s22] =	ssyncset.done $0x0  }
0x2a1: {  	[sflag:s22] =	ssyncadd.s32 $0xFFFFF000  }
0x2a2: {  	[spmem:s2] =	stream.indirect.scatter.add.f32 [tilespmem:s14], [sflag:$0x6], $0x80, s15, s12, $0xb8;
	[tilespmem:$0x1D000] =	vst v63  }
0x2a3: {  	_ =	swait.ge [sflag:s24], $0x1000  }
0x2a4: {  	[sflag:s24] =	ssyncset.done $0x0  }
0x2a5: {  	[sflag:s24] =	ssyncadd.s32 $0xFFFFF000  }
0x2a6: {  	_ =	swait.ge [sflag:s28], $0x1000  }
0x2a7: {  	[sflag:s28] =	ssyncset.done $0x0  }
0x2a8: {  	[sflag:s28] =	ssyncadd.s32 $0xFFFFF000  }
0x2a9: {  	[spmem:s2] =	stream.indirect.scatter.add.f32 [tilespmem:s16], [sflag:$0x7], $0x80, s17, s12, $0xb8;
	[tilespmem:$0x1D000] =	vst v63  }
0x2aa: {  	_ =	swait.ge [sflag:s30], $0x1000  }
0x2ab: {  	[sflag:s30] =	ssyncset.done $0x0  }
0x2ac: {  	[sflag:s30] =	ssyncadd.s32 $0xFFFFF000  }
0x2ad: {  	_ =	swait.ge [sflag:s0], $0x1000  }
0x2ae: {  	[sflag:s0] =	ssyncset.done $0x0  }
0x2af: {  	[sflag:s0] =	ssyncadd.s32 $0xFFFFF000  }
0x2b0: {  	[spmem:s2] =	stream.indirect.scatter.add.f32 [tilespmem:s18], [sflag:$0x8], $0x80, s21, s12, $0xb8;
	[tilespmem:$0x1D000] =	vst v63  }
0x2b1: {  	_ =	swait.ge [sflag:s6], $0x1000  }
0x2b2: {  	[sflag:s6] =	ssyncset.done $0x0  }
0x2b3: {  	[sflag:s6] =	ssyncadd.s32 $0xFFFFF000  }
0x2b4: {  	[bflag:$0x0] =	sbarrier.arrive $0xFFFF  }
0x2b5: {  	[tilespmem:s8], [sflag:$0x9] =	stream.linear.gather [spmem:s5], $0x1000, $0x38;
	[tilespmem:$0x1D000] =	vst v63  }
0x2b6: {  	_ =	swait.ge [sflag:s9], $0x1000  }
0x2b7: {  	[sflag:s9] =	ssyncset.done $0x0  }
0x2b8: {  	s3 =	sadd.s32 $0x0, s25;
	[sflag:s9] =	ssyncadd.s32 $0xFFFFF000  }
0x2b9: {  	[hbm4b:s3+s4] =	stream.linear.scatter [tilespmem:s8], [sflag:$0x9], $0x1000, $0x38;
	[tilespmem:$0x1D000] =	vst v63  }
0x2ba: {  	_ =	swait.ge [sflag:s9], $0x1000  }
0x2bb: {  	s26 =	simm.s32 $0x200;
	s29 =	smov.u32 s5;
	[sflag:s9] =	ssyncset.done $0x0  }
.LBB2_12:
0x2bc: {  	p0 =	sne.s32 s26, $0x2600;
	[sflag:s9] =	ssyncadd.s32 $0xFFFFF000;
	s29 =	sadd.s32 $0x1000, s29  }
0x2bd: {  	[tilespmem:s8], [sflag:$0x9] =	stream.linear.gather [spmem:s29], $0x1000, $0x38;
	[tilespmem:$0x1D000] =	vst v63  }
0x2be: {  	s3 =	smov.u32 s26;
	s26 =	sadd.s32 $0x200, s26;
	_ =	swait.ge [sflag:s9], $0x1000  }
.Ltmp5:
0x2bf: {  	[sflag:s9] =	ssyncset.done $0x0;
	(pc) =	sbr.rel @p0 .LBB2_12-.Ltmp5, $4  }
0x2c0: {  	s3 =	sadd.s32 s3, s25;
	[sflag:s9] =	ssyncadd.s32 $0xFFFFF000  }
0x2c1: {  	[hbm4b:s3+s4] =	stream.linear.scatter [tilespmem:s8], [sflag:$0x9], $0x1000, $0x38;
	[tilespmem:$0x1D000] =	vst v63  }
0x2c2: {  	_ =	swait.ge [sflag:s9], $0x1000  }
0x2c3: {  	[sflag:s9] =	ssyncset.done $0x0  }
0x2c4: {  	s23 =	sadd.s32 $0x1, s23;
	s3 =	rddreg [dreg:$0xc]  }
0x2c5: {  	p0 =	sne.s32 s23, s3  }
.Ltmp6:
0x2c6: {  	_ = 	snop;
	(pc) =	sbr.rel @p0 .LBB2_1-.Ltmp6, $2  }
0x2c7: {  	_ =	sdelay $0x2  }
0x2c8: {  	[sflag:s9] =	ssyncadd.s32 $0xFFFFF000  }
0x2c9: {  	_ =	sfence.sel $0x180000  }
0x2ca: {  	[bflag:$0x0] =	sbarrier.arrive $0xFFFF  }
0x2cb: {  	_ =	strace $0x9000004D  }
0x2cc: {  	s0 =	stileid.u32;
	[bflag:$0x2] =	sbarrier.arrive $0xFFFF  }
0x2cd: {  	p0 =	sne.s32 s0, $0x0;
	s0 =	rddreg [dreg:$0x3]  }
0x2ce: {  	s0 =	sadd.s32 @!p0 $0x100000, s0  }
0x2cf: {  	[sflag:s0] =	ssyncadd.tile.s32 @!p0 $0x1;
	_ =	shalt  }
.Lfunc_end2:
_tile_overlayer_lowered:
.L_overlay_start_2:
0x2d0: {  	(tag) =	ssettag $0x2  }
0x2d1: {  	s0 =	rddreg [dreg:$0x0];
	s2 =	stileid.u32  }
0x2d2: {  	s1 =	rddreg [dreg:$0x1];
	p0 =	sne.s32 s2, $0x0  }
0x2d3: {  	s3 =	rddreg [dreg:$0x2];
	[bflag:$0x3] =	sbarrier.arrive $0xFFFF;
	s2 =	simm.s32 @!p0 $0x1C09  }
0x2d4: {  	[timem:s3], [sflag:s2] =	dma.local @!p0 [hbm:s0], s1  }
0x2d5: {  	s0 =	simm.s32 @!p0 $0x9  }
0x2d6: {  	_ =	swait.ge @!p0 [sflag:s0], s1  }
0x2d7: {  	s1 =	ssub.s32 @!p0 $0x0, s1;
	[sflag:s0] =	ssyncset.done @!p0 $0x0  }
0x2d8: {  	[sflag:s0] =	ssyncadd.s32 @!p0 s1  }
0x2d9: {  	[bflag:$0x3] =	sbarrier.arrive $0xFFFF  }
0x2da: {  	_ =	shalt  }

</sc_bundles>
